<compile_context>
chip_gen: v7x
topology: tpu7x:2x2x1
jax: 0.10.2.dev20260603
libtpu: 0.0.44.dev20260713+nightly
codegen_flags: <defaults>
</compile_context>

<pallas_src>
import functools

import jax
import jax.numpy as jnp
from jax import lax
from jax.experimental import pallas as pl
from jax.experimental.pallas import tpu as pltpu
from jax.experimental.pallas import tpu_sc as plsc

N = 10000
D_IN = 128
D_MID = 256
D_OUT = 128
K = 27
EPK = 12000
EPS = 1e-5

NC = 2
NS = 16
CHUNKS = 6
CB = 128
NBUF = 2
LEAD = 1
EPK_PAD = NS * CHUNKS * CB
NROW = 10240
ZPT = NROW // NS
K0 = 14

_mesh = plsc.VectorSubcoreMesh(
    core_axis_name="c", subcore_axis_name="s", num_cores=NC, num_subcores=NS)

_sc_scratch = [
    pltpu.VMEM((2, CHUNKS, CB), jnp.int32),
    pltpu.VMEM((2, CHUNKS, CB), jnp.int32),
    pltpu.VMEM((NBUF, CB, D_IN), jnp.float32),
    pltpu.VMEM_SHARED((NROW, D_IN), jnp.float32),
    pltpu.SemaphoreType.DMA,
    pltpu.SemaphoreType.DMA,
    pltpu.SemaphoreType.DMA,
    pltpu.SemaphoreType.DMA,
    pltpu.SemaphoreType.DMA,
    pltpu.SemaphoreType.DMA,
    pltpu.SemaphoreType.DMA,
    pltpu.SemaphoreType.DMA,
    pltpu.SemaphoreType.DMA,
    pltpu.SemaphoreType.DMA,
]


def _fire_idx(srcp_hbm, dstp_hbm, k, s, sidx, didx, slot, isem):
    pltpu.async_copy(srcp_hbm.at[k, s], sidx.at[slot], isem)
    pltpu.async_copy(dstp_hbm.at[k, s], didx.at[slot], isem)


def _wait_idx(srcp_hbm, dstp_hbm, k, s, sidx, didx, slot, isem):
    pltpu.make_async_copy(srcp_hbm.at[k, s], sidx.at[slot], isem).wait()
    pltpu.make_async_copy(dstp_hbm.at[k, s], didx.at[slot], isem).wait()


def _gather_scatter_offset(table, sidx, didx, rows, acc, gsems, ssems,
                           mid=None):
    gd = [pltpu.async_copy(table.at[sidx.at[b]], rows.at[b], gsems[b])
          for b in range(NBUF)]
    if mid is not None:
        mid()
    sd = [None] * NBUF
    for j in range(CHUNKS):
        b = j % NBUF
        f = j + LEAD
        if NBUF <= f < CHUNKS:
            fb = f % NBUF
            sd[fb].wait()
            gd[fb] = pltpu.async_copy(table.at[sidx.at[f]], rows.at[fb],
                                      gsems[fb])
        gd[b].wait()
        sd[b] = pltpu.async_copy(rows.at[b], acc.at[didx.at[j]], ssems[b],
                                 add=True)
    for b in range(NBUF):
        sd[b].wait()


def _make_sc_conv1(base, n0, n1):

    @functools.partial(
        pl.kernel,
        out_type=jax.ShapeDtypeStruct((n0 + n1, NROW, D_IN), jnp.float32),
        mesh=_mesh,
        scratch_types=_sc_scratch,
    )
    def _conv1(x_hbm, srcp_hbm, dstp_hbm, zeros_hbm, y_hbm,
               sidx, didx, rows, acc, isem,
               g0, g1, g2, g3, s0, s1, s2, s3, snap):
        gsems = (g0, g1, g2, g3)
        ssems = (s0, s1, s2, s3)
        c = lax.axis_index("c")
        s = lax.axis_index("s")
        o_lo = jnp.where(c == 0, 0, n0)
        k_lo = base + o_lo
        k_n = jnp.where(c == 0, n0, n1)
        _fire_idx(srcp_hbm, dstp_hbm, k_lo, s, sidx, didx, 0, isem)

        def body(i, carry):
            k = k_lo + i
            o = o_lo + i
            p = i % 2
            _wait_idx(srcp_hbm, dstp_hbm, k, s, sidx, didx, p, isem)

            @pl.when(i + 1 < k_n)
            def _prefetch():
                _fire_idx(srcp_hbm, dstp_hbm, k + 1, s, sidx, didx, 1 - p,
                          isem)

            def _mid():
                @pl.when(i == 0)
                def _():
                    pltpu.sync_copy(zeros_hbm.at[pl.ds(s * ZPT, ZPT)],
                                    acc.at[pl.ds(s * ZPT, ZPT)])

                @pl.when(i > 0)
                def _():
                    pltpu.make_async_copy(
                        acc.at[pl.ds(s * ZPT, ZPT)],
                        y_hbm.at[o, pl.ds(s * ZPT, ZPT)], snap).wait()
                plsc.subcore_barrier()

            _gather_scatter_offset(x_hbm, sidx.at[p], didx.at[p], rows, acc,
                                   gsems, ssems, mid=_mid)
            plsc.subcore_barrier()
            pltpu.async_copy(acc.at[pl.ds(s * ZPT, ZPT)],
                             y_hbm.at[o, pl.ds(s * ZPT, ZPT)], snap)
            return carry

        lax.fori_loop(0, k_n, body, 0)
        pltpu.make_async_copy(acc.at[pl.ds(s * ZPT, ZPT)],
                              y_hbm.at[0, pl.ds(s * ZPT, ZPT)], snap).wait()

    return _conv1


def _make_sc_conv2(base, n0, n1, chained=False):

    @functools.partial(
        pl.kernel,
        out_type=jax.ShapeDtypeStruct((NC, NROW, D_OUT), jnp.float32),
        mesh=_mesh,
        scratch_types=_sc_scratch,
    )
    def _conv2(z_hbm, srcp_hbm, dstp_hbm, init_hbm, out_hbm,
               sidx, didx, rows, acc, isem,
               g0, g1, g2, g3, s0, s1, s2, s3, snap):
        gsems = (g0, g1, g2, g3)
        ssems = (s0, s1, s2, s3)
        c = lax.axis_index("c")
        s = lax.axis_index("s")
        o_lo = jnp.where(c == 0, 0, n0)
        k_lo = base + o_lo
        k_n = jnp.where(c == 0, n0, n1)
        _fire_idx(srcp_hbm, dstp_hbm, k_lo, s, sidx, didx, 0, isem)

        def body(i, carry):
            k = k_lo + i
            o = o_lo + i
            p = i % 2
            _wait_idx(srcp_hbm, dstp_hbm, k, s, sidx, didx, p, isem)

            @pl.when(i + 1 < k_n)
            def _prefetch():
                _fire_idx(srcp_hbm, dstp_hbm, k + 1, s, sidx, didx, 1 - p,
                          isem)

            def _mid():
                @pl.when(i == 0)
                def _():
                    if chained:
                        pltpu.sync_copy(init_hbm.at[c, pl.ds(s * ZPT, ZPT)],
                                        acc.at[pl.ds(s * ZPT, ZPT)])
                    else:
                        pltpu.sync_copy(init_hbm.at[pl.ds(s * ZPT, ZPT)],
                                        acc.at[pl.ds(s * ZPT, ZPT)])
                    plsc.subcore_barrier()

            _gather_scatter_offset(z_hbm.at[o], sidx.at[p], didx.at[p],
                                   rows, acc, gsems, ssems, mid=_mid)
            return carry

        lax.fori_loop(0, k_n, body, 0)
        plsc.subcore_barrier()
        pltpu.sync_copy(acc.at[pl.ds(s * ZPT, ZPT)],
                        out_hbm.at[c, pl.ds(s * ZPT, ZPT)])

    return _conv2


K0 = 14
_RUN_ENDS = (K0 - 1, K - 1)

_sc_conv1 = _make_sc_conv1(0, K0, K - K0)
_sc_conv2 = _make_sc_conv2(0, K0, K - K0)


def _tc_gemm1_body(y_ref, w_ref, b_ref, g_ref, be_ref, h_ref, acc_ref):
    k = pl.program_id(0)

    @pl.when(k == 0)
    def _init():
        acc_ref[...] = jnp.zeros_like(acc_ref)

    acc_ref[...] += jnp.dot(y_ref[0], w_ref[0],
                            preferred_element_type=jnp.float32)

    @pl.when(k == K - 1)
    def _fin():
        h = acc_ref[...] + b_ref[...]
        m = jnp.mean(h, axis=0, keepdims=True)
        hc = h - m
        v = jnp.mean(hc * hc, axis=0, keepdims=True)
        h = hc * lax.rsqrt(v + EPS) * g_ref[...] + be_ref[...]
        h_ref[...] = jnp.maximum(h, 0.0)


def _tc_gemm2_body(h_ref, w_ref, z_ref):
    z_ref[0] = jnp.dot(h_ref[...], w_ref[0],
                       preferred_element_type=jnp.float32)


def _tc_final_body(pb_ref, x_ref, b_ref, g_ref, be_ref, o_ref):
    h = pb_ref[0] + pb_ref[1] + b_ref[...]
    m = jnp.mean(h, axis=0, keepdims=True)
    hc = h - m
    v = jnp.mean(hc * hc, axis=0, keepdims=True)
    h = hc * lax.rsqrt(v + EPS) * g_ref[...] + be_ref[...] + x_ref[...]
    o_ref[...] = jnp.maximum(h, 0.0)


def _gemm1_call(body, nk, extra_specs, out_shape, scratch=()):
    return pl.pallas_call(
        body,
        grid=(nk,),
        in_specs=[
            pl.BlockSpec((1, N, D_IN), lambda k: (k, 0, 0)),
            pl.BlockSpec((1, D_IN, D_MID), lambda k: (k, 0, 0)),
        ] + extra_specs,
        out_specs=pl.BlockSpec((N, D_MID), lambda k: (0, 0)),
        out_shape=out_shape,
        scratch_shapes=list(scratch),
    )


def _gemm2_call(nk):
    return pl.pallas_call(
        _tc_gemm2_body,
        grid=(nk,),
        in_specs=[
            pl.BlockSpec((N, D_MID), lambda k: (0, 0)),
            pl.BlockSpec((1, D_MID, D_OUT), lambda k: (k, 0, 0)),
        ],
        out_specs=pl.BlockSpec((1, N, D_OUT), lambda k: (k, 0, 0)),
        out_shape=jax.ShapeDtypeStruct((nk, N, D_OUT), jnp.float32),
    )


def kernel(x, edge_index, W1, bc1, g1, be1, W2, bc2, g2, be2):
    src = edge_index[0].astype(jnp.int32).reshape(K, EPK)
    dst = edge_index[1].astype(jnp.int32).reshape(K, EPK)
    pad = EPK_PAD - EPK
    srcp = jnp.pad(src, ((0, 0), (0, pad))).reshape(K, NS, CHUNKS, CB)
    dstp = jnp.pad(dst, ((0, 0), (0, pad)),
                   constant_values=N).reshape(K, NS, CHUNKS, CB)
    zeros = jnp.zeros((NROW, D_IN), jnp.float32)

    W1n = jnp.concatenate([W1[1:], jnp.zeros_like(W1[:1])], axis=0)
    run_mask = jnp.asarray(
        [0.0 if k in _RUN_ENDS else 1.0 for k in range(K)],
        jnp.float32).reshape(K, 1, 1)
    W1eff = W1 - run_mask * W1n

    y = _sc_conv1(x, srcp, dstp, zeros)
    h = _gemm1_call(
        _tc_gemm1_body, K,
        [
            pl.BlockSpec((1, D_MID), lambda k: (0, 0)),
            pl.BlockSpec((1, D_MID), lambda k: (0, 0)),
            pl.BlockSpec((1, D_MID), lambda k: (0, 0)),
        ],
        jax.ShapeDtypeStruct((N, D_MID), jnp.float32),
        scratch=[pltpu.VMEM((N, D_MID), jnp.float32)],
    )(y, W1eff, bc1.reshape(1, -1), g1.reshape(1, -1), be1.reshape(1, -1))

    z = _gemm2_call(K)(h, W2)
    pb = _sc_conv2(z, srcp, dstp, zeros)

    out = pl.pallas_call(
        _tc_final_body,
        grid=(1,),
        in_specs=[
            pl.BlockSpec((NC, N, D_OUT), lambda i: (0, 0, 0)),
            pl.BlockSpec((N, D_OUT), lambda i: (0, 0)),
            pl.BlockSpec((1, D_OUT), lambda i: (0, 0)),
            pl.BlockSpec((1, D_OUT), lambda i: (0, 0)),
            pl.BlockSpec((1, D_OUT), lambda i: (0, 0)),
        ],
        out_specs=pl.BlockSpec((N, D_OUT), lambda i: (0, 0)),
        out_shape=jax.ShapeDtypeStruct((N, D_OUT), jnp.float32),
    )(pb, x, bc2.reshape(1, -1), g2.reshape(1, -1), be2.reshape(1, -1))

    return out

# --- scband reference (transcript-rebuilt; emitter-appended) ---
"""Pipeline reference for scband-res-block-20633022890308 (READ-ONLY COPY).

The authoritative reference and input builder live on the scoring server;
editing this copy changes nothing except your own understanding.
"""

import jax, jax.numpy as jnp
import numpy as np

N = 10000
D_IN = 128
D_OUT = 128
K = 27  # kernel_size=3 -> 3^3 offsets
EPK = 12000  # edges per kernel offset
D_MID = 256  # max(in,out) * channel_multiplier
EPS = 1e-5


def setup_inputs(seed: int = 0) -> dict:
    key = jax.random.key(seed)
    ks = jax.random.split(key, 8)
    x = jax.random.normal(ks[0], (N, D_IN), dtype=jnp.float32)
    edge_index = jax.random.randint(ks[1], (2, K * EPK), 0, N)
    W1 = jax.random.normal(ks[2], (K, D_IN, D_MID), dtype=jnp.float32) * 0.05
    bc1 = jnp.zeros((D_MID,), dtype=jnp.float32)
    g1 = jnp.ones((D_MID,), dtype=jnp.float32)
    be1 = jnp.zeros((D_MID,), dtype=jnp.float32)
    W2 = jax.random.normal(ks[3], (K, D_MID, D_OUT), dtype=jnp.float32) * 0.05
    bc2 = jnp.zeros((D_OUT,), dtype=jnp.float32)
    g2 = jnp.ones((D_OUT,), dtype=jnp.float32)
    be2 = jnp.zeros((D_OUT,), dtype=jnp.float32)
    return {"x": x, "edge_index": edge_index, "W1": W1, "bc1": bc1, "g1": g1,
            "be1": be1, "W2": W2, "bc2": bc2, "g2": g2, "be2": be2}


def _sparse_conv(x, src, dst, W, b):
    # Explicit-GEMM spatially sparse conv: edges grouped by kernel offset.
    k = W.shape[0]
    gathered = x[src.reshape(k, -1)]              # [K, EPK, C_in]  (gather)
    msgs = jnp.einsum('kec,kco->keo', gathered, W)  # per-offset GEMM
    out = jnp.zeros((x.shape[0], W.shape[2]), dtype=x.dtype)
    out = out.at[dst].add(msgs.reshape(-1, W.shape[2]))  # scatter-add
    return out + b


def _batch_norm(h, g, b):
    mean = jnp.mean(h, axis=0)
    var = jnp.var(h, axis=0)
    return (h - mean) * jax.lax.rsqrt(var + EPS) * g + b


def reference(x, edge_index, W1, bc1, g1, be1, W2, bc2, g2, be2):
    src, dst = edge_index[0], edge_index[1]
    identity = x  # in_channels == out_channels -> nn.Identity
    h = _sparse_conv(x, src, dst, W1, bc1)
    h = _batch_norm(h, g1, be1)
    h = jax.nn.relu(h)
    h = _sparse_conv(h, src, dst, W2, bc2)
    h = _batch_norm(h, g2, be2)
    h = h + identity
    return jax.nn.relu(h)

if __name__ == "__main__":
    import jax
    _d = setup_inputs()
    print(jax.jit(kernel)(*tuple(_d.values())))

</pallas_src>

<mosaic_0001>
#map = affine_map<(d0, d1) -> (0, 0)>
#map1 = affine_map<(d0, d1) -> (0, 0, 0, 0)>
#map2 = affine_map<(d0, d1) -> (0, 0, 0)>
module attributes {stable_mosaic.version = 14 : i64} {
  func.func @_conv1(%arg0: i32, %arg1: i32, %arg2: memref<10000x128xf32, #tpu.memory_space<hbm>>, %arg3: memref<27x16x6x128xi32, #tpu.memory_space<hbm>>, %arg4: memref<27x16x6x128xi32, #tpu.memory_space<hbm>>, %arg5: memref<10240x128xf32, #tpu.memory_space<hbm>>, %arg6: memref<27x10240x128xf32, #tpu.memory_space<hbm>>, %arg7: memref<2x6x128xi32, #tpu.memory_space<vmem>>, %arg8: memref<2x6x128xi32, #tpu.memory_space<vmem>>, %arg9: memref<2x128x128xf32, #tpu.memory_space<vmem>>, %arg10: memref<10240x128xf32, #tpu.memory_space<vmem_shared>>, %arg11: memref<!tpu.dma_semaphore, #tpu.memory_space<semaphore_mem>>, %arg12: memref<!tpu.dma_semaphore, #tpu.memory_space<semaphore_mem>>, %arg13: memref<!tpu.dma_semaphore, #tpu.memory_space<semaphore_mem>>, %arg14: memref<!tpu.dma_semaphore, #tpu.memory_space<semaphore_mem>>, %arg15: memref<!tpu.dma_semaphore, #tpu.memory_space<semaphore_mem>>, %arg16: memref<!tpu.dma_semaphore, #tpu.memory_space<semaphore_mem>>, %arg17: memref<!tpu.dma_semaphore, #tpu.memory_space<semaphore_mem>>, %arg18: memref<!tpu.dma_semaphore, #tpu.memory_space<semaphore_mem>>, %arg19: memref<!tpu.dma_semaphore, #tpu.memory_space<semaphore_mem>>, %arg20: memref<!tpu.dma_semaphore, #tpu.memory_space<semaphore_mem>>) attributes {dimension_semantics = [#tpu.dimension_semantics<core_parallel>, #tpu.dimension_semantics<subcore_parallel>], iteration_bounds = array<i64: 2, 16>, scalar_prefetch = 0 : i64, scratch_operands = 14 : i64, tpu.core_type = #tpu.core_type<sc_vector_subcore>, window_params = [{transform_indices = #map}, {transform_indices = #map1}, {transform_indices = #map1}, {transform_indices = #map}, {transform_indices = #map2}]} {
    %eq3A = arith.constant 0 : i32
    %eq3A_0 = arith.cmpi eq, %arg0, %eq3A : i32
    %jit3A = arith.constant 0 : i32
    %jit3A_1 = arith.constant 14 : i32
    %select_n3A = arith.select %eq3A_0, %jit3A, %jit3A_1 : i32
    %add3A = arith.constant 0 : i32
    %add3A_2 = arith.addi %add3A, %select_n3A : i32
    %eq3A_3 = arith.constant 0 : i32
    %eq3A_4 = arith.cmpi eq, %arg0, %eq3A_3 : i32
    %jit3A_5 = arith.constant 14 : i32
    %jit3A_6 = arith.constant 13 : i32
    %select_n3A_7 = arith.select %eq3A_4, %jit3A_5, %jit3A_6 : i32
    %dma_start3A = arith.constant 0 : i32
    %dma_start3A_8 = arith.constant 0 : i32
    %dma_start3A_9 = arith.constant 0 : i32
    %dma_start3A_10 = tpu.memref_slice %arg7[%dma_start3A, %dma_start3A_8, %dma_start3A_9] : memref<2x6x128xi32, #tpu.memory_space<vmem>> -> memref<1x6x128xi32, #tpu.memory_space<vmem>>
    %dma_start3A_11 = tpu.memref_squeeze %dma_start3A_10 : memref<1x6x128xi32, #tpu.memory_space<vmem>> -> memref<6x128xi32, #tpu.memory_space<vmem>>
    %dma_start3A_12 = arith.constant 0 : i32
    %dma_start3A_13 = arith.constant 0 : i32
    %dma_start3A_14 = tpu.memref_slice %arg3[%add3A_2, %arg1, %dma_start3A_12, %dma_start3A_13] : memref<27x16x6x128xi32, #tpu.memory_space<hbm>> -> memref<1x1x6x128xi32, #tpu.memory_space<hbm>>
    %dma_start3A_15 = tpu.memref_squeeze %dma_start3A_14 : memref<1x1x6x128xi32, #tpu.memory_space<hbm>> -> memref<6x128xi32, #tpu.memory_space<hbm>>
    %dma_start3A_16 = arith.constant 0 : i32
    %dma_start3A_17 = arith.constant 0 : i32
    %dma_start3A_18 = tpu.memref_slice %arg7[%dma_start3A, %dma_start3A_16, %dma_start3A_17] : memref<2x6x128xi32, #tpu.memory_space<vmem>> -> memref<1x6x128xi32, #tpu.memory_space<vmem>>
    %dma_start3A_19 = tpu.memref_squeeze %dma_start3A_18 : memref<1x6x128xi32, #tpu.memory_space<vmem>> -> memref<6x128xi32, #tpu.memory_space<vmem>>
    %dma_start3A_20 = arith.constant 0 : i32
    %dma_start3A_21 = arith.constant 0 : i32
    %dma_start3A_22 = tpu.memref_slice %arg3[%add3A_2, %arg1, %dma_start3A_20, %dma_start3A_21] : memref<27x16x6x128xi32, #tpu.memory_space<hbm>> -> memref<1x1x6x128xi32, #tpu.memory_space<hbm>>
    %dma_start3A_23 = tpu.memref_squeeze %dma_start3A_22 : memref<1x1x6x128xi32, #tpu.memory_space<hbm>> -> memref<6x128xi32, #tpu.memory_space<hbm>>
    tpu.enqueue_dma source(%dma_start3A_23 : memref<6x128xi32, #tpu.memory_space<hbm>>) target(%dma_start3A_19 : memref<6x128xi32, #tpu.memory_space<vmem>>) target_semaphore(%arg11 : memref<!tpu.dma_semaphore, #tpu.memory_space<semaphore_mem>>)
    %dma_start3A_24 = arith.constant 0 : i32
    %dma_start3A_25 = arith.constant 0 : i32
    %dma_start3A_26 = arith.constant 0 : i32
    %dma_start3A_27 = tpu.memref_slice %arg8[%dma_start3A_24, %dma_start3A_25, %dma_start3A_26] : memref<2x6x128xi32, #tpu.memory_space<vmem>> -> memref<1x6x128xi32, #tpu.memory_space<vmem>>
    %dma_start3A_28 = tpu.memref_squeeze %dma_start3A_27 : memref<1x6x128xi32, #tpu.memory_space<vmem>> -> memref<6x128xi32, #tpu.memory_space<vmem>>
    %dma_start3A_29 = arith.constant 0 : i32
    %dma_start3A_30 = arith.constant 0 : i32
    %dma_start3A_31 = tpu.memref_slice %arg4[%add3A_2, %arg1, %dma_start3A_29, %dma_start3A_30] : memref<27x16x6x128xi32, #tpu.memory_space<hbm>> -> memref<1x1x6x128xi32, #tpu.memory_space<hbm>>
    %dma_start3A_32 = tpu.memref_squeeze %dma_start3A_31 : memref<1x1x6x128xi32, #tpu.memory_space<hbm>> -> memref<6x128xi32, #tpu.memory_space<hbm>>
    %dma_start3A_33 = arith.constant 0 : i32
    %dma_start3A_34 = arith.constant 0 : i32
    %dma_start3A_35 = tpu.memref_slice %arg8[%dma_start3A_24, %dma_start3A_33, %dma_start3A_34] : memref<2x6x128xi32, #tpu.memory_space<vmem>> -> memref<1x6x128xi32, #tpu.memory_space<vmem>>
    %dma_start3A_36 = tpu.memref_squeeze %dma_start3A_35 : memref<1x6x128xi32, #tpu.memory_space<vmem>> -> memref<6x128xi32, #tpu.memory_space<vmem>>
    %dma_start3A_37 = arith.constant 0 : i32
    %dma_start3A_38 = arith.constant 0 : i32
    %dma_start3A_39 = tpu.memref_slice %arg4[%add3A_2, %arg1, %dma_start3A_37, %dma_start3A_38] : memref<27x16x6x128xi32, #tpu.memory_space<hbm>> -> memref<1x1x6x128xi32, #tpu.memory_space<hbm>>
    %dma_start3A_40 = tpu.memref_squeeze %dma_start3A_39 : memref<1x1x6x128xi32, #tpu.memory_space<hbm>> -> memref<6x128xi32, #tpu.memory_space<hbm>>
    tpu.enqueue_dma source(%dma_start3A_40 : memref<6x128xi32, #tpu.memory_space<hbm>>) target(%dma_start3A_36 : memref<6x128xi32, #tpu.memory_space<vmem>>) target_semaphore(%arg11 : memref<!tpu.dma_semaphore, #tpu.memory_space<semaphore_mem>>)
    %while3A = arith.constant 0 : i32
    %while3A_41 = arith.constant 0 : i32
    %while3A_42 = arith.subi %select_n3A_7, %while3A_41 : i32
    %while3A_43 = arith.addi %while3A_41, %while3A_42 : i32
    %while3A_44 = arith.constant 1 : i32
    %while3A_45 = arith.divsi %while3A_42, %while3A_44 : i32
    %while3A_46 = arith.muli %while3A_45, %while3A_44 : i32
    %while3A_47 = arith.addi %while3A_41, %while3A_46 : i32
    %while3A_48 = arith.constant 1 : i32
    scf.for %while3A_58 = %while3A_41 to %while3A_47 step %while3A_48  : i32 {
      %add3A_59 = arith.addi %add3A_2, %while3A_58 : i32
      %add3A_60 = arith.addi %select_n3A, %while3A_58 : i32
      %jit3A_61 = arith.constant 2 : i32
      %eq3A_62 = arith.constant 0 : i32
      %eq3A_63 = arith.cmpi eq, %jit3A_61, %eq3A_62 : i32
      %jit3A_64 = arith.constant 1 : i32
      %select_n3A_65 = arith.select %eq3A_63, %jit3A_64, %jit3A_61 : i32
      %rem3A = arith.remsi %while3A_58, %select_n3A_65 : i32
      %ne3A = arith.constant 0 : i32
      %ne3A_66 = arith.cmpi ne, %rem3A, %ne3A : i32
      %lt3A = arith.constant 0 : i32
      %lt3A_67 = arith.cmpi slt, %rem3A, %lt3A : i32
      %lt3A_68 = arith.constant 0 : i32
      %lt3A_69 = arith.cmpi slt, %select_n3A_65, %lt3A_68 : i32
      %ne3A_70 = arith.xori %lt3A_67, %lt3A_69 : i1
      %and3A = arith.andi %ne3A_70, %ne3A_66 : i1
      %add3A_71 = arith.addi %rem3A, %select_n3A_65 : i32
      %select_n3A_72 = arith.select %and3A, %add3A_71, %rem3A : i32
      %dma_wait3A_73 = arith.constant 0 : i32
      %dma_wait3A_74 = arith.constant 0 : i32
      %dma_wait3A_75 = tpu.memref_slice %arg7[%select_n3A_72, %dma_wait3A_73, %dma_wait3A_74] : memref<2x6x128xi32, #tpu.memory_space<vmem>> -> memref<1x6x128xi32, #tpu.memory_space<vmem>>
      %dma_wait3A_76 = tpu.memref_squeeze %dma_wait3A_75 : memref<1x6x128xi32, #tpu.memory_space<vmem>> -> memref<6x128xi32, #tpu.memory_space<vmem>>
      %dma_wait3A_77 = arith.constant 0 : i32
      %dma_wait3A_78 = arith.constant 0 : i32
      %dma_wait3A_79 = tpu.memref_slice %arg3[%add3A_59, %arg1, %dma_wait3A_77, %dma_wait3A_78] : memref<27x16x6x128xi32, #tpu.memory_space<hbm>> -> memref<1x1x6x128xi32, #tpu.memory_space<hbm>>
      %dma_wait3A_80 = tpu.memref_squeeze %dma_wait3A_79 : memref<1x1x6x128xi32, #tpu.memory_space<hbm>> -> memref<6x128xi32, #tpu.memory_space<hbm>>
      %dma_wait3A_81 = arith.constant 0 : i32
      %dma_wait3A_82 = arith.constant 0 : i32
      %dma_wait3A_83 = tpu.memref_slice %arg7[%select_n3A_72, %dma_wait3A_81, %dma_wait3A_82] : memref<2x6x128xi32, #tpu.memory_space<vmem>> -> memref<1x6x128xi32, #tpu.memory_space<vmem>>
      %dma_wait3A_84 = tpu.memref_squeeze %dma_wait3A_83 : memref<1x6x128xi32, #tpu.memory_space<vmem>> -> memref<6x128xi32, #tpu.memory_space<vmem>>
      %dma_wait3A_85 = arith.constant 0 : i32
      %dma_wait3A_86 = arith.constant 0 : i32
      %dma_wait3A_87 = tpu.memref_slice %arg3[%add3A_59, %arg1, %dma_wait3A_85, %dma_wait3A_86] : memref<27x16x6x128xi32, #tpu.memory_space<hbm>> -> memref<1x1x6x128xi32, #tpu.memory_space<hbm>>
      %dma_wait3A_88 = tpu.memref_squeeze %dma_wait3A_87 : memref<1x1x6x128xi32, #tpu.memory_space<hbm>> -> memref<6x128xi32, #tpu.memory_space<hbm>>
      tpu.wait_dma2 semaphore(%arg11 : memref<!tpu.dma_semaphore, #tpu.memory_space<semaphore_mem>>) src(%dma_wait3A_88 : memref<6x128xi32, #tpu.memory_space<hbm>>) dst(%dma_wait3A_84 : memref<6x128xi32, #tpu.memory_space<vmem>>)
      %dma_wait3A_89 = arith.constant 0 : i32
      %dma_wait3A_90 = arith.constant 0 : i32
      %dma_wait3A_91 = tpu.memref_slice %arg8[%select_n3A_72, %dma_wait3A_89, %dma_wait3A_90] : memref<2x6x128xi32, #tpu.memory_space<vmem>> -> memref<1x6x128xi32, #tpu.memory_space<vmem>>
      %dma_wait3A_92 = tpu.memref_squeeze %dma_wait3A_91 : memref<1x6x128xi32, #tpu.memory_space<vmem>> -> memref<6x128xi32, #tpu.memory_space<vmem>>
      %dma_wait3A_93 = arith.constant 0 : i32
      %dma_wait3A_94 = arith.constant 0 : i32
      %dma_wait3A_95 = tpu.memref_slice %arg4[%add3A_59, %arg1, %dma_wait3A_93, %dma_wait3A_94] : memref<27x16x6x128xi32, #tpu.memory_space<hbm>> -> memref<1x1x6x128xi32, #tpu.memory_space<hbm>>
      %dma_wait3A_96 = tpu.memref_squeeze %dma_wait3A_95 : memref<1x1x6x128xi32, #tpu.memory_space<hbm>> -> memref<6x128xi32, #tpu.memory_space<hbm>>
      %dma_wait3A_97 = arith.constant 0 : i32
      %dma_wait3A_98 = arith.constant 0 : i32
      %dma_wait3A_99 = tpu.memref_slice %arg8[%select_n3A_72, %dma_wait3A_97, %dma_wait3A_98] : memref<2x6x128xi32, #tpu.memory_space<vmem>> -> memref<1x6x128xi32, #tpu.memory_space<vmem>>
      %dma_wait3A_100 = tpu.memref_squeeze %dma_wait3A_99 : memref<1x6x128xi32, #tpu.memory_space<vmem>> -> memref<6x128xi32, #tpu.memory_space<vmem>>
      %dma_wait3A_101 = arith.constant 0 : i32
      %dma_wait3A_102 = arith.constant 0 : i32
      %dma_wait3A_103 = tpu.memref_slice %arg4[%add3A_59, %arg1, %dma_wait3A_101, %dma_wait3A_102] : memref<27x16x6x128xi32, #tpu.memory_space<hbm>> -> memref<1x1x6x128xi32, #tpu.memory_space<hbm>>
      %dma_wait3A_104 = tpu.memref_squeeze %dma_wait3A_103 : memref<1x1x6x128xi32, #tpu.memory_space<hbm>> -> memref<6x128xi32, #tpu.memory_space<hbm>>
      tpu.wait_dma2 semaphore(%arg11 : memref<!tpu.dma_semaphore, #tpu.memory_space<semaphore_mem>>) src(%dma_wait3A_104 : memref<6x128xi32, #tpu.memory_space<hbm>>) dst(%dma_wait3A_100 : memref<6x128xi32, #tpu.memory_space<vmem>>)
      %add3A_105 = arith.constant 1 : i32
      %add3A_106 = arith.addi %while3A_58, %add3A_105 : i32
      %lt3A_107 = arith.cmpi slt, %add3A_106, %select_n3A_7 : i32
      %convert_element_type3A = arith.extui %lt3A_107 : i1 to i32
      %cond3A = arith.constant 0 : i32
      %cond3A_108 = arith.cmpi ne, %convert_element_type3A, %cond3A : i32
      scf.if %cond3A_108 {
        %add3A_512 = arith.constant 1 : i32
        %add3A_513 = arith.addi %add3A_59, %add3A_512 : i32
        %sub3A = arith.constant 1 : i32
        %sub3A_514 = arith.subi %sub3A, %select_n3A_72 : i32
        %dma_start3A_515 = arith.constant 0 : i32
        %dma_start3A_516 = arith.constant 0 : i32
        %dma_start3A_517 = tpu.memref_slice %arg7[%sub3A_514, %dma_start3A_515, %dma_start3A_516] : memref<2x6x128xi32, #tpu.memory_space<vmem>> -> memref<1x6x128xi32, #tpu.memory_space<vmem>>
        %dma_start3A_518 = tpu.memref_squeeze %dma_start3A_517 : memref<1x6x128xi32, #tpu.memory_space<vmem>> -> memref<6x128xi32, #tpu.memory_space<vmem>>
        %dma_start3A_519 = arith.constant 0 : i32
        %dma_start3A_520 = arith.constant 0 : i32
        %dma_start3A_521 = tpu.memref_slice %arg3[%add3A_513, %arg1, %dma_start3A_519, %dma_start3A_520] : memref<27x16x6x128xi32, #tpu.memory_space<hbm>> -> memref<1x1x6x128xi32, #tpu.memory_space<hbm>>
        %dma_start3A_522 = tpu.memref_squeeze %dma_start3A_521 : memref<1x1x6x128xi32, #tpu.memory_space<hbm>> -> memref<6x128xi32, #tpu.memory_space<hbm>>
        %dma_start3A_523 = arith.constant 0 : i32
        %dma_start3A_524 = arith.constant 0 : i32
        %dma_start3A_525 = tpu.memref_slice %arg7[%sub3A_514, %dma_start3A_523, %dma_start3A_524] : memref<2x6x128xi32, #tpu.memory_space<vmem>> -> memref<1x6x128xi32, #tpu.memory_space<vmem>>
        %dma_start3A_526 = tpu.memref_squeeze %dma_start3A_525 : memref<1x6x128xi32, #tpu.memory_space<vmem>> -> memref<6x128xi32, #tpu.memory_space<vmem>>
        %dma_start3A_527 = arith.constant 0 : i32
        %dma_start3A_528 = arith.constant 0 : i32
        %dma_start3A_529 = tpu.memref_slice %arg3[%add3A_513, %arg1, %dma_start3A_527, %dma_start3A_528] : memref<27x16x6x128xi32, #tpu.memory_space<hbm>> -> memref<1x1x6x128xi32, #tpu.memory_space<hbm>>
        %dma_start3A_530 = tpu.memref_squeeze %dma_start3A_529 : memref<1x1x6x128xi32, #tpu.memory_space<hbm>> -> memref<6x128xi32, #tpu.memory_space<hbm>>
        tpu.enqueue_dma source(%dma_start3A_530 : memref<6x128xi32, #tpu.memory_space<hbm>>) target(%dma_start3A_526 : memref<6x128xi32, #tpu.memory_space<vmem>>) target_semaphore(%arg11 : memref<!tpu.dma_semaphore, #tpu.memory_space<semaphore_mem>>)
        %dma_start3A_531 = arith.constant 0 : i32
        %dma_start3A_532 = arith.constant 0 : i32
        %dma_start3A_533 = tpu.memref_slice %arg8[%sub3A_514, %dma_start3A_531, %dma_start3A_532] : memref<2x6x128xi32, #tpu.memory_space<vmem>> -> memref<1x6x128xi32, #tpu.memory_space<vmem>>
        %dma_start3A_534 = tpu.memref_squeeze %dma_start3A_533 : memref<1x6x128xi32, #tpu.memory_space<vmem>> -> memref<6x128xi32, #tpu.memory_space<vmem>>
        %dma_start3A_535 = arith.constant 0 : i32
        %dma_start3A_536 = arith.constant 0 : i32
        %dma_start3A_537 = tpu.memref_slice %arg4[%add3A_513, %arg1, %dma_start3A_535, %dma_start3A_536] : memref<27x16x6x128xi32, #tpu.memory_space<hbm>> -> memref<1x1x6x128xi32, #tpu.memory_space<hbm>>
        %dma_start3A_538 = tpu.memref_squeeze %dma_start3A_537 : memref<1x1x6x128xi32, #tpu.memory_space<hbm>> -> memref<6x128xi32, #tpu.memory_space<hbm>>
        %dma_start3A_539 = arith.constant 0 : i32
        %dma_start3A_540 = arith.constant 0 : i32
        %dma_start3A_541 = tpu.memref_slice %arg8[%sub3A_514, %dma_start3A_539, %dma_start3A_540] : memref<2x6x128xi32, #tpu.memory_space<vmem>> -> memref<1x6x128xi32, #tpu.memory_space<vmem>>
        %dma_start3A_542 = tpu.memref_squeeze %dma_start3A_541 : memref<1x6x128xi32, #tpu.memory_space<vmem>> -> memref<6x128xi32, #tpu.memory_space<vmem>>
        %dma_start3A_543 = arith.constant 0 : i32
        %dma_start3A_544 = arith.constant 0 : i32
        %dma_start3A_545 = tpu.memref_slice %arg4[%add3A_513, %arg1, %dma_start3A_543, %dma_start3A_544] : memref<27x16x6x128xi32, #tpu.memory_space<hbm>> -> memref<1x1x6x128xi32, #tpu.memory_space<hbm>>
        %dma_start3A_546 = tpu.memref_squeeze %dma_start3A_545 : memref<1x1x6x128xi32, #tpu.memory_space<hbm>> -> memref<6x128xi32, #tpu.memory_space<hbm>>
        tpu.enqueue_dma source(%dma_start3A_546 : memref<6x128xi32, #tpu.memory_space<hbm>>) target(%dma_start3A_542 : memref<6x128xi32, #tpu.memory_space<vmem>>) target_semaphore(%arg11 : memref<!tpu.dma_semaphore, #tpu.memory_space<semaphore_mem>>)
      } else {
      }
      %dma_start3A_109 = arith.constant 0 : i32
      %dma_start3A_110 = arith.constant 0 : i32
      %dma_start3A_111 = arith.constant 0 : i32
      %dma_start3A_112 = arith.constant 0 : i32
      %dma_start3A_113 = tpu.memref_slice %arg9[%dma_start3A_110, %dma_start3A_111, %dma_start3A_112] : memref<2x128x128xf32, #tpu.memory_space<vmem>> -> memref<1x128x128xf32, #tpu.memory_space<vmem>>
      %dma_start3A_114 = tpu.memref_squeeze %dma_start3A_113 : memref<1x128x128xf32, #tpu.memory_space<vmem>> -> memref<128x128xf32, #tpu.memory_space<vmem>>
      %dma_start3A_115 = arith.constant 0 : i32
      %dma_start3A_116 = arith.constant 0 : i32
      %dma_start3A_117 = tpu.memref_slice %arg7[%select_n3A_72, %dma_start3A_115, %dma_start3A_116] : memref<2x6x128xi32, #tpu.memory_space<vmem>> -> memref<1x6x128xi32, #tpu.memory_space<vmem>>
      %dma_start3A_118 = tpu.memref_squeeze %dma_start3A_117 : memref<1x6x128xi32, #tpu.memory_space<vmem>> -> memref<6x128xi32, #tpu.memory_space<vmem>>
      %dma_start3A_119 = arith.constant 0 : i32
      %dma_start3A_120 = tpu.memref_slice %dma_start3A_118[%dma_start3A_109, %dma_start3A_119] : memref<6x128xi32, #tpu.memory_space<vmem>> -> memref<1x128xi32, #tpu.memory_space<vmem>>
      %dma_start3A_121 = tpu.memref_squeeze %dma_start3A_120 : memref<1x128xi32, #tpu.memory_space<vmem>> -> memref<128xi32, #tpu.memory_space<vmem>>
      %dma_start3A_122 = arith.constant 0 : i32
      %dma_start3A_123 = arith.constant 0 : i32
      %dma_start3A_124 = tpu.memref_slice %arg2[%dma_start3A_122, %dma_start3A_123] : memref<10000x128xf32, #tpu.memory_space<hbm>> -> memref<10000x128xf32, #tpu.memory_space<hbm>>
      tpu.enqueue_indirect_dma source(%dma_start3A_124 : memref<10000x128xf32, #tpu.memory_space<hbm>>) target(%dma_start3A_114 : memref<128x128xf32, #tpu.memory_space<vmem>>) offsets(%dma_start3A_121 : memref<128xi32, #tpu.memory_space<vmem>>) semaphore(%arg12 : memref<!tpu.dma_semaphore, #tpu.memory_space<semaphore_mem>>)
      %dma_start3A_125 = arith.constant 1 : i32
      %dma_start3A_126 = arith.constant 1 : i32
      %dma_start3A_127 = arith.constant 0 : i32
      %dma_start3A_128 = arith.constant 0 : i32
      %dma_start3A_129 = tpu.memref_slice %arg9[%dma_start3A_126, %dma_start3A_127, %dma_start3A_128] : memref<2x128x128xf32, #tpu.memory_space<vmem>> -> memref<1x128x128xf32, #tpu.memory_space<vmem>>
      %dma_start3A_130 = tpu.memref_squeeze %dma_start3A_129 : memref<1x128x128xf32, #tpu.memory_space<vmem>> -> memref<128x128xf32, #tpu.memory_space<vmem>>
      %dma_start3A_131 = arith.constant 0 : i32
      %dma_start3A_132 = arith.constant 0 : i32
      %dma_start3A_133 = tpu.memref_slice %arg7[%select_n3A_72, %dma_start3A_131, %dma_start3A_132] : memref<2x6x128xi32, #tpu.memory_space<vmem>> -> memref<1x6x128xi32, #tpu.memory_space<vmem>>
      %dma_start3A_134 = tpu.memref_squeeze %dma_start3A_133 : memref<1x6x128xi32, #tpu.memory_space<vmem>> -> memref<6x128xi32, #tpu.memory_space<vmem>>
      %dma_start3A_135 = arith.constant 0 : i32
      %dma_start3A_136 = tpu.memref_slice %dma_start3A_134[%dma_start3A_125, %dma_start3A_135] : memref<6x128xi32, #tpu.memory_space<vmem>> -> memref<1x128xi32, #tpu.memory_space<vmem>>
      %dma_start3A_137 = tpu.memref_squeeze %dma_start3A_136 : memref<1x128xi32, #tpu.memory_space<vmem>> -> memref<128xi32, #tpu.memory_space<vmem>>
      %dma_start3A_138 = arith.constant 0 : i32
      %dma_start3A_139 = arith.constant 0 : i32
      %dma_start3A_140 = tpu.memref_slice %arg2[%dma_start3A_138, %dma_start3A_139] : memref<10000x128xf32, #tpu.memory_space<hbm>> -> memref<10000x128xf32, #tpu.memory_space<hbm>>
      tpu.enqueue_indirect_dma source(%dma_start3A_140 : memref<10000x128xf32, #tpu.memory_space<hbm>>) target(%dma_start3A_130 : memref<128x128xf32, #tpu.memory_space<vmem>>) offsets(%dma_start3A_137 : memref<128xi32, #tpu.memory_space<vmem>>) semaphore(%arg13 : memref<!tpu.dma_semaphore, #tpu.memory_space<semaphore_mem>>)
      %eq3A_141 = arith.constant 0 : i32
      %eq3A_142 = arith.cmpi eq, %while3A_58, %eq3A_141 : i32
      %convert_element_type3A_143 = arith.extui %eq3A_142 : i1 to i32
      %cond3A_144 = arith.constant 0 : i32
      %cond3A_145 = arith.cmpi ne, %convert_element_type3A_143, %cond3A_144 : i32
      scf.if %cond3A_145 {
        %mul3A_512 = arith.constant 640 : i32
        %mul3A_513 = arith.muli %arg1, %mul3A_512 : i32
        %mul3A_514 = arith.constant 640 : i32
        %mul3A_515 = arith.muli %arg1, %mul3A_514 : i32
        "tpu.region"() ({
          %run_scoped3A = tpu.sem_alloc : memref<!tpu.dma_semaphore, #tpu.memory_space<semaphore_mem>>
          %dma_start3A_516 = arith.constant 0 : i32
          %dma_start3A_517 = tpu.memref_slice %arg10[%mul3A_515, %dma_start3A_516] : memref<10240x128xf32, #tpu.memory_space<vmem_shared>> -> memref<640x128xf32, #tpu.memory_space<vmem_shared>>
          %dma_start3A_518 = arith.constant 0 : i32
          %dma_start3A_519 = tpu.memref_slice %arg5[%mul3A_513, %dma_start3A_518] : memref<10240x128xf32, #tpu.memory_space<hbm>> -> memref<640x128xf32, #tpu.memory_space<hbm>>
          tpu.enqueue_dma source(%dma_start3A_519 : memref<640x128xf32, #tpu.memory_space<hbm>>) target(%dma_start3A_517 : memref<640x128xf32, #tpu.memory_space<vmem_shared>>) target_semaphore(%run_scoped3A : memref<!tpu.dma_semaphore, #tpu.memory_space<semaphore_mem>>)
          %dma_wait3A_520 = arith.constant 0 : i32
          %dma_wait3A_521 = tpu.memref_slice %arg10[%mul3A_515, %dma_wait3A_520] : memref<10240x128xf32, #tpu.memory_space<vmem_shared>> -> memref<640x128xf32, #tpu.memory_space<vmem_shared>>
          %dma_wait3A_522 = arith.constant 0 : i32
          %dma_wait3A_523 = tpu.memref_slice %arg5[%mul3A_513, %dma_wait3A_522] : memref<10240x128xf32, #tpu.memory_space<hbm>> -> memref<640x128xf32, #tpu.memory_space<hbm>>
          tpu.wait_dma2 semaphore(%run_scoped3A : memref<!tpu.dma_semaphore, #tpu.memory_space<semaphore_mem>>) src(%dma_wait3A_523 : memref<640x128xf32, #tpu.memory_space<hbm>>) dst(%dma_wait3A_521 : memref<640x128xf32, #tpu.memory_space<vmem_shared>>)
          tpu.yield
        }) : () -> ()
      } else {
      }
      %gt3A = arith.constant 0 : i32
      %gt3A_146 = arith.cmpi sgt, %while3A_58, %gt3A : i32
      %convert_element_type3A_147 = arith.extui %gt3A_146 : i1 to i32
      %cond3A_148 = arith.constant 0 : i32
      %cond3A_149 = arith.cmpi ne, %convert_element_type3A_147, %cond3A_148 : i32
      scf.if %cond3A_149 {
        %mul3A_512 = arith.constant 640 : i32
        %mul3A_513 = arith.muli %arg1, %mul3A_512 : i32
        %mul3A_514 = arith.constant 640 : i32
        %mul3A_515 = arith.muli %arg1, %mul3A_514 : i32
        %dma_wait3A_516 = arith.constant 0 : i32
        %dma_wait3A_517 = tpu.memref_slice %arg6[%add3A_60, %mul3A_515, %dma_wait3A_516] : memref<27x10240x128xf32, #tpu.memory_space<hbm>> -> memref<1x640x128xf32, #tpu.memory_space<hbm>>
        %dma_wait3A_518 = tpu.memref_squeeze %dma_wait3A_517 : memref<1x640x128xf32, #tpu.memory_space<hbm>> -> memref<640x128xf32, #tpu.memory_space<hbm>>
        %dma_wait3A_519 = arith.constant 0 : i32
        %dma_wait3A_520 = tpu.memref_slice %arg10[%mul3A_513, %dma_wait3A_519] : memref<10240x128xf32, #tpu.memory_space<vmem_shared>> -> memref<640x128xf32, #tpu.memory_space<vmem_shared>>
        tpu.wait_dma2 semaphore(%arg20 : memref<!tpu.dma_semaphore, #tpu.memory_space<semaphore_mem>>) src(%dma_wait3A_520 : memref<640x128xf32, #tpu.memory_space<vmem_shared>>) dst(%dma_wait3A_518 : memref<640x128xf32, #tpu.memory_space<hbm>>)
      } else {
      }
      %barrier3A = arith.constant 0 : index
      tpu.barrier barrier_id(%barrier3A)
      %dma_wait3A_150 = arith.constant 0 : i32
      %dma_wait3A_151 = arith.constant 0 : i32
      %dma_wait3A_152 = arith.constant 0 : i32
      %dma_wait3A_153 = arith.constant 0 : i32
      %dma_wait3A_154 = tpu.memref_slice %arg9[%dma_wait3A_151, %dma_wait3A_152, %dma_wait3A_153] : memref<2x128x128xf32, #tpu.memory_space<vmem>> -> memref<1x128x128xf32, #tpu.memory_space<vmem>>
      %dma_wait3A_155 = tpu.memref_squeeze %dma_wait3A_154 : memref<1x128x128xf32, #tpu.memory_space<vmem>> -> memref<128x128xf32, #tpu.memory_space<vmem>>
      %dma_wait3A_156 = arith.constant 0 : i32
      %dma_wait3A_157 = arith.constant 0 : i32
      %dma_wait3A_158 = tpu.memref_slice %arg7[%select_n3A_72, %dma_wait3A_156, %dma_wait3A_157] : memref<2x6x128xi32, #tpu.memory_space<vmem>> -> memref<1x6x128xi32, #tpu.memory_space<vmem>>
      %dma_wait3A_159 = tpu.memref_squeeze %dma_wait3A_158 : memref<1x6x128xi32, #tpu.memory_space<vmem>> -> memref<6x128xi32, #tpu.memory_space<vmem>>
      %dma_wait3A_160 = arith.constant 0 : i32
      %dma_wait3A_161 = tpu.memref_slice %dma_wait3A_159[%dma_wait3A_150, %dma_wait3A_160] : memref<6x128xi32, #tpu.memory_space<vmem>> -> memref<1x128xi32, #tpu.memory_space<vmem>>
      %dma_wait3A_162 = tpu.memref_squeeze %dma_wait3A_161 : memref<1x128xi32, #tpu.memory_space<vmem>> -> memref<128xi32, #tpu.memory_space<vmem>>
      %dma_wait3A_163 = arith.constant 0 : i32
      %dma_wait3A_164 = arith.constant 0 : i32
      %dma_wait3A_165 = tpu.memref_slice %arg2[%dma_wait3A_163, %dma_wait3A_164] : memref<10000x128xf32, #tpu.memory_space<hbm>> -> memref<10000x128xf32, #tpu.memory_space<hbm>>
      tpu.wait_indirect_dma semaphore(%arg12 : memref<!tpu.dma_semaphore, #tpu.memory_space<semaphore_mem>>) src(%dma_wait3A_165 : memref<10000x128xf32, #tpu.memory_space<hbm>>) dst(%dma_wait3A_155 : memref<128x128xf32, #tpu.memory_space<vmem>>)
      %dma_start3A_166 = arith.constant 0 : i32
      %dma_start3A_167 = arith.constant 0 : i32
      %dma_start3A_168 = arith.constant 0 : i32
      %dma_start3A_169 = arith.constant 0 : i32
      %dma_start3A_170 = tpu.memref_slice %arg9[%dma_start3A_166, %dma_start3A_168, %dma_start3A_169] : memref<2x128x128xf32, #tpu.memory_space<vmem>> -> memref<1x128x128xf32, #tpu.memory_space<vmem>>
      %dma_start3A_171 = tpu.memref_squeeze %dma_start3A_170 : memref<1x128x128xf32, #tpu.memory_space<vmem>> -> memref<128x128xf32, #tpu.memory_space<vmem>>
      %dma_start3A_172 = arith.constant 0 : i32
      %dma_start3A_173 = arith.constant 0 : i32
      %dma_start3A_174 = tpu.memref_slice %arg8[%select_n3A_72, %dma_start3A_172, %dma_start3A_173] : memref<2x6x128xi32, #tpu.memory_space<vmem>> -> memref<1x6x128xi32, #tpu.memory_space<vmem>>
      %dma_start3A_175 = tpu.memref_squeeze %dma_start3A_174 : memref<1x6x128xi32, #tpu.memory_space<vmem>> -> memref<6x128xi32, #tpu.memory_space<vmem>>
      %dma_start3A_176 = arith.constant 0 : i32
      %dma_start3A_177 = tpu.memref_slice %dma_start3A_175[%dma_start3A_167, %dma_start3A_176] : memref<6x128xi32, #tpu.memory_space<vmem>> -> memref<1x128xi32, #tpu.memory_space<vmem>>
      %dma_start3A_178 = tpu.memref_squeeze %dma_start3A_177 : memref<1x128xi32, #tpu.memory_space<vmem>> -> memref<128xi32, #tpu.memory_space<vmem>>
      %dma_start3A_179 = arith.constant 0 : i32
      %dma_start3A_180 = arith.constant 0 : i32
      %dma_start3A_181 = tpu.memref_slice %arg10[%dma_start3A_179, %dma_start3A_180] : memref<10240x128xf32, #tpu.memory_space<vmem_shared>> -> memref<10240x128xf32, #tpu.memory_space<vmem_shared>>
      tpu.enqueue_indirect_dma source(%dma_start3A_171 : memref<128x128xf32, #tpu.memory_space<vmem>>) target(%dma_start3A_181 : memref<10240x128xf32, #tpu.memory_space<vmem_shared>>) offsets(%dma_start3A_178 : memref<128xi32, #tpu.memory_space<vmem>>) semaphore(%arg16 : memref<!tpu.dma_semaphore, #tpu.memory_space<semaphore_mem>>) {add = true}
      %dma_wait3A_182 = arith.constant 0 : i32
      %dma_wait3A_183 = arith.constant 0 : i32
      %dma_wait3A_184 = arith.constant 0 : i32
      %dma_wait3A_185 = arith.constant 0 : i32
      %dma_wait3A_186 = tpu.memref_slice %arg9[%dma_wait3A_182, %dma_wait3A_184, %dma_wait3A_185] : memref<2x128x128xf32, #tpu.memory_space<vmem>> -> memref<1x128x128xf32, #tpu.memory_space<vmem>>
      %dma_wait3A_187 = tpu.memref_squeeze %dma_wait3A_186 : memref<1x128x128xf32, #tpu.memory_space<vmem>> -> memref<128x128xf32, #tpu.memory_space<vmem>>
      %dma_wait3A_188 = arith.constant 0 : i32
      %dma_wait3A_189 = arith.constant 0 : i32
      %dma_wait3A_190 = tpu.memref_slice %arg8[%select_n3A_72, %dma_wait3A_188, %dma_wait3A_189] : memref<2x6x128xi32, #tpu.memory_space<vmem>> -> memref<1x6x128xi32, #tpu.memory_space<vmem>>
      %dma_wait3A_191 = tpu.memref_squeeze %dma_wait3A_190 : memref<1x6x128xi32, #tpu.memory_space<vmem>> -> memref<6x128xi32, #tpu.memory_space<vmem>>
      %dma_wait3A_192 = arith.constant 0 : i32
      %dma_wait3A_193 = tpu.memref_slice %dma_wait3A_191[%dma_wait3A_183, %dma_wait3A_192] : memref<6x128xi32, #tpu.memory_space<vmem>> -> memref<1x128xi32, #tpu.memory_space<vmem>>
      %dma_wait3A_194 = tpu.memref_squeeze %dma_wait3A_193 : memref<1x128xi32, #tpu.memory_space<vmem>> -> memref<128xi32, #tpu.memory_space<vmem>>
      %dma_wait3A_195 = arith.constant 0 : i32
      %dma_wait3A_196 = arith.constant 0 : i32
      %dma_wait3A_197 = tpu.memref_slice %arg10[%dma_wait3A_195, %dma_wait3A_196] : memref<10240x128xf32, #tpu.memory_space<vmem_shared>> -> memref<10240x128xf32, #tpu.memory_space<vmem_shared>>
      tpu.wait_indirect_dma semaphore(%arg16 : memref<!tpu.dma_semaphore, #tpu.memory_space<semaphore_mem>>) src(%dma_wait3A_187 : memref<128x128xf32, #tpu.memory_space<vmem>>) dst(%dma_wait3A_197 : memref<10240x128xf32, #tpu.memory_space<vmem_shared>>)
      %dma_start3A_198 = arith.constant 2 : i32
      %dma_start3A_199 = arith.constant 0 : i32
      %dma_start3A_200 = arith.constant 0 : i32
      %dma_start3A_201 = arith.constant 0 : i32
      %dma_start3A_202 = tpu.memref_slice %arg9[%dma_start3A_199, %dma_start3A_200, %dma_start3A_201] : memref<2x128x128xf32, #tpu.memory_space<vmem>> -> memref<1x128x128xf32, #tpu.memory_space<vmem>>
      %dma_start3A_203 = tpu.memref_squeeze %dma_start3A_202 : memref<1x128x128xf32, #tpu.memory_space<vmem>> -> memref<128x128xf32, #tpu.memory_space<vmem>>
      %dma_start3A_204 = arith.constant 0 : i32
      %dma_start3A_205 = arith.constant 0 : i32
      %dma_start3A_206 = tpu.memref_slice %arg7[%select_n3A_72, %dma_start3A_204, %dma_start3A_205] : memref<2x6x128xi32, #tpu.memory_space<vmem>> -> memref<1x6x128xi32, #tpu.memory_space<vmem>>
      %dma_start3A_207 = tpu.memref_squeeze %dma_start3A_206 : memref<1x6x128xi32, #tpu.memory_space<vmem>> -> memref<6x128xi32, #tpu.memory_space<vmem>>
      %dma_start3A_208 = arith.constant 0 : i32
      %dma_start3A_209 = tpu.memref_slice %dma_start3A_207[%dma_start3A_198, %dma_start3A_208] : memref<6x128xi32, #tpu.memory_space<vmem>> -> memref<1x128xi32, #tpu.memory_space<vmem>>
      %dma_start3A_210 = tpu.memref_squeeze %dma_start3A_209 : memref<1x128xi32, #tpu.memory_space<vmem>> -> memref<128xi32, #tpu.memory_space<vmem>>
      %dma_start3A_211 = arith.constant 0 : i32
      %dma_start3A_212 = arith.constant 0 : i32
      %dma_start3A_213 = tpu.memref_slice %arg2[%dma_start3A_211, %dma_start3A_212] : memref<10000x128xf32, #tpu.memory_space<hbm>> -> memref<10000x128xf32, #tpu.memory_space<hbm>>
      tpu.enqueue_indirect_dma source(%dma_start3A_213 : memref<10000x128xf32, #tpu.memory_space<hbm>>) target(%dma_start3A_203 : memref<128x128xf32, #tpu.memory_space<vmem>>) offsets(%dma_start3A_210 : memref<128xi32, #tpu.memory_space<vmem>>) semaphore(%arg12 : memref<!tpu.dma_semaphore, #tpu.memory_space<semaphore_mem>>)
      %dma_wait3A_214 = arith.constant 1 : i32
      %dma_wait3A_215 = arith.constant 1 : i32
      %dma_wait3A_216 = arith.constant 0 : i32
      %dma_wait3A_217 = arith.constant 0 : i32
      %dma_wait3A_218 = tpu.memref_slice %arg9[%dma_wait3A_215, %dma_wait3A_216, %dma_wait3A_217] : memref<2x128x128xf32, #tpu.memory_space<vmem>> -> memref<1x128x128xf32, #tpu.memory_space<vmem>>
      %dma_wait3A_219 = tpu.memref_squeeze %dma_wait3A_218 : memref<1x128x128xf32, #tpu.memory_space<vmem>> -> memref<128x128xf32, #tpu.memory_space<vmem>>
      %dma_wait3A_220 = arith.constant 0 : i32
      %dma_wait3A_221 = arith.constant 0 : i32
      %dma_wait3A_222 = tpu.memref_slice %arg7[%select_n3A_72, %dma_wait3A_220, %dma_wait3A_221] : memref<2x6x128xi32, #tpu.memory_space<vmem>> -> memref<1x6x128xi32, #tpu.memory_space<vmem>>
      %dma_wait3A_223 = tpu.memref_squeeze %dma_wait3A_222 : memref<1x6x128xi32, #tpu.memory_space<vmem>> -> memref<6x128xi32, #tpu.memory_space<vmem>>
      %dma_wait3A_224 = arith.constant 0 : i32
      %dma_wait3A_225 = tpu.memref_slice %dma_wait3A_223[%dma_wait3A_214, %dma_wait3A_224] : memref<6x128xi32, #tpu.memory_space<vmem>> -> memref<1x128xi32, #tpu.memory_space<vmem>>
      %dma_wait3A_226 = tpu.memref_squeeze %dma_wait3A_225 : memref<1x128xi32, #tpu.memory_space<vmem>> -> memref<128xi32, #tpu.memory_space<vmem>>
      %dma_wait3A_227 = arith.constant 0 : i32
      %dma_wait3A_228 = arith.constant 0 : i32
      %dma_wait3A_229 = tpu.memref_slice %arg2[%dma_wait3A_227, %dma_wait3A_228] : memref<10000x128xf32, #tpu.memory_space<hbm>> -> memref<10000x128xf32, #tpu.memory_space<hbm>>
      tpu.wait_indirect_dma semaphore(%arg13 : memref<!tpu.dma_semaphore, #tpu.memory_space<semaphore_mem>>) src(%dma_wait3A_229 : memref<10000x128xf32, #tpu.memory_space<hbm>>) dst(%dma_wait3A_219 : memref<128x128xf32, #tpu.memory_space<vmem>>)
      %dma_start3A_230 = arith.constant 1 : i32
      %dma_start3A_231 = arith.constant 1 : i32
      %dma_start3A_232 = arith.constant 0 : i32
      %dma_start3A_233 = arith.constant 0 : i32
      %dma_start3A_234 = tpu.memref_slice %arg9[%dma_start3A_230, %dma_start3A_232, %dma_start3A_233] : memref<2x128x128xf32, #tpu.memory_space<vmem>> -> memref<1x128x128xf32, #tpu.memory_space<vmem>>
      %dma_start3A_235 = tpu.memref_squeeze %dma_start3A_234 : memref<1x128x128xf32, #tpu.memory_space<vmem>> -> memref<128x128xf32, #tpu.memory_space<vmem>>
      %dma_start3A_236 = arith.constant 0 : i32
      %dma_start3A_237 = arith.constant 0 : i32
      %dma_start3A_238 = tpu.memref_slice %arg8[%select_n3A_72, %dma_start3A_236, %dma_start3A_237] : memref<2x6x128xi32, #tpu.memory_space<vmem>> -> memref<1x6x128xi32, #tpu.memory_space<vmem>>
      %dma_start3A_239 = tpu.memref_squeeze %dma_start3A_238 : memref<1x6x128xi32, #tpu.memory_space<vmem>> -> memref<6x128xi32, #tpu.memory_space<vmem>>
      %dma_start3A_240 = arith.constant 0 : i32
      %dma_start3A_241 = tpu.memref_slice %dma_start3A_239[%dma_start3A_231, %dma_start3A_240] : memref<6x128xi32, #tpu.memory_space<vmem>> -> memref<1x128xi32, #tpu.memory_space<vmem>>
      %dma_start3A_242 = tpu.memref_squeeze %dma_start3A_241 : memref<1x128xi32, #tpu.memory_space<vmem>> -> memref<128xi32, #tpu.memory_space<vmem>>
      %dma_start3A_243 = arith.constant 0 : i32
      %dma_start3A_244 = arith.constant 0 : i32
      %dma_start3A_245 = tpu.memref_slice %arg10[%dma_start3A_243, %dma_start3A_244] : memref<10240x128xf32, #tpu.memory_space<vmem_shared>> -> memref<10240x128xf32, #tpu.memory_space<vmem_shared>>
      tpu.enqueue_indirect_dma source(%dma_start3A_235 : memref<128x128xf32, #tpu.memory_space<vmem>>) target(%dma_start3A_245 : memref<10240x128xf32, #tpu.memory_space<vmem_shared>>) offsets(%dma_start3A_242 : memref<128xi32, #tpu.memory_space<vmem>>) semaphore(%arg17 : memref<!tpu.dma_semaphore, #tpu.memory_space<semaphore_mem>>) {add = true}
      %dma_wait3A_246 = arith.constant 1 : i32
      %dma_wait3A_247 = arith.constant 1 : i32
      %dma_wait3A_248 = arith.constant 0 : i32
      %dma_wait3A_249 = arith.constant 0 : i32
      %dma_wait3A_250 = tpu.memref_slice %arg9[%dma_wait3A_246, %dma_wait3A_248, %dma_wait3A_249] : memref<2x128x128xf32, #tpu.memory_space<vmem>> -> memref<1x128x128xf32, #tpu.memory_space<vmem>>
      %dma_wait3A_251 = tpu.memref_squeeze %dma_wait3A_250 : memref<1x128x128xf32, #tpu.memory_space<vmem>> -> memref<128x128xf32, #tpu.memory_space<vmem>>
      %dma_wait3A_252 = arith.constant 0 : i32
      %dma_wait3A_253 = arith.constant 0 : i32
      %dma_wait3A_254 = tpu.memref_slice %arg8[%select_n3A_72, %dma_wait3A_252, %dma_wait3A_253] : memref<2x6x128xi32, #tpu.memory_space<vmem>> -> memref<1x6x128xi32, #tpu.memory_space<vmem>>
      %dma_wait3A_255 = tpu.memref_squeeze %dma_wait3A_254 : memref<1x6x128xi32, #tpu.memory_space<vmem>> -> memref<6x128xi32, #tpu.memory_space<vmem>>
      %dma_wait3A_256 = arith.constant 0 : i32
      %dma_wait3A_257 = tpu.memref_slice %dma_wait3A_255[%dma_wait3A_247, %dma_wait3A_256] : memref<6x128xi32, #tpu.memory_space<vmem>> -> memref<1x128xi32, #tpu.memory_space<vmem>>
      %dma_wait3A_258 = tpu.memref_squeeze %dma_wait3A_257 : memref<1x128xi32, #tpu.memory_space<vmem>> -> memref<128xi32, #tpu.memory_space<vmem>>
      %dma_wait3A_259 = arith.constant 0 : i32
      %dma_wait3A_260 = arith.constant 0 : i32
      %dma_wait3A_261 = tpu.memref_slice %arg10[%dma_wait3A_259, %dma_wait3A_260] : memref<10240x128xf32, #tpu.memory_space<vmem_shared>> -> memref<10240x128xf32, #tpu.memory_space<vmem_shared>>
      tpu.wait_indirect_dma semaphore(%arg17 : memref<!tpu.dma_semaphore, #tpu.memory_space<semaphore_mem>>) src(%dma_wait3A_251 : memref<128x128xf32, #tpu.memory_space<vmem>>) dst(%dma_wait3A_261 : memref<10240x128xf32, #tpu.memory_space<vmem_shared>>)
      %dma_start3A_262 = arith.constant 3 : i32
      %dma_start3A_263 = arith.constant 1 : i32
      %dma_start3A_264 = arith.constant 0 : i32
      %dma_start3A_265 = arith.constant 0 : i32
      %dma_start3A_266 = tpu.memref_slice %arg9[%dma_start3A_263, %dma_start3A_264, %dma_start3A_265] : memref<2x128x128xf32, #tpu.memory_space<vmem>> -> memref<1x128x128xf32, #tpu.memory_space<vmem>>
      %dma_start3A_267 = tpu.memref_squeeze %dma_start3A_266 : memref<1x128x128xf32, #tpu.memory_space<vmem>> -> memref<128x128xf32, #tpu.memory_space<vmem>>
      %dma_start3A_268 = arith.constant 0 : i32
      %dma_start3A_269 = arith.constant 0 : i32
      %dma_start3A_270 = tpu.memref_slice %arg7[%select_n3A_72, %dma_start3A_268, %dma_start3A_269] : memref<2x6x128xi32, #tpu.memory_space<vmem>> -> memref<1x6x128xi32, #tpu.memory_space<vmem>>
      %dma_start3A_271 = tpu.memref_squeeze %dma_start3A_270 : memref<1x6x128xi32, #tpu.memory_space<vmem>> -> memref<6x128xi32, #tpu.memory_space<vmem>>
      %dma_start3A_272 = arith.constant 0 : i32
      %dma_start3A_273 = tpu.memref_slice %dma_start3A_271[%dma_start3A_262, %dma_start3A_272] : memref<6x128xi32, #tpu.memory_space<vmem>> -> memref<1x128xi32, #tpu.memory_space<vmem>>
      %dma_start3A_274 = tpu.memref_squeeze %dma_start3A_273 : memref<1x128xi32, #tpu.memory_space<vmem>> -> memref<128xi32, #tpu.memory_space<vmem>>
      %dma_start3A_275 = arith.constant 0 : i32
      %dma_start3A_276 = arith.constant 0 : i32
      %dma_start3A_277 = tpu.memref_slice %arg2[%dma_start3A_275, %dma_start3A_276] : memref<10000x128xf32, #tpu.memory_space<hbm>> -> memref<10000x128xf32, #tpu.memory_space<hbm>>
      tpu.enqueue_indirect_dma source(%dma_start3A_277 : memref<10000x128xf32, #tpu.memory_space<hbm>>) target(%dma_start3A_267 : memref<128x128xf32, #tpu.memory_space<vmem>>) offsets(%dma_start3A_274 : memref<128xi32, #tpu.memory_space<vmem>>) semaphore(%arg13 : memref<!tpu.dma_semaphore, #tpu.memory_space<semaphore_mem>>)
      %dma_wait3A_278 = arith.constant 2 : i32
      %dma_wait3A_279 = arith.constant 0 : i32
      %dma_wait3A_280 = arith.constant 0 : i32
      %dma_wait3A_281 = arith.constant 0 : i32
      %dma_wait3A_282 = tpu.memref_slice %arg9[%dma_wait3A_279, %dma_wait3A_280, %dma_wait3A_281] : memref<2x128x128xf32, #tpu.memory_space<vmem>> -> memref<1x128x128xf32, #tpu.memory_space<vmem>>
      %dma_wait3A_283 = tpu.memref_squeeze %dma_wait3A_282 : memref<1x128x128xf32, #tpu.memory_space<vmem>> -> memref<128x128xf32, #tpu.memory_space<vmem>>
      %dma_wait3A_284 = arith.constant 0 : i32
      %dma_wait3A_285 = arith.constant 0 : i32
      %dma_wait3A_286 = tpu.memref_slice %arg7[%select_n3A_72, %dma_wait3A_284, %dma_wait3A_285] : memref<2x6x128xi32, #tpu.memory_space<vmem>> -> memref<1x6x128xi32, #tpu.memory_space<vmem>>
      %dma_wait3A_287 = tpu.memref_squeeze %dma_wait3A_286 : memref<1x6x128xi32, #tpu.memory_space<vmem>> -> memref<6x128xi32, #tpu.memory_space<vmem>>
      %dma_wait3A_288 = arith.constant 0 : i32
      %dma_wait3A_289 = tpu.memref_slice %dma_wait3A_287[%dma_wait3A_278, %dma_wait3A_288] : memref<6x128xi32, #tpu.memory_space<vmem>> -> memref<1x128xi32, #tpu.memory_space<vmem>>
      %dma_wait3A_290 = tpu.memref_squeeze %dma_wait3A_289 : memref<1x128xi32, #tpu.memory_space<vmem>> -> memref<128xi32, #tpu.memory_space<vmem>>
      %dma_wait3A_291 = arith.constant 0 : i32
      %dma_wait3A_292 = arith.constant 0 : i32
      %dma_wait3A_293 = tpu.memref_slice %arg2[%dma_wait3A_291, %dma_wait3A_292] : memref<10000x128xf32, #tpu.memory_space<hbm>> -> memref<10000x128xf32, #tpu.memory_space<hbm>>
      tpu.wait_indirect_dma semaphore(%arg12 : memref<!tpu.dma_semaphore, #tpu.memory_space<semaphore_mem>>) src(%dma_wait3A_293 : memref<10000x128xf32, #tpu.memory_space<hbm>>) dst(%dma_wait3A_283 : memref<128x128xf32, #tpu.memory_space<vmem>>)
      %dma_start3A_294 = arith.constant 0 : i32
      %dma_start3A_295 = arith.constant 2 : i32
      %dma_start3A_296 = arith.constant 0 : i32
      %dma_start3A_297 = arith.constant 0 : i32
      %dma_start3A_298 = tpu.memref_slice %arg9[%dma_start3A_294, %dma_start3A_296, %dma_start3A_297] : memref<2x128x128xf32, #tpu.memory_space<vmem>> -> memref<1x128x128xf32, #tpu.memory_space<vmem>>
      %dma_start3A_299 = tpu.memref_squeeze %dma_start3A_298 : memref<1x128x128xf32, #tpu.memory_space<vmem>> -> memref<128x128xf32, #tpu.memory_space<vmem>>
      %dma_start3A_300 = arith.constant 0 : i32
      %dma_start3A_301 = arith.constant 0 : i32
      %dma_start3A_302 = tpu.memref_slice %arg8[%select_n3A_72, %dma_start3A_300, %dma_start3A_301] : memref<2x6x128xi32, #tpu.memory_space<vmem>> -> memref<1x6x128xi32, #tpu.memory_space<vmem>>
      %dma_start3A_303 = tpu.memref_squeeze %dma_start3A_302 : memref<1x6x128xi32, #tpu.memory_space<vmem>> -> memref<6x128xi32, #tpu.memory_space<vmem>>
      %dma_start3A_304 = arith.constant 0 : i32
      %dma_start3A_305 = tpu.memref_slice %dma_start3A_303[%dma_start3A_295, %dma_start3A_304] : memref<6x128xi32, #tpu.memory_space<vmem>> -> memref<1x128xi32, #tpu.memory_space<vmem>>
      %dma_start3A_306 = tpu.memref_squeeze %dma_start3A_305 : memref<1x128xi32, #tpu.memory_space<vmem>> -> memref<128xi32, #tpu.memory_space<vmem>>
      %dma_start3A_307 = arith.constant 0 : i32
      %dma_start3A_308 = arith.constant 0 : i32
      %dma_start3A_309 = tpu.memref_slice %arg10[%dma_start3A_307, %dma_start3A_308] : memref<10240x128xf32, #tpu.memory_space<vmem_shared>> -> memref<10240x128xf32, #tpu.memory_space<vmem_shared>>
      tpu.enqueue_indirect_dma source(%dma_start3A_299 : memref<128x128xf32, #tpu.memory_space<vmem>>) target(%dma_start3A_309 : memref<10240x128xf32, #tpu.memory_space<vmem_shared>>) offsets(%dma_start3A_306 : memref<128xi32, #tpu.memory_space<vmem>>) semaphore(%arg16 : memref<!tpu.dma_semaphore, #tpu.memory_space<semaphore_mem>>) {add = true}
      %dma_wait3A_310 = arith.constant 0 : i32
      %dma_wait3A_311 = arith.constant 2 : i32
      %dma_wait3A_312 = arith.constant 0 : i32
      %dma_wait3A_313 = arith.constant 0 : i32
      %dma_wait3A_314 = tpu.memref_slice %arg9[%dma_wait3A_310, %dma_wait3A_312, %dma_wait3A_313] : memref<2x128x128xf32, #tpu.memory_space<vmem>> -> memref<1x128x128xf32, #tpu.memory_space<vmem>>
      %dma_wait3A_315 = tpu.memref_squeeze %dma_wait3A_314 : memref<1x128x128xf32, #tpu.memory_space<vmem>> -> memref<128x128xf32, #tpu.memory_space<vmem>>
      %dma_wait3A_316 = arith.constant 0 : i32
      %dma_wait3A_317 = arith.constant 0 : i32
      %dma_wait3A_318 = tpu.memref_slice %arg8[%select_n3A_72, %dma_wait3A_316, %dma_wait3A_317] : memref<2x6x128xi32, #tpu.memory_space<vmem>> -> memref<1x6x128xi32, #tpu.memory_space<vmem>>
      %dma_wait3A_319 = tpu.memref_squeeze %dma_wait3A_318 : memref<1x6x128xi32, #tpu.memory_space<vmem>> -> memref<6x128xi32, #tpu.memory_space<vmem>>
      %dma_wait3A_320 = arith.constant 0 : i32
      %dma_wait3A_321 = tpu.memref_slice %dma_wait3A_319[%dma_wait3A_311, %dma_wait3A_320] : memref<6x128xi32, #tpu.memory_space<vmem>> -> memref<1x128xi32, #tpu.memory_space<vmem>>
      %dma_wait3A_322 = tpu.memref_squeeze %dma_wait3A_321 : memref<1x128xi32, #tpu.memory_space<vmem>> -> memref<128xi32, #tpu.memory_space<vmem>>
      %dma_wait3A_323 = arith.constant 0 : i32
      %dma_wait3A_324 = arith.constant 0 : i32
      %dma_wait3A_325 = tpu.memref_slice %arg10[%dma_wait3A_323, %dma_wait3A_324] : memref<10240x128xf32, #tpu.memory_space<vmem_shared>> -> memref<10240x128xf32, #tpu.memory_space<vmem_shared>>
      tpu.wait_indirect_dma semaphore(%arg16 : memref<!tpu.dma_semaphore, #tpu.memory_space<semaphore_mem>>) src(%dma_wait3A_315 : memref<128x128xf32, #tpu.memory_space<vmem>>) dst(%dma_wait3A_325 : memref<10240x128xf32, #tpu.memory_space<vmem_shared>>)
      %dma_start3A_326 = arith.constant 4 : i32
      %dma_start3A_327 = arith.constant 0 : i32
      %dma_start3A_328 = arith.constant 0 : i32
      %dma_start3A_329 = arith.constant 0 : i32
      %dma_start3A_330 = tpu.memref_slice %arg9[%dma_start3A_327, %dma_start3A_328, %dma_start3A_329] : memref<2x128x128xf32, #tpu.memory_space<vmem>> -> memref<1x128x128xf32, #tpu.memory_space<vmem>>
      %dma_start3A_331 = tpu.memref_squeeze %dma_start3A_330 : memref<1x128x128xf32, #tpu.memory_space<vmem>> -> memref<128x128xf32, #tpu.memory_space<vmem>>
      %dma_start3A_332 = arith.constant 0 : i32
      %dma_start3A_333 = arith.constant 0 : i32
      %dma_start3A_334 = tpu.memref_slice %arg7[%select_n3A_72, %dma_start3A_332, %dma_start3A_333] : memref<2x6x128xi32, #tpu.memory_space<vmem>> -> memref<1x6x128xi32, #tpu.memory_space<vmem>>
      %dma_start3A_335 = tpu.memref_squeeze %dma_start3A_334 : memref<1x6x128xi32, #tpu.memory_space<vmem>> -> memref<6x128xi32, #tpu.memory_space<vmem>>
      %dma_start3A_336 = arith.constant 0 : i32
      %dma_start3A_337 = tpu.memref_slice %dma_start3A_335[%dma_start3A_326, %dma_start3A_336] : memref<6x128xi32, #tpu.memory_space<vmem>> -> memref<1x128xi32, #tpu.memory_space<vmem>>
      %dma_start3A_338 = tpu.memref_squeeze %dma_start3A_337 : memref<1x128xi32, #tpu.memory_space<vmem>> -> memref<128xi32, #tpu.memory_space<vmem>>
      %dma_start3A_339 = arith.constant 0 : i32
      %dma_start3A_340 = arith.constant 0 : i32
      %dma_start3A_341 = tpu.memref_slice %arg2[%dma_start3A_339, %dma_start3A_340] : memref<10000x128xf32, #tpu.memory_space<hbm>> -> memref<10000x128xf32, #tpu.memory_space<hbm>>
      tpu.enqueue_indirect_dma source(%dma_start3A_341 : memref<10000x128xf32, #tpu.memory_space<hbm>>) target(%dma_start3A_331 : memref<128x128xf32, #tpu.memory_space<vmem>>) offsets(%dma_start3A_338 : memref<128xi32, #tpu.memory_space<vmem>>) semaphore(%arg12 : memref<!tpu.dma_semaphore, #tpu.memory_space<semaphore_mem>>)
      %dma_wait3A_342 = arith.constant 3 : i32
      %dma_wait3A_343 = arith.constant 1 : i32
      %dma_wait3A_344 = arith.constant 0 : i32
      %dma_wait3A_345 = arith.constant 0 : i32
      %dma_wait3A_346 = tpu.memref_slice %arg9[%dma_wait3A_343, %dma_wait3A_344, %dma_wait3A_345] : memref<2x128x128xf32, #tpu.memory_space<vmem>> -> memref<1x128x128xf32, #tpu.memory_space<vmem>>
      %dma_wait3A_347 = tpu.memref_squeeze %dma_wait3A_346 : memref<1x128x128xf32, #tpu.memory_space<vmem>> -> memref<128x128xf32, #tpu.memory_space<vmem>>
      %dma_wait3A_348 = arith.constant 0 : i32
      %dma_wait3A_349 = arith.constant 0 : i32
      %dma_wait3A_350 = tpu.memref_slice %arg7[%select_n3A_72, %dma_wait3A_348, %dma_wait3A_349] : memref<2x6x128xi32, #tpu.memory_space<vmem>> -> memref<1x6x128xi32, #tpu.memory_space<vmem>>
      %dma_wait3A_351 = tpu.memref_squeeze %dma_wait3A_350 : memref<1x6x128xi32, #tpu.memory_space<vmem>> -> memref<6x128xi32, #tpu.memory_space<vmem>>
      %dma_wait3A_352 = arith.constant 0 : i32
      %dma_wait3A_353 = tpu.memref_slice %dma_wait3A_351[%dma_wait3A_342, %dma_wait3A_352] : memref<6x128xi32, #tpu.memory_space<vmem>> -> memref<1x128xi32, #tpu.memory_space<vmem>>
      %dma_wait3A_354 = tpu.memref_squeeze %dma_wait3A_353 : memref<1x128xi32, #tpu.memory_space<vmem>> -> memref<128xi32, #tpu.memory_space<vmem>>
      %dma_wait3A_355 = arith.constant 0 : i32
      %dma_wait3A_356 = arith.constant 0 : i32
      %dma_wait3A_357 = tpu.memref_slice %arg2[%dma_wait3A_355, %dma_wait3A_356] : memref<10000x128xf32, #tpu.memory_space<hbm>> -> memref<10000x128xf32, #tpu.memory_space<hbm>>
      tpu.wait_indirect_dma semaphore(%arg13 : memref<!tpu.dma_semaphore, #tpu.memory_space<semaphore_mem>>) src(%dma_wait3A_357 : memref<10000x128xf32, #tpu.memory_space<hbm>>) dst(%dma_wait3A_347 : memref<128x128xf32, #tpu.memory_space<vmem>>)
      %dma_start3A_358 = arith.constant 1 : i32
      %dma_start3A_359 = arith.constant 3 : i32
      %dma_start3A_360 = arith.constant 0 : i32
      %dma_start3A_361 = arith.constant 0 : i32
      %dma_start3A_362 = tpu.memref_slice %arg9[%dma_start3A_358, %dma_start3A_360, %dma_start3A_361] : memref<2x128x128xf32, #tpu.memory_space<vmem>> -> memref<1x128x128xf32, #tpu.memory_space<vmem>>
      %dma_start3A_363 = tpu.memref_squeeze %dma_start3A_362 : memref<1x128x128xf32, #tpu.memory_space<vmem>> -> memref<128x128xf32, #tpu.memory_space<vmem>>
      %dma_start3A_364 = arith.constant 0 : i32
      %dma_start3A_365 = arith.constant 0 : i32
      %dma_start3A_366 = tpu.memref_slice %arg8[%select_n3A_72, %dma_start3A_364, %dma_start3A_365] : memref<2x6x128xi32, #tpu.memory_space<vmem>> -> memref<1x6x128xi32, #tpu.memory_space<vmem>>
      %dma_start3A_367 = tpu.memref_squeeze %dma_start3A_366 : memref<1x6x128xi32, #tpu.memory_space<vmem>> -> memref<6x128xi32, #tpu.memory_space<vmem>>
      %dma_start3A_368 = arith.constant 0 : i32
      %dma_start3A_369 = tpu.memref_slice %dma_start3A_367[%dma_start3A_359, %dma_start3A_368] : memref<6x128xi32, #tpu.memory_space<vmem>> -> memref<1x128xi32, #tpu.memory_space<vmem>>
      %dma_start3A_370 = tpu.memref_squeeze %dma_start3A_369 : memref<1x128xi32, #tpu.memory_space<vmem>> -> memref<128xi32, #tpu.memory_space<vmem>>
      %dma_start3A_371 = arith.constant 0 : i32
      %dma_start3A_372 = arith.constant 0 : i32
      %dma_start3A_373 = tpu.memref_slice %arg10[%dma_start3A_371, %dma_start3A_372] : memref<10240x128xf32, #tpu.memory_space<vmem_shared>> -> memref<10240x128xf32, #tpu.memory_space<vmem_shared>>
      tpu.enqueue_indirect_dma source(%dma_start3A_363 : memref<128x128xf32, #tpu.memory_space<vmem>>) target(%dma_start3A_373 : memref<10240x128xf32, #tpu.memory_space<vmem_shared>>) offsets(%dma_start3A_370 : memref<128xi32, #tpu.memory_space<vmem>>) semaphore(%arg17 : memref<!tpu.dma_semaphore, #tpu.memory_space<semaphore_mem>>) {add = true}
      %dma_wait3A_374 = arith.constant 1 : i32
      %dma_wait3A_375 = arith.constant 3 : i32
      %dma_wait3A_376 = arith.constant 0 : i32
      %dma_wait3A_377 = arith.constant 0 : i32
      %dma_wait3A_378 = tpu.memref_slice %arg9[%dma_wait3A_374, %dma_wait3A_376, %dma_wait3A_377] : memref<2x128x128xf32, #tpu.memory_space<vmem>> -> memref<1x128x128xf32, #tpu.memory_space<vmem>>
      %dma_wait3A_379 = tpu.memref_squeeze %dma_wait3A_378 : memref<1x128x128xf32, #tpu.memory_space<vmem>> -> memref<128x128xf32, #tpu.memory_space<vmem>>
      %dma_wait3A_380 = arith.constant 0 : i32
      %dma_wait3A_381 = arith.constant 0 : i32
      %dma_wait3A_382 = tpu.memref_slice %arg8[%select_n3A_72, %dma_wait3A_380, %dma_wait3A_381] : memref<2x6x128xi32, #tpu.memory_space<vmem>> -> memref<1x6x128xi32, #tpu.memory_space<vmem>>
      %dma_wait3A_383 = tpu.memref_squeeze %dma_wait3A_382 : memref<1x6x128xi32, #tpu.memory_space<vmem>> -> memref<6x128xi32, #tpu.memory_space<vmem>>
      %dma_wait3A_384 = arith.constant 0 : i32
      %dma_wait3A_385 = tpu.memref_slice %dma_wait3A_383[%dma_wait3A_375, %dma_wait3A_384] : memref<6x128xi32, #tpu.memory_space<vmem>> -> memref<1x128xi32, #tpu.memory_space<vmem>>
      %dma_wait3A_386 = tpu.memref_squeeze %dma_wait3A_385 : memref<1x128xi32, #tpu.memory_space<vmem>> -> memref<128xi32, #tpu.memory_space<vmem>>
      %dma_wait3A_387 = arith.constant 0 : i32
      %dma_wait3A_388 = arith.constant 0 : i32
      %dma_wait3A_389 = tpu.memref_slice %arg10[%dma_wait3A_387, %dma_wait3A_388] : memref<10240x128xf32, #tpu.memory_space<vmem_shared>> -> memref<10240x128xf32, #tpu.memory_space<vmem_shared>>
      tpu.wait_indirect_dma semaphore(%arg17 : memref<!tpu.dma_semaphore, #tpu.memory_space<semaphore_mem>>) src(%dma_wait3A_379 : memref<128x128xf32, #tpu.memory_space<vmem>>) dst(%dma_wait3A_389 : memref<10240x128xf32, #tpu.memory_space<vmem_shared>>)
      %dma_start3A_390 = arith.constant 5 : i32
      %dma_start3A_391 = arith.constant 1 : i32
      %dma_start3A_392 = arith.constant 0 : i32
      %dma_start3A_393 = arith.constant 0 : i32
      %dma_start3A_394 = tpu.memref_slice %arg9[%dma_start3A_391, %dma_start3A_392, %dma_start3A_393] : memref<2x128x128xf32, #tpu.memory_space<vmem>> -> memref<1x128x128xf32, #tpu.memory_space<vmem>>
      %dma_start3A_395 = tpu.memref_squeeze %dma_start3A_394 : memref<1x128x128xf32, #tpu.memory_space<vmem>> -> memref<128x128xf32, #tpu.memory_space<vmem>>
      %dma_start3A_396 = arith.constant 0 : i32
      %dma_start3A_397 = arith.constant 0 : i32
      %dma_start3A_398 = tpu.memref_slice %arg7[%select_n3A_72, %dma_start3A_396, %dma_start3A_397] : memref<2x6x128xi32, #tpu.memory_space<vmem>> -> memref<1x6x128xi32, #tpu.memory_space<vmem>>
      %dma_start3A_399 = tpu.memref_squeeze %dma_start3A_398 : memref<1x6x128xi32, #tpu.memory_space<vmem>> -> memref<6x128xi32, #tpu.memory_space<vmem>>
      %dma_start3A_400 = arith.constant 0 : i32
      %dma_start3A_401 = tpu.memref_slice %dma_start3A_399[%dma_start3A_390, %dma_start3A_400] : memref<6x128xi32, #tpu.memory_space<vmem>> -> memref<1x128xi32, #tpu.memory_space<vmem>>
      %dma_start3A_402 = tpu.memref_squeeze %dma_start3A_401 : memref<1x128xi32, #tpu.memory_space<vmem>> -> memref<128xi32, #tpu.memory_space<vmem>>
      %dma_start3A_403 = arith.constant 0 : i32
      %dma_start3A_404 = arith.constant 0 : i32
      %dma_start3A_405 = tpu.memref_slice %arg2[%dma_start3A_403, %dma_start3A_404] : memref<10000x128xf32, #tpu.memory_space<hbm>> -> memref<10000x128xf32, #tpu.memory_space<hbm>>
      tpu.enqueue_indirect_dma source(%dma_start3A_405 : memref<10000x128xf32, #tpu.memory_space<hbm>>) target(%dma_start3A_395 : memref<128x128xf32, #tpu.memory_space<vmem>>) offsets(%dma_start3A_402 : memref<128xi32, #tpu.memory_space<vmem>>) semaphore(%arg13 : memref<!tpu.dma_semaphore, #tpu.memory_space<semaphore_mem>>)
      %dma_wait3A_406 = arith.constant 4 : i32
      %dma_wait3A_407 = arith.constant 0 : i32
      %dma_wait3A_408 = arith.constant 0 : i32
      %dma_wait3A_409 = arith.constant 0 : i32
      %dma_wait3A_410 = tpu.memref_slice %arg9[%dma_wait3A_407, %dma_wait3A_408, %dma_wait3A_409] : memref<2x128x128xf32, #tpu.memory_space<vmem>> -> memref<1x128x128xf32, #tpu.memory_space<vmem>>
      %dma_wait3A_411 = tpu.memref_squeeze %dma_wait3A_410 : memref<1x128x128xf32, #tpu.memory_space<vmem>> -> memref<128x128xf32, #tpu.memory_space<vmem>>
      %dma_wait3A_412 = arith.constant 0 : i32
      %dma_wait3A_413 = arith.constant 0 : i32
      %dma_wait3A_414 = tpu.memref_slice %arg7[%select_n3A_72, %dma_wait3A_412, %dma_wait3A_413] : memref<2x6x128xi32, #tpu.memory_space<vmem>> -> memref<1x6x128xi32, #tpu.memory_space<vmem>>
      %dma_wait3A_415 = tpu.memref_squeeze %dma_wait3A_414 : memref<1x6x128xi32, #tpu.memory_space<vmem>> -> memref<6x128xi32, #tpu.memory_space<vmem>>
      %dma_wait3A_416 = arith.constant 0 : i32
      %dma_wait3A_417 = tpu.memref_slice %dma_wait3A_415[%dma_wait3A_406, %dma_wait3A_416] : memref<6x128xi32, #tpu.memory_space<vmem>> -> memref<1x128xi32, #tpu.memory_space<vmem>>
      %dma_wait3A_418 = tpu.memref_squeeze %dma_wait3A_417 : memref<1x128xi32, #tpu.memory_space<vmem>> -> memref<128xi32, #tpu.memory_space<vmem>>
      %dma_wait3A_419 = arith.constant 0 : i32
      %dma_wait3A_420 = arith.constant 0 : i32
      %dma_wait3A_421 = tpu.memref_slice %arg2[%dma_wait3A_419, %dma_wait3A_420] : memref<10000x128xf32, #tpu.memory_space<hbm>> -> memref<10000x128xf32, #tpu.memory_space<hbm>>
      tpu.wait_indirect_dma semaphore(%arg12 : memref<!tpu.dma_semaphore, #tpu.memory_space<semaphore_mem>>) src(%dma_wait3A_421 : memref<10000x128xf32, #tpu.memory_space<hbm>>) dst(%dma_wait3A_411 : memref<128x128xf32, #tpu.memory_space<vmem>>)
      %dma_start3A_422 = arith.constant 0 : i32
      %dma_start3A_423 = arith.constant 4 : i32
      %dma_start3A_424 = arith.constant 0 : i32
      %dma_start3A_425 = arith.constant 0 : i32
      %dma_start3A_426 = tpu.memref_slice %arg9[%dma_start3A_422, %dma_start3A_424, %dma_start3A_425] : memref<2x128x128xf32, #tpu.memory_space<vmem>> -> memref<1x128x128xf32, #tpu.memory_space<vmem>>
      %dma_start3A_427 = tpu.memref_squeeze %dma_start3A_426 : memref<1x128x128xf32, #tpu.memory_space<vmem>> -> memref<128x128xf32, #tpu.memory_space<vmem>>
      %dma_start3A_428 = arith.constant 0 : i32
      %dma_start3A_429 = arith.constant 0 : i32
      %dma_start3A_430 = tpu.memref_slice %arg8[%select_n3A_72, %dma_start3A_428, %dma_start3A_429] : memref<2x6x128xi32, #tpu.memory_space<vmem>> -> memref<1x6x128xi32, #tpu.memory_space<vmem>>
      %dma_start3A_431 = tpu.memref_squeeze %dma_start3A_430 : memref<1x6x128xi32, #tpu.memory_space<vmem>> -> memref<6x128xi32, #tpu.memory_space<vmem>>
      %dma_start3A_432 = arith.constant 0 : i32
      %dma_start3A_433 = tpu.memref_slice %dma_start3A_431[%dma_start3A_423, %dma_start3A_432] : memref<6x128xi32, #tpu.memory_space<vmem>> -> memref<1x128xi32, #tpu.memory_space<vmem>>
      %dma_start3A_434 = tpu.memref_squeeze %dma_start3A_433 : memref<1x128xi32, #tpu.memory_space<vmem>> -> memref<128xi32, #tpu.memory_space<vmem>>
      %dma_start3A_435 = arith.constant 0 : i32
      %dma_start3A_436 = arith.constant 0 : i32
      %dma_start3A_437 = tpu.memref_slice %arg10[%dma_start3A_435, %dma_start3A_436] : memref<10240x128xf32, #tpu.memory_space<vmem_shared>> -> memref<10240x128xf32, #tpu.memory_space<vmem_shared>>
      tpu.enqueue_indirect_dma source(%dma_start3A_427 : memref<128x128xf32, #tpu.memory_space<vmem>>) target(%dma_start3A_437 : memref<10240x128xf32, #tpu.memory_space<vmem_shared>>) offsets(%dma_start3A_434 : memref<128xi32, #tpu.memory_space<vmem>>) semaphore(%arg16 : memref<!tpu.dma_semaphore, #tpu.memory_space<semaphore_mem>>) {add = true}
      %dma_wait3A_438 = arith.constant 5 : i32
      %dma_wait3A_439 = arith.constant 1 : i32
      %dma_wait3A_440 = arith.constant 0 : i32
      %dma_wait3A_441 = arith.constant 0 : i32
      %dma_wait3A_442 = tpu.memref_slice %arg9[%dma_wait3A_439, %dma_wait3A_440, %dma_wait3A_441] : memref<2x128x128xf32, #tpu.memory_space<vmem>> -> memref<1x128x128xf32, #tpu.memory_space<vmem>>
      %dma_wait3A_443 = tpu.memref_squeeze %dma_wait3A_442 : memref<1x128x128xf32, #tpu.memory_space<vmem>> -> memref<128x128xf32, #tpu.memory_space<vmem>>
      %dma_wait3A_444 = arith.constant 0 : i32
      %dma_wait3A_445 = arith.constant 0 : i32
      %dma_wait3A_446 = tpu.memref_slice %arg7[%select_n3A_72, %dma_wait3A_444, %dma_wait3A_445] : memref<2x6x128xi32, #tpu.memory_space<vmem>> -> memref<1x6x128xi32, #tpu.memory_space<vmem>>
      %dma_wait3A_447 = tpu.memref_squeeze %dma_wait3A_446 : memref<1x6x128xi32, #tpu.memory_space<vmem>> -> memref<6x128xi32, #tpu.memory_space<vmem>>
      %dma_wait3A_448 = arith.constant 0 : i32
      %dma_wait3A_449 = tpu.memref_slice %dma_wait3A_447[%dma_wait3A_438, %dma_wait3A_448] : memref<6x128xi32, #tpu.memory_space<vmem>> -> memref<1x128xi32, #tpu.memory_space<vmem>>
      %dma_wait3A_450 = tpu.memref_squeeze %dma_wait3A_449 : memref<1x128xi32, #tpu.memory_space<vmem>> -> memref<128xi32, #tpu.memory_space<vmem>>
      %dma_wait3A_451 = arith.constant 0 : i32
      %dma_wait3A_452 = arith.constant 0 : i32
      %dma_wait3A_453 = tpu.memref_slice %arg2[%dma_wait3A_451, %dma_wait3A_452] : memref<10000x128xf32, #tpu.memory_space<hbm>> -> memref<10000x128xf32, #tpu.memory_space<hbm>>
      tpu.wait_indirect_dma semaphore(%arg13 : memref<!tpu.dma_semaphore, #tpu.memory_space<semaphore_mem>>) src(%dma_wait3A_453 : memref<10000x128xf32, #tpu.memory_space<hbm>>) dst(%dma_wait3A_443 : memref<128x128xf32, #tpu.memory_space<vmem>>)
      %dma_start3A_454 = arith.constant 1 : i32
      %dma_start3A_455 = arith.constant 5 : i32
      %dma_start3A_456 = arith.constant 0 : i32
      %dma_start3A_457 = arith.constant 0 : i32
      %dma_start3A_458 = tpu.memref_slice %arg9[%dma_start3A_454, %dma_start3A_456, %dma_start3A_457] : memref<2x128x128xf32, #tpu.memory_space<vmem>> -> memref<1x128x128xf32, #tpu.memory_space<vmem>>
      %dma_start3A_459 = tpu.memref_squeeze %dma_start3A_458 : memref<1x128x128xf32, #tpu.memory_space<vmem>> -> memref<128x128xf32, #tpu.memory_space<vmem>>
      %dma_start3A_460 = arith.constant 0 : i32
      %dma_start3A_461 = arith.constant 0 : i32
      %dma_start3A_462 = tpu.memref_slice %arg8[%select_n3A_72, %dma_start3A_460, %dma_start3A_461] : memref<2x6x128xi32, #tpu.memory_space<vmem>> -> memref<1x6x128xi32, #tpu.memory_space<vmem>>
      %dma_start3A_463 = tpu.memref_squeeze %dma_start3A_462 : memref<1x6x128xi32, #tpu.memory_space<vmem>> -> memref<6x128xi32, #tpu.memory_space<vmem>>
      %dma_start3A_464 = arith.constant 0 : i32
      %dma_start3A_465 = tpu.memref_slice %dma_start3A_463[%dma_start3A_455, %dma_start3A_464] : memref<6x128xi32, #tpu.memory_space<vmem>> -> memref<1x128xi32, #tpu.memory_space<vmem>>
      %dma_start3A_466 = tpu.memref_squeeze %dma_start3A_465 : memref<1x128xi32, #tpu.memory_space<vmem>> -> memref<128xi32, #tpu.memory_space<vmem>>
      %dma_start3A_467 = arith.constant 0 : i32
      %dma_start3A_468 = arith.constant 0 : i32
      %dma_start3A_469 = tpu.memref_slice %arg10[%dma_start3A_467, %dma_start3A_468] : memref<10240x128xf32, #tpu.memory_space<vmem_shared>> -> memref<10240x128xf32, #tpu.memory_space<vmem_shared>>
      tpu.enqueue_indirect_dma source(%dma_start3A_459 : memref<128x128xf32, #tpu.memory_space<vmem>>) target(%dma_start3A_469 : memref<10240x128xf32, #tpu.memory_space<vmem_shared>>) offsets(%dma_start3A_466 : memref<128xi32, #tpu.memory_space<vmem>>) semaphore(%arg17 : memref<!tpu.dma_semaphore, #tpu.memory_space<semaphore_mem>>) {add = true}
      %dma_wait3A_470 = arith.constant 0 : i32
      %dma_wait3A_471 = arith.constant 4 : i32
      %dma_wait3A_472 = arith.constant 0 : i32
      %dma_wait3A_473 = arith.constant 0 : i32
      %dma_wait3A_474 = tpu.memref_slice %arg9[%dma_wait3A_470, %dma_wait3A_472, %dma_wait3A_473] : memref<2x128x128xf32, #tpu.memory_space<vmem>> -> memref<1x128x128xf32, #tpu.memory_space<vmem>>
      %dma_wait3A_475 = tpu.memref_squeeze %dma_wait3A_474 : memref<1x128x128xf32, #tpu.memory_space<vmem>> -> memref<128x128xf32, #tpu.memory_space<vmem>>
      %dma_wait3A_476 = arith.constant 0 : i32
      %dma_wait3A_477 = arith.constant 0 : i32
      %dma_wait3A_478 = tpu.memref_slice %arg8[%select_n3A_72, %dma_wait3A_476, %dma_wait3A_477] : memref<2x6x128xi32, #tpu.memory_space<vmem>> -> memref<1x6x128xi32, #tpu.memory_space<vmem>>
      %dma_wait3A_479 = tpu.memref_squeeze %dma_wait3A_478 : memref<1x6x128xi32, #tpu.memory_space<vmem>> -> memref<6x128xi32, #tpu.memory_space<vmem>>
      %dma_wait3A_480 = arith.constant 0 : i32
      %dma_wait3A_481 = tpu.memref_slice %dma_wait3A_479[%dma_wait3A_471, %dma_wait3A_480] : memref<6x128xi32, #tpu.memory_space<vmem>> -> memref<1x128xi32, #tpu.memory_space<vmem>>
      %dma_wait3A_482 = tpu.memref_squeeze %dma_wait3A_481 : memref<1x128xi32, #tpu.memory_space<vmem>> -> memref<128xi32, #tpu.memory_space<vmem>>
      %dma_wait3A_483 = arith.constant 0 : i32
      %dma_wait3A_484 = arith.constant 0 : i32
      %dma_wait3A_485 = tpu.memref_slice %arg10[%dma_wait3A_483, %dma_wait3A_484] : memref<10240x128xf32, #tpu.memory_space<vmem_shared>> -> memref<10240x128xf32, #tpu.memory_space<vmem_shared>>
      tpu.wait_indirect_dma semaphore(%arg16 : memref<!tpu.dma_semaphore, #tpu.memory_space<semaphore_mem>>) src(%dma_wait3A_475 : memref<128x128xf32, #tpu.memory_space<vmem>>) dst(%dma_wait3A_485 : memref<10240x128xf32, #tpu.memory_space<vmem_shared>>)
      %dma_wait3A_486 = arith.constant 1 : i32
      %dma_wait3A_487 = arith.constant 5 : i32
      %dma_wait3A_488 = arith.constant 0 : i32
      %dma_wait3A_489 = arith.constant 0 : i32
      %dma_wait3A_490 = tpu.memref_slice %arg9[%dma_wait3A_486, %dma_wait3A_488, %dma_wait3A_489] : memref<2x128x128xf32, #tpu.memory_space<vmem>> -> memref<1x128x128xf32, #tpu.memory_space<vmem>>
      %dma_wait3A_491 = tpu.memref_squeeze %dma_wait3A_490 : memref<1x128x128xf32, #tpu.memory_space<vmem>> -> memref<128x128xf32, #tpu.memory_space<vmem>>
      %dma_wait3A_492 = arith.constant 0 : i32
      %dma_wait3A_493 = arith.constant 0 : i32
      %dma_wait3A_494 = tpu.memref_slice %arg8[%select_n3A_72, %dma_wait3A_492, %dma_wait3A_493] : memref<2x6x128xi32, #tpu.memory_space<vmem>> -> memref<1x6x128xi32, #tpu.memory_space<vmem>>
      %dma_wait3A_495 = tpu.memref_squeeze %dma_wait3A_494 : memref<1x6x128xi32, #tpu.memory_space<vmem>> -> memref<6x128xi32, #tpu.memory_space<vmem>>
      %dma_wait3A_496 = arith.constant 0 : i32
      %dma_wait3A_497 = tpu.memref_slice %dma_wait3A_495[%dma_wait3A_487, %dma_wait3A_496] : memref<6x128xi32, #tpu.memory_space<vmem>> -> memref<1x128xi32, #tpu.memory_space<vmem>>
      %dma_wait3A_498 = tpu.memref_squeeze %dma_wait3A_497 : memref<1x128xi32, #tpu.memory_space<vmem>> -> memref<128xi32, #tpu.memory_space<vmem>>
      %dma_wait3A_499 = arith.constant 0 : i32
      %dma_wait3A_500 = arith.constant 0 : i32
      %dma_wait3A_501 = tpu.memref_slice %arg10[%dma_wait3A_499, %dma_wait3A_500] : memref<10240x128xf32, #tpu.memory_space<vmem_shared>> -> memref<10240x128xf32, #tpu.memory_space<vmem_shared>>
      tpu.wait_indirect_dma semaphore(%arg17 : memref<!tpu.dma_semaphore, #tpu.memory_space<semaphore_mem>>) src(%dma_wait3A_491 : memref<128x128xf32, #tpu.memory_space<vmem>>) dst(%dma_wait3A_501 : memref<10240x128xf32, #tpu.memory_space<vmem_shared>>)
      %barrier3A_502 = arith.constant 0 : index
      tpu.barrier barrier_id(%barrier3A_502)
      %mul3A_503 = arith.constant 640 : i32
      %mul3A_504 = arith.muli %arg1, %mul3A_503 : i32
      %mul3A_505 = arith.constant 640 : i32
      %mul3A_506 = arith.muli %arg1, %mul3A_505 : i32
      %dma_start3A_507 = arith.constant 0 : i32
      %dma_start3A_508 = tpu.memref_slice %arg6[%add3A_60, %mul3A_506, %dma_start3A_507] : memref<27x10240x128xf32, #tpu.memory_space<hbm>> -> memref<1x640x128xf32, #tpu.memory_space<hbm>>
      %dma_start3A_509 = tpu.memref_squeeze %dma_start3A_508 : memref<1x640x128xf32, #tpu.memory_space<hbm>> -> memref<640x128xf32, #tpu.memory_space<hbm>>
      %dma_start3A_510 = arith.constant 0 : i32
      %dma_start3A_511 = tpu.memref_slice %arg10[%mul3A_504, %dma_start3A_510] : memref<10240x128xf32, #tpu.memory_space<vmem_shared>> -> memref<640x128xf32, #tpu.memory_space<vmem_shared>>
      tpu.enqueue_dma source(%dma_start3A_511 : memref<640x128xf32, #tpu.memory_space<vmem_shared>>) target(%dma_start3A_509 : memref<640x128xf32, #tpu.memory_space<hbm>>) target_semaphore(%arg20 : memref<!tpu.dma_semaphore, #tpu.memory_space<semaphore_mem>>)
    }
    %while3A_49 = arith.constant 1 : i32
    scf.for %while3A_58 = %while3A_47 to %while3A_43 step %while3A_49  : i32 {
      %add3A_59 = arith.addi %add3A_2, %while3A_58 : i32
      %add3A_60 = arith.addi %select_n3A, %while3A_58 : i32
      %jit3A_61 = arith.constant 2 : i32
      %eq3A_62 = arith.constant 0 : i32
      %eq3A_63 = arith.cmpi eq, %jit3A_61, %eq3A_62 : i32
      %jit3A_64 = arith.constant 1 : i32
      %select_n3A_65 = arith.select %eq3A_63, %jit3A_64, %jit3A_61 : i32
      %rem3A = arith.remsi %while3A_58, %select_n3A_65 : i32
      %ne3A = arith.constant 0 : i32
      %ne3A_66 = arith.cmpi ne, %rem3A, %ne3A : i32
      %lt3A = arith.constant 0 : i32
      %lt3A_67 = arith.cmpi slt, %rem3A, %lt3A : i32
      %lt3A_68 = arith.constant 0 : i32
      %lt3A_69 = arith.cmpi slt, %select_n3A_65, %lt3A_68 : i32
      %ne3A_70 = arith.xori %lt3A_67, %lt3A_69 : i1
      %and3A = arith.andi %ne3A_70, %ne3A_66 : i1
      %add3A_71 = arith.addi %rem3A, %select_n3A_65 : i32
      %select_n3A_72 = arith.select %and3A, %add3A_71, %rem3A : i32
      %dma_wait3A_73 = arith.constant 0 : i32
      %dma_wait3A_74 = arith.constant 0 : i32
      %dma_wait3A_75 = tpu.memref_slice %arg7[%select_n3A_72, %dma_wait3A_73, %dma_wait3A_74] : memref<2x6x128xi32, #tpu.memory_space<vmem>> -> memref<1x6x128xi32, #tpu.memory_space<vmem>>
      %dma_wait3A_76 = tpu.memref_squeeze %dma_wait3A_75 : memref<1x6x128xi32, #tpu.memory_space<vmem>> -> memref<6x128xi32, #tpu.memory_space<vmem>>
      %dma_wait3A_77 = arith.constant 0 : i32
      %dma_wait3A_78 = arith.constant 0 : i32
      %dma_wait3A_79 = tpu.memref_slice %arg3[%add3A_59, %arg1, %dma_wait3A_77, %dma_wait3A_78] : memref<27x16x6x128xi32, #tpu.memory_space<hbm>> -> memref<1x1x6x128xi32, #tpu.memory_space<hbm>>
      %dma_wait3A_80 = tpu.memref_squeeze %dma_wait3A_79 : memref<1x1x6x128xi32, #tpu.memory_space<hbm>> -> memref<6x128xi32, #tpu.memory_space<hbm>>
      %dma_wait3A_81 = arith.constant 0 : i32
      %dma_wait3A_82 = arith.constant 0 : i32
      %dma_wait3A_83 = tpu.memref_slice %arg7[%select_n3A_72, %dma_wait3A_81, %dma_wait3A_82] : memref<2x6x128xi32, #tpu.memory_space<vmem>> -> memref<1x6x128xi32, #tpu.memory_space<vmem>>
      %dma_wait3A_84 = tpu.memref_squeeze %dma_wait3A_83 : memref<1x6x128xi32, #tpu.memory_space<vmem>> -> memref<6x128xi32, #tpu.memory_space<vmem>>
      %dma_wait3A_85 = arith.constant 0 : i32
      %dma_wait3A_86 = arith.constant 0 : i32
      %dma_wait3A_87 = tpu.memref_slice %arg3[%add3A_59, %arg1, %dma_wait3A_85, %dma_wait3A_86] : memref<27x16x6x128xi32, #tpu.memory_space<hbm>> -> memref<1x1x6x128xi32, #tpu.memory_space<hbm>>
      %dma_wait3A_88 = tpu.memref_squeeze %dma_wait3A_87 : memref<1x1x6x128xi32, #tpu.memory_space<hbm>> -> memref<6x128xi32, #tpu.memory_space<hbm>>
      tpu.wait_dma2 semaphore(%arg11 : memref<!tpu.dma_semaphore, #tpu.memory_space<semaphore_mem>>) src(%dma_wait3A_88 : memref<6x128xi32, #tpu.memory_space<hbm>>) dst(%dma_wait3A_84 : memref<6x128xi32, #tpu.memory_space<vmem>>)
      %dma_wait3A_89 = arith.constant 0 : i32
      %dma_wait3A_90 = arith.constant 0 : i32
      %dma_wait3A_91 = tpu.memref_slice %arg8[%select_n3A_72, %dma_wait3A_89, %dma_wait3A_90] : memref<2x6x128xi32, #tpu.memory_space<vmem>> -> memref<1x6x128xi32, #tpu.memory_space<vmem>>
      %dma_wait3A_92 = tpu.memref_squeeze %dma_wait3A_91 : memref<1x6x128xi32, #tpu.memory_space<vmem>> -> memref<6x128xi32, #tpu.memory_space<vmem>>
      %dma_wait3A_93 = arith.constant 0 : i32
      %dma_wait3A_94 = arith.constant 0 : i32
      %dma_wait3A_95 = tpu.memref_slice %arg4[%add3A_59, %arg1, %dma_wait3A_93, %dma_wait3A_94] : memref<27x16x6x128xi32, #tpu.memory_space<hbm>> -> memref<1x1x6x128xi32, #tpu.memory_space<hbm>>
      %dma_wait3A_96 = tpu.memref_squeeze %dma_wait3A_95 : memref<1x1x6x128xi32, #tpu.memory_space<hbm>> -> memref<6x128xi32, #tpu.memory_space<hbm>>
      %dma_wait3A_97 = arith.constant 0 : i32
      %dma_wait3A_98 = arith.constant 0 : i32
      %dma_wait3A_99 = tpu.memref_slice %arg8[%select_n3A_72, %dma_wait3A_97, %dma_wait3A_98] : memref<2x6x128xi32, #tpu.memory_space<vmem>> -> memref<1x6x128xi32, #tpu.memory_space<vmem>>
      %dma_wait3A_100 = tpu.memref_squeeze %dma_wait3A_99 : memref<1x6x128xi32, #tpu.memory_space<vmem>> -> memref<6x128xi32, #tpu.memory_space<vmem>>
      %dma_wait3A_101 = arith.constant 0 : i32
      %dma_wait3A_102 = arith.constant 0 : i32
      %dma_wait3A_103 = tpu.memref_slice %arg4[%add3A_59, %arg1, %dma_wait3A_101, %dma_wait3A_102] : memref<27x16x6x128xi32, #tpu.memory_space<hbm>> -> memref<1x1x6x128xi32, #tpu.memory_space<hbm>>
      %dma_wait3A_104 = tpu.memref_squeeze %dma_wait3A_103 : memref<1x1x6x128xi32, #tpu.memory_space<hbm>> -> memref<6x128xi32, #tpu.memory_space<hbm>>
      tpu.wait_dma2 semaphore(%arg11 : memref<!tpu.dma_semaphore, #tpu.memory_space<semaphore_mem>>) src(%dma_wait3A_104 : memref<6x128xi32, #tpu.memory_space<hbm>>) dst(%dma_wait3A_100 : memref<6x128xi32, #tpu.memory_space<vmem>>)
      %add3A_105 = arith.constant 1 : i32
      %add3A_106 = arith.addi %while3A_58, %add3A_105 : i32
      %lt3A_107 = arith.cmpi slt, %add3A_106, %select_n3A_7 : i32
      %convert_element_type3A = arith.extui %lt3A_107 : i1 to i32
      %cond3A = arith.constant 0 : i32
      %cond3A_108 = arith.cmpi ne, %convert_element_type3A, %cond3A : i32
      scf.if %cond3A_108 {
        %add3A_512 = arith.constant 1 : i32
        %add3A_513 = arith.addi %add3A_59, %add3A_512 : i32
        %sub3A = arith.constant 1 : i32
        %sub3A_514 = arith.subi %sub3A, %select_n3A_72 : i32
        %dma_start3A_515 = arith.constant 0 : i32
        %dma_start3A_516 = arith.constant 0 : i32
        %dma_start3A_517 = tpu.memref_slice %arg7[%sub3A_514, %dma_start3A_515, %dma_start3A_516] : memref<2x6x128xi32, #tpu.memory_space<vmem>> -> memref<1x6x128xi32, #tpu.memory_space<vmem>>
        %dma_start3A_518 = tpu.memref_squeeze %dma_start3A_517 : memref<1x6x128xi32, #tpu.memory_space<vmem>> -> memref<6x128xi32, #tpu.memory_space<vmem>>
        %dma_start3A_519 = arith.constant 0 : i32
        %dma_start3A_520 = arith.constant 0 : i32
        %dma_start3A_521 = tpu.memref_slice %arg3[%add3A_513, %arg1, %dma_start3A_519, %dma_start3A_520] : memref<27x16x6x128xi32, #tpu.memory_space<hbm>> -> memref<1x1x6x128xi32, #tpu.memory_space<hbm>>
        %dma_start3A_522 = tpu.memref_squeeze %dma_start3A_521 : memref<1x1x6x128xi32, #tpu.memory_space<hbm>> -> memref<6x128xi32, #tpu.memory_space<hbm>>
        %dma_start3A_523 = arith.constant 0 : i32
        %dma_start3A_524 = arith.constant 0 : i32
        %dma_start3A_525 = tpu.memref_slice %arg7[%sub3A_514, %dma_start3A_523, %dma_start3A_524] : memref<2x6x128xi32, #tpu.memory_space<vmem>> -> memref<1x6x128xi32, #tpu.memory_space<vmem>>
        %dma_start3A_526 = tpu.memref_squeeze %dma_start3A_525 : memref<1x6x128xi32, #tpu.memory_space<vmem>> -> memref<6x128xi32, #tpu.memory_space<vmem>>
        %dma_start3A_527 = arith.constant 0 : i32
        %dma_start3A_528 = arith.constant 0 : i32
        %dma_start3A_529 = tpu.memref_slice %arg3[%add3A_513, %arg1, %dma_start3A_527, %dma_start3A_528] : memref<27x16x6x128xi32, #tpu.memory_space<hbm>> -> memref<1x1x6x128xi32, #tpu.memory_space<hbm>>
        %dma_start3A_530 = tpu.memref_squeeze %dma_start3A_529 : memref<1x1x6x128xi32, #tpu.memory_space<hbm>> -> memref<6x128xi32, #tpu.memory_space<hbm>>
        tpu.enqueue_dma source(%dma_start3A_530 : memref<6x128xi32, #tpu.memory_space<hbm>>) target(%dma_start3A_526 : memref<6x128xi32, #tpu.memory_space<vmem>>) target_semaphore(%arg11 : memref<!tpu.dma_semaphore, #tpu.memory_space<semaphore_mem>>)
        %dma_start3A_531 = arith.constant 0 : i32
        %dma_start3A_532 = arith.constant 0 : i32
        %dma_start3A_533 = tpu.memref_slice %arg8[%sub3A_514, %dma_start3A_531, %dma_start3A_532] : memref<2x6x128xi32, #tpu.memory_space<vmem>> -> memref<1x6x128xi32, #tpu.memory_space<vmem>>
        %dma_start3A_534 = tpu.memref_squeeze %dma_start3A_533 : memref<1x6x128xi32, #tpu.memory_space<vmem>> -> memref<6x128xi32, #tpu.memory_space<vmem>>
        %dma_start3A_535 = arith.constant 0 : i32
        %dma_start3A_536 = arith.constant 0 : i32
        %dma_start3A_537 = tpu.memref_slice %arg4[%add3A_513, %arg1, %dma_start3A_535, %dma_start3A_536] : memref<27x16x6x128xi32, #tpu.memory_space<hbm>> -> memref<1x1x6x128xi32, #tpu.memory_space<hbm>>
        %dma_start3A_538 = tpu.memref_squeeze %dma_start3A_537 : memref<1x1x6x128xi32, #tpu.memory_space<hbm>> -> memref<6x128xi32, #tpu.memory_space<hbm>>
        %dma_start3A_539 = arith.constant 0 : i32
        %dma_start3A_540 = arith.constant 0 : i32
        %dma_start3A_541 = tpu.memref_slice %arg8[%sub3A_514, %dma_start3A_539, %dma_start3A_540] : memref<2x6x128xi32, #tpu.memory_space<vmem>> -> memref<1x6x128xi32, #tpu.memory_space<vmem>>
        %dma_start3A_542 = tpu.memref_squeeze %dma_start3A_541 : memref<1x6x128xi32, #tpu.memory_space<vmem>> -> memref<6x128xi32, #tpu.memory_space<vmem>>
        %dma_start3A_543 = arith.constant 0 : i32
        %dma_start3A_544 = arith.constant 0 : i32
        %dma_start3A_545 = tpu.memref_slice %arg4[%add3A_513, %arg1, %dma_start3A_543, %dma_start3A_544] : memref<27x16x6x128xi32, #tpu.memory_space<hbm>> -> memref<1x1x6x128xi32, #tpu.memory_space<hbm>>
        %dma_start3A_546 = tpu.memref_squeeze %dma_start3A_545 : memref<1x1x6x128xi32, #tpu.memory_space<hbm>> -> memref<6x128xi32, #tpu.memory_space<hbm>>
        tpu.enqueue_dma source(%dma_start3A_546 : memref<6x128xi32, #tpu.memory_space<hbm>>) target(%dma_start3A_542 : memref<6x128xi32, #tpu.memory_space<vmem>>) target_semaphore(%arg11 : memref<!tpu.dma_semaphore, #tpu.memory_space<semaphore_mem>>)
      } else {
      }
      %dma_start3A_109 = arith.constant 0 : i32
      %dma_start3A_110 = arith.constant 0 : i32
      %dma_start3A_111 = arith.constant 0 : i32
      %dma_start3A_112 = arith.constant 0 : i32
      %dma_start3A_113 = tpu.memref_slice %arg9[%dma_start3A_110, %dma_start3A_111, %dma_start3A_112] : memref<2x128x128xf32, #tpu.memory_space<vmem>> -> memref<1x128x128xf32, #tpu.memory_space<vmem>>
      %dma_start3A_114 = tpu.memref_squeeze %dma_start3A_113 : memref<1x128x128xf32, #tpu.memory_space<vmem>> -> memref<128x128xf32, #tpu.memory_space<vmem>>
      %dma_start3A_115 = arith.constant 0 : i32
      %dma_start3A_116 = arith.constant 0 : i32
      %dma_start3A_117 = tpu.memref_slice %arg7[%select_n3A_72, %dma_start3A_115, %dma_start3A_116] : memref<2x6x128xi32, #tpu.memory_space<vmem>> -> memref<1x6x128xi32, #tpu.memory_space<vmem>>
      %dma_start3A_118 = tpu.memref_squeeze %dma_start3A_117 : memref<1x6x128xi32, #tpu.memory_space<vmem>> -> memref<6x128xi32, #tpu.memory_space<vmem>>
      %dma_start3A_119 = arith.constant 0 : i32
      %dma_start3A_120 = tpu.memref_slice %dma_start3A_118[%dma_start3A_109, %dma_start3A_119] : memref<6x128xi32, #tpu.memory_space<vmem>> -> memref<1x128xi32, #tpu.memory_space<vmem>>
      %dma_start3A_121 = tpu.memref_squeeze %dma_start3A_120 : memref<1x128xi32, #tpu.memory_space<vmem>> -> memref<128xi32, #tpu.memory_space<vmem>>
      %dma_start3A_122 = arith.constant 0 : i32
      %dma_start3A_123 = arith.constant 0 : i32
      %dma_start3A_124 = tpu.memref_slice %arg2[%dma_start3A_122, %dma_start3A_123] : memref<10000x128xf32, #tpu.memory_space<hbm>> -> memref<10000x128xf32, #tpu.memory_space<hbm>>
      tpu.enqueue_indirect_dma source(%dma_start3A_124 : memref<10000x128xf32, #tpu.memory_space<hbm>>) target(%dma_start3A_114 : memref<128x128xf32, #tpu.memory_space<vmem>>) offsets(%dma_start3A_121 : memref<128xi32, #tpu.memory_space<vmem>>) semaphore(%arg12 : memref<!tpu.dma_semaphore, #tpu.memory_space<semaphore_mem>>)
      %dma_start3A_125 = arith.constant 1 : i32
      %dma_start3A_126 = arith.constant 1 : i32
      %dma_start3A_127 = arith.constant 0 : i32
      %dma_start3A_128 = arith.constant 0 : i32
      %dma_start3A_129 = tpu.memref_slice %arg9[%dma_start3A_126, %dma_start3A_127, %dma_start3A_128] : memref<2x128x128xf32, #tpu.memory_space<vmem>> -> memref<1x128x128xf32, #tpu.memory_space<vmem>>
      %dma_start3A_130 = tpu.memref_squeeze %dma_start3A_129 : memref<1x128x128xf32, #tpu.memory_space<vmem>> -> memref<128x128xf32, #tpu.memory_space<vmem>>
      %dma_start3A_131 = arith.constant 0 : i32
      %dma_start3A_132 = arith.constant 0 : i32
      %dma_start3A_133 = tpu.memref_slice %arg7[%select_n3A_72, %dma_start3A_131, %dma_start3A_132] : memref<2x6x128xi32, #tpu.memory_space<vmem>> -> memref<1x6x128xi32, #tpu.memory_space<vmem>>
      %dma_start3A_134 = tpu.memref_squeeze %dma_start3A_133 : memref<1x6x128xi32, #tpu.memory_space<vmem>> -> memref<6x128xi32, #tpu.memory_space<vmem>>
      %dma_start3A_135 = arith.constant 0 : i32
      %dma_start3A_136 = tpu.memref_slice %dma_start3A_134[%dma_start3A_125, %dma_start3A_135] : memref<6x128xi32, #tpu.memory_space<vmem>> -> memref<1x128xi32, #tpu.memory_space<vmem>>
      %dma_start3A_137 = tpu.memref_squeeze %dma_start3A_136 : memref<1x128xi32, #tpu.memory_space<vmem>> -> memref<128xi32, #tpu.memory_space<vmem>>
      %dma_start3A_138 = arith.constant 0 : i32
      %dma_start3A_139 = arith.constant 0 : i32
      %dma_start3A_140 = tpu.memref_slice %arg2[%dma_start3A_138, %dma_start3A_139] : memref<10000x128xf32, #tpu.memory_space<hbm>> -> memref<10000x128xf32, #tpu.memory_space<hbm>>
      tpu.enqueue_indirect_dma source(%dma_start3A_140 : memref<10000x128xf32, #tpu.memory_space<hbm>>) target(%dma_start3A_130 : memref<128x128xf32, #tpu.memory_space<vmem>>) offsets(%dma_start3A_137 : memref<128xi32, #tpu.memory_space<vmem>>) semaphore(%arg13 : memref<!tpu.dma_semaphore, #tpu.memory_space<semaphore_mem>>)
      %eq3A_141 = arith.constant 0 : i32
      %eq3A_142 = arith.cmpi eq, %while3A_58, %eq3A_141 : i32
      %convert_element_type3A_143 = arith.extui %eq3A_142 : i1 to i32
      %cond3A_144 = arith.constant 0 : i32
      %cond3A_145 = arith.cmpi ne, %convert_element_type3A_143, %cond3A_144 : i32
      scf.if %cond3A_145 {
        %mul3A_512 = arith.constant 640 : i32
        %mul3A_513 = arith.muli %arg1, %mul3A_512 : i32
        %mul3A_514 = arith.constant 640 : i32
        %mul3A_515 = arith.muli %arg1, %mul3A_514 : i32
        "tpu.region"() ({
          %run_scoped3A = tpu.sem_alloc : memref<!tpu.dma_semaphore, #tpu.memory_space<semaphore_mem>>
          %dma_start3A_516 = arith.constant 0 : i32
          %dma_start3A_517 = tpu.memref_slice %arg10[%mul3A_515, %dma_start3A_516] : memref<10240x128xf32, #tpu.memory_space<vmem_shared>> -> memref<640x128xf32, #tpu.memory_space<vmem_shared>>
          %dma_start3A_518 = arith.constant 0 : i32
          %dma_start3A_519 = tpu.memref_slice %arg5[%mul3A_513, %dma_start3A_518] : memref<10240x128xf32, #tpu.memory_space<hbm>> -> memref<640x128xf32, #tpu.memory_space<hbm>>
          tpu.enqueue_dma source(%dma_start3A_519 : memref<640x128xf32, #tpu.memory_space<hbm>>) target(%dma_start3A_517 : memref<640x128xf32, #tpu.memory_space<vmem_shared>>) target_semaphore(%run_scoped3A : memref<!tpu.dma_semaphore, #tpu.memory_space<semaphore_mem>>)
          %dma_wait3A_520 = arith.constant 0 : i32
          %dma_wait3A_521 = tpu.memref_slice %arg10[%mul3A_515, %dma_wait3A_520] : memref<10240x128xf32, #tpu.memory_space<vmem_shared>> -> memref<640x128xf32, #tpu.memory_space<vmem_shared>>
          %dma_wait3A_522 = arith.constant 0 : i32
          %dma_wait3A_523 = tpu.memref_slice %arg5[%mul3A_513, %dma_wait3A_522] : memref<10240x128xf32, #tpu.memory_space<hbm>> -> memref<640x128xf32, #tpu.memory_space<hbm>>
          tpu.wait_dma2 semaphore(%run_scoped3A : memref<!tpu.dma_semaphore, #tpu.memory_space<semaphore_mem>>) src(%dma_wait3A_523 : memref<640x128xf32, #tpu.memory_space<hbm>>) dst(%dma_wait3A_521 : memref<640x128xf32, #tpu.memory_space<vmem_shared>>)
          tpu.yield
        }) : () -> ()
      } else {
      }
      %gt3A = arith.constant 0 : i32
      %gt3A_146 = arith.cmpi sgt, %while3A_58, %gt3A : i32
      %convert_element_type3A_147 = arith.extui %gt3A_146 : i1 to i32
      %cond3A_148 = arith.constant 0 : i32
      %cond3A_149 = arith.cmpi ne, %convert_element_type3A_147, %cond3A_148 : i32
      scf.if %cond3A_149 {
        %mul3A_512 = arith.constant 640 : i32
        %mul3A_513 = arith.muli %arg1, %mul3A_512 : i32
        %mul3A_514 = arith.constant 640 : i32
        %mul3A_515 = arith.muli %arg1, %mul3A_514 : i32
        %dma_wait3A_516 = arith.constant 0 : i32
        %dma_wait3A_517 = tpu.memref_slice %arg6[%add3A_60, %mul3A_515, %dma_wait3A_516] : memref<27x10240x128xf32, #tpu.memory_space<hbm>> -> memref<1x640x128xf32, #tpu.memory_space<hbm>>
        %dma_wait3A_518 = tpu.memref_squeeze %dma_wait3A_517 : memref<1x640x128xf32, #tpu.memory_space<hbm>> -> memref<640x128xf32, #tpu.memory_space<hbm>>
        %dma_wait3A_519 = arith.constant 0 : i32
        %dma_wait3A_520 = tpu.memref_slice %arg10[%mul3A_513, %dma_wait3A_519] : memref<10240x128xf32, #tpu.memory_space<vmem_shared>> -> memref<640x128xf32, #tpu.memory_space<vmem_shared>>
        tpu.wait_dma2 semaphore(%arg20 : memref<!tpu.dma_semaphore, #tpu.memory_space<semaphore_mem>>) src(%dma_wait3A_520 : memref<640x128xf32, #tpu.memory_space<vmem_shared>>) dst(%dma_wait3A_518 : memref<640x128xf32, #tpu.memory_space<hbm>>)
      } else {
      }
      %barrier3A = arith.constant 0 : index
      tpu.barrier barrier_id(%barrier3A)
      %dma_wait3A_150 = arith.constant 0 : i32
      %dma_wait3A_151 = arith.constant 0 : i32
      %dma_wait3A_152 = arith.constant 0 : i32
      %dma_wait3A_153 = arith.constant 0 : i32
      %dma_wait3A_154 = tpu.memref_slice %arg9[%dma_wait3A_151, %dma_wait3A_152, %dma_wait3A_153] : memref<2x128x128xf32, #tpu.memory_space<vmem>> -> memref<1x128x128xf32, #tpu.memory_space<vmem>>
      %dma_wait3A_155 = tpu.memref_squeeze %dma_wait3A_154 : memref<1x128x128xf32, #tpu.memory_space<vmem>> -> memref<128x128xf32, #tpu.memory_space<vmem>>
      %dma_wait3A_156 = arith.constant 0 : i32
      %dma_wait3A_157 = arith.constant 0 : i32
      %dma_wait3A_158 = tpu.memref_slice %arg7[%select_n3A_72, %dma_wait3A_156, %dma_wait3A_157] : memref<2x6x128xi32, #tpu.memory_space<vmem>> -> memref<1x6x128xi32, #tpu.memory_space<vmem>>
      %dma_wait3A_159 = tpu.memref_squeeze %dma_wait3A_158 : memref<1x6x128xi32, #tpu.memory_space<vmem>> -> memref<6x128xi32, #tpu.memory_space<vmem>>
      %dma_wait3A_160 = arith.constant 0 : i32
      %dma_wait3A_161 = tpu.memref_slice %dma_wait3A_159[%dma_wait3A_150, %dma_wait3A_160] : memref<6x128xi32, #tpu.memory_space<vmem>> -> memref<1x128xi32, #tpu.memory_space<vmem>>
      %dma_wait3A_162 = tpu.memref_squeeze %dma_wait3A_161 : memref<1x128xi32, #tpu.memory_space<vmem>> -> memref<128xi32, #tpu.memory_space<vmem>>
      %dma_wait3A_163 = arith.constant 0 : i32
      %dma_wait3A_164 = arith.constant 0 : i32
      %dma_wait3A_165 = tpu.memref_slice %arg2[%dma_wait3A_163, %dma_wait3A_164] : memref<10000x128xf32, #tpu.memory_space<hbm>> -> memref<10000x128xf32, #tpu.memory_space<hbm>>
      tpu.wait_indirect_dma semaphore(%arg12 : memref<!tpu.dma_semaphore, #tpu.memory_space<semaphore_mem>>) src(%dma_wait3A_165 : memref<10000x128xf32, #tpu.memory_space<hbm>>) dst(%dma_wait3A_155 : memref<128x128xf32, #tpu.memory_space<vmem>>)
      %dma_start3A_166 = arith.constant 0 : i32
      %dma_start3A_167 = arith.constant 0 : i32
      %dma_start3A_168 = arith.constant 0 : i32
      %dma_start3A_169 = arith.constant 0 : i32
      %dma_start3A_170 = tpu.memref_slice %arg9[%dma_start3A_166, %dma_start3A_168, %dma_start3A_169] : memref<2x128x128xf32, #tpu.memory_space<vmem>> -> memref<1x128x128xf32, #tpu.memory_space<vmem>>
      %dma_start3A_171 = tpu.memref_squeeze %dma_start3A_170 : memref<1x128x128xf32, #tpu.memory_space<vmem>> -> memref<128x128xf32, #tpu.memory_space<vmem>>
      %dma_start3A_172 = arith.constant 0 : i32
      %dma_start3A_173 = arith.constant 0 : i32
      %dma_start3A_174 = tpu.memref_slice %arg8[%select_n3A_72, %dma_start3A_172, %dma_start3A_173] : memref<2x6x128xi32, #tpu.memory_space<vmem>> -> memref<1x6x128xi32, #tpu.memory_space<vmem>>
      %dma_start3A_175 = tpu.memref_squeeze %dma_start3A_174 : memref<1x6x128xi32, #tpu.memory_space<vmem>> -> memref<6x128xi32, #tpu.memory_space<vmem>>
      %dma_start3A_176 = arith.constant 0 : i32
      %dma_start3A_177 = tpu.memref_slice %dma_start3A_175[%dma_start3A_167, %dma_start3A_176] : memref<6x128xi32, #tpu.memory_space<vmem>> -> memref<1x128xi32, #tpu.memory_space<vmem>>
      %dma_start3A_178 = tpu.memref_squeeze %dma_start3A_177 : memref<1x128xi32, #tpu.memory_space<vmem>> -> memref<128xi32, #tpu.memory_space<vmem>>
      %dma_start3A_179 = arith.constant 0 : i32
      %dma_start3A_180 = arith.constant 0 : i32
      %dma_start3A_181 = tpu.memref_slice %arg10[%dma_start3A_179, %dma_start3A_180] : memref<10240x128xf32, #tpu.memory_space<vmem_shared>> -> memref<10240x128xf32, #tpu.memory_space<vmem_shared>>
      tpu.enqueue_indirect_dma source(%dma_start3A_171 : memref<128x128xf32, #tpu.memory_space<vmem>>) target(%dma_start3A_181 : memref<10240x128xf32, #tpu.memory_space<vmem_shared>>) offsets(%dma_start3A_178 : memref<128xi32, #tpu.memory_space<vmem>>) semaphore(%arg16 : memref<!tpu.dma_semaphore, #tpu.memory_space<semaphore_mem>>) {add = true}
      %dma_wait3A_182 = arith.constant 0 : i32
      %dma_wait3A_183 = arith.constant 0 : i32
      %dma_wait3A_184 = arith.constant 0 : i32
      %dma_wait3A_185 = arith.constant 0 : i32
      %dma_wait3A_186 = tpu.memref_slice %arg9[%dma_wait3A_182, %dma_wait3A_184, %dma_wait3A_185] : memref<2x128x128xf32, #tpu.memory_space<vmem>> -> memref<1x128x128xf32, #tpu.memory_space<vmem>>
      %dma_wait3A_187 = tpu.memref_squeeze %dma_wait3A_186 : memref<1x128x128xf32, #tpu.memory_space<vmem>> -> memref<128x128xf32, #tpu.memory_space<vmem>>
      %dma_wait3A_188 = arith.constant 0 : i32
      %dma_wait3A_189 = arith.constant 0 : i32
      %dma_wait3A_190 = tpu.memref_slice %arg8[%select_n3A_72, %dma_wait3A_188, %dma_wait3A_189] : memref<2x6x128xi32, #tpu.memory_space<vmem>> -> memref<1x6x128xi32, #tpu.memory_space<vmem>>
      %dma_wait3A_191 = tpu.memref_squeeze %dma_wait3A_190 : memref<1x6x128xi32, #tpu.memory_space<vmem>> -> memref<6x128xi32, #tpu.memory_space<vmem>>
      %dma_wait3A_192 = arith.constant 0 : i32
      %dma_wait3A_193 = tpu.memref_slice %dma_wait3A_191[%dma_wait3A_183, %dma_wait3A_192] : memref<6x128xi32, #tpu.memory_space<vmem>> -> memref<1x128xi32, #tpu.memory_space<vmem>>
      %dma_wait3A_194 = tpu.memref_squeeze %dma_wait3A_193 : memref<1x128xi32, #tpu.memory_space<vmem>> -> memref<128xi32, #tpu.memory_space<vmem>>
      %dma_wait3A_195 = arith.constant 0 : i32
      %dma_wait3A_196 = arith.constant 0 : i32
      %dma_wait3A_197 = tpu.memref_slice %arg10[%dma_wait3A_195, %dma_wait3A_196] : memref<10240x128xf32, #tpu.memory_space<vmem_shared>> -> memref<10240x128xf32, #tpu.memory_space<vmem_shared>>
      tpu.wait_indirect_dma semaphore(%arg16 : memref<!tpu.dma_semaphore, #tpu.memory_space<semaphore_mem>>) src(%dma_wait3A_187 : memref<128x128xf32, #tpu.memory_space<vmem>>) dst(%dma_wait3A_197 : memref<10240x128xf32, #tpu.memory_space<vmem_shared>>)
      %dma_start3A_198 = arith.constant 2 : i32
      %dma_start3A_199 = arith.constant 0 : i32
      %dma_start3A_200 = arith.constant 0 : i32
      %dma_start3A_201 = arith.constant 0 : i32
      %dma_start3A_202 = tpu.memref_slice %arg9[%dma_start3A_199, %dma_start3A_200, %dma_start3A_201] : memref<2x128x128xf32, #tpu.memory_space<vmem>> -> memref<1x128x128xf32, #tpu.memory_space<vmem>>
      %dma_start3A_203 = tpu.memref_squeeze %dma_start3A_202 : memref<1x128x128xf32, #tpu.memory_space<vmem>> -> memref<128x128xf32, #tpu.memory_space<vmem>>
      %dma_start3A_204 = arith.constant 0 : i32
      %dma_start3A_205 = arith.constant 0 : i32
      %dma_start3A_206 = tpu.memref_slice %arg7[%select_n3A_72, %dma_start3A_204, %dma_start3A_205] : memref<2x6x128xi32, #tpu.memory_space<vmem>> -> memref<1x6x128xi32, #tpu.memory_space<vmem>>
      %dma_start3A_207 = tpu.memref_squeeze %dma_start3A_206 : memref<1x6x128xi32, #tpu.memory_space<vmem>> -> memref<6x128xi32, #tpu.memory_space<vmem>>
      %dma_start3A_208 = arith.constant 0 : i32
      %dma_start3A_209 = tpu.memref_slice %dma_start3A_207[%dma_start3A_198, %dma_start3A_208] : memref<6x128xi32, #tpu.memory_space<vmem>> -> memref<1x128xi32, #tpu.memory_space<vmem>>
      %dma_start3A_210 = tpu.memref_squeeze %dma_start3A_209 : memref<1x128xi32, #tpu.memory_space<vmem>> -> memref<128xi32, #tpu.memory_space<vmem>>
      %dma_start3A_211 = arith.constant 0 : i32
      %dma_start3A_212 = arith.constant 0 : i32
      %dma_start3A_213 = tpu.memref_slice %arg2[%dma_start3A_211, %dma_start3A_212] : memref<10000x128xf32, #tpu.memory_space<hbm>> -> memref<10000x128xf32, #tpu.memory_space<hbm>>
      tpu.enqueue_indirect_dma source(%dma_start3A_213 : memref<10000x128xf32, #tpu.memory_space<hbm>>) target(%dma_start3A_203 : memref<128x128xf32, #tpu.memory_space<vmem>>) offsets(%dma_start3A_210 : memref<128xi32, #tpu.memory_space<vmem>>) semaphore(%arg12 : memref<!tpu.dma_semaphore, #tpu.memory_space<semaphore_mem>>)
      %dma_wait3A_214 = arith.constant 1 : i32
      %dma_wait3A_215 = arith.constant 1 : i32
      %dma_wait3A_216 = arith.constant 0 : i32
      %dma_wait3A_217 = arith.constant 0 : i32
      %dma_wait3A_218 = tpu.memref_slice %arg9[%dma_wait3A_215, %dma_wait3A_216, %dma_wait3A_217] : memref<2x128x128xf32, #tpu.memory_space<vmem>> -> memref<1x128x128xf32, #tpu.memory_space<vmem>>
      %dma_wait3A_219 = tpu.memref_squeeze %dma_wait3A_218 : memref<1x128x128xf32, #tpu.memory_space<vmem>> -> memref<128x128xf32, #tpu.memory_space<vmem>>
      %dma_wait3A_220 = arith.constant 0 : i32
      %dma_wait3A_221 = arith.constant 0 : i32
      %dma_wait3A_222 = tpu.memref_slice %arg7[%select_n3A_72, %dma_wait3A_220, %dma_wait3A_221] : memref<2x6x128xi32, #tpu.memory_space<vmem>> -> memref<1x6x128xi32, #tpu.memory_space<vmem>>
      %dma_wait3A_223 = tpu.memref_squeeze %dma_wait3A_222 : memref<1x6x128xi32, #tpu.memory_space<vmem>> -> memref<6x128xi32, #tpu.memory_space<vmem>>
      %dma_wait3A_224 = arith.constant 0 : i32
      %dma_wait3A_225 = tpu.memref_slice %dma_wait3A_223[%dma_wait3A_214, %dma_wait3A_224] : memref<6x128xi32, #tpu.memory_space<vmem>> -> memref<1x128xi32, #tpu.memory_space<vmem>>
      %dma_wait3A_226 = tpu.memref_squeeze %dma_wait3A_225 : memref<1x128xi32, #tpu.memory_space<vmem>> -> memref<128xi32, #tpu.memory_space<vmem>>
      %dma_wait3A_227 = arith.constant 0 : i32
      %dma_wait3A_228 = arith.constant 0 : i32
      %dma_wait3A_229 = tpu.memref_slice %arg2[%dma_wait3A_227, %dma_wait3A_228] : memref<10000x128xf32, #tpu.memory_space<hbm>> -> memref<10000x128xf32, #tpu.memory_space<hbm>>
      tpu.wait_indirect_dma semaphore(%arg13 : memref<!tpu.dma_semaphore, #tpu.memory_space<semaphore_mem>>) src(%dma_wait3A_229 : memref<10000x128xf32, #tpu.memory_space<hbm>>) dst(%dma_wait3A_219 : memref<128x128xf32, #tpu.memory_space<vmem>>)
      %dma_start3A_230 = arith.constant 1 : i32
      %dma_start3A_231 = arith.constant 1 : i32
      %dma_start3A_232 = arith.constant 0 : i32
      %dma_start3A_233 = arith.constant 0 : i32
      %dma_start3A_234 = tpu.memref_slice %arg9[%dma_start3A_230, %dma_start3A_232, %dma_start3A_233] : memref<2x128x128xf32, #tpu.memory_space<vmem>> -> memref<1x128x128xf32, #tpu.memory_space<vmem>>
      %dma_start3A_235 = tpu.memref_squeeze %dma_start3A_234 : memref<1x128x128xf32, #tpu.memory_space<vmem>> -> memref<128x128xf32, #tpu.memory_space<vmem>>
      %dma_start3A_236 = arith.constant 0 : i32
      %dma_start3A_237 = arith.constant 0 : i32
      %dma_start3A_238 = tpu.memref_slice %arg8[%select_n3A_72, %dma_start3A_236, %dma_start3A_237] : memref<2x6x128xi32, #tpu.memory_space<vmem>> -> memref<1x6x128xi32, #tpu.memory_space<vmem>>
      %dma_start3A_239 = tpu.memref_squeeze %dma_start3A_238 : memref<1x6x128xi32, #tpu.memory_space<vmem>> -> memref<6x128xi32, #tpu.memory_space<vmem>>
      %dma_start3A_240 = arith.constant 0 : i32
      %dma_start3A_241 = tpu.memref_slice %dma_start3A_239[%dma_start3A_231, %dma_start3A_240] : memref<6x128xi32, #tpu.memory_space<vmem>> -> memref<1x128xi32, #tpu.memory_space<vmem>>
      %dma_start3A_242 = tpu.memref_squeeze %dma_start3A_241 : memref<1x128xi32, #tpu.memory_space<vmem>> -> memref<128xi32, #tpu.memory_space<vmem>>
      %dma_start3A_243 = arith.constant 0 : i32
      %dma_start3A_244 = arith.constant 0 : i32
      %dma_start3A_245 = tpu.memref_slice %arg10[%dma_start3A_243, %dma_start3A_244] : memref<10240x128xf32, #tpu.memory_space<vmem_shared>> -> memref<10240x128xf32, #tpu.memory_space<vmem_shared>>
      tpu.enqueue_indirect_dma source(%dma_start3A_235 : memref<128x128xf32, #tpu.memory_space<vmem>>) target(%dma_start3A_245 : memref<10240x128xf32, #tpu.memory_space<vmem_shared>>) offsets(%dma_start3A_242 : memref<128xi32, #tpu.memory_space<vmem>>) semaphore(%arg17 : memref<!tpu.dma_semaphore, #tpu.memory_space<semaphore_mem>>) {add = true}
      %dma_wait3A_246 = arith.constant 1 : i32
      %dma_wait3A_247 = arith.constant 1 : i32
      %dma_wait3A_248 = arith.constant 0 : i32
      %dma_wait3A_249 = arith.constant 0 : i32
      %dma_wait3A_250 = tpu.memref_slice %arg9[%dma_wait3A_246, %dma_wait3A_248, %dma_wait3A_249] : memref<2x128x128xf32, #tpu.memory_space<vmem>> -> memref<1x128x128xf32, #tpu.memory_space<vmem>>
      %dma_wait3A_251 = tpu.memref_squeeze %dma_wait3A_250 : memref<1x128x128xf32, #tpu.memory_space<vmem>> -> memref<128x128xf32, #tpu.memory_space<vmem>>
      %dma_wait3A_252 = arith.constant 0 : i32
      %dma_wait3A_253 = arith.constant 0 : i32
      %dma_wait3A_254 = tpu.memref_slice %arg8[%select_n3A_72, %dma_wait3A_252, %dma_wait3A_253] : memref<2x6x128xi32, #tpu.memory_space<vmem>> -> memref<1x6x128xi32, #tpu.memory_space<vmem>>
      %dma_wait3A_255 = tpu.memref_squeeze %dma_wait3A_254 : memref<1x6x128xi32, #tpu.memory_space<vmem>> -> memref<6x128xi32, #tpu.memory_space<vmem>>
      %dma_wait3A_256 = arith.constant 0 : i32
      %dma_wait3A_257 = tpu.memref_slice %dma_wait3A_255[%dma_wait3A_247, %dma_wait3A_256] : memref<6x128xi32, #tpu.memory_space<vmem>> -> memref<1x128xi32, #tpu.memory_space<vmem>>
      %dma_wait3A_258 = tpu.memref_squeeze %dma_wait3A_257 : memref<1x128xi32, #tpu.memory_space<vmem>> -> memref<128xi32, #tpu.memory_space<vmem>>
      %dma_wait3A_259 = arith.constant 0 : i32
      %dma_wait3A_260 = arith.constant 0 : i32
      %dma_wait3A_261 = tpu.memref_slice %arg10[%dma_wait3A_259, %dma_wait3A_260] : memref<10240x128xf32, #tpu.memory_space<vmem_shared>> -> memref<10240x128xf32, #tpu.memory_space<vmem_shared>>
      tpu.wait_indirect_dma semaphore(%arg17 : memref<!tpu.dma_semaphore, #tpu.memory_space<semaphore_mem>>) src(%dma_wait3A_251 : memref<128x128xf32, #tpu.memory_space<vmem>>) dst(%dma_wait3A_261 : memref<10240x128xf32, #tpu.memory_space<vmem_shared>>)
      %dma_start3A_262 = arith.constant 3 : i32
      %dma_start3A_263 = arith.constant 1 : i32
      %dma_start3A_264 = arith.constant 0 : i32
      %dma_start3A_265 = arith.constant 0 : i32
      %dma_start3A_266 = tpu.memref_slice %arg9[%dma_start3A_263, %dma_start3A_264, %dma_start3A_265] : memref<2x128x128xf32, #tpu.memory_space<vmem>> -> memref<1x128x128xf32, #tpu.memory_space<vmem>>
      %dma_start3A_267 = tpu.memref_squeeze %dma_start3A_266 : memref<1x128x128xf32, #tpu.memory_space<vmem>> -> memref<128x128xf32, #tpu.memory_space<vmem>>
      %dma_start3A_268 = arith.constant 0 : i32
      %dma_start3A_269 = arith.constant 0 : i32
      %dma_start3A_270 = tpu.memref_slice %arg7[%select_n3A_72, %dma_start3A_268, %dma_start3A_269] : memref<2x6x128xi32, #tpu.memory_space<vmem>> -> memref<1x6x128xi32, #tpu.memory_space<vmem>>
      %dma_start3A_271 = tpu.memref_squeeze %dma_start3A_270 : memref<1x6x128xi32, #tpu.memory_space<vmem>> -> memref<6x128xi32, #tpu.memory_space<vmem>>
      %dma_start3A_272 = arith.constant 0 : i32
      %dma_start3A_273 = tpu.memref_slice %dma_start3A_271[%dma_start3A_262, %dma_start3A_272] : memref<6x128xi32, #tpu.memory_space<vmem>> -> memref<1x128xi32, #tpu.memory_space<vmem>>
      %dma_start3A_274 = tpu.memref_squeeze %dma_start3A_273 : memref<1x128xi32, #tpu.memory_space<vmem>> -> memref<128xi32, #tpu.memory_space<vmem>>
      %dma_start3A_275 = arith.constant 0 : i32
      %dma_start3A_276 = arith.constant 0 : i32
      %dma_start3A_277 = tpu.memref_slice %arg2[%dma_start3A_275, %dma_start3A_276] : memref<10000x128xf32, #tpu.memory_space<hbm>> -> memref<10000x128xf32, #tpu.memory_space<hbm>>
      tpu.enqueue_indirect_dma source(%dma_start3A_277 : memref<10000x128xf32, #tpu.memory_space<hbm>>) target(%dma_start3A_267 : memref<128x128xf32, #tpu.memory_space<vmem>>) offsets(%dma_start3A_274 : memref<128xi32, #tpu.memory_space<vmem>>) semaphore(%arg13 : memref<!tpu.dma_semaphore, #tpu.memory_space<semaphore_mem>>)
      %dma_wait3A_278 = arith.constant 2 : i32
      %dma_wait3A_279 = arith.constant 0 : i32
      %dma_wait3A_280 = arith.constant 0 : i32
      %dma_wait3A_281 = arith.constant 0 : i32
      %dma_wait3A_282 = tpu.memref_slice %arg9[%dma_wait3A_279, %dma_wait3A_280, %dma_wait3A_281] : memref<2x128x128xf32, #tpu.memory_space<vmem>> -> memref<1x128x128xf32, #tpu.memory_space<vmem>>
      %dma_wait3A_283 = tpu.memref_squeeze %dma_wait3A_282 : memref<1x128x128xf32, #tpu.memory_space<vmem>> -> memref<128x128xf32, #tpu.memory_space<vmem>>
      %dma_wait3A_284 = arith.constant 0 : i32
      %dma_wait3A_285 = arith.constant 0 : i32
      %dma_wait3A_286 = tpu.memref_slice %arg7[%select_n3A_72, %dma_wait3A_284, %dma_wait3A_285] : memref<2x6x128xi32, #tpu.memory_space<vmem>> -> memref<1x6x128xi32, #tpu.memory_space<vmem>>
      %dma_wait3A_287 = tpu.memref_squeeze %dma_wait3A_286 : memref<1x6x128xi32, #tpu.memory_space<vmem>> -> memref<6x128xi32, #tpu.memory_space<vmem>>
      %dma_wait3A_288 = arith.constant 0 : i32
      %dma_wait3A_289 = tpu.memref_slice %dma_wait3A_287[%dma_wait3A_278, %dma_wait3A_288] : memref<6x128xi32, #tpu.memory_space<vmem>> -> memref<1x128xi32, #tpu.memory_space<vmem>>
      %dma_wait3A_290 = tpu.memref_squeeze %dma_wait3A_289 : memref<1x128xi32, #tpu.memory_space<vmem>> -> memref<128xi32, #tpu.memory_space<vmem>>
      %dma_wait3A_291 = arith.constant 0 : i32
      %dma_wait3A_292 = arith.constant 0 : i32
      %dma_wait3A_293 = tpu.memref_slice %arg2[%dma_wait3A_291, %dma_wait3A_292] : memref<10000x128xf32, #tpu.memory_space<hbm>> -> memref<10000x128xf32, #tpu.memory_space<hbm>>
      tpu.wait_indirect_dma semaphore(%arg12 : memref<!tpu.dma_semaphore, #tpu.memory_space<semaphore_mem>>) src(%dma_wait3A_293 : memref<10000x128xf32, #tpu.memory_space<hbm>>) dst(%dma_wait3A_283 : memref<128x128xf32, #tpu.memory_space<vmem>>)
      %dma_start3A_294 = arith.constant 0 : i32
      %dma_start3A_295 = arith.constant 2 : i32
      %dma_start3A_296 = arith.constant 0 : i32
      %dma_start3A_297 = arith.constant 0 : i32
      %dma_start3A_298 = tpu.memref_slice %arg9[%dma_start3A_294, %dma_start3A_296, %dma_start3A_297] : memref<2x128x128xf32, #tpu.memory_space<vmem>> -> memref<1x128x128xf32, #tpu.memory_space<vmem>>
      %dma_start3A_299 = tpu.memref_squeeze %dma_start3A_298 : memref<1x128x128xf32, #tpu.memory_space<vmem>> -> memref<128x128xf32, #tpu.memory_space<vmem>>
      %dma_start3A_300 = arith.constant 0 : i32
      %dma_start3A_301 = arith.constant 0 : i32
      %dma_start3A_302 = tpu.memref_slice %arg8[%select_n3A_72, %dma_start3A_300, %dma_start3A_301] : memref<2x6x128xi32, #tpu.memory_space<vmem>> -> memref<1x6x128xi32, #tpu.memory_space<vmem>>
      %dma_start3A_303 = tpu.memref_squeeze %dma_start3A_302 : memref<1x6x128xi32, #tpu.memory_space<vmem>> -> memref<6x128xi32, #tpu.memory_space<vmem>>
      %dma_start3A_304 = arith.constant 0 : i32
      %dma_start3A_305 = tpu.memref_slice %dma_start3A_303[%dma_start3A_295, %dma_start3A_304] : memref<6x128xi32, #tpu.memory_space<vmem>> -> memref<1x128xi32, #tpu.memory_space<vmem>>
      %dma_start3A_306 = tpu.memref_squeeze %dma_start3A_305 : memref<1x128xi32, #tpu.memory_space<vmem>> -> memref<128xi32, #tpu.memory_space<vmem>>
      %dma_start3A_307 = arith.constant 0 : i32
      %dma_start3A_308 = arith.constant 0 : i32
      %dma_start3A_309 = tpu.memref_slice %arg10[%dma_start3A_307, %dma_start3A_308] : memref<10240x128xf32, #tpu.memory_space<vmem_shared>> -> memref<10240x128xf32, #tpu.memory_space<vmem_shared>>
      tpu.enqueue_indirect_dma source(%dma_start3A_299 : memref<128x128xf32, #tpu.memory_space<vmem>>) target(%dma_start3A_309 : memref<10240x128xf32, #tpu.memory_space<vmem_shared>>) offsets(%dma_start3A_306 : memref<128xi32, #tpu.memory_space<vmem>>) semaphore(%arg16 : memref<!tpu.dma_semaphore, #tpu.memory_space<semaphore_mem>>) {add = true}
      %dma_wait3A_310 = arith.constant 0 : i32
      %dma_wait3A_311 = arith.constant 2 : i32
      %dma_wait3A_312 = arith.constant 0 : i32
      %dma_wait3A_313 = arith.constant 0 : i32
      %dma_wait3A_314 = tpu.memref_slice %arg9[%dma_wait3A_310, %dma_wait3A_312, %dma_wait3A_313] : memref<2x128x128xf32, #tpu.memory_space<vmem>> -> memref<1x128x128xf32, #tpu.memory_space<vmem>>
      %dma_wait3A_315 = tpu.memref_squeeze %dma_wait3A_314 : memref<1x128x128xf32, #tpu.memory_space<vmem>> -> memref<128x128xf32, #tpu.memory_space<vmem>>
      %dma_wait3A_316 = arith.constant 0 : i32
      %dma_wait3A_317 = arith.constant 0 : i32
      %dma_wait3A_318 = tpu.memref_slice %arg8[%select_n3A_72, %dma_wait3A_316, %dma_wait3A_317] : memref<2x6x128xi32, #tpu.memory_space<vmem>> -> memref<1x6x128xi32, #tpu.memory_space<vmem>>
      %dma_wait3A_319 = tpu.memref_squeeze %dma_wait3A_318 : memref<1x6x128xi32, #tpu.memory_space<vmem>> -> memref<6x128xi32, #tpu.memory_space<vmem>>
      %dma_wait3A_320 = arith.constant 0 : i32
      %dma_wait3A_321 = tpu.memref_slice %dma_wait3A_319[%dma_wait3A_311, %dma_wait3A_320] : memref<6x128xi32, #tpu.memory_space<vmem>> -> memref<1x128xi32, #tpu.memory_space<vmem>>
      %dma_wait3A_322 = tpu.memref_squeeze %dma_wait3A_321 : memref<1x128xi32, #tpu.memory_space<vmem>> -> memref<128xi32, #tpu.memory_space<vmem>>
      %dma_wait3A_323 = arith.constant 0 : i32
      %dma_wait3A_324 = arith.constant 0 : i32
      %dma_wait3A_325 = tpu.memref_slice %arg10[%dma_wait3A_323, %dma_wait3A_324] : memref<10240x128xf32, #tpu.memory_space<vmem_shared>> -> memref<10240x128xf32, #tpu.memory_space<vmem_shared>>
      tpu.wait_indirect_dma semaphore(%arg16 : memref<!tpu.dma_semaphore, #tpu.memory_space<semaphore_mem>>) src(%dma_wait3A_315 : memref<128x128xf32, #tpu.memory_space<vmem>>) dst(%dma_wait3A_325 : memref<10240x128xf32, #tpu.memory_space<vmem_shared>>)
      %dma_start3A_326 = arith.constant 4 : i32
      %dma_start3A_327 = arith.constant 0 : i32
      %dma_start3A_328 = arith.constant 0 : i32
      %dma_start3A_329 = arith.constant 0 : i32
      %dma_start3A_330 = tpu.memref_slice %arg9[%dma_start3A_327, %dma_start3A_328, %dma_start3A_329] : memref<2x128x128xf32, #tpu.memory_space<vmem>> -> memref<1x128x128xf32, #tpu.memory_space<vmem>>
      %dma_start3A_331 = tpu.memref_squeeze %dma_start3A_330 : memref<1x128x128xf32, #tpu.memory_space<vmem>> -> memref<128x128xf32, #tpu.memory_space<vmem>>
      %dma_start3A_332 = arith.constant 0 : i32
      %dma_start3A_333 = arith.constant 0 : i32
      %dma_start3A_334 = tpu.memref_slice %arg7[%select_n3A_72, %dma_start3A_332, %dma_start3A_333] : memref<2x6x128xi32, #tpu.memory_space<vmem>> -> memref<1x6x128xi32, #tpu.memory_space<vmem>>
      %dma_start3A_335 = tpu.memref_squeeze %dma_start3A_334 : memref<1x6x128xi32, #tpu.memory_space<vmem>> -> memref<6x128xi32, #tpu.memory_space<vmem>>
      %dma_start3A_336 = arith.constant 0 : i32
      %dma_start3A_337 = tpu.memref_slice %dma_start3A_335[%dma_start3A_326, %dma_start3A_336] : memref<6x128xi32, #tpu.memory_space<vmem>> -> memref<1x128xi32, #tpu.memory_space<vmem>>
      %dma_start3A_338 = tpu.memref_squeeze %dma_start3A_337 : memref<1x128xi32, #tpu.memory_space<vmem>> -> memref<128xi32, #tpu.memory_space<vmem>>
      %dma_start3A_339 = arith.constant 0 : i32
      %dma_start3A_340 = arith.constant 0 : i32
      %dma_start3A_341 = tpu.memref_slice %arg2[%dma_start3A_339, %dma_start3A_340] : memref<10000x128xf32, #tpu.memory_space<hbm>> -> memref<10000x128xf32, #tpu.memory_space<hbm>>
      tpu.enqueue_indirect_dma source(%dma_start3A_341 : memref<10000x128xf32, #tpu.memory_space<hbm>>) target(%dma_start3A_331 : memref<128x128xf32, #tpu.memory_space<vmem>>) offsets(%dma_start3A_338 : memref<128xi32, #tpu.memory_space<vmem>>) semaphore(%arg12 : memref<!tpu.dma_semaphore, #tpu.memory_space<semaphore_mem>>)
      %dma_wait3A_342 = arith.constant 3 : i32
      %dma_wait3A_343 = arith.constant 1 : i32
      %dma_wait3A_344 = arith.constant 0 : i32
      %dma_wait3A_345 = arith.constant 0 : i32
      %dma_wait3A_346 = tpu.memref_slice %arg9[%dma_wait3A_343, %dma_wait3A_344, %dma_wait3A_345] : memref<2x128x128xf32, #tpu.memory_space<vmem>> -> memref<1x128x128xf32, #tpu.memory_space<vmem>>
      %dma_wait3A_347 = tpu.memref_squeeze %dma_wait3A_346 : memref<1x128x128xf32, #tpu.memory_space<vmem>> -> memref<128x128xf32, #tpu.memory_space<vmem>>
      %dma_wait3A_348 = arith.constant 0 : i32
      %dma_wait3A_349 = arith.constant 0 : i32
      %dma_wait3A_350 = tpu.memref_slice %arg7[%select_n3A_72, %dma_wait3A_348, %dma_wait3A_349] : memref<2x6x128xi32, #tpu.memory_space<vmem>> -> memref<1x6x128xi32, #tpu.memory_space<vmem>>
      %dma_wait3A_351 = tpu.memref_squeeze %dma_wait3A_350 : memref<1x6x128xi32, #tpu.memory_space<vmem>> -> memref<6x128xi32, #tpu.memory_space<vmem>>
      %dma_wait3A_352 = arith.constant 0 : i32
      %dma_wait3A_353 = tpu.memref_slice %dma_wait3A_351[%dma_wait3A_342, %dma_wait3A_352] : memref<6x128xi32, #tpu.memory_space<vmem>> -> memref<1x128xi32, #tpu.memory_space<vmem>>
      %dma_wait3A_354 = tpu.memref_squeeze %dma_wait3A_353 : memref<1x128xi32, #tpu.memory_space<vmem>> -> memref<128xi32, #tpu.memory_space<vmem>>
      %dma_wait3A_355 = arith.constant 0 : i32
      %dma_wait3A_356 = arith.constant 0 : i32
      %dma_wait3A_357 = tpu.memref_slice %arg2[%dma_wait3A_355, %dma_wait3A_356] : memref<10000x128xf32, #tpu.memory_space<hbm>> -> memref<10000x128xf32, #tpu.memory_space<hbm>>
      tpu.wait_indirect_dma semaphore(%arg13 : memref<!tpu.dma_semaphore, #tpu.memory_space<semaphore_mem>>) src(%dma_wait3A_357 : memref<10000x128xf32, #tpu.memory_space<hbm>>) dst(%dma_wait3A_347 : memref<128x128xf32, #tpu.memory_space<vmem>>)
      %dma_start3A_358 = arith.constant 1 : i32
      %dma_start3A_359 = arith.constant 3 : i32
      %dma_start3A_360 = arith.constant 0 : i32
      %dma_start3A_361 = arith.constant 0 : i32
      %dma_start3A_362 = tpu.memref_slice %arg9[%dma_start3A_358, %dma_start3A_360, %dma_start3A_361] : memref<2x128x128xf32, #tpu.memory_space<vmem>> -> memref<1x128x128xf32, #tpu.memory_space<vmem>>
      %dma_start3A_363 = tpu.memref_squeeze %dma_start3A_362 : memref<1x128x128xf32, #tpu.memory_space<vmem>> -> memref<128x128xf32, #tpu.memory_space<vmem>>
      %dma_start3A_364 = arith.constant 0 : i32
      %dma_start3A_365 = arith.constant 0 : i32
      %dma_start3A_366 = tpu.memref_slice %arg8[%select_n3A_72, %dma_start3A_364, %dma_start3A_365] : memref<2x6x128xi32, #tpu.memory_space<vmem>> -> memref<1x6x128xi32, #tpu.memory_space<vmem>>
      %dma_start3A_367 = tpu.memref_squeeze %dma_start3A_366 : memref<1x6x128xi32, #tpu.memory_space<vmem>> -> memref<6x128xi32, #tpu.memory_space<vmem>>
      %dma_start3A_368 = arith.constant 0 : i32
      %dma_start3A_369 = tpu.memref_slice %dma_start3A_367[%dma_start3A_359, %dma_start3A_368] : memref<6x128xi32, #tpu.memory_space<vmem>> -> memref<1x128xi32, #tpu.memory_space<vmem>>
      %dma_start3A_370 = tpu.memref_squeeze %dma_start3A_369 : memref<1x128xi32, #tpu.memory_space<vmem>> -> memref<128xi32, #tpu.memory_space<vmem>>
      %dma_start3A_371 = arith.constant 0 : i32
      %dma_start3A_372 = arith.constant 0 : i32
      %dma_start3A_373 = tpu.memref_slice %arg10[%dma_start3A_371, %dma_start3A_372] : memref<10240x128xf32, #tpu.memory_space<vmem_shared>> -> memref<10240x128xf32, #tpu.memory_space<vmem_shared>>
      tpu.enqueue_indirect_dma source(%dma_start3A_363 : memref<128x128xf32, #tpu.memory_space<vmem>>) target(%dma_start3A_373 : memref<10240x128xf32, #tpu.memory_space<vmem_shared>>) offsets(%dma_start3A_370 : memref<128xi32, #tpu.memory_space<vmem>>) semaphore(%arg17 : memref<!tpu.dma_semaphore, #tpu.memory_space<semaphore_mem>>) {add = true}
      %dma_wait3A_374 = arith.constant 1 : i32
      %dma_wait3A_375 = arith.constant 3 : i32
      %dma_wait3A_376 = arith.constant 0 : i32
      %dma_wait3A_377 = arith.constant 0 : i32
      %dma_wait3A_378 = tpu.memref_slice %arg9[%dma_wait3A_374, %dma_wait3A_376, %dma_wait3A_377] : memref<2x128x128xf32, #tpu.memory_space<vmem>> -> memref<1x128x128xf32, #tpu.memory_space<vmem>>
      %dma_wait3A_379 = tpu.memref_squeeze %dma_wait3A_378 : memref<1x128x128xf32, #tpu.memory_space<vmem>> -> memref<128x128xf32, #tpu.memory_space<vmem>>
      %dma_wait3A_380 = arith.constant 0 : i32
      %dma_wait3A_381 = arith.constant 0 : i32
      %dma_wait3A_382 = tpu.memref_slice %arg8[%select_n3A_72, %dma_wait3A_380, %dma_wait3A_381] : memref<2x6x128xi32, #tpu.memory_space<vmem>> -> memref<1x6x128xi32, #tpu.memory_space<vmem>>
      %dma_wait3A_383 = tpu.memref_squeeze %dma_wait3A_382 : memref<1x6x128xi32, #tpu.memory_space<vmem>> -> memref<6x128xi32, #tpu.memory_space<vmem>>
      %dma_wait3A_384 = arith.constant 0 : i32
      %dma_wait3A_385 = tpu.memref_slice %dma_wait3A_383[%dma_wait3A_375, %dma_wait3A_384] : memref<6x128xi32, #tpu.memory_space<vmem>> -> memref<1x128xi32, #tpu.memory_space<vmem>>
      %dma_wait3A_386 = tpu.memref_squeeze %dma_wait3A_385 : memref<1x128xi32, #tpu.memory_space<vmem>> -> memref<128xi32, #tpu.memory_space<vmem>>
      %dma_wait3A_387 = arith.constant 0 : i32
      %dma_wait3A_388 = arith.constant 0 : i32
      %dma_wait3A_389 = tpu.memref_slice %arg10[%dma_wait3A_387, %dma_wait3A_388] : memref<10240x128xf32, #tpu.memory_space<vmem_shared>> -> memref<10240x128xf32, #tpu.memory_space<vmem_shared>>
      tpu.wait_indirect_dma semaphore(%arg17 : memref<!tpu.dma_semaphore, #tpu.memory_space<semaphore_mem>>) src(%dma_wait3A_379 : memref<128x128xf32, #tpu.memory_space<vmem>>) dst(%dma_wait3A_389 : memref<10240x128xf32, #tpu.memory_space<vmem_shared>>)
      %dma_start3A_390 = arith.constant 5 : i32
      %dma_start3A_391 = arith.constant 1 : i32
      %dma_start3A_392 = arith.constant 0 : i32
      %dma_start3A_393 = arith.constant 0 : i32
      %dma_start3A_394 = tpu.memref_slice %arg9[%dma_start3A_391, %dma_start3A_392, %dma_start3A_393] : memref<2x128x128xf32, #tpu.memory_space<vmem>> -> memref<1x128x128xf32, #tpu.memory_space<vmem>>
      %dma_start3A_395 = tpu.memref_squeeze %dma_start3A_394 : memref<1x128x128xf32, #tpu.memory_space<vmem>> -> memref<128x128xf32, #tpu.memory_space<vmem>>
      %dma_start3A_396 = arith.constant 0 : i32
      %dma_start3A_397 = arith.constant 0 : i32
      %dma_start3A_398 = tpu.memref_slice %arg7[%select_n3A_72, %dma_start3A_396, %dma_start3A_397] : memref<2x6x128xi32, #tpu.memory_space<vmem>> -> memref<1x6x128xi32, #tpu.memory_space<vmem>>
      %dma_start3A_399 = tpu.memref_squeeze %dma_start3A_398 : memref<1x6x128xi32, #tpu.memory_space<vmem>> -> memref<6x128xi32, #tpu.memory_space<vmem>>
      %dma_start3A_400 = arith.constant 0 : i32
      %dma_start3A_401 = tpu.memref_slice %dma_start3A_399[%dma_start3A_390, %dma_start3A_400] : memref<6x128xi32, #tpu.memory_space<vmem>> -> memref<1x128xi32, #tpu.memory_space<vmem>>
      %dma_start3A_402 = tpu.memref_squeeze %dma_start3A_401 : memref<1x128xi32, #tpu.memory_space<vmem>> -> memref<128xi32, #tpu.memory_space<vmem>>
      %dma_start3A_403 = arith.constant 0 : i32
      %dma_start3A_404 = arith.constant 0 : i32
      %dma_start3A_405 = tpu.memref_slice %arg2[%dma_start3A_403, %dma_start3A_404] : memref<10000x128xf32, #tpu.memory_space<hbm>> -> memref<10000x128xf32, #tpu.memory_space<hbm>>
      tpu.enqueue_indirect_dma source(%dma_start3A_405 : memref<10000x128xf32, #tpu.memory_space<hbm>>) target(%dma_start3A_395 : memref<128x128xf32, #tpu.memory_space<vmem>>) offsets(%dma_start3A_402 : memref<128xi32, #tpu.memory_space<vmem>>) semaphore(%arg13 : memref<!tpu.dma_semaphore, #tpu.memory_space<semaphore_mem>>)
      %dma_wait3A_406 = arith.constant 4 : i32
      %dma_wait3A_407 = arith.constant 0 : i32
      %dma_wait3A_408 = arith.constant 0 : i32
      %dma_wait3A_409 = arith.constant 0 : i32
      %dma_wait3A_410 = tpu.memref_slice %arg9[%dma_wait3A_407, %dma_wait3A_408, %dma_wait3A_409] : memref<2x128x128xf32, #tpu.memory_space<vmem>> -> memref<1x128x128xf32, #tpu.memory_space<vmem>>
      %dma_wait3A_411 = tpu.memref_squeeze %dma_wait3A_410 : memref<1x128x128xf32, #tpu.memory_space<vmem>> -> memref<128x128xf32, #tpu.memory_space<vmem>>
      %dma_wait3A_412 = arith.constant 0 : i32
      %dma_wait3A_413 = arith.constant 0 : i32
      %dma_wait3A_414 = tpu.memref_slice %arg7[%select_n3A_72, %dma_wait3A_412, %dma_wait3A_413] : memref<2x6x128xi32, #tpu.memory_space<vmem>> -> memref<1x6x128xi32, #tpu.memory_space<vmem>>
      %dma_wait3A_415 = tpu.memref_squeeze %dma_wait3A_414 : memref<1x6x128xi32, #tpu.memory_space<vmem>> -> memref<6x128xi32, #tpu.memory_space<vmem>>
      %dma_wait3A_416 = arith.constant 0 : i32
      %dma_wait3A_417 = tpu.memref_slice %dma_wait3A_415[%dma_wait3A_406, %dma_wait3A_416] : memref<6x128xi32, #tpu.memory_space<vmem>> -> memref<1x128xi32, #tpu.memory_space<vmem>>
      %dma_wait3A_418 = tpu.memref_squeeze %dma_wait3A_417 : memref<1x128xi32, #tpu.memory_space<vmem>> -> memref<128xi32, #tpu.memory_space<vmem>>
      %dma_wait3A_419 = arith.constant 0 : i32
      %dma_wait3A_420 = arith.constant 0 : i32
      %dma_wait3A_421 = tpu.memref_slice %arg2[%dma_wait3A_419, %dma_wait3A_420] : memref<10000x128xf32, #tpu.memory_space<hbm>> -> memref<10000x128xf32, #tpu.memory_space<hbm>>
      tpu.wait_indirect_dma semaphore(%arg12 : memref<!tpu.dma_semaphore, #tpu.memory_space<semaphore_mem>>) src(%dma_wait3A_421 : memref<10000x128xf32, #tpu.memory_space<hbm>>) dst(%dma_wait3A_411 : memref<128x128xf32, #tpu.memory_space<vmem>>)
      %dma_start3A_422 = arith.constant 0 : i32
      %dma_start3A_423 = arith.constant 4 : i32
      %dma_start3A_424 = arith.constant 0 : i32
      %dma_start3A_425 = arith.constant 0 : i32
      %dma_start3A_426 = tpu.memref_slice %arg9[%dma_start3A_422, %dma_start3A_424, %dma_start3A_425] : memref<2x128x128xf32, #tpu.memory_space<vmem>> -> memref<1x128x128xf32, #tpu.memory_space<vmem>>
      %dma_start3A_427 = tpu.memref_squeeze %dma_start3A_426 : memref<1x128x128xf32, #tpu.memory_space<vmem>> -> memref<128x128xf32, #tpu.memory_space<vmem>>
      %dma_start3A_428 = arith.constant 0 : i32
      %dma_start3A_429 = arith.constant 0 : i32
      %dma_start3A_430 = tpu.memref_slice %arg8[%select_n3A_72, %dma_start3A_428, %dma_start3A_429] : memref<2x6x128xi32, #tpu.memory_space<vmem>> -> memref<1x6x128xi32, #tpu.memory_space<vmem>>
      %dma_start3A_431 = tpu.memref_squeeze %dma_start3A_430 : memref<1x6x128xi32, #tpu.memory_space<vmem>> -> memref<6x128xi32, #tpu.memory_space<vmem>>
      %dma_start3A_432 = arith.constant 0 : i32
      %dma_start3A_433 = tpu.memref_slice %dma_start3A_431[%dma_start3A_423, %dma_start3A_432] : memref<6x128xi32, #tpu.memory_space<vmem>> -> memref<1x128xi32, #tpu.memory_space<vmem>>
      %dma_start3A_434 = tpu.memref_squeeze %dma_start3A_433 : memref<1x128xi32, #tpu.memory_space<vmem>> -> memref<128xi32, #tpu.memory_space<vmem>>
      %dma_start3A_435 = arith.constant 0 : i32
      %dma_start3A_436 = arith.constant 0 : i32
      %dma_start3A_437 = tpu.memref_slice %arg10[%dma_start3A_435, %dma_start3A_436] : memref<10240x128xf32, #tpu.memory_space<vmem_shared>> -> memref<10240x128xf32, #tpu.memory_space<vmem_shared>>
      tpu.enqueue_indirect_dma source(%dma_start3A_427 : memref<128x128xf32, #tpu.memory_space<vmem>>) target(%dma_start3A_437 : memref<10240x128xf32, #tpu.memory_space<vmem_shared>>) offsets(%dma_start3A_434 : memref<128xi32, #tpu.memory_space<vmem>>) semaphore(%arg16 : memref<!tpu.dma_semaphore, #tpu.memory_space<semaphore_mem>>) {add = true}
      %dma_wait3A_438 = arith.constant 5 : i32
      %dma_wait3A_439 = arith.constant 1 : i32
      %dma_wait3A_440 = arith.constant 0 : i32
      %dma_wait3A_441 = arith.constant 0 : i32
      %dma_wait3A_442 = tpu.memref_slice %arg9[%dma_wait3A_439, %dma_wait3A_440, %dma_wait3A_441] : memref<2x128x128xf32, #tpu.memory_space<vmem>> -> memref<1x128x128xf32, #tpu.memory_space<vmem>>
      %dma_wait3A_443 = tpu.memref_squeeze %dma_wait3A_442 : memref<1x128x128xf32, #tpu.memory_space<vmem>> -> memref<128x128xf32, #tpu.memory_space<vmem>>
      %dma_wait3A_444 = arith.constant 0 : i32
      %dma_wait3A_445 = arith.constant 0 : i32
      %dma_wait3A_446 = tpu.memref_slice %arg7[%select_n3A_72, %dma_wait3A_444, %dma_wait3A_445] : memref<2x6x128xi32, #tpu.memory_space<vmem>> -> memref<1x6x128xi32, #tpu.memory_space<vmem>>
      %dma_wait3A_447 = tpu.memref_squeeze %dma_wait3A_446 : memref<1x6x128xi32, #tpu.memory_space<vmem>> -> memref<6x128xi32, #tpu.memory_space<vmem>>
      %dma_wait3A_448 = arith.constant 0 : i32
      %dma_wait3A_449 = tpu.memref_slice %dma_wait3A_447[%dma_wait3A_438, %dma_wait3A_448] : memref<6x128xi32, #tpu.memory_space<vmem>> -> memref<1x128xi32, #tpu.memory_space<vmem>>
      %dma_wait3A_450 = tpu.memref_squeeze %dma_wait3A_449 : memref<1x128xi32, #tpu.memory_space<vmem>> -> memref<128xi32, #tpu.memory_space<vmem>>
      %dma_wait3A_451 = arith.constant 0 : i32
      %dma_wait3A_452 = arith.constant 0 : i32
      %dma_wait3A_453 = tpu.memref_slice %arg2[%dma_wait3A_451, %dma_wait3A_452] : memref<10000x128xf32, #tpu.memory_space<hbm>> -> memref<10000x128xf32, #tpu.memory_space<hbm>>
      tpu.wait_indirect_dma semaphore(%arg13 : memref<!tpu.dma_semaphore, #tpu.memory_space<semaphore_mem>>) src(%dma_wait3A_453 : memref<10000x128xf32, #tpu.memory_space<hbm>>) dst(%dma_wait3A_443 : memref<128x128xf32, #tpu.memory_space<vmem>>)
      %dma_start3A_454 = arith.constant 1 : i32
      %dma_start3A_455 = arith.constant 5 : i32
      %dma_start3A_456 = arith.constant 0 : i32
      %dma_start3A_457 = arith.constant 0 : i32
      %dma_start3A_458 = tpu.memref_slice %arg9[%dma_start3A_454, %dma_start3A_456, %dma_start3A_457] : memref<2x128x128xf32, #tpu.memory_space<vmem>> -> memref<1x128x128xf32, #tpu.memory_space<vmem>>
      %dma_start3A_459 = tpu.memref_squeeze %dma_start3A_458 : memref<1x128x128xf32, #tpu.memory_space<vmem>> -> memref<128x128xf32, #tpu.memory_space<vmem>>
      %dma_start3A_460 = arith.constant 0 : i32
      %dma_start3A_461 = arith.constant 0 : i32
      %dma_start3A_462 = tpu.memref_slice %arg8[%select_n3A_72, %dma_start3A_460, %dma_start3A_461] : memref<2x6x128xi32, #tpu.memory_space<vmem>> -> memref<1x6x128xi32, #tpu.memory_space<vmem>>
      %dma_start3A_463 = tpu.memref_squeeze %dma_start3A_462 : memref<1x6x128xi32, #tpu.memory_space<vmem>> -> memref<6x128xi32, #tpu.memory_space<vmem>>
      %dma_start3A_464 = arith.constant 0 : i32
      %dma_start3A_465 = tpu.memref_slice %dma_start3A_463[%dma_start3A_455, %dma_start3A_464] : memref<6x128xi32, #tpu.memory_space<vmem>> -> memref<1x128xi32, #tpu.memory_space<vmem>>
      %dma_start3A_466 = tpu.memref_squeeze %dma_start3A_465 : memref<1x128xi32, #tpu.memory_space<vmem>> -> memref<128xi32, #tpu.memory_space<vmem>>
      %dma_start3A_467 = arith.constant 0 : i32
      %dma_start3A_468 = arith.constant 0 : i32
      %dma_start3A_469 = tpu.memref_slice %arg10[%dma_start3A_467, %dma_start3A_468] : memref<10240x128xf32, #tpu.memory_space<vmem_shared>> -> memref<10240x128xf32, #tpu.memory_space<vmem_shared>>
      tpu.enqueue_indirect_dma source(%dma_start3A_459 : memref<128x128xf32, #tpu.memory_space<vmem>>) target(%dma_start3A_469 : memref<10240x128xf32, #tpu.memory_space<vmem_shared>>) offsets(%dma_start3A_466 : memref<128xi32, #tpu.memory_space<vmem>>) semaphore(%arg17 : memref<!tpu.dma_semaphore, #tpu.memory_space<semaphore_mem>>) {add = true}
      %dma_wait3A_470 = arith.constant 0 : i32
      %dma_wait3A_471 = arith.constant 4 : i32
      %dma_wait3A_472 = arith.constant 0 : i32
      %dma_wait3A_473 = arith.constant 0 : i32
      %dma_wait3A_474 = tpu.memref_slice %arg9[%dma_wait3A_470, %dma_wait3A_472, %dma_wait3A_473] : memref<2x128x128xf32, #tpu.memory_space<vmem>> -> memref<1x128x128xf32, #tpu.memory_space<vmem>>
      %dma_wait3A_475 = tpu.memref_squeeze %dma_wait3A_474 : memref<1x128x128xf32, #tpu.memory_space<vmem>> -> memref<128x128xf32, #tpu.memory_space<vmem>>
      %dma_wait3A_476 = arith.constant 0 : i32
      %dma_wait3A_477 = arith.constant 0 : i32
      %dma_wait3A_478 = tpu.memref_slice %arg8[%select_n3A_72, %dma_wait3A_476, %dma_wait3A_477] : memref<2x6x128xi32, #tpu.memory_space<vmem>> -> memref<1x6x128xi32, #tpu.memory_space<vmem>>
      %dma_wait3A_479 = tpu.memref_squeeze %dma_wait3A_478 : memref<1x6x128xi32, #tpu.memory_space<vmem>> -> memref<6x128xi32, #tpu.memory_space<vmem>>
      %dma_wait3A_480 = arith.constant 0 : i32
      %dma_wait3A_481 = tpu.memref_slice %dma_wait3A_479[%dma_wait3A_471, %dma_wait3A_480] : memref<6x128xi32, #tpu.memory_space<vmem>> -> memref<1x128xi32, #tpu.memory_space<vmem>>
      %dma_wait3A_482 = tpu.memref_squeeze %dma_wait3A_481 : memref<1x128xi32, #tpu.memory_space<vmem>> -> memref<128xi32, #tpu.memory_space<vmem>>
      %dma_wait3A_483 = arith.constant 0 : i32
      %dma_wait3A_484 = arith.constant 0 : i32
      %dma_wait3A_485 = tpu.memref_slice %arg10[%dma_wait3A_483, %dma_wait3A_484] : memref<10240x128xf32, #tpu.memory_space<vmem_shared>> -> memref<10240x128xf32, #tpu.memory_space<vmem_shared>>
      tpu.wait_indirect_dma semaphore(%arg16 : memref<!tpu.dma_semaphore, #tpu.memory_space<semaphore_mem>>) src(%dma_wait3A_475 : memref<128x128xf32, #tpu.memory_space<vmem>>) dst(%dma_wait3A_485 : memref<10240x128xf32, #tpu.memory_space<vmem_shared>>)
      %dma_wait3A_486 = arith.constant 1 : i32
      %dma_wait3A_487 = arith.constant 5 : i32
      %dma_wait3A_488 = arith.constant 0 : i32
      %dma_wait3A_489 = arith.constant 0 : i32
      %dma_wait3A_490 = tpu.memref_slice %arg9[%dma_wait3A_486, %dma_wait3A_488, %dma_wait3A_489] : memref<2x128x128xf32, #tpu.memory_space<vmem>> -> memref<1x128x128xf32, #tpu.memory_space<vmem>>
      %dma_wait3A_491 = tpu.memref_squeeze %dma_wait3A_490 : memref<1x128x128xf32, #tpu.memory_space<vmem>> -> memref<128x128xf32, #tpu.memory_space<vmem>>
      %dma_wait3A_492 = arith.constant 0 : i32
      %dma_wait3A_493 = arith.constant 0 : i32
      %dma_wait3A_494 = tpu.memref_slice %arg8[%select_n3A_72, %dma_wait3A_492, %dma_wait3A_493] : memref<2x6x128xi32, #tpu.memory_space<vmem>> -> memref<1x6x128xi32, #tpu.memory_space<vmem>>
      %dma_wait3A_495 = tpu.memref_squeeze %dma_wait3A_494 : memref<1x6x128xi32, #tpu.memory_space<vmem>> -> memref<6x128xi32, #tpu.memory_space<vmem>>
      %dma_wait3A_496 = arith.constant 0 : i32
      %dma_wait3A_497 = tpu.memref_slice %dma_wait3A_495[%dma_wait3A_487, %dma_wait3A_496] : memref<6x128xi32, #tpu.memory_space<vmem>> -> memref<1x128xi32, #tpu.memory_space<vmem>>
      %dma_wait3A_498 = tpu.memref_squeeze %dma_wait3A_497 : memref<1x128xi32, #tpu.memory_space<vmem>> -> memref<128xi32, #tpu.memory_space<vmem>>
      %dma_wait3A_499 = arith.constant 0 : i32
      %dma_wait3A_500 = arith.constant 0 : i32
      %dma_wait3A_501 = tpu.memref_slice %arg10[%dma_wait3A_499, %dma_wait3A_500] : memref<10240x128xf32, #tpu.memory_space<vmem_shared>> -> memref<10240x128xf32, #tpu.memory_space<vmem_shared>>
      tpu.wait_indirect_dma semaphore(%arg17 : memref<!tpu.dma_semaphore, #tpu.memory_space<semaphore_mem>>) src(%dma_wait3A_491 : memref<128x128xf32, #tpu.memory_space<vmem>>) dst(%dma_wait3A_501 : memref<10240x128xf32, #tpu.memory_space<vmem_shared>>)
      %barrier3A_502 = arith.constant 0 : index
      tpu.barrier barrier_id(%barrier3A_502)
      %mul3A_503 = arith.constant 640 : i32
      %mul3A_504 = arith.muli %arg1, %mul3A_503 : i32
      %mul3A_505 = arith.constant 640 : i32
      %mul3A_506 = arith.muli %arg1, %mul3A_505 : i32
      %dma_start3A_507 = arith.constant 0 : i32
      %dma_start3A_508 = tpu.memref_slice %arg6[%add3A_60, %mul3A_506, %dma_start3A_507] : memref<27x10240x128xf32, #tpu.memory_space<hbm>> -> memref<1x640x128xf32, #tpu.memory_space<hbm>>
      %dma_start3A_509 = tpu.memref_squeeze %dma_start3A_508 : memref<1x640x128xf32, #tpu.memory_space<hbm>> -> memref<640x128xf32, #tpu.memory_space<hbm>>
      %dma_start3A_510 = arith.constant 0 : i32
      %dma_start3A_511 = tpu.memref_slice %arg10[%mul3A_504, %dma_start3A_510] : memref<10240x128xf32, #tpu.memory_space<vmem_shared>> -> memref<640x128xf32, #tpu.memory_space<vmem_shared>>
      tpu.enqueue_dma source(%dma_start3A_511 : memref<640x128xf32, #tpu.memory_space<vmem_shared>>) target(%dma_start3A_509 : memref<640x128xf32, #tpu.memory_space<hbm>>) target_semaphore(%arg20 : memref<!tpu.dma_semaphore, #tpu.memory_space<semaphore_mem>>)
    }
    %mul3A = arith.constant 640 : i32
    %mul3A_50 = arith.muli %arg1, %mul3A : i32
    %mul3A_51 = arith.constant 640 : i32
    %mul3A_52 = arith.muli %arg1, %mul3A_51 : i32
    %dma_wait3A = arith.constant 0 : i32
    %dma_wait3A_53 = arith.constant 0 : i32
    %dma_wait3A_54 = tpu.memref_slice %arg6[%dma_wait3A, %mul3A_52, %dma_wait3A_53] : memref<27x10240x128xf32, #tpu.memory_space<hbm>> -> memref<1x640x128xf32, #tpu.memory_space<hbm>>
    %dma_wait3A_55 = tpu.memref_squeeze %dma_wait3A_54 : memref<1x640x128xf32, #tpu.memory_space<hbm>> -> memref<640x128xf32, #tpu.memory_space<hbm>>
    %dma_wait3A_56 = arith.constant 0 : i32
    %dma_wait3A_57 = tpu.memref_slice %arg10[%mul3A_50, %dma_wait3A_56] : memref<10240x128xf32, #tpu.memory_space<vmem_shared>> -> memref<640x128xf32, #tpu.memory_space<vmem_shared>>
    tpu.wait_dma2 semaphore(%arg20 : memref<!tpu.dma_semaphore, #tpu.memory_space<semaphore_mem>>) src(%dma_wait3A_57 : memref<640x128xf32, #tpu.memory_space<vmem_shared>>) dst(%dma_wait3A_55 : memref<640x128xf32, #tpu.memory_space<hbm>>)
    return
  }
}

#map = affine_map<(d0, d1) -> (0, 0, 0)>
#map1 = affine_map<(d0, d1) -> (0, 0, 0, 0)>
#map2 = affine_map<(d0, d1) -> (0, 0)>
module attributes {stable_mosaic.version = 14 : i64} {
  func.func @_conv2(%arg0: i32, %arg1: i32, %arg2: memref<27x10000x128xf32, #tpu.memory_space<hbm>>, %arg3: memref<27x16x6x128xi32, #tpu.memory_space<hbm>>, %arg4: memref<27x16x6x128xi32, #tpu.memory_space<hbm>>, %arg5: memref<10240x128xf32, #tpu.memory_space<hbm>>, %arg6: memref<2x10240x128xf32, #tpu.memory_space<hbm>>, %arg7: memref<2x6x128xi32, #tpu.memory_space<vmem>>, %arg8: memref<2x6x128xi32, #tpu.memory_space<vmem>>, %arg9: memref<2x128x128xf32, #tpu.memory_space<vmem>>, %arg10: memref<10240x128xf32, #tpu.memory_space<vmem_shared>>, %arg11: memref<!tpu.dma_semaphore, #tpu.memory_space<semaphore_mem>>, %arg12: memref<!tpu.dma_semaphore, #tpu.memory_space<semaphore_mem>>, %arg13: memref<!tpu.dma_semaphore, #tpu.memory_space<semaphore_mem>>, %arg14: memref<!tpu.dma_semaphore, #tpu.memory_space<semaphore_mem>>, %arg15: memref<!tpu.dma_semaphore, #tpu.memory_space<semaphore_mem>>, %arg16: memref<!tpu.dma_semaphore, #tpu.memory_space<semaphore_mem>>, %arg17: memref<!tpu.dma_semaphore, #tpu.memory_space<semaphore_mem>>, %arg18: memref<!tpu.dma_semaphore, #tpu.memory_space<semaphore_mem>>, %arg19: memref<!tpu.dma_semaphore, #tpu.memory_space<semaphore_mem>>, %arg20: memref<!tpu.dma_semaphore, #tpu.memory_space<semaphore_mem>>) attributes {dimension_semantics = [#tpu.dimension_semantics<core_parallel>, #tpu.dimension_semantics<subcore_parallel>], iteration_bounds = array<i64: 2, 16>, scalar_prefetch = 0 : i64, scratch_operands = 14 : i64, tpu.core_type = #tpu.core_type<sc_vector_subcore>, window_params = [{transform_indices = #map}, {transform_indices = #map1}, {transform_indices = #map1}, {transform_indices = #map2}, {transform_indices = #map}]} {
    %eq3A = arith.constant 0 : i32
    %eq3A_0 = arith.cmpi eq, %arg0, %eq3A : i32
    %jit3A = arith.constant 0 : i32
    %jit3A_1 = arith.constant 14 : i32
    %select_n3A = arith.select %eq3A_0, %jit3A, %jit3A_1 : i32
    %add3A = arith.constant 0 : i32
    %add3A_2 = arith.addi %add3A, %select_n3A : i32
    %eq3A_3 = arith.constant 0 : i32
    %eq3A_4 = arith.cmpi eq, %arg0, %eq3A_3 : i32
    %jit3A_5 = arith.constant 14 : i32
    %jit3A_6 = arith.constant 13 : i32
    %select_n3A_7 = arith.select %eq3A_4, %jit3A_5, %jit3A_6 : i32
    %dma_start3A = arith.constant 0 : i32
    %dma_start3A_8 = arith.constant 0 : i32
    %dma_start3A_9 = arith.constant 0 : i32
    %dma_start3A_10 = tpu.memref_slice %arg7[%dma_start3A, %dma_start3A_8, %dma_start3A_9] : memref<2x6x128xi32, #tpu.memory_space<vmem>> -> memref<1x6x128xi32, #tpu.memory_space<vmem>>
    %dma_start3A_11 = tpu.memref_squeeze %dma_start3A_10 : memref<1x6x128xi32, #tpu.memory_space<vmem>> -> memref<6x128xi32, #tpu.memory_space<vmem>>
    %dma_start3A_12 = arith.constant 0 : i32
    %dma_start3A_13 = arith.constant 0 : i32
    %dma_start3A_14 = tpu.memref_slice %arg3[%add3A_2, %arg1, %dma_start3A_12, %dma_start3A_13] : memref<27x16x6x128xi32, #tpu.memory_space<hbm>> -> memref<1x1x6x128xi32, #tpu.memory_space<hbm>>
    %dma_start3A_15 = tpu.memref_squeeze %dma_start3A_14 : memref<1x1x6x128xi32, #tpu.memory_space<hbm>> -> memref<6x128xi32, #tpu.memory_space<hbm>>
    %dma_start3A_16 = arith.constant 0 : i32
    %dma_start3A_17 = arith.constant 0 : i32
    %dma_start3A_18 = tpu.memref_slice %arg7[%dma_start3A, %dma_start3A_16, %dma_start3A_17] : memref<2x6x128xi32, #tpu.memory_space<vmem>> -> memref<1x6x128xi32, #tpu.memory_space<vmem>>
    %dma_start3A_19 = tpu.memref_squeeze %dma_start3A_18 : memref<1x6x128xi32, #tpu.memory_space<vmem>> -> memref<6x128xi32, #tpu.memory_space<vmem>>
    %dma_start3A_20 = arith.constant 0 : i32
    %dma_start3A_21 = arith.constant 0 : i32
    %dma_start3A_22 = tpu.memref_slice %arg3[%add3A_2, %arg1, %dma_start3A_20, %dma_start3A_21] : memref<27x16x6x128xi32, #tpu.memory_space<hbm>> -> memref<1x1x6x128xi32, #tpu.memory_space<hbm>>
    %dma_start3A_23 = tpu.memref_squeeze %dma_start3A_22 : memref<1x1x6x128xi32, #tpu.memory_space<hbm>> -> memref<6x128xi32, #tpu.memory_space<hbm>>
    tpu.enqueue_dma source(%dma_start3A_23 : memref<6x128xi32, #tpu.memory_space<hbm>>) target(%dma_start3A_19 : memref<6x128xi32, #tpu.memory_space<vmem>>) target_semaphore(%arg11 : memref<!tpu.dma_semaphore, #tpu.memory_space<semaphore_mem>>)
    %dma_start3A_24 = arith.constant 0 : i32
    %dma_start3A_25 = arith.constant 0 : i32
    %dma_start3A_26 = arith.constant 0 : i32
    %dma_start3A_27 = tpu.memref_slice %arg8[%dma_start3A_24, %dma_start3A_25, %dma_start3A_26] : memref<2x6x128xi32, #tpu.memory_space<vmem>> -> memref<1x6x128xi32, #tpu.memory_space<vmem>>
    %dma_start3A_28 = tpu.memref_squeeze %dma_start3A_27 : memref<1x6x128xi32, #tpu.memory_space<vmem>> -> memref<6x128xi32, #tpu.memory_space<vmem>>
    %dma_start3A_29 = arith.constant 0 : i32
    %dma_start3A_30 = arith.constant 0 : i32
    %dma_start3A_31 = tpu.memref_slice %arg4[%add3A_2, %arg1, %dma_start3A_29, %dma_start3A_30] : memref<27x16x6x128xi32, #tpu.memory_space<hbm>> -> memref<1x1x6x128xi32, #tpu.memory_space<hbm>>
    %dma_start3A_32 = tpu.memref_squeeze %dma_start3A_31 : memref<1x1x6x128xi32, #tpu.memory_space<hbm>> -> memref<6x128xi32, #tpu.memory_space<hbm>>
    %dma_start3A_33 = arith.constant 0 : i32
    %dma_start3A_34 = arith.constant 0 : i32
    %dma_start3A_35 = tpu.memref_slice %arg8[%dma_start3A_24, %dma_start3A_33, %dma_start3A_34] : memref<2x6x128xi32, #tpu.memory_space<vmem>> -> memref<1x6x128xi32, #tpu.memory_space<vmem>>
    %dma_start3A_36 = tpu.memref_squeeze %dma_start3A_35 : memref<1x6x128xi32, #tpu.memory_space<vmem>> -> memref<6x128xi32, #tpu.memory_space<vmem>>
    %dma_start3A_37 = arith.constant 0 : i32
    %dma_start3A_38 = arith.constant 0 : i32
    %dma_start3A_39 = tpu.memref_slice %arg4[%add3A_2, %arg1, %dma_start3A_37, %dma_start3A_38] : memref<27x16x6x128xi32, #tpu.memory_space<hbm>> -> memref<1x1x6x128xi32, #tpu.memory_space<hbm>>
    %dma_start3A_40 = tpu.memref_squeeze %dma_start3A_39 : memref<1x1x6x128xi32, #tpu.memory_space<hbm>> -> memref<6x128xi32, #tpu.memory_space<hbm>>
    tpu.enqueue_dma source(%dma_start3A_40 : memref<6x128xi32, #tpu.memory_space<hbm>>) target(%dma_start3A_36 : memref<6x128xi32, #tpu.memory_space<vmem>>) target_semaphore(%arg11 : memref<!tpu.dma_semaphore, #tpu.memory_space<semaphore_mem>>)
    %while3A = arith.constant 0 : i32
    %while3A_41 = arith.constant 0 : i32
    %while3A_42 = arith.subi %select_n3A_7, %while3A_41 : i32
    %while3A_43 = arith.addi %while3A_41, %while3A_42 : i32
    %while3A_44 = arith.constant 1 : i32
    %while3A_45 = arith.divsi %while3A_42, %while3A_44 : i32
    %while3A_46 = arith.muli %while3A_45, %while3A_44 : i32
    %while3A_47 = arith.addi %while3A_41, %while3A_46 : i32
    %while3A_48 = arith.constant 1 : i32
    scf.for %while3A_53 = %while3A_41 to %while3A_47 step %while3A_48  : i32 {
      %add3A_54 = arith.addi %add3A_2, %while3A_53 : i32
      %add3A_55 = arith.addi %select_n3A, %while3A_53 : i32
      %jit3A_56 = arith.constant 2 : i32
      %eq3A_57 = arith.constant 0 : i32
      %eq3A_58 = arith.cmpi eq, %jit3A_56, %eq3A_57 : i32
      %jit3A_59 = arith.constant 1 : i32
      %select_n3A_60 = arith.select %eq3A_58, %jit3A_59, %jit3A_56 : i32
      %rem3A = arith.remsi %while3A_53, %select_n3A_60 : i32
      %ne3A = arith.constant 0 : i32
      %ne3A_61 = arith.cmpi ne, %rem3A, %ne3A : i32
      %lt3A = arith.constant 0 : i32
      %lt3A_62 = arith.cmpi slt, %rem3A, %lt3A : i32
      %lt3A_63 = arith.constant 0 : i32
      %lt3A_64 = arith.cmpi slt, %select_n3A_60, %lt3A_63 : i32
      %ne3A_65 = arith.xori %lt3A_62, %lt3A_64 : i1
      %and3A = arith.andi %ne3A_65, %ne3A_61 : i1
      %add3A_66 = arith.addi %rem3A, %select_n3A_60 : i32
      %select_n3A_67 = arith.select %and3A, %add3A_66, %rem3A : i32
      %dma_wait3A = arith.constant 0 : i32
      %dma_wait3A_68 = arith.constant 0 : i32
      %dma_wait3A_69 = tpu.memref_slice %arg7[%select_n3A_67, %dma_wait3A, %dma_wait3A_68] : memref<2x6x128xi32, #tpu.memory_space<vmem>> -> memref<1x6x128xi32, #tpu.memory_space<vmem>>
      %dma_wait3A_70 = tpu.memref_squeeze %dma_wait3A_69 : memref<1x6x128xi32, #tpu.memory_space<vmem>> -> memref<6x128xi32, #tpu.memory_space<vmem>>
      %dma_wait3A_71 = arith.constant 0 : i32
      %dma_wait3A_72 = arith.constant 0 : i32
      %dma_wait3A_73 = tpu.memref_slice %arg3[%add3A_54, %arg1, %dma_wait3A_71, %dma_wait3A_72] : memref<27x16x6x128xi32, #tpu.memory_space<hbm>> -> memref<1x1x6x128xi32, #tpu.memory_space<hbm>>
      %dma_wait3A_74 = tpu.memref_squeeze %dma_wait3A_73 : memref<1x1x6x128xi32, #tpu.memory_space<hbm>> -> memref<6x128xi32, #tpu.memory_space<hbm>>
      %dma_wait3A_75 = arith.constant 0 : i32
      %dma_wait3A_76 = arith.constant 0 : i32
      %dma_wait3A_77 = tpu.memref_slice %arg7[%select_n3A_67, %dma_wait3A_75, %dma_wait3A_76] : memref<2x6x128xi32, #tpu.memory_space<vmem>> -> memref<1x6x128xi32, #tpu.memory_space<vmem>>
      %dma_wait3A_78 = tpu.memref_squeeze %dma_wait3A_77 : memref<1x6x128xi32, #tpu.memory_space<vmem>> -> memref<6x128xi32, #tpu.memory_space<vmem>>
      %dma_wait3A_79 = arith.constant 0 : i32
      %dma_wait3A_80 = arith.constant 0 : i32
      %dma_wait3A_81 = tpu.memref_slice %arg3[%add3A_54, %arg1, %dma_wait3A_79, %dma_wait3A_80] : memref<27x16x6x128xi32, #tpu.memory_space<hbm>> -> memref<1x1x6x128xi32, #tpu.memory_space<hbm>>
      %dma_wait3A_82 = tpu.memref_squeeze %dma_wait3A_81 : memref<1x1x6x128xi32, #tpu.memory_space<hbm>> -> memref<6x128xi32, #tpu.memory_space<hbm>>
      tpu.wait_dma2 semaphore(%arg11 : memref<!tpu.dma_semaphore, #tpu.memory_space<semaphore_mem>>) src(%dma_wait3A_82 : memref<6x128xi32, #tpu.memory_space<hbm>>) dst(%dma_wait3A_78 : memref<6x128xi32, #tpu.memory_space<vmem>>)
      %dma_wait3A_83 = arith.constant 0 : i32
      %dma_wait3A_84 = arith.constant 0 : i32
      %dma_wait3A_85 = tpu.memref_slice %arg8[%select_n3A_67, %dma_wait3A_83, %dma_wait3A_84] : memref<2x6x128xi32, #tpu.memory_space<vmem>> -> memref<1x6x128xi32, #tpu.memory_space<vmem>>
      %dma_wait3A_86 = tpu.memref_squeeze %dma_wait3A_85 : memref<1x6x128xi32, #tpu.memory_space<vmem>> -> memref<6x128xi32, #tpu.memory_space<vmem>>
      %dma_wait3A_87 = arith.constant 0 : i32
      %dma_wait3A_88 = arith.constant 0 : i32
      %dma_wait3A_89 = tpu.memref_slice %arg4[%add3A_54, %arg1, %dma_wait3A_87, %dma_wait3A_88] : memref<27x16x6x128xi32, #tpu.memory_space<hbm>> -> memref<1x1x6x128xi32, #tpu.memory_space<hbm>>
      %dma_wait3A_90 = tpu.memref_squeeze %dma_wait3A_89 : memref<1x1x6x128xi32, #tpu.memory_space<hbm>> -> memref<6x128xi32, #tpu.memory_space<hbm>>
      %dma_wait3A_91 = arith.constant 0 : i32
      %dma_wait3A_92 = arith.constant 0 : i32
      %dma_wait3A_93 = tpu.memref_slice %arg8[%select_n3A_67, %dma_wait3A_91, %dma_wait3A_92] : memref<2x6x128xi32, #tpu.memory_space<vmem>> -> memref<1x6x128xi32, #tpu.memory_space<vmem>>
      %dma_wait3A_94 = tpu.memref_squeeze %dma_wait3A_93 : memref<1x6x128xi32, #tpu.memory_space<vmem>> -> memref<6x128xi32, #tpu.memory_space<vmem>>
      %dma_wait3A_95 = arith.constant 0 : i32
      %dma_wait3A_96 = arith.constant 0 : i32
      %dma_wait3A_97 = tpu.memref_slice %arg4[%add3A_54, %arg1, %dma_wait3A_95, %dma_wait3A_96] : memref<27x16x6x128xi32, #tpu.memory_space<hbm>> -> memref<1x1x6x128xi32, #tpu.memory_space<hbm>>
      %dma_wait3A_98 = tpu.memref_squeeze %dma_wait3A_97 : memref<1x1x6x128xi32, #tpu.memory_space<hbm>> -> memref<6x128xi32, #tpu.memory_space<hbm>>
      tpu.wait_dma2 semaphore(%arg11 : memref<!tpu.dma_semaphore, #tpu.memory_space<semaphore_mem>>) src(%dma_wait3A_98 : memref<6x128xi32, #tpu.memory_space<hbm>>) dst(%dma_wait3A_94 : memref<6x128xi32, #tpu.memory_space<vmem>>)
      %add3A_99 = arith.constant 1 : i32
      %add3A_100 = arith.addi %while3A_53, %add3A_99 : i32
      %lt3A_101 = arith.cmpi slt, %add3A_100, %select_n3A_7 : i32
      %convert_element_type3A = arith.extui %lt3A_101 : i1 to i32
      %cond3A = arith.constant 0 : i32
      %cond3A_102 = arith.cmpi ne, %convert_element_type3A, %cond3A : i32
      scf.if %cond3A_102 {
        %add3A_540 = arith.constant 1 : i32
        %add3A_541 = arith.addi %add3A_54, %add3A_540 : i32
        %sub3A = arith.constant 1 : i32
        %sub3A_542 = arith.subi %sub3A, %select_n3A_67 : i32
        %dma_start3A_543 = arith.constant 0 : i32
        %dma_start3A_544 = arith.constant 0 : i32
        %dma_start3A_545 = tpu.memref_slice %arg7[%sub3A_542, %dma_start3A_543, %dma_start3A_544] : memref<2x6x128xi32, #tpu.memory_space<vmem>> -> memref<1x6x128xi32, #tpu.memory_space<vmem>>
        %dma_start3A_546 = tpu.memref_squeeze %dma_start3A_545 : memref<1x6x128xi32, #tpu.memory_space<vmem>> -> memref<6x128xi32, #tpu.memory_space<vmem>>
        %dma_start3A_547 = arith.constant 0 : i32
        %dma_start3A_548 = arith.constant 0 : i32
        %dma_start3A_549 = tpu.memref_slice %arg3[%add3A_541, %arg1, %dma_start3A_547, %dma_start3A_548] : memref<27x16x6x128xi32, #tpu.memory_space<hbm>> -> memref<1x1x6x128xi32, #tpu.memory_space<hbm>>
        %dma_start3A_550 = tpu.memref_squeeze %dma_start3A_549 : memref<1x1x6x128xi32, #tpu.memory_space<hbm>> -> memref<6x128xi32, #tpu.memory_space<hbm>>
        %dma_start3A_551 = arith.constant 0 : i32
        %dma_start3A_552 = arith.constant 0 : i32
        %dma_start3A_553 = tpu.memref_slice %arg7[%sub3A_542, %dma_start3A_551, %dma_start3A_552] : memref<2x6x128xi32, #tpu.memory_space<vmem>> -> memref<1x6x128xi32, #tpu.memory_space<vmem>>
        %dma_start3A_554 = tpu.memref_squeeze %dma_start3A_553 : memref<1x6x128xi32, #tpu.memory_space<vmem>> -> memref<6x128xi32, #tpu.memory_space<vmem>>
        %dma_start3A_555 = arith.constant 0 : i32
        %dma_start3A_556 = arith.constant 0 : i32
        %dma_start3A_557 = tpu.memref_slice %arg3[%add3A_541, %arg1, %dma_start3A_555, %dma_start3A_556] : memref<27x16x6x128xi32, #tpu.memory_space<hbm>> -> memref<1x1x6x128xi32, #tpu.memory_space<hbm>>
        %dma_start3A_558 = tpu.memref_squeeze %dma_start3A_557 : memref<1x1x6x128xi32, #tpu.memory_space<hbm>> -> memref<6x128xi32, #tpu.memory_space<hbm>>
        tpu.enqueue_dma source(%dma_start3A_558 : memref<6x128xi32, #tpu.memory_space<hbm>>) target(%dma_start3A_554 : memref<6x128xi32, #tpu.memory_space<vmem>>) target_semaphore(%arg11 : memref<!tpu.dma_semaphore, #tpu.memory_space<semaphore_mem>>)
        %dma_start3A_559 = arith.constant 0 : i32
        %dma_start3A_560 = arith.constant 0 : i32
        %dma_start3A_561 = tpu.memref_slice %arg8[%sub3A_542, %dma_start3A_559, %dma_start3A_560] : memref<2x6x128xi32, #tpu.memory_space<vmem>> -> memref<1x6x128xi32, #tpu.memory_space<vmem>>
        %dma_start3A_562 = tpu.memref_squeeze %dma_start3A_561 : memref<1x6x128xi32, #tpu.memory_space<vmem>> -> memref<6x128xi32, #tpu.memory_space<vmem>>
        %dma_start3A_563 = arith.constant 0 : i32
        %dma_start3A_564 = arith.constant 0 : i32
        %dma_start3A_565 = tpu.memref_slice %arg4[%add3A_541, %arg1, %dma_start3A_563, %dma_start3A_564] : memref<27x16x6x128xi32, #tpu.memory_space<hbm>> -> memref<1x1x6x128xi32, #tpu.memory_space<hbm>>
        %dma_start3A_566 = tpu.memref_squeeze %dma_start3A_565 : memref<1x1x6x128xi32, #tpu.memory_space<hbm>> -> memref<6x128xi32, #tpu.memory_space<hbm>>
        %dma_start3A_567 = arith.constant 0 : i32
        %dma_start3A_568 = arith.constant 0 : i32
        %dma_start3A_569 = tpu.memref_slice %arg8[%sub3A_542, %dma_start3A_567, %dma_start3A_568] : memref<2x6x128xi32, #tpu.memory_space<vmem>> -> memref<1x6x128xi32, #tpu.memory_space<vmem>>
        %dma_start3A_570 = tpu.memref_squeeze %dma_start3A_569 : memref<1x6x128xi32, #tpu.memory_space<vmem>> -> memref<6x128xi32, #tpu.memory_space<vmem>>
        %dma_start3A_571 = arith.constant 0 : i32
        %dma_start3A_572 = arith.constant 0 : i32
        %dma_start3A_573 = tpu.memref_slice %arg4[%add3A_541, %arg1, %dma_start3A_571, %dma_start3A_572] : memref<27x16x6x128xi32, #tpu.memory_space<hbm>> -> memref<1x1x6x128xi32, #tpu.memory_space<hbm>>
        %dma_start3A_574 = tpu.memref_squeeze %dma_start3A_573 : memref<1x1x6x128xi32, #tpu.memory_space<hbm>> -> memref<6x128xi32, #tpu.memory_space<hbm>>
        tpu.enqueue_dma source(%dma_start3A_574 : memref<6x128xi32, #tpu.memory_space<hbm>>) target(%dma_start3A_570 : memref<6x128xi32, #tpu.memory_space<vmem>>) target_semaphore(%arg11 : memref<!tpu.dma_semaphore, #tpu.memory_space<semaphore_mem>>)
      } else {
      }
      %dma_start3A_103 = arith.constant 0 : i32
      %dma_start3A_104 = arith.constant 0 : i32
      %dma_start3A_105 = arith.constant 0 : i32
      %dma_start3A_106 = arith.constant 0 : i32
      %dma_start3A_107 = tpu.memref_slice %arg9[%dma_start3A_104, %dma_start3A_105, %dma_start3A_106] : memref<2x128x128xf32, #tpu.memory_space<vmem>> -> memref<1x128x128xf32, #tpu.memory_space<vmem>>
      %dma_start3A_108 = tpu.memref_squeeze %dma_start3A_107 : memref<1x128x128xf32, #tpu.memory_space<vmem>> -> memref<128x128xf32, #tpu.memory_space<vmem>>
      %dma_start3A_109 = arith.constant 0 : i32
      %dma_start3A_110 = arith.constant 0 : i32
      %dma_start3A_111 = tpu.memref_slice %arg7[%select_n3A_67, %dma_start3A_109, %dma_start3A_110] : memref<2x6x128xi32, #tpu.memory_space<vmem>> -> memref<1x6x128xi32, #tpu.memory_space<vmem>>
      %dma_start3A_112 = tpu.memref_squeeze %dma_start3A_111 : memref<1x6x128xi32, #tpu.memory_space<vmem>> -> memref<6x128xi32, #tpu.memory_space<vmem>>
      %dma_start3A_113 = arith.constant 0 : i32
      %dma_start3A_114 = tpu.memref_slice %dma_start3A_112[%dma_start3A_103, %dma_start3A_113] : memref<6x128xi32, #tpu.memory_space<vmem>> -> memref<1x128xi32, #tpu.memory_space<vmem>>
      %dma_start3A_115 = tpu.memref_squeeze %dma_start3A_114 : memref<1x128xi32, #tpu.memory_space<vmem>> -> memref<128xi32, #tpu.memory_space<vmem>>
      %dma_start3A_116 = arith.constant 0 : i32
      %dma_start3A_117 = arith.constant 0 : i32
      %dma_start3A_118 = tpu.memref_slice %arg2[%add3A_55, %dma_start3A_116, %dma_start3A_117] : memref<27x10000x128xf32, #tpu.memory_space<hbm>> -> memref<1x10000x128xf32, #tpu.memory_space<hbm>>
      %dma_start3A_119 = tpu.memref_squeeze %dma_start3A_118 : memref<1x10000x128xf32, #tpu.memory_space<hbm>> -> memref<10000x128xf32, #tpu.memory_space<hbm>>
      %dma_start3A_120 = arith.constant 0 : i32
      %dma_start3A_121 = arith.constant 0 : i32
      %dma_start3A_122 = tpu.memref_slice %dma_start3A_119[%dma_start3A_120, %dma_start3A_121] : memref<10000x128xf32, #tpu.memory_space<hbm>> -> memref<10000x128xf32, #tpu.memory_space<hbm>>
      tpu.enqueue_indirect_dma source(%dma_start3A_122 : memref<10000x128xf32, #tpu.memory_space<hbm>>) target(%dma_start3A_108 : memref<128x128xf32, #tpu.memory_space<vmem>>) offsets(%dma_start3A_115 : memref<128xi32, #tpu.memory_space<vmem>>) semaphore(%arg12 : memref<!tpu.dma_semaphore, #tpu.memory_space<semaphore_mem>>)
      %dma_start3A_123 = arith.constant 1 : i32
      %dma_start3A_124 = arith.constant 1 : i32
      %dma_start3A_125 = arith.constant 0 : i32
      %dma_start3A_126 = arith.constant 0 : i32
      %dma_start3A_127 = tpu.memref_slice %arg9[%dma_start3A_124, %dma_start3A_125, %dma_start3A_126] : memref<2x128x128xf32, #tpu.memory_space<vmem>> -> memref<1x128x128xf32, #tpu.memory_space<vmem>>
      %dma_start3A_128 = tpu.memref_squeeze %dma_start3A_127 : memref<1x128x128xf32, #tpu.memory_space<vmem>> -> memref<128x128xf32, #tpu.memory_space<vmem>>
      %dma_start3A_129 = arith.constant 0 : i32
      %dma_start3A_130 = arith.constant 0 : i32
      %dma_start3A_131 = tpu.memref_slice %arg7[%select_n3A_67, %dma_start3A_129, %dma_start3A_130] : memref<2x6x128xi32, #tpu.memory_space<vmem>> -> memref<1x6x128xi32, #tpu.memory_space<vmem>>
      %dma_start3A_132 = tpu.memref_squeeze %dma_start3A_131 : memref<1x6x128xi32, #tpu.memory_space<vmem>> -> memref<6x128xi32, #tpu.memory_space<vmem>>
      %dma_start3A_133 = arith.constant 0 : i32
      %dma_start3A_134 = tpu.memref_slice %dma_start3A_132[%dma_start3A_123, %dma_start3A_133] : memref<6x128xi32, #tpu.memory_space<vmem>> -> memref<1x128xi32, #tpu.memory_space<vmem>>
      %dma_start3A_135 = tpu.memref_squeeze %dma_start3A_134 : memref<1x128xi32, #tpu.memory_space<vmem>> -> memref<128xi32, #tpu.memory_space<vmem>>
      %dma_start3A_136 = arith.constant 0 : i32
      %dma_start3A_137 = arith.constant 0 : i32
      %dma_start3A_138 = tpu.memref_slice %arg2[%add3A_55, %dma_start3A_136, %dma_start3A_137] : memref<27x10000x128xf32, #tpu.memory_space<hbm>> -> memref<1x10000x128xf32, #tpu.memory_space<hbm>>
      %dma_start3A_139 = tpu.memref_squeeze %dma_start3A_138 : memref<1x10000x128xf32, #tpu.memory_space<hbm>> -> memref<10000x128xf32, #tpu.memory_space<hbm>>
      %dma_start3A_140 = arith.constant 0 : i32
      %dma_start3A_141 = arith.constant 0 : i32
      %dma_start3A_142 = tpu.memref_slice %dma_start3A_139[%dma_start3A_140, %dma_start3A_141] : memref<10000x128xf32, #tpu.memory_space<hbm>> -> memref<10000x128xf32, #tpu.memory_space<hbm>>
      tpu.enqueue_indirect_dma source(%dma_start3A_142 : memref<10000x128xf32, #tpu.memory_space<hbm>>) target(%dma_start3A_128 : memref<128x128xf32, #tpu.memory_space<vmem>>) offsets(%dma_start3A_135 : memref<128xi32, #tpu.memory_space<vmem>>) semaphore(%arg13 : memref<!tpu.dma_semaphore, #tpu.memory_space<semaphore_mem>>)
      %eq3A_143 = arith.constant 0 : i32
      %eq3A_144 = arith.cmpi eq, %while3A_53, %eq3A_143 : i32
      %convert_element_type3A_145 = arith.extui %eq3A_144 : i1 to i32
      %cond3A_146 = arith.constant 0 : i32
      %cond3A_147 = arith.cmpi ne, %convert_element_type3A_145, %cond3A_146 : i32
      scf.if %cond3A_147 {
        %mul3A_540 = arith.constant 640 : i32
        %mul3A_541 = arith.muli %arg1, %mul3A_540 : i32
        %mul3A_542 = arith.constant 640 : i32
        %mul3A_543 = arith.muli %arg1, %mul3A_542 : i32
        "tpu.region"() ({
          %run_scoped3A = tpu.sem_alloc : memref<!tpu.dma_semaphore, #tpu.memory_space<semaphore_mem>>
          %dma_start3A_545 = arith.constant 0 : i32
          %dma_start3A_546 = tpu.memref_slice %arg10[%mul3A_543, %dma_start3A_545] : memref<10240x128xf32, #tpu.memory_space<vmem_shared>> -> memref<640x128xf32, #tpu.memory_space<vmem_shared>>
          %dma_start3A_547 = arith.constant 0 : i32
          %dma_start3A_548 = tpu.memref_slice %arg5[%mul3A_541, %dma_start3A_547] : memref<10240x128xf32, #tpu.memory_space<hbm>> -> memref<640x128xf32, #tpu.memory_space<hbm>>
          tpu.enqueue_dma source(%dma_start3A_548 : memref<640x128xf32, #tpu.memory_space<hbm>>) target(%dma_start3A_546 : memref<640x128xf32, #tpu.memory_space<vmem_shared>>) target_semaphore(%run_scoped3A : memref<!tpu.dma_semaphore, #tpu.memory_space<semaphore_mem>>)
          %dma_wait3A_549 = arith.constant 0 : i32
          %dma_wait3A_550 = tpu.memref_slice %arg10[%mul3A_543, %dma_wait3A_549] : memref<10240x128xf32, #tpu.memory_space<vmem_shared>> -> memref<640x128xf32, #tpu.memory_space<vmem_shared>>
          %dma_wait3A_551 = arith.constant 0 : i32
          %dma_wait3A_552 = tpu.memref_slice %arg5[%mul3A_541, %dma_wait3A_551] : memref<10240x128xf32, #tpu.memory_space<hbm>> -> memref<640x128xf32, #tpu.memory_space<hbm>>
          tpu.wait_dma2 semaphore(%run_scoped3A : memref<!tpu.dma_semaphore, #tpu.memory_space<semaphore_mem>>) src(%dma_wait3A_552 : memref<640x128xf32, #tpu.memory_space<hbm>>) dst(%dma_wait3A_550 : memref<640x128xf32, #tpu.memory_space<vmem_shared>>)
          tpu.yield
        }) : () -> ()
        %barrier3A_544 = arith.constant 0 : index
        tpu.barrier barrier_id(%barrier3A_544)
      } else {
      }
      %dma_wait3A_148 = arith.constant 0 : i32
      %dma_wait3A_149 = arith.constant 0 : i32
      %dma_wait3A_150 = arith.constant 0 : i32
      %dma_wait3A_151 = arith.constant 0 : i32
      %dma_wait3A_152 = tpu.memref_slice %arg9[%dma_wait3A_149, %dma_wait3A_150, %dma_wait3A_151] : memref<2x128x128xf32, #tpu.memory_space<vmem>> -> memref<1x128x128xf32, #tpu.memory_space<vmem>>
      %dma_wait3A_153 = tpu.memref_squeeze %dma_wait3A_152 : memref<1x128x128xf32, #tpu.memory_space<vmem>> -> memref<128x128xf32, #tpu.memory_space<vmem>>
      %dma_wait3A_154 = arith.constant 0 : i32
      %dma_wait3A_155 = arith.constant 0 : i32
      %dma_wait3A_156 = tpu.memref_slice %arg7[%select_n3A_67, %dma_wait3A_154, %dma_wait3A_155] : memref<2x6x128xi32, #tpu.memory_space<vmem>> -> memref<1x6x128xi32, #tpu.memory_space<vmem>>
      %dma_wait3A_157 = tpu.memref_squeeze %dma_wait3A_156 : memref<1x6x128xi32, #tpu.memory_space<vmem>> -> memref<6x128xi32, #tpu.memory_space<vmem>>
      %dma_wait3A_158 = arith.constant 0 : i32
      %dma_wait3A_159 = tpu.memref_slice %dma_wait3A_157[%dma_wait3A_148, %dma_wait3A_158] : memref<6x128xi32, #tpu.memory_space<vmem>> -> memref<1x128xi32, #tpu.memory_space<vmem>>
      %dma_wait3A_160 = tpu.memref_squeeze %dma_wait3A_159 : memref<1x128xi32, #tpu.memory_space<vmem>> -> memref<128xi32, #tpu.memory_space<vmem>>
      %dma_wait3A_161 = arith.constant 0 : i32
      %dma_wait3A_162 = arith.constant 0 : i32
      %dma_wait3A_163 = tpu.memref_slice %arg2[%add3A_55, %dma_wait3A_161, %dma_wait3A_162] : memref<27x10000x128xf32, #tpu.memory_space<hbm>> -> memref<1x10000x128xf32, #tpu.memory_space<hbm>>
      %dma_wait3A_164 = tpu.memref_squeeze %dma_wait3A_163 : memref<1x10000x128xf32, #tpu.memory_space<hbm>> -> memref<10000x128xf32, #tpu.memory_space<hbm>>
      %dma_wait3A_165 = arith.constant 0 : i32
      %dma_wait3A_166 = arith.constant 0 : i32
      %dma_wait3A_167 = tpu.memref_slice %dma_wait3A_164[%dma_wait3A_165, %dma_wait3A_166] : memref<10000x128xf32, #tpu.memory_space<hbm>> -> memref<10000x128xf32, #tpu.memory_space<hbm>>
      tpu.wait_indirect_dma semaphore(%arg12 : memref<!tpu.dma_semaphore, #tpu.memory_space<semaphore_mem>>) src(%dma_wait3A_167 : memref<10000x128xf32, #tpu.memory_space<hbm>>) dst(%dma_wait3A_153 : memref<128x128xf32, #tpu.memory_space<vmem>>)
      %dma_start3A_168 = arith.constant 0 : i32
      %dma_start3A_169 = arith.constant 0 : i32
      %dma_start3A_170 = arith.constant 0 : i32
      %dma_start3A_171 = arith.constant 0 : i32
      %dma_start3A_172 = tpu.memref_slice %arg9[%dma_start3A_168, %dma_start3A_170, %dma_start3A_171] : memref<2x128x128xf32, #tpu.memory_space<vmem>> -> memref<1x128x128xf32, #tpu.memory_space<vmem>>
      %dma_start3A_173 = tpu.memref_squeeze %dma_start3A_172 : memref<1x128x128xf32, #tpu.memory_space<vmem>> -> memref<128x128xf32, #tpu.memory_space<vmem>>
      %dma_start3A_174 = arith.constant 0 : i32
      %dma_start3A_175 = arith.constant 0 : i32
      %dma_start3A_176 = tpu.memref_slice %arg8[%select_n3A_67, %dma_start3A_174, %dma_start3A_175] : memref<2x6x128xi32, #tpu.memory_space<vmem>> -> memref<1x6x128xi32, #tpu.memory_space<vmem>>
      %dma_start3A_177 = tpu.memref_squeeze %dma_start3A_176 : memref<1x6x128xi32, #tpu.memory_space<vmem>> -> memref<6x128xi32, #tpu.memory_space<vmem>>
      %dma_start3A_178 = arith.constant 0 : i32
      %dma_start3A_179 = tpu.memref_slice %dma_start3A_177[%dma_start3A_169, %dma_start3A_178] : memref<6x128xi32, #tpu.memory_space<vmem>> -> memref<1x128xi32, #tpu.memory_space<vmem>>
      %dma_start3A_180 = tpu.memref_squeeze %dma_start3A_179 : memref<1x128xi32, #tpu.memory_space<vmem>> -> memref<128xi32, #tpu.memory_space<vmem>>
      %dma_start3A_181 = arith.constant 0 : i32
      %dma_start3A_182 = arith.constant 0 : i32
      %dma_start3A_183 = tpu.memref_slice %arg10[%dma_start3A_181, %dma_start3A_182] : memref<10240x128xf32, #tpu.memory_space<vmem_shared>> -> memref<10240x128xf32, #tpu.memory_space<vmem_shared>>
      tpu.enqueue_indirect_dma source(%dma_start3A_173 : memref<128x128xf32, #tpu.memory_space<vmem>>) target(%dma_start3A_183 : memref<10240x128xf32, #tpu.memory_space<vmem_shared>>) offsets(%dma_start3A_180 : memref<128xi32, #tpu.memory_space<vmem>>) semaphore(%arg16 : memref<!tpu.dma_semaphore, #tpu.memory_space<semaphore_mem>>) {add = true}
      %dma_wait3A_184 = arith.constant 0 : i32
      %dma_wait3A_185 = arith.constant 0 : i32
      %dma_wait3A_186 = arith.constant 0 : i32
      %dma_wait3A_187 = arith.constant 0 : i32
      %dma_wait3A_188 = tpu.memref_slice %arg9[%dma_wait3A_184, %dma_wait3A_186, %dma_wait3A_187] : memref<2x128x128xf32, #tpu.memory_space<vmem>> -> memref<1x128x128xf32, #tpu.memory_space<vmem>>
      %dma_wait3A_189 = tpu.memref_squeeze %dma_wait3A_188 : memref<1x128x128xf32, #tpu.memory_space<vmem>> -> memref<128x128xf32, #tpu.memory_space<vmem>>
      %dma_wait3A_190 = arith.constant 0 : i32
      %dma_wait3A_191 = arith.constant 0 : i32
      %dma_wait3A_192 = tpu.memref_slice %arg8[%select_n3A_67, %dma_wait3A_190, %dma_wait3A_191] : memref<2x6x128xi32, #tpu.memory_space<vmem>> -> memref<1x6x128xi32, #tpu.memory_space<vmem>>
      %dma_wait3A_193 = tpu.memref_squeeze %dma_wait3A_192 : memref<1x6x128xi32, #tpu.memory_space<vmem>> -> memref<6x128xi32, #tpu.memory_space<vmem>>
      %dma_wait3A_194 = arith.constant 0 : i32
      %dma_wait3A_195 = tpu.memref_slice %dma_wait3A_193[%dma_wait3A_185, %dma_wait3A_194] : memref<6x128xi32, #tpu.memory_space<vmem>> -> memref<1x128xi32, #tpu.memory_space<vmem>>
      %dma_wait3A_196 = tpu.memref_squeeze %dma_wait3A_195 : memref<1x128xi32, #tpu.memory_space<vmem>> -> memref<128xi32, #tpu.memory_space<vmem>>
      %dma_wait3A_197 = arith.constant 0 : i32
      %dma_wait3A_198 = arith.constant 0 : i32
      %dma_wait3A_199 = tpu.memref_slice %arg10[%dma_wait3A_197, %dma_wait3A_198] : memref<10240x128xf32, #tpu.memory_space<vmem_shared>> -> memref<10240x128xf32, #tpu.memory_space<vmem_shared>>
      tpu.wait_indirect_dma semaphore(%arg16 : memref<!tpu.dma_semaphore, #tpu.memory_space<semaphore_mem>>) src(%dma_wait3A_189 : memref<128x128xf32, #tpu.memory_space<vmem>>) dst(%dma_wait3A_199 : memref<10240x128xf32, #tpu.memory_space<vmem_shared>>)
      %dma_start3A_200 = arith.constant 2 : i32
      %dma_start3A_201 = arith.constant 0 : i32
      %dma_start3A_202 = arith.constant 0 : i32
      %dma_start3A_203 = arith.constant 0 : i32
      %dma_start3A_204 = tpu.memref_slice %arg9[%dma_start3A_201, %dma_start3A_202, %dma_start3A_203] : memref<2x128x128xf32, #tpu.memory_space<vmem>> -> memref<1x128x128xf32, #tpu.memory_space<vmem>>
      %dma_start3A_205 = tpu.memref_squeeze %dma_start3A_204 : memref<1x128x128xf32, #tpu.memory_space<vmem>> -> memref<128x128xf32, #tpu.memory_space<vmem>>
      %dma_start3A_206 = arith.constant 0 : i32
      %dma_start3A_207 = arith.constant 0 : i32
      %dma_start3A_208 = tpu.memref_slice %arg7[%select_n3A_67, %dma_start3A_206, %dma_start3A_207] : memref<2x6x128xi32, #tpu.memory_space<vmem>> -> memref<1x6x128xi32, #tpu.memory_space<vmem>>
      %dma_start3A_209 = tpu.memref_squeeze %dma_start3A_208 : memref<1x6x128xi32, #tpu.memory_space<vmem>> -> memref<6x128xi32, #tpu.memory_space<vmem>>
      %dma_start3A_210 = arith.constant 0 : i32
      %dma_start3A_211 = tpu.memref_slice %dma_start3A_209[%dma_start3A_200, %dma_start3A_210] : memref<6x128xi32, #tpu.memory_space<vmem>> -> memref<1x128xi32, #tpu.memory_space<vmem>>
      %dma_start3A_212 = tpu.memref_squeeze %dma_start3A_211 : memref<1x128xi32, #tpu.memory_space<vmem>> -> memref<128xi32, #tpu.memory_space<vmem>>
      %dma_start3A_213 = arith.constant 0 : i32
      %dma_start3A_214 = arith.constant 0 : i32
      %dma_start3A_215 = tpu.memref_slice %arg2[%add3A_55, %dma_start3A_213, %dma_start3A_214] : memref<27x10000x128xf32, #tpu.memory_space<hbm>> -> memref<1x10000x128xf32, #tpu.memory_space<hbm>>
      %dma_start3A_216 = tpu.memref_squeeze %dma_start3A_215 : memref<1x10000x128xf32, #tpu.memory_space<hbm>> -> memref<10000x128xf32, #tpu.memory_space<hbm>>
      %dma_start3A_217 = arith.constant 0 : i32
      %dma_start3A_218 = arith.constant 0 : i32
      %dma_start3A_219 = tpu.memref_slice %dma_start3A_216[%dma_start3A_217, %dma_start3A_218] : memref<10000x128xf32, #tpu.memory_space<hbm>> -> memref<10000x128xf32, #tpu.memory_space<hbm>>
      tpu.enqueue_indirect_dma source(%dma_start3A_219 : memref<10000x128xf32, #tpu.memory_space<hbm>>) target(%dma_start3A_205 : memref<128x128xf32, #tpu.memory_space<vmem>>) offsets(%dma_start3A_212 : memref<128xi32, #tpu.memory_space<vmem>>) semaphore(%arg12 : memref<!tpu.dma_semaphore, #tpu.memory_space<semaphore_mem>>)
      %dma_wait3A_220 = arith.constant 1 : i32
      %dma_wait3A_221 = arith.constant 1 : i32
      %dma_wait3A_222 = arith.constant 0 : i32
      %dma_wait3A_223 = arith.constant 0 : i32
      %dma_wait3A_224 = tpu.memref_slice %arg9[%dma_wait3A_221, %dma_wait3A_222, %dma_wait3A_223] : memref<2x128x128xf32, #tpu.memory_space<vmem>> -> memref<1x128x128xf32, #tpu.memory_space<vmem>>
      %dma_wait3A_225 = tpu.memref_squeeze %dma_wait3A_224 : memref<1x128x128xf32, #tpu.memory_space<vmem>> -> memref<128x128xf32, #tpu.memory_space<vmem>>
      %dma_wait3A_226 = arith.constant 0 : i32
      %dma_wait3A_227 = arith.constant 0 : i32
      %dma_wait3A_228 = tpu.memref_slice %arg7[%select_n3A_67, %dma_wait3A_226, %dma_wait3A_227] : memref<2x6x128xi32, #tpu.memory_space<vmem>> -> memref<1x6x128xi32, #tpu.memory_space<vmem>>
      %dma_wait3A_229 = tpu.memref_squeeze %dma_wait3A_228 : memref<1x6x128xi32, #tpu.memory_space<vmem>> -> memref<6x128xi32, #tpu.memory_space<vmem>>
      %dma_wait3A_230 = arith.constant 0 : i32
      %dma_wait3A_231 = tpu.memref_slice %dma_wait3A_229[%dma_wait3A_220, %dma_wait3A_230] : memref<6x128xi32, #tpu.memory_space<vmem>> -> memref<1x128xi32, #tpu.memory_space<vmem>>
      %dma_wait3A_232 = tpu.memref_squeeze %dma_wait3A_231 : memref<1x128xi32, #tpu.memory_space<vmem>> -> memref<128xi32, #tpu.memory_space<vmem>>
      %dma_wait3A_233 = arith.constant 0 : i32
      %dma_wait3A_234 = arith.constant 0 : i32
      %dma_wait3A_235 = tpu.memref_slice %arg2[%add3A_55, %dma_wait3A_233, %dma_wait3A_234] : memref<27x10000x128xf32, #tpu.memory_space<hbm>> -> memref<1x10000x128xf32, #tpu.memory_space<hbm>>
      %dma_wait3A_236 = tpu.memref_squeeze %dma_wait3A_235 : memref<1x10000x128xf32, #tpu.memory_space<hbm>> -> memref<10000x128xf32, #tpu.memory_space<hbm>>
      %dma_wait3A_237 = arith.constant 0 : i32
      %dma_wait3A_238 = arith.constant 0 : i32
      %dma_wait3A_239 = tpu.memref_slice %dma_wait3A_236[%dma_wait3A_237, %dma_wait3A_238] : memref<10000x128xf32, #tpu.memory_space<hbm>> -> memref<10000x128xf32, #tpu.memory_space<hbm>>
      tpu.wait_indirect_dma semaphore(%arg13 : memref<!tpu.dma_semaphore, #tpu.memory_space<semaphore_mem>>) src(%dma_wait3A_239 : memref<10000x128xf32, #tpu.memory_space<hbm>>) dst(%dma_wait3A_225 : memref<128x128xf32, #tpu.memory_space<vmem>>)
      %dma_start3A_240 = arith.constant 1 : i32
      %dma_start3A_241 = arith.constant 1 : i32
      %dma_start3A_242 = arith.constant 0 : i32
      %dma_start3A_243 = arith.constant 0 : i32
      %dma_start3A_244 = tpu.memref_slice %arg9[%dma_start3A_240, %dma_start3A_242, %dma_start3A_243] : memref<2x128x128xf32, #tpu.memory_space<vmem>> -> memref<1x128x128xf32, #tpu.memory_space<vmem>>
      %dma_start3A_245 = tpu.memref_squeeze %dma_start3A_244 : memref<1x128x128xf32, #tpu.memory_space<vmem>> -> memref<128x128xf32, #tpu.memory_space<vmem>>
      %dma_start3A_246 = arith.constant 0 : i32
      %dma_start3A_247 = arith.constant 0 : i32
      %dma_start3A_248 = tpu.memref_slice %arg8[%select_n3A_67, %dma_start3A_246, %dma_start3A_247] : memref<2x6x128xi32, #tpu.memory_space<vmem>> -> memref<1x6x128xi32, #tpu.memory_space<vmem>>
      %dma_start3A_249 = tpu.memref_squeeze %dma_start3A_248 : memref<1x6x128xi32, #tpu.memory_space<vmem>> -> memref<6x128xi32, #tpu.memory_space<vmem>>
      %dma_start3A_250 = arith.constant 0 : i32
      %dma_start3A_251 = tpu.memref_slice %dma_start3A_249[%dma_start3A_241, %dma_start3A_250] : memref<6x128xi32, #tpu.memory_space<vmem>> -> memref<1x128xi32, #tpu.memory_space<vmem>>
      %dma_start3A_252 = tpu.memref_squeeze %dma_start3A_251 : memref<1x128xi32, #tpu.memory_space<vmem>> -> memref<128xi32, #tpu.memory_space<vmem>>
      %dma_start3A_253 = arith.constant 0 : i32
      %dma_start3A_254 = arith.constant 0 : i32
      %dma_start3A_255 = tpu.memref_slice %arg10[%dma_start3A_253, %dma_start3A_254] : memref<10240x128xf32, #tpu.memory_space<vmem_shared>> -> memref<10240x128xf32, #tpu.memory_space<vmem_shared>>
      tpu.enqueue_indirect_dma source(%dma_start3A_245 : memref<128x128xf32, #tpu.memory_space<vmem>>) target(%dma_start3A_255 : memref<10240x128xf32, #tpu.memory_space<vmem_shared>>) offsets(%dma_start3A_252 : memref<128xi32, #tpu.memory_space<vmem>>) semaphore(%arg17 : memref<!tpu.dma_semaphore, #tpu.memory_space<semaphore_mem>>) {add = true}
      %dma_wait3A_256 = arith.constant 1 : i32
      %dma_wait3A_257 = arith.constant 1 : i32
      %dma_wait3A_258 = arith.constant 0 : i32
      %dma_wait3A_259 = arith.constant 0 : i32
      %dma_wait3A_260 = tpu.memref_slice %arg9[%dma_wait3A_256, %dma_wait3A_258, %dma_wait3A_259] : memref<2x128x128xf32, #tpu.memory_space<vmem>> -> memref<1x128x128xf32, #tpu.memory_space<vmem>>
      %dma_wait3A_261 = tpu.memref_squeeze %dma_wait3A_260 : memref<1x128x128xf32, #tpu.memory_space<vmem>> -> memref<128x128xf32, #tpu.memory_space<vmem>>
      %dma_wait3A_262 = arith.constant 0 : i32
      %dma_wait3A_263 = arith.constant 0 : i32
      %dma_wait3A_264 = tpu.memref_slice %arg8[%select_n3A_67, %dma_wait3A_262, %dma_wait3A_263] : memref<2x6x128xi32, #tpu.memory_space<vmem>> -> memref<1x6x128xi32, #tpu.memory_space<vmem>>
      %dma_wait3A_265 = tpu.memref_squeeze %dma_wait3A_264 : memref<1x6x128xi32, #tpu.memory_space<vmem>> -> memref<6x128xi32, #tpu.memory_space<vmem>>
      %dma_wait3A_266 = arith.constant 0 : i32
      %dma_wait3A_267 = tpu.memref_slice %dma_wait3A_265[%dma_wait3A_257, %dma_wait3A_266] : memref<6x128xi32, #tpu.memory_space<vmem>> -> memref<1x128xi32, #tpu.memory_space<vmem>>
      %dma_wait3A_268 = tpu.memref_squeeze %dma_wait3A_267 : memref<1x128xi32, #tpu.memory_space<vmem>> -> memref<128xi32, #tpu.memory_space<vmem>>
      %dma_wait3A_269 = arith.constant 0 : i32
      %dma_wait3A_270 = arith.constant 0 : i32
      %dma_wait3A_271 = tpu.memref_slice %arg10[%dma_wait3A_269, %dma_wait3A_270] : memref<10240x128xf32, #tpu.memory_space<vmem_shared>> -> memref<10240x128xf32, #tpu.memory_space<vmem_shared>>
      tpu.wait_indirect_dma semaphore(%arg17 : memref<!tpu.dma_semaphore, #tpu.memory_space<semaphore_mem>>) src(%dma_wait3A_261 : memref<128x128xf32, #tpu.memory_space<vmem>>) dst(%dma_wait3A_271 : memref<10240x128xf32, #tpu.memory_space<vmem_shared>>)
      %dma_start3A_272 = arith.constant 3 : i32
      %dma_start3A_273 = arith.constant 1 : i32
      %dma_start3A_274 = arith.constant 0 : i32
      %dma_start3A_275 = arith.constant 0 : i32
      %dma_start3A_276 = tpu.memref_slice %arg9[%dma_start3A_273, %dma_start3A_274, %dma_start3A_275] : memref<2x128x128xf32, #tpu.memory_space<vmem>> -> memref<1x128x128xf32, #tpu.memory_space<vmem>>
      %dma_start3A_277 = tpu.memref_squeeze %dma_start3A_276 : memref<1x128x128xf32, #tpu.memory_space<vmem>> -> memref<128x128xf32, #tpu.memory_space<vmem>>
      %dma_start3A_278 = arith.constant 0 : i32
      %dma_start3A_279 = arith.constant 0 : i32
      %dma_start3A_280 = tpu.memref_slice %arg7[%select_n3A_67, %dma_start3A_278, %dma_start3A_279] : memref<2x6x128xi32, #tpu.memory_space<vmem>> -> memref<1x6x128xi32, #tpu.memory_space<vmem>>
      %dma_start3A_281 = tpu.memref_squeeze %dma_start3A_280 : memref<1x6x128xi32, #tpu.memory_space<vmem>> -> memref<6x128xi32, #tpu.memory_space<vmem>>
      %dma_start3A_282 = arith.constant 0 : i32
      %dma_start3A_283 = tpu.memref_slice %dma_start3A_281[%dma_start3A_272, %dma_start3A_282] : memref<6x128xi32, #tpu.memory_space<vmem>> -> memref<1x128xi32, #tpu.memory_space<vmem>>
      %dma_start3A_284 = tpu.memref_squeeze %dma_start3A_283 : memref<1x128xi32, #tpu.memory_space<vmem>> -> memref<128xi32, #tpu.memory_space<vmem>>
      %dma_start3A_285 = arith.constant 0 : i32
      %dma_start3A_286 = arith.constant 0 : i32
      %dma_start3A_287 = tpu.memref_slice %arg2[%add3A_55, %dma_start3A_285, %dma_start3A_286] : memref<27x10000x128xf32, #tpu.memory_space<hbm>> -> memref<1x10000x128xf32, #tpu.memory_space<hbm>>
      %dma_start3A_288 = tpu.memref_squeeze %dma_start3A_287 : memref<1x10000x128xf32, #tpu.memory_space<hbm>> -> memref<10000x128xf32, #tpu.memory_space<hbm>>
      %dma_start3A_289 = arith.constant 0 : i32
      %dma_start3A_290 = arith.constant 0 : i32
      %dma_start3A_291 = tpu.memref_slice %dma_start3A_288[%dma_start3A_289, %dma_start3A_290] : memref<10000x128xf32, #tpu.memory_space<hbm>> -> memref<10000x128xf32, #tpu.memory_space<hbm>>
      tpu.enqueue_indirect_dma source(%dma_start3A_291 : memref<10000x128xf32, #tpu.memory_space<hbm>>) target(%dma_start3A_277 : memref<128x128xf32, #tpu.memory_space<vmem>>) offsets(%dma_start3A_284 : memref<128xi32, #tpu.memory_space<vmem>>) semaphore(%arg13 : memref<!tpu.dma_semaphore, #tpu.memory_space<semaphore_mem>>)
      %dma_wait3A_292 = arith.constant 2 : i32
      %dma_wait3A_293 = arith.constant 0 : i32
      %dma_wait3A_294 = arith.constant 0 : i32
      %dma_wait3A_295 = arith.constant 0 : i32
      %dma_wait3A_296 = tpu.memref_slice %arg9[%dma_wait3A_293, %dma_wait3A_294, %dma_wait3A_295] : memref<2x128x128xf32, #tpu.memory_space<vmem>> -> memref<1x128x128xf32, #tpu.memory_space<vmem>>
      %dma_wait3A_297 = tpu.memref_squeeze %dma_wait3A_296 : memref<1x128x128xf32, #tpu.memory_space<vmem>> -> memref<128x128xf32, #tpu.memory_space<vmem>>
      %dma_wait3A_298 = arith.constant 0 : i32
      %dma_wait3A_299 = arith.constant 0 : i32
      %dma_wait3A_300 = tpu.memref_slice %arg7[%select_n3A_67, %dma_wait3A_298, %dma_wait3A_299] : memref<2x6x128xi32, #tpu.memory_space<vmem>> -> memref<1x6x128xi32, #tpu.memory_space<vmem>>
      %dma_wait3A_301 = tpu.memref_squeeze %dma_wait3A_300 : memref<1x6x128xi32, #tpu.memory_space<vmem>> -> memref<6x128xi32, #tpu.memory_space<vmem>>
      %dma_wait3A_302 = arith.constant 0 : i32
      %dma_wait3A_303 = tpu.memref_slice %dma_wait3A_301[%dma_wait3A_292, %dma_wait3A_302] : memref<6x128xi32, #tpu.memory_space<vmem>> -> memref<1x128xi32, #tpu.memory_space<vmem>>
      %dma_wait3A_304 = tpu.memref_squeeze %dma_wait3A_303 : memref<1x128xi32, #tpu.memory_space<vmem>> -> memref<128xi32, #tpu.memory_space<vmem>>
      %dma_wait3A_305 = arith.constant 0 : i32
      %dma_wait3A_306 = arith.constant 0 : i32
      %dma_wait3A_307 = tpu.memref_slice %arg2[%add3A_55, %dma_wait3A_305, %dma_wait3A_306] : memref<27x10000x128xf32, #tpu.memory_space<hbm>> -> memref<1x10000x128xf32, #tpu.memory_space<hbm>>
      %dma_wait3A_308 = tpu.memref_squeeze %dma_wait3A_307 : memref<1x10000x128xf32, #tpu.memory_space<hbm>> -> memref<10000x128xf32, #tpu.memory_space<hbm>>
      %dma_wait3A_309 = arith.constant 0 : i32
      %dma_wait3A_310 = arith.constant 0 : i32
      %dma_wait3A_311 = tpu.memref_slice %dma_wait3A_308[%dma_wait3A_309, %dma_wait3A_310] : memref<10000x128xf32, #tpu.memory_space<hbm>> -> memref<10000x128xf32, #tpu.memory_space<hbm>>
      tpu.wait_indirect_dma semaphore(%arg12 : memref<!tpu.dma_semaphore, #tpu.memory_space<semaphore_mem>>) src(%dma_wait3A_311 : memref<10000x128xf32, #tpu.memory_space<hbm>>) dst(%dma_wait3A_297 : memref<128x128xf32, #tpu.memory_space<vmem>>)
      %dma_start3A_312 = arith.constant 0 : i32
      %dma_start3A_313 = arith.constant 2 : i32
      %dma_start3A_314 = arith.constant 0 : i32
      %dma_start3A_315 = arith.constant 0 : i32
      %dma_start3A_316 = tpu.memref_slice %arg9[%dma_start3A_312, %dma_start3A_314, %dma_start3A_315] : memref<2x128x128xf32, #tpu.memory_space<vmem>> -> memref<1x128x128xf32, #tpu.memory_space<vmem>>
      %dma_start3A_317 = tpu.memref_squeeze %dma_start3A_316 : memref<1x128x128xf32, #tpu.memory_space<vmem>> -> memref<128x128xf32, #tpu.memory_space<vmem>>
      %dma_start3A_318 = arith.constant 0 : i32
      %dma_start3A_319 = arith.constant 0 : i32
      %dma_start3A_320 = tpu.memref_slice %arg8[%select_n3A_67, %dma_start3A_318, %dma_start3A_319] : memref<2x6x128xi32, #tpu.memory_space<vmem>> -> memref<1x6x128xi32, #tpu.memory_space<vmem>>
      %dma_start3A_321 = tpu.memref_squeeze %dma_start3A_320 : memref<1x6x128xi32, #tpu.memory_space<vmem>> -> memref<6x128xi32, #tpu.memory_space<vmem>>
      %dma_start3A_322 = arith.constant 0 : i32
      %dma_start3A_323 = tpu.memref_slice %dma_start3A_321[%dma_start3A_313, %dma_start3A_322] : memref<6x128xi32, #tpu.memory_space<vmem>> -> memref<1x128xi32, #tpu.memory_space<vmem>>
      %dma_start3A_324 = tpu.memref_squeeze %dma_start3A_323 : memref<1x128xi32, #tpu.memory_space<vmem>> -> memref<128xi32, #tpu.memory_space<vmem>>
      %dma_start3A_325 = arith.constant 0 : i32
      %dma_start3A_326 = arith.constant 0 : i32
      %dma_start3A_327 = tpu.memref_slice %arg10[%dma_start3A_325, %dma_start3A_326] : memref<10240x128xf32, #tpu.memory_space<vmem_shared>> -> memref<10240x128xf32, #tpu.memory_space<vmem_shared>>
      tpu.enqueue_indirect_dma source(%dma_start3A_317 : memref<128x128xf32, #tpu.memory_space<vmem>>) target(%dma_start3A_327 : memref<10240x128xf32, #tpu.memory_space<vmem_shared>>) offsets(%dma_start3A_324 : memref<128xi32, #tpu.memory_space<vmem>>) semaphore(%arg16 : memref<!tpu.dma_semaphore, #tpu.memory_space<semaphore_mem>>) {add = true}
      %dma_wait3A_328 = arith.constant 0 : i32
      %dma_wait3A_329 = arith.constant 2 : i32
      %dma_wait3A_330 = arith.constant 0 : i32
      %dma_wait3A_331 = arith.constant 0 : i32
      %dma_wait3A_332 = tpu.memref_slice %arg9[%dma_wait3A_328, %dma_wait3A_330, %dma_wait3A_331] : memref<2x128x128xf32, #tpu.memory_space<vmem>> -> memref<1x128x128xf32, #tpu.memory_space<vmem>>
      %dma_wait3A_333 = tpu.memref_squeeze %dma_wait3A_332 : memref<1x128x128xf32, #tpu.memory_space<vmem>> -> memref<128x128xf32, #tpu.memory_space<vmem>>
      %dma_wait3A_334 = arith.constant 0 : i32
      %dma_wait3A_335 = arith.constant 0 : i32
      %dma_wait3A_336 = tpu.memref_slice %arg8[%select_n3A_67, %dma_wait3A_334, %dma_wait3A_335] : memref<2x6x128xi32, #tpu.memory_space<vmem>> -> memref<1x6x128xi32, #tpu.memory_space<vmem>>
      %dma_wait3A_337 = tpu.memref_squeeze %dma_wait3A_336 : memref<1x6x128xi32, #tpu.memory_space<vmem>> -> memref<6x128xi32, #tpu.memory_space<vmem>>
      %dma_wait3A_338 = arith.constant 0 : i32
      %dma_wait3A_339 = tpu.memref_slice %dma_wait3A_337[%dma_wait3A_329, %dma_wait3A_338] : memref<6x128xi32, #tpu.memory_space<vmem>> -> memref<1x128xi32, #tpu.memory_space<vmem>>
      %dma_wait3A_340 = tpu.memref_squeeze %dma_wait3A_339 : memref<1x128xi32, #tpu.memory_space<vmem>> -> memref<128xi32, #tpu.memory_space<vmem>>
      %dma_wait3A_341 = arith.constant 0 : i32
      %dma_wait3A_342 = arith.constant 0 : i32
      %dma_wait3A_343 = tpu.memref_slice %arg10[%dma_wait3A_341, %dma_wait3A_342] : memref<10240x128xf32, #tpu.memory_space<vmem_shared>> -> memref<10240x128xf32, #tpu.memory_space<vmem_shared>>
      tpu.wait_indirect_dma semaphore(%arg16 : memref<!tpu.dma_semaphore, #tpu.memory_space<semaphore_mem>>) src(%dma_wait3A_333 : memref<128x128xf32, #tpu.memory_space<vmem>>) dst(%dma_wait3A_343 : memref<10240x128xf32, #tpu.memory_space<vmem_shared>>)
      %dma_start3A_344 = arith.constant 4 : i32
      %dma_start3A_345 = arith.constant 0 : i32
      %dma_start3A_346 = arith.constant 0 : i32
      %dma_start3A_347 = arith.constant 0 : i32
      %dma_start3A_348 = tpu.memref_slice %arg9[%dma_start3A_345, %dma_start3A_346, %dma_start3A_347] : memref<2x128x128xf32, #tpu.memory_space<vmem>> -> memref<1x128x128xf32, #tpu.memory_space<vmem>>
      %dma_start3A_349 = tpu.memref_squeeze %dma_start3A_348 : memref<1x128x128xf32, #tpu.memory_space<vmem>> -> memref<128x128xf32, #tpu.memory_space<vmem>>
      %dma_start3A_350 = arith.constant 0 : i32
      %dma_start3A_351 = arith.constant 0 : i32
      %dma_start3A_352 = tpu.memref_slice %arg7[%select_n3A_67, %dma_start3A_350, %dma_start3A_351] : memref<2x6x128xi32, #tpu.memory_space<vmem>> -> memref<1x6x128xi32, #tpu.memory_space<vmem>>
      %dma_start3A_353 = tpu.memref_squeeze %dma_start3A_352 : memref<1x6x128xi32, #tpu.memory_space<vmem>> -> memref<6x128xi32, #tpu.memory_space<vmem>>
      %dma_start3A_354 = arith.constant 0 : i32
      %dma_start3A_355 = tpu.memref_slice %dma_start3A_353[%dma_start3A_344, %dma_start3A_354] : memref<6x128xi32, #tpu.memory_space<vmem>> -> memref<1x128xi32, #tpu.memory_space<vmem>>
      %dma_start3A_356 = tpu.memref_squeeze %dma_start3A_355 : memref<1x128xi32, #tpu.memory_space<vmem>> -> memref<128xi32, #tpu.memory_space<vmem>>
      %dma_start3A_357 = arith.constant 0 : i32
      %dma_start3A_358 = arith.constant 0 : i32
      %dma_start3A_359 = tpu.memref_slice %arg2[%add3A_55, %dma_start3A_357, %dma_start3A_358] : memref<27x10000x128xf32, #tpu.memory_space<hbm>> -> memref<1x10000x128xf32, #tpu.memory_space<hbm>>
      %dma_start3A_360 = tpu.memref_squeeze %dma_start3A_359 : memref<1x10000x128xf32, #tpu.memory_space<hbm>> -> memref<10000x128xf32, #tpu.memory_space<hbm>>
      %dma_start3A_361 = arith.constant 0 : i32
      %dma_start3A_362 = arith.constant 0 : i32
      %dma_start3A_363 = tpu.memref_slice %dma_start3A_360[%dma_start3A_361, %dma_start3A_362] : memref<10000x128xf32, #tpu.memory_space<hbm>> -> memref<10000x128xf32, #tpu.memory_space<hbm>>
      tpu.enqueue_indirect_dma source(%dma_start3A_363 : memref<10000x128xf32, #tpu.memory_space<hbm>>) target(%dma_start3A_349 : memref<128x128xf32, #tpu.memory_space<vmem>>) offsets(%dma_start3A_356 : memref<128xi32, #tpu.memory_space<vmem>>) semaphore(%arg12 : memref<!tpu.dma_semaphore, #tpu.memory_space<semaphore_mem>>)
      %dma_wait3A_364 = arith.constant 3 : i32
      %dma_wait3A_365 = arith.constant 1 : i32
      %dma_wait3A_366 = arith.constant 0 : i32
      %dma_wait3A_367 = arith.constant 0 : i32
      %dma_wait3A_368 = tpu.memref_slice %arg9[%dma_wait3A_365, %dma_wait3A_366, %dma_wait3A_367] : memref<2x128x128xf32, #tpu.memory_space<vmem>> -> memref<1x128x128xf32, #tpu.memory_space<vmem>>
      %dma_wait3A_369 = tpu.memref_squeeze %dma_wait3A_368 : memref<1x128x128xf32, #tpu.memory_space<vmem>> -> memref<128x128xf32, #tpu.memory_space<vmem>>
      %dma_wait3A_370 = arith.constant 0 : i32
      %dma_wait3A_371 = arith.constant 0 : i32
      %dma_wait3A_372 = tpu.memref_slice %arg7[%select_n3A_67, %dma_wait3A_370, %dma_wait3A_371] : memref<2x6x128xi32, #tpu.memory_space<vmem>> -> memref<1x6x128xi32, #tpu.memory_space<vmem>>
      %dma_wait3A_373 = tpu.memref_squeeze %dma_wait3A_372 : memref<1x6x128xi32, #tpu.memory_space<vmem>> -> memref<6x128xi32, #tpu.memory_space<vmem>>
      %dma_wait3A_374 = arith.constant 0 : i32
      %dma_wait3A_375 = tpu.memref_slice %dma_wait3A_373[%dma_wait3A_364, %dma_wait3A_374] : memref<6x128xi32, #tpu.memory_space<vmem>> -> memref<1x128xi32, #tpu.memory_space<vmem>>
      %dma_wait3A_376 = tpu.memref_squeeze %dma_wait3A_375 : memref<1x128xi32, #tpu.memory_space<vmem>> -> memref<128xi32, #tpu.memory_space<vmem>>
      %dma_wait3A_377 = arith.constant 0 : i32
      %dma_wait3A_378 = arith.constant 0 : i32
      %dma_wait3A_379 = tpu.memref_slice %arg2[%add3A_55, %dma_wait3A_377, %dma_wait3A_378] : memref<27x10000x128xf32, #tpu.memory_space<hbm>> -> memref<1x10000x128xf32, #tpu.memory_space<hbm>>
      %dma_wait3A_380 = tpu.memref_squeeze %dma_wait3A_379 : memref<1x10000x128xf32, #tpu.memory_space<hbm>> -> memref<10000x128xf32, #tpu.memory_space<hbm>>
      %dma_wait3A_381 = arith.constant 0 : i32
      %dma_wait3A_382 = arith.constant 0 : i32
      %dma_wait3A_383 = tpu.memref_slice %dma_wait3A_380[%dma_wait3A_381, %dma_wait3A_382] : memref<10000x128xf32, #tpu.memory_space<hbm>> -> memref<10000x128xf32, #tpu.memory_space<hbm>>
      tpu.wait_indirect_dma semaphore(%arg13 : memref<!tpu.dma_semaphore, #tpu.memory_space<semaphore_mem>>) src(%dma_wait3A_383 : memref<10000x128xf32, #tpu.memory_space<hbm>>) dst(%dma_wait3A_369 : memref<128x128xf32, #tpu.memory_space<vmem>>)
      %dma_start3A_384 = arith.constant 1 : i32
      %dma_start3A_385 = arith.constant 3 : i32
      %dma_start3A_386 = arith.constant 0 : i32
      %dma_start3A_387 = arith.constant 0 : i32
      %dma_start3A_388 = tpu.memref_slice %arg9[%dma_start3A_384, %dma_start3A_386, %dma_start3A_387] : memref<2x128x128xf32, #tpu.memory_space<vmem>> -> memref<1x128x128xf32, #tpu.memory_space<vmem>>
      %dma_start3A_389 = tpu.memref_squeeze %dma_start3A_388 : memref<1x128x128xf32, #tpu.memory_space<vmem>> -> memref<128x128xf32, #tpu.memory_space<vmem>>
      %dma_start3A_390 = arith.constant 0 : i32
      %dma_start3A_391 = arith.constant 0 : i32
      %dma_start3A_392 = tpu.memref_slice %arg8[%select_n3A_67, %dma_start3A_390, %dma_start3A_391] : memref<2x6x128xi32, #tpu.memory_space<vmem>> -> memref<1x6x128xi32, #tpu.memory_space<vmem>>
      %dma_start3A_393 = tpu.memref_squeeze %dma_start3A_392 : memref<1x6x128xi32, #tpu.memory_space<vmem>> -> memref<6x128xi32, #tpu.memory_space<vmem>>
      %dma_start3A_394 = arith.constant 0 : i32
      %dma_start3A_395 = tpu.memref_slice %dma_start3A_393[%dma_start3A_385, %dma_start3A_394] : memref<6x128xi32, #tpu.memory_space<vmem>> -> memref<1x128xi32, #tpu.memory_space<vmem>>
      %dma_start3A_396 = tpu.memref_squeeze %dma_start3A_395 : memref<1x128xi32, #tpu.memory_space<vmem>> -> memref<128xi32, #tpu.memory_space<vmem>>
      %dma_start3A_397 = arith.constant 0 : i32
      %dma_start3A_398 = arith.constant 0 : i32
      %dma_start3A_399 = tpu.memref_slice %arg10[%dma_start3A_397, %dma_start3A_398] : memref<10240x128xf32, #tpu.memory_space<vmem_shared>> -> memref<10240x128xf32, #tpu.memory_space<vmem_shared>>
      tpu.enqueue_indirect_dma source(%dma_start3A_389 : memref<128x128xf32, #tpu.memory_space<vmem>>) target(%dma_start3A_399 : memref<10240x128xf32, #tpu.memory_space<vmem_shared>>) offsets(%dma_start3A_396 : memref<128xi32, #tpu.memory_space<vmem>>) semaphore(%arg17 : memref<!tpu.dma_semaphore, #tpu.memory_space<semaphore_mem>>) {add = true}
      %dma_wait3A_400 = arith.constant 1 : i32
      %dma_wait3A_401 = arith.constant 3 : i32
      %dma_wait3A_402 = arith.constant 0 : i32
      %dma_wait3A_403 = arith.constant 0 : i32
      %dma_wait3A_404 = tpu.memref_slice %arg9[%dma_wait3A_400, %dma_wait3A_402, %dma_wait3A_403] : memref<2x128x128xf32, #tpu.memory_space<vmem>> -> memref<1x128x128xf32, #tpu.memory_space<vmem>>
      %dma_wait3A_405 = tpu.memref_squeeze %dma_wait3A_404 : memref<1x128x128xf32, #tpu.memory_space<vmem>> -> memref<128x128xf32, #tpu.memory_space<vmem>>
      %dma_wait3A_406 = arith.constant 0 : i32
      %dma_wait3A_407 = arith.constant 0 : i32
      %dma_wait3A_408 = tpu.memref_slice %arg8[%select_n3A_67, %dma_wait3A_406, %dma_wait3A_407] : memref<2x6x128xi32, #tpu.memory_space<vmem>> -> memref<1x6x128xi32, #tpu.memory_space<vmem>>
      %dma_wait3A_409 = tpu.memref_squeeze %dma_wait3A_408 : memref<1x6x128xi32, #tpu.memory_space<vmem>> -> memref<6x128xi32, #tpu.memory_space<vmem>>
      %dma_wait3A_410 = arith.constant 0 : i32
      %dma_wait3A_411 = tpu.memref_slice %dma_wait3A_409[%dma_wait3A_401, %dma_wait3A_410] : memref<6x128xi32, #tpu.memory_space<vmem>> -> memref<1x128xi32, #tpu.memory_space<vmem>>
      %dma_wait3A_412 = tpu.memref_squeeze %dma_wait3A_411 : memref<1x128xi32, #tpu.memory_space<vmem>> -> memref<128xi32, #tpu.memory_space<vmem>>
      %dma_wait3A_413 = arith.constant 0 : i32
      %dma_wait3A_414 = arith.constant 0 : i32
      %dma_wait3A_415 = tpu.memref_slice %arg10[%dma_wait3A_413, %dma_wait3A_414] : memref<10240x128xf32, #tpu.memory_space<vmem_shared>> -> memref<10240x128xf32, #tpu.memory_space<vmem_shared>>
      tpu.wait_indirect_dma semaphore(%arg17 : memref<!tpu.dma_semaphore, #tpu.memory_space<semaphore_mem>>) src(%dma_wait3A_405 : memref<128x128xf32, #tpu.memory_space<vmem>>) dst(%dma_wait3A_415 : memref<10240x128xf32, #tpu.memory_space<vmem_shared>>)
      %dma_start3A_416 = arith.constant 5 : i32
      %dma_start3A_417 = arith.constant 1 : i32
      %dma_start3A_418 = arith.constant 0 : i32
      %dma_start3A_419 = arith.constant 0 : i32
      %dma_start3A_420 = tpu.memref_slice %arg9[%dma_start3A_417, %dma_start3A_418, %dma_start3A_419] : memref<2x128x128xf32, #tpu.memory_space<vmem>> -> memref<1x128x128xf32, #tpu.memory_space<vmem>>
      %dma_start3A_421 = tpu.memref_squeeze %dma_start3A_420 : memref<1x128x128xf32, #tpu.memory_space<vmem>> -> memref<128x128xf32, #tpu.memory_space<vmem>>
      %dma_start3A_422 = arith.constant 0 : i32
      %dma_start3A_423 = arith.constant 0 : i32
      %dma_start3A_424 = tpu.memref_slice %arg7[%select_n3A_67, %dma_start3A_422, %dma_start3A_423] : memref<2x6x128xi32, #tpu.memory_space<vmem>> -> memref<1x6x128xi32, #tpu.memory_space<vmem>>
      %dma_start3A_425 = tpu.memref_squeeze %dma_start3A_424 : memref<1x6x128xi32, #tpu.memory_space<vmem>> -> memref<6x128xi32, #tpu.memory_space<vmem>>
      %dma_start3A_426 = arith.constant 0 : i32
      %dma_start3A_427 = tpu.memref_slice %dma_start3A_425[%dma_start3A_416, %dma_start3A_426] : memref<6x128xi32, #tpu.memory_space<vmem>> -> memref<1x128xi32, #tpu.memory_space<vmem>>
      %dma_start3A_428 = tpu.memref_squeeze %dma_start3A_427 : memref<1x128xi32, #tpu.memory_space<vmem>> -> memref<128xi32, #tpu.memory_space<vmem>>
      %dma_start3A_429 = arith.constant 0 : i32
      %dma_start3A_430 = arith.constant 0 : i32
      %dma_start3A_431 = tpu.memref_slice %arg2[%add3A_55, %dma_start3A_429, %dma_start3A_430] : memref<27x10000x128xf32, #tpu.memory_space<hbm>> -> memref<1x10000x128xf32, #tpu.memory_space<hbm>>
      %dma_start3A_432 = tpu.memref_squeeze %dma_start3A_431 : memref<1x10000x128xf32, #tpu.memory_space<hbm>> -> memref<10000x128xf32, #tpu.memory_space<hbm>>
      %dma_start3A_433 = arith.constant 0 : i32
      %dma_start3A_434 = arith.constant 0 : i32
      %dma_start3A_435 = tpu.memref_slice %dma_start3A_432[%dma_start3A_433, %dma_start3A_434] : memref<10000x128xf32, #tpu.memory_space<hbm>> -> memref<10000x128xf32, #tpu.memory_space<hbm>>
      tpu.enqueue_indirect_dma source(%dma_start3A_435 : memref<10000x128xf32, #tpu.memory_space<hbm>>) target(%dma_start3A_421 : memref<128x128xf32, #tpu.memory_space<vmem>>) offsets(%dma_start3A_428 : memref<128xi32, #tpu.memory_space<vmem>>) semaphore(%arg13 : memref<!tpu.dma_semaphore, #tpu.memory_space<semaphore_mem>>)
      %dma_wait3A_436 = arith.constant 4 : i32
      %dma_wait3A_437 = arith.constant 0 : i32
      %dma_wait3A_438 = arith.constant 0 : i32
      %dma_wait3A_439 = arith.constant 0 : i32
      %dma_wait3A_440 = tpu.memref_slice %arg9[%dma_wait3A_437, %dma_wait3A_438, %dma_wait3A_439] : memref<2x128x128xf32, #tpu.memory_space<vmem>> -> memref<1x128x128xf32, #tpu.memory_space<vmem>>
      %dma_wait3A_441 = tpu.memref_squeeze %dma_wait3A_440 : memref<1x128x128xf32, #tpu.memory_space<vmem>> -> memref<128x128xf32, #tpu.memory_space<vmem>>
      %dma_wait3A_442 = arith.constant 0 : i32
      %dma_wait3A_443 = arith.constant 0 : i32
      %dma_wait3A_444 = tpu.memref_slice %arg7[%select_n3A_67, %dma_wait3A_442, %dma_wait3A_443] : memref<2x6x128xi32, #tpu.memory_space<vmem>> -> memref<1x6x128xi32, #tpu.memory_space<vmem>>
      %dma_wait3A_445 = tpu.memref_squeeze %dma_wait3A_444 : memref<1x6x128xi32, #tpu.memory_space<vmem>> -> memref<6x128xi32, #tpu.memory_space<vmem>>
      %dma_wait3A_446 = arith.constant 0 : i32
      %dma_wait3A_447 = tpu.memref_slice %dma_wait3A_445[%dma_wait3A_436, %dma_wait3A_446] : memref<6x128xi32, #tpu.memory_space<vmem>> -> memref<1x128xi32, #tpu.memory_space<vmem>>
      %dma_wait3A_448 = tpu.memref_squeeze %dma_wait3A_447 : memref<1x128xi32, #tpu.memory_space<vmem>> -> memref<128xi32, #tpu.memory_space<vmem>>
      %dma_wait3A_449 = arith.constant 0 : i32
      %dma_wait3A_450 = arith.constant 0 : i32
      %dma_wait3A_451 = tpu.memref_slice %arg2[%add3A_55, %dma_wait3A_449, %dma_wait3A_450] : memref<27x10000x128xf32, #tpu.memory_space<hbm>> -> memref<1x10000x128xf32, #tpu.memory_space<hbm>>
      %dma_wait3A_452 = tpu.memref_squeeze %dma_wait3A_451 : memref<1x10000x128xf32, #tpu.memory_space<hbm>> -> memref<10000x128xf32, #tpu.memory_space<hbm>>
      %dma_wait3A_453 = arith.constant 0 : i32
      %dma_wait3A_454 = arith.constant 0 : i32
      %dma_wait3A_455 = tpu.memref_slice %dma_wait3A_452[%dma_wait3A_453, %dma_wait3A_454] : memref<10000x128xf32, #tpu.memory_space<hbm>> -> memref<10000x128xf32, #tpu.memory_space<hbm>>
      tpu.wait_indirect_dma semaphore(%arg12 : memref<!tpu.dma_semaphore, #tpu.memory_space<semaphore_mem>>) src(%dma_wait3A_455 : memref<10000x128xf32, #tpu.memory_space<hbm>>) dst(%dma_wait3A_441 : memref<128x128xf32, #tpu.memory_space<vmem>>)
      %dma_start3A_456 = arith.constant 0 : i32
      %dma_start3A_457 = arith.constant 4 : i32
      %dma_start3A_458 = arith.constant 0 : i32
      %dma_start3A_459 = arith.constant 0 : i32
      %dma_start3A_460 = tpu.memref_slice %arg9[%dma_start3A_456, %dma_start3A_458, %dma_start3A_459] : memref<2x128x128xf32, #tpu.memory_space<vmem>> -> memref<1x128x128xf32, #tpu.memory_space<vmem>>
      %dma_start3A_461 = tpu.memref_squeeze %dma_start3A_460 : memref<1x128x128xf32, #tpu.memory_space<vmem>> -> memref<128x128xf32, #tpu.memory_space<vmem>>
      %dma_start3A_462 = arith.constant 0 : i32
      %dma_start3A_463 = arith.constant 0 : i32
      %dma_start3A_464 = tpu.memref_slice %arg8[%select_n3A_67, %dma_start3A_462, %dma_start3A_463] : memref<2x6x128xi32, #tpu.memory_space<vmem>> -> memref<1x6x128xi32, #tpu.memory_space<vmem>>
      %dma_start3A_465 = tpu.memref_squeeze %dma_start3A_464 : memref<1x6x128xi32, #tpu.memory_space<vmem>> -> memref<6x128xi32, #tpu.memory_space<vmem>>
      %dma_start3A_466 = arith.constant 0 : i32
      %dma_start3A_467 = tpu.memref_slice %dma_start3A_465[%dma_start3A_457, %dma_start3A_466] : memref<6x128xi32, #tpu.memory_space<vmem>> -> memref<1x128xi32, #tpu.memory_space<vmem>>
      %dma_start3A_468 = tpu.memref_squeeze %dma_start3A_467 : memref<1x128xi32, #tpu.memory_space<vmem>> -> memref<128xi32, #tpu.memory_space<vmem>>
      %dma_start3A_469 = arith.constant 0 : i32
      %dma_start3A_470 = arith.constant 0 : i32
      %dma_start3A_471 = tpu.memref_slice %arg10[%dma_start3A_469, %dma_start3A_470] : memref<10240x128xf32, #tpu.memory_space<vmem_shared>> -> memref<10240x128xf32, #tpu.memory_space<vmem_shared>>
      tpu.enqueue_indirect_dma source(%dma_start3A_461 : memref<128x128xf32, #tpu.memory_space<vmem>>) target(%dma_start3A_471 : memref<10240x128xf32, #tpu.memory_space<vmem_shared>>) offsets(%dma_start3A_468 : memref<128xi32, #tpu.memory_space<vmem>>) semaphore(%arg16 : memref<!tpu.dma_semaphore, #tpu.memory_space<semaphore_mem>>) {add = true}
      %dma_wait3A_472 = arith.constant 5 : i32
      %dma_wait3A_473 = arith.constant 1 : i32
      %dma_wait3A_474 = arith.constant 0 : i32
      %dma_wait3A_475 = arith.constant 0 : i32
      %dma_wait3A_476 = tpu.memref_slice %arg9[%dma_wait3A_473, %dma_wait3A_474, %dma_wait3A_475] : memref<2x128x128xf32, #tpu.memory_space<vmem>> -> memref<1x128x128xf32, #tpu.memory_space<vmem>>
      %dma_wait3A_477 = tpu.memref_squeeze %dma_wait3A_476 : memref<1x128x128xf32, #tpu.memory_space<vmem>> -> memref<128x128xf32, #tpu.memory_space<vmem>>
      %dma_wait3A_478 = arith.constant 0 : i32
      %dma_wait3A_479 = arith.constant 0 : i32
      %dma_wait3A_480 = tpu.memref_slice %arg7[%select_n3A_67, %dma_wait3A_478, %dma_wait3A_479] : memref<2x6x128xi32, #tpu.memory_space<vmem>> -> memref<1x6x128xi32, #tpu.memory_space<vmem>>
      %dma_wait3A_481 = tpu.memref_squeeze %dma_wait3A_480 : memref<1x6x128xi32, #tpu.memory_space<vmem>> -> memref<6x128xi32, #tpu.memory_space<vmem>>
      %dma_wait3A_482 = arith.constant 0 : i32
      %dma_wait3A_483 = tpu.memref_slice %dma_wait3A_481[%dma_wait3A_472, %dma_wait3A_482] : memref<6x128xi32, #tpu.memory_space<vmem>> -> memref<1x128xi32, #tpu.memory_space<vmem>>
      %dma_wait3A_484 = tpu.memref_squeeze %dma_wait3A_483 : memref<1x128xi32, #tpu.memory_space<vmem>> -> memref<128xi32, #tpu.memory_space<vmem>>
      %dma_wait3A_485 = arith.constant 0 : i32
      %dma_wait3A_486 = arith.constant 0 : i32
      %dma_wait3A_487 = tpu.memref_slice %arg2[%add3A_55, %dma_wait3A_485, %dma_wait3A_486] : memref<27x10000x128xf32, #tpu.memory_space<hbm>> -> memref<1x10000x128xf32, #tpu.memory_space<hbm>>
      %dma_wait3A_488 = tpu.memref_squeeze %dma_wait3A_487 : memref<1x10000x128xf32, #tpu.memory_space<hbm>> -> memref<10000x128xf32, #tpu.memory_space<hbm>>
      %dma_wait3A_489 = arith.constant 0 : i32
      %dma_wait3A_490 = arith.constant 0 : i32
      %dma_wait3A_491 = tpu.memref_slice %dma_wait3A_488[%dma_wait3A_489, %dma_wait3A_490] : memref<10000x128xf32, #tpu.memory_space<hbm>> -> memref<10000x128xf32, #tpu.memory_space<hbm>>
      tpu.wait_indirect_dma semaphore(%arg13 : memref<!tpu.dma_semaphore, #tpu.memory_space<semaphore_mem>>) src(%dma_wait3A_491 : memref<10000x128xf32, #tpu.memory_space<hbm>>) dst(%dma_wait3A_477 : memref<128x128xf32, #tpu.memory_space<vmem>>)
      %dma_start3A_492 = arith.constant 1 : i32
      %dma_start3A_493 = arith.constant 5 : i32
      %dma_start3A_494 = arith.constant 0 : i32
      %dma_start3A_495 = arith.constant 0 : i32
      %dma_start3A_496 = tpu.memref_slice %arg9[%dma_start3A_492, %dma_start3A_494, %dma_start3A_495] : memref<2x128x128xf32, #tpu.memory_space<vmem>> -> memref<1x128x128xf32, #tpu.memory_space<vmem>>
      %dma_start3A_497 = tpu.memref_squeeze %dma_start3A_496 : memref<1x128x128xf32, #tpu.memory_space<vmem>> -> memref<128x128xf32, #tpu.memory_space<vmem>>
      %dma_start3A_498 = arith.constant 0 : i32
      %dma_start3A_499 = arith.constant 0 : i32
      %dma_start3A_500 = tpu.memref_slice %arg8[%select_n3A_67, %dma_start3A_498, %dma_start3A_499] : memref<2x6x128xi32, #tpu.memory_space<vmem>> -> memref<1x6x128xi32, #tpu.memory_space<vmem>>
      %dma_start3A_501 = tpu.memref_squeeze %dma_start3A_500 : memref<1x6x128xi32, #tpu.memory_space<vmem>> -> memref<6x128xi32, #tpu.memory_space<vmem>>
      %dma_start3A_502 = arith.constant 0 : i32
      %dma_start3A_503 = tpu.memref_slice %dma_start3A_501[%dma_start3A_493, %dma_start3A_502] : memref<6x128xi32, #tpu.memory_space<vmem>> -> memref<1x128xi32, #tpu.memory_space<vmem>>
      %dma_start3A_504 = tpu.memref_squeeze %dma_start3A_503 : memref<1x128xi32, #tpu.memory_space<vmem>> -> memref<128xi32, #tpu.memory_space<vmem>>
      %dma_start3A_505 = arith.constant 0 : i32
      %dma_start3A_506 = arith.constant 0 : i32
      %dma_start3A_507 = tpu.memref_slice %arg10[%dma_start3A_505, %dma_start3A_506] : memref<10240x128xf32, #tpu.memory_space<vmem_shared>> -> memref<10240x128xf32, #tpu.memory_space<vmem_shared>>
      tpu.enqueue_indirect_dma source(%dma_start3A_497 : memref<128x128xf32, #tpu.memory_space<vmem>>) target(%dma_start3A_507 : memref<10240x128xf32, #tpu.memory_space<vmem_shared>>) offsets(%dma_start3A_504 : memref<128xi32, #tpu.memory_space<vmem>>) semaphore(%arg17 : memref<!tpu.dma_semaphore, #tpu.memory_space<semaphore_mem>>) {add = true}
      %dma_wait3A_508 = arith.constant 0 : i32
      %dma_wait3A_509 = arith.constant 4 : i32
      %dma_wait3A_510 = arith.constant 0 : i32
      %dma_wait3A_511 = arith.constant 0 : i32
      %dma_wait3A_512 = tpu.memref_slice %arg9[%dma_wait3A_508, %dma_wait3A_510, %dma_wait3A_511] : memref<2x128x128xf32, #tpu.memory_space<vmem>> -> memref<1x128x128xf32, #tpu.memory_space<vmem>>
      %dma_wait3A_513 = tpu.memref_squeeze %dma_wait3A_512 : memref<1x128x128xf32, #tpu.memory_space<vmem>> -> memref<128x128xf32, #tpu.memory_space<vmem>>
      %dma_wait3A_514 = arith.constant 0 : i32
      %dma_wait3A_515 = arith.constant 0 : i32
      %dma_wait3A_516 = tpu.memref_slice %arg8[%select_n3A_67, %dma_wait3A_514, %dma_wait3A_515] : memref<2x6x128xi32, #tpu.memory_space<vmem>> -> memref<1x6x128xi32, #tpu.memory_space<vmem>>
      %dma_wait3A_517 = tpu.memref_squeeze %dma_wait3A_516 : memref<1x6x128xi32, #tpu.memory_space<vmem>> -> memref<6x128xi32, #tpu.memory_space<vmem>>
      %dma_wait3A_518 = arith.constant 0 : i32
      %dma_wait3A_519 = tpu.memref_slice %dma_wait3A_517[%dma_wait3A_509, %dma_wait3A_518] : memref<6x128xi32, #tpu.memory_space<vmem>> -> memref<1x128xi32, #tpu.memory_space<vmem>>
      %dma_wait3A_520 = tpu.memref_squeeze %dma_wait3A_519 : memref<1x128xi32, #tpu.memory_space<vmem>> -> memref<128xi32, #tpu.memory_space<vmem>>
      %dma_wait3A_521 = arith.constant 0 : i32
      %dma_wait3A_522 = arith.constant 0 : i32
      %dma_wait3A_523 = tpu.memref_slice %arg10[%dma_wait3A_521, %dma_wait3A_522] : memref<10240x128xf32, #tpu.memory_space<vmem_shared>> -> memref<10240x128xf32, #tpu.memory_space<vmem_shared>>
      tpu.wait_indirect_dma semaphore(%arg16 : memref<!tpu.dma_semaphore, #tpu.memory_space<semaphore_mem>>) src(%dma_wait3A_513 : memref<128x128xf32, #tpu.memory_space<vmem>>) dst(%dma_wait3A_523 : memref<10240x128xf32, #tpu.memory_space<vmem_shared>>)
      %dma_wait3A_524 = arith.constant 1 : i32
      %dma_wait3A_525 = arith.constant 5 : i32
      %dma_wait3A_526 = arith.constant 0 : i32
      %dma_wait3A_527 = arith.constant 0 : i32
      %dma_wait3A_528 = tpu.memref_slice %arg9[%dma_wait3A_524, %dma_wait3A_526, %dma_wait3A_527] : memref<2x128x128xf32, #tpu.memory_space<vmem>> -> memref<1x128x128xf32, #tpu.memory_space<vmem>>
      %dma_wait3A_529 = tpu.memref_squeeze %dma_wait3A_528 : memref<1x128x128xf32, #tpu.memory_space<vmem>> -> memref<128x128xf32, #tpu.memory_space<vmem>>
      %dma_wait3A_530 = arith.constant 0 : i32
      %dma_wait3A_531 = arith.constant 0 : i32
      %dma_wait3A_532 = tpu.memref_slice %arg8[%select_n3A_67, %dma_wait3A_530, %dma_wait3A_531] : memref<2x6x128xi32, #tpu.memory_space<vmem>> -> memref<1x6x128xi32, #tpu.memory_space<vmem>>
      %dma_wait3A_533 = tpu.memref_squeeze %dma_wait3A_532 : memref<1x6x128xi32, #tpu.memory_space<vmem>> -> memref<6x128xi32, #tpu.memory_space<vmem>>
      %dma_wait3A_534 = arith.constant 0 : i32
      %dma_wait3A_535 = tpu.memref_slice %dma_wait3A_533[%dma_wait3A_525, %dma_wait3A_534] : memref<6x128xi32, #tpu.memory_space<vmem>> -> memref<1x128xi32, #tpu.memory_space<vmem>>
      %dma_wait3A_536 = tpu.memref_squeeze %dma_wait3A_535 : memref<1x128xi32, #tpu.memory_space<vmem>> -> memref<128xi32, #tpu.memory_space<vmem>>
      %dma_wait3A_537 = arith.constant 0 : i32
      %dma_wait3A_538 = arith.constant 0 : i32
      %dma_wait3A_539 = tpu.memref_slice %arg10[%dma_wait3A_537, %dma_wait3A_538] : memref<10240x128xf32, #tpu.memory_space<vmem_shared>> -> memref<10240x128xf32, #tpu.memory_space<vmem_shared>>
      tpu.wait_indirect_dma semaphore(%arg17 : memref<!tpu.dma_semaphore, #tpu.memory_space<semaphore_mem>>) src(%dma_wait3A_529 : memref<128x128xf32, #tpu.memory_space<vmem>>) dst(%dma_wait3A_539 : memref<10240x128xf32, #tpu.memory_space<vmem_shared>>)
    }
    %while3A_49 = arith.constant 1 : i32
    scf.for %while3A_53 = %while3A_47 to %while3A_43 step %while3A_49  : i32 {
      %add3A_54 = arith.addi %add3A_2, %while3A_53 : i32
      %add3A_55 = arith.addi %select_n3A, %while3A_53 : i32
      %jit3A_56 = arith.constant 2 : i32
      %eq3A_57 = arith.constant 0 : i32
      %eq3A_58 = arith.cmpi eq, %jit3A_56, %eq3A_57 : i32
      %jit3A_59 = arith.constant 1 : i32
      %select_n3A_60 = arith.select %eq3A_58, %jit3A_59, %jit3A_56 : i32
      %rem3A = arith.remsi %while3A_53, %select_n3A_60 : i32
      %ne3A = arith.constant 0 : i32
      %ne3A_61 = arith.cmpi ne, %rem3A, %ne3A : i32
      %lt3A = arith.constant 0 : i32
      %lt3A_62 = arith.cmpi slt, %rem3A, %lt3A : i32
      %lt3A_63 = arith.constant 0 : i32
      %lt3A_64 = arith.cmpi slt, %select_n3A_60, %lt3A_63 : i32
      %ne3A_65 = arith.xori %lt3A_62, %lt3A_64 : i1
      %and3A = arith.andi %ne3A_65, %ne3A_61 : i1
      %add3A_66 = arith.addi %rem3A, %select_n3A_60 : i32
      %select_n3A_67 = arith.select %and3A, %add3A_66, %rem3A : i32
      %dma_wait3A = arith.constant 0 : i32
      %dma_wait3A_68 = arith.constant 0 : i32
      %dma_wait3A_69 = tpu.memref_slice %arg7[%select_n3A_67, %dma_wait3A, %dma_wait3A_68] : memref<2x6x128xi32, #tpu.memory_space<vmem>> -> memref<1x6x128xi32, #tpu.memory_space<vmem>>
      %dma_wait3A_70 = tpu.memref_squeeze %dma_wait3A_69 : memref<1x6x128xi32, #tpu.memory_space<vmem>> -> memref<6x128xi32, #tpu.memory_space<vmem>>
      %dma_wait3A_71 = arith.constant 0 : i32
      %dma_wait3A_72 = arith.constant 0 : i32
      %dma_wait3A_73 = tpu.memref_slice %arg3[%add3A_54, %arg1, %dma_wait3A_71, %dma_wait3A_72] : memref<27x16x6x128xi32, #tpu.memory_space<hbm>> -> memref<1x1x6x128xi32, #tpu.memory_space<hbm>>
      %dma_wait3A_74 = tpu.memref_squeeze %dma_wait3A_73 : memref<1x1x6x128xi32, #tpu.memory_space<hbm>> -> memref<6x128xi32, #tpu.memory_space<hbm>>
      %dma_wait3A_75 = arith.constant 0 : i32
      %dma_wait3A_76 = arith.constant 0 : i32
      %dma_wait3A_77 = tpu.memref_slice %arg7[%select_n3A_67, %dma_wait3A_75, %dma_wait3A_76] : memref<2x6x128xi32, #tpu.memory_space<vmem>> -> memref<1x6x128xi32, #tpu.memory_space<vmem>>
      %dma_wait3A_78 = tpu.memref_squeeze %dma_wait3A_77 : memref<1x6x128xi32, #tpu.memory_space<vmem>> -> memref<6x128xi32, #tpu.memory_space<vmem>>
      %dma_wait3A_79 = arith.constant 0 : i32
      %dma_wait3A_80 = arith.constant 0 : i32
      %dma_wait3A_81 = tpu.memref_slice %arg3[%add3A_54, %arg1, %dma_wait3A_79, %dma_wait3A_80] : memref<27x16x6x128xi32, #tpu.memory_space<hbm>> -> memref<1x1x6x128xi32, #tpu.memory_space<hbm>>
      %dma_wait3A_82 = tpu.memref_squeeze %dma_wait3A_81 : memref<1x1x6x128xi32, #tpu.memory_space<hbm>> -> memref<6x128xi32, #tpu.memory_space<hbm>>
      tpu.wait_dma2 semaphore(%arg11 : memref<!tpu.dma_semaphore, #tpu.memory_space<semaphore_mem>>) src(%dma_wait3A_82 : memref<6x128xi32, #tpu.memory_space<hbm>>) dst(%dma_wait3A_78 : memref<6x128xi32, #tpu.memory_space<vmem>>)
      %dma_wait3A_83 = arith.constant 0 : i32
      %dma_wait3A_84 = arith.constant 0 : i32
      %dma_wait3A_85 = tpu.memref_slice %arg8[%select_n3A_67, %dma_wait3A_83, %dma_wait3A_84] : memref<2x6x128xi32, #tpu.memory_space<vmem>> -> memref<1x6x128xi32, #tpu.memory_space<vmem>>
      %dma_wait3A_86 = tpu.memref_squeeze %dma_wait3A_85 : memref<1x6x128xi32, #tpu.memory_space<vmem>> -> memref<6x128xi32, #tpu.memory_space<vmem>>
      %dma_wait3A_87 = arith.constant 0 : i32
      %dma_wait3A_88 = arith.constant 0 : i32
      %dma_wait3A_89 = tpu.memref_slice %arg4[%add3A_54, %arg1, %dma_wait3A_87, %dma_wait3A_88] : memref<27x16x6x128xi32, #tpu.memory_space<hbm>> -> memref<1x1x6x128xi32, #tpu.memory_space<hbm>>
      %dma_wait3A_90 = tpu.memref_squeeze %dma_wait3A_89 : memref<1x1x6x128xi32, #tpu.memory_space<hbm>> -> memref<6x128xi32, #tpu.memory_space<hbm>>
      %dma_wait3A_91 = arith.constant 0 : i32
      %dma_wait3A_92 = arith.constant 0 : i32
      %dma_wait3A_93 = tpu.memref_slice %arg8[%select_n3A_67, %dma_wait3A_91, %dma_wait3A_92] : memref<2x6x128xi32, #tpu.memory_space<vmem>> -> memref<1x6x128xi32, #tpu.memory_space<vmem>>
      %dma_wait3A_94 = tpu.memref_squeeze %dma_wait3A_93 : memref<1x6x128xi32, #tpu.memory_space<vmem>> -> memref<6x128xi32, #tpu.memory_space<vmem>>
      %dma_wait3A_95 = arith.constant 0 : i32
      %dma_wait3A_96 = arith.constant 0 : i32
      %dma_wait3A_97 = tpu.memref_slice %arg4[%add3A_54, %arg1, %dma_wait3A_95, %dma_wait3A_96] : memref<27x16x6x128xi32, #tpu.memory_space<hbm>> -> memref<1x1x6x128xi32, #tpu.memory_space<hbm>>
      %dma_wait3A_98 = tpu.memref_squeeze %dma_wait3A_97 : memref<1x1x6x128xi32, #tpu.memory_space<hbm>> -> memref<6x128xi32, #tpu.memory_space<hbm>>
      tpu.wait_dma2 semaphore(%arg11 : memref<!tpu.dma_semaphore, #tpu.memory_space<semaphore_mem>>) src(%dma_wait3A_98 : memref<6x128xi32, #tpu.memory_space<hbm>>) dst(%dma_wait3A_94 : memref<6x128xi32, #tpu.memory_space<vmem>>)
      %add3A_99 = arith.constant 1 : i32
      %add3A_100 = arith.addi %while3A_53, %add3A_99 : i32
      %lt3A_101 = arith.cmpi slt, %add3A_100, %select_n3A_7 : i32
      %convert_element_type3A = arith.extui %lt3A_101 : i1 to i32
      %cond3A = arith.constant 0 : i32
      %cond3A_102 = arith.cmpi ne, %convert_element_type3A, %cond3A : i32
      scf.if %cond3A_102 {
        %add3A_540 = arith.constant 1 : i32
        %add3A_541 = arith.addi %add3A_54, %add3A_540 : i32
        %sub3A = arith.constant 1 : i32
        %sub3A_542 = arith.subi %sub3A, %select_n3A_67 : i32
        %dma_start3A_543 = arith.constant 0 : i32
        %dma_start3A_544 = arith.constant 0 : i32
        %dma_start3A_545 = tpu.memref_slice %arg7[%sub3A_542, %dma_start3A_543, %dma_start3A_544] : memref<2x6x128xi32, #tpu.memory_space<vmem>> -> memref<1x6x128xi32, #tpu.memory_space<vmem>>
        %dma_start3A_546 = tpu.memref_squeeze %dma_start3A_545 : memref<1x6x128xi32, #tpu.memory_space<vmem>> -> memref<6x128xi32, #tpu.memory_space<vmem>>
        %dma_start3A_547 = arith.constant 0 : i32
        %dma_start3A_548 = arith.constant 0 : i32
        %dma_start3A_549 = tpu.memref_slice %arg3[%add3A_541, %arg1, %dma_start3A_547, %dma_start3A_548] : memref<27x16x6x128xi32, #tpu.memory_space<hbm>> -> memref<1x1x6x128xi32, #tpu.memory_space<hbm>>
        %dma_start3A_550 = tpu.memref_squeeze %dma_start3A_549 : memref<1x1x6x128xi32, #tpu.memory_space<hbm>> -> memref<6x128xi32, #tpu.memory_space<hbm>>
        %dma_start3A_551 = arith.constant 0 : i32
        %dma_start3A_552 = arith.constant 0 : i32
        %dma_start3A_553 = tpu.memref_slice %arg7[%sub3A_542, %dma_start3A_551, %dma_start3A_552] : memref<2x6x128xi32, #tpu.memory_space<vmem>> -> memref<1x6x128xi32, #tpu.memory_space<vmem>>
        %dma_start3A_554 = tpu.memref_squeeze %dma_start3A_553 : memref<1x6x128xi32, #tpu.memory_space<vmem>> -> memref<6x128xi32, #tpu.memory_space<vmem>>
        %dma_start3A_555 = arith.constant 0 : i32
        %dma_start3A_556 = arith.constant 0 : i32
        %dma_start3A_557 = tpu.memref_slice %arg3[%add3A_541, %arg1, %dma_start3A_555, %dma_start3A_556] : memref<27x16x6x128xi32, #tpu.memory_space<hbm>> -> memref<1x1x6x128xi32, #tpu.memory_space<hbm>>
        %dma_start3A_558 = tpu.memref_squeeze %dma_start3A_557 : memref<1x1x6x128xi32, #tpu.memory_space<hbm>> -> memref<6x128xi32, #tpu.memory_space<hbm>>
        tpu.enqueue_dma source(%dma_start3A_558 : memref<6x128xi32, #tpu.memory_space<hbm>>) target(%dma_start3A_554 : memref<6x128xi32, #tpu.memory_space<vmem>>) target_semaphore(%arg11 : memref<!tpu.dma_semaphore, #tpu.memory_space<semaphore_mem>>)
        %dma_start3A_559 = arith.constant 0 : i32
        %dma_start3A_560 = arith.constant 0 : i32
        %dma_start3A_561 = tpu.memref_slice %arg8[%sub3A_542, %dma_start3A_559, %dma_start3A_560] : memref<2x6x128xi32, #tpu.memory_space<vmem>> -> memref<1x6x128xi32, #tpu.memory_space<vmem>>
        %dma_start3A_562 = tpu.memref_squeeze %dma_start3A_561 : memref<1x6x128xi32, #tpu.memory_space<vmem>> -> memref<6x128xi32, #tpu.memory_space<vmem>>
        %dma_start3A_563 = arith.constant 0 : i32
        %dma_start3A_564 = arith.constant 0 : i32
        %dma_start3A_565 = tpu.memref_slice %arg4[%add3A_541, %arg1, %dma_start3A_563, %dma_start3A_564] : memref<27x16x6x128xi32, #tpu.memory_space<hbm>> -> memref<1x1x6x128xi32, #tpu.memory_space<hbm>>
        %dma_start3A_566 = tpu.memref_squeeze %dma_start3A_565 : memref<1x1x6x128xi32, #tpu.memory_space<hbm>> -> memref<6x128xi32, #tpu.memory_space<hbm>>
        %dma_start3A_567 = arith.constant 0 : i32
        %dma_start3A_568 = arith.constant 0 : i32
        %dma_start3A_569 = tpu.memref_slice %arg8[%sub3A_542, %dma_start3A_567, %dma_start3A_568] : memref<2x6x128xi32, #tpu.memory_space<vmem>> -> memref<1x6x128xi32, #tpu.memory_space<vmem>>
        %dma_start3A_570 = tpu.memref_squeeze %dma_start3A_569 : memref<1x6x128xi32, #tpu.memory_space<vmem>> -> memref<6x128xi32, #tpu.memory_space<vmem>>
        %dma_start3A_571 = arith.constant 0 : i32
        %dma_start3A_572 = arith.constant 0 : i32
        %dma_start3A_573 = tpu.memref_slice %arg4[%add3A_541, %arg1, %dma_start3A_571, %dma_start3A_572] : memref<27x16x6x128xi32, #tpu.memory_space<hbm>> -> memref<1x1x6x128xi32, #tpu.memory_space<hbm>>
        %dma_start3A_574 = tpu.memref_squeeze %dma_start3A_573 : memref<1x1x6x128xi32, #tpu.memory_space<hbm>> -> memref<6x128xi32, #tpu.memory_space<hbm>>
        tpu.enqueue_dma source(%dma_start3A_574 : memref<6x128xi32, #tpu.memory_space<hbm>>) target(%dma_start3A_570 : memref<6x128xi32, #tpu.memory_space<vmem>>) target_semaphore(%arg11 : memref<!tpu.dma_semaphore, #tpu.memory_space<semaphore_mem>>)
      } else {
      }
      %dma_start3A_103 = arith.constant 0 : i32
      %dma_start3A_104 = arith.constant 0 : i32
      %dma_start3A_105 = arith.constant 0 : i32
      %dma_start3A_106 = arith.constant 0 : i32
      %dma_start3A_107 = tpu.memref_slice %arg9[%dma_start3A_104, %dma_start3A_105, %dma_start3A_106] : memref<2x128x128xf32, #tpu.memory_space<vmem>> -> memref<1x128x128xf32, #tpu.memory_space<vmem>>
      %dma_start3A_108 = tpu.memref_squeeze %dma_start3A_107 : memref<1x128x128xf32, #tpu.memory_space<vmem>> -> memref<128x128xf32, #tpu.memory_space<vmem>>
      %dma_start3A_109 = arith.constant 0 : i32
      %dma_start3A_110 = arith.constant 0 : i32
      %dma_start3A_111 = tpu.memref_slice %arg7[%select_n3A_67, %dma_start3A_109, %dma_start3A_110] : memref<2x6x128xi32, #tpu.memory_space<vmem>> -> memref<1x6x128xi32, #tpu.memory_space<vmem>>
      %dma_start3A_112 = tpu.memref_squeeze %dma_start3A_111 : memref<1x6x128xi32, #tpu.memory_space<vmem>> -> memref<6x128xi32, #tpu.memory_space<vmem>>
      %dma_start3A_113 = arith.constant 0 : i32
      %dma_start3A_114 = tpu.memref_slice %dma_start3A_112[%dma_start3A_103, %dma_start3A_113] : memref<6x128xi32, #tpu.memory_space<vmem>> -> memref<1x128xi32, #tpu.memory_space<vmem>>
      %dma_start3A_115 = tpu.memref_squeeze %dma_start3A_114 : memref<1x128xi32, #tpu.memory_space<vmem>> -> memref<128xi32, #tpu.memory_space<vmem>>
      %dma_start3A_116 = arith.constant 0 : i32
      %dma_start3A_117 = arith.constant 0 : i32
      %dma_start3A_118 = tpu.memref_slice %arg2[%add3A_55, %dma_start3A_116, %dma_start3A_117] : memref<27x10000x128xf32, #tpu.memory_space<hbm>> -> memref<1x10000x128xf32, #tpu.memory_space<hbm>>
      %dma_start3A_119 = tpu.memref_squeeze %dma_start3A_118 : memref<1x10000x128xf32, #tpu.memory_space<hbm>> -> memref<10000x128xf32, #tpu.memory_space<hbm>>
      %dma_start3A_120 = arith.constant 0 : i32
      %dma_start3A_121 = arith.constant 0 : i32
      %dma_start3A_122 = tpu.memref_slice %dma_start3A_119[%dma_start3A_120, %dma_start3A_121] : memref<10000x128xf32, #tpu.memory_space<hbm>> -> memref<10000x128xf32, #tpu.memory_space<hbm>>
      tpu.enqueue_indirect_dma source(%dma_start3A_122 : memref<10000x128xf32, #tpu.memory_space<hbm>>) target(%dma_start3A_108 : memref<128x128xf32, #tpu.memory_space<vmem>>) offsets(%dma_start3A_115 : memref<128xi32, #tpu.memory_space<vmem>>) semaphore(%arg12 : memref<!tpu.dma_semaphore, #tpu.memory_space<semaphore_mem>>)
      %dma_start3A_123 = arith.constant 1 : i32
      %dma_start3A_124 = arith.constant 1 : i32
      %dma_start3A_125 = arith.constant 0 : i32
      %dma_start3A_126 = arith.constant 0 : i32
      %dma_start3A_127 = tpu.memref_slice %arg9[%dma_start3A_124, %dma_start3A_125, %dma_start3A_126] : memref<2x128x128xf32, #tpu.memory_space<vmem>> -> memref<1x128x128xf32, #tpu.memory_space<vmem>>
      %dma_start3A_128 = tpu.memref_squeeze %dma_start3A_127 : memref<1x128x128xf32, #tpu.memory_space<vmem>> -> memref<128x128xf32, #tpu.memory_space<vmem>>
      %dma_start3A_129 = arith.constant 0 : i32
      %dma_start3A_130 = arith.constant 0 : i32
      %dma_start3A_131 = tpu.memref_slice %arg7[%select_n3A_67, %dma_start3A_129, %dma_start3A_130] : memref<2x6x128xi32, #tpu.memory_space<vmem>> -> memref<1x6x128xi32, #tpu.memory_space<vmem>>
      %dma_start3A_132 = tpu.memref_squeeze %dma_start3A_131 : memref<1x6x128xi32, #tpu.memory_space<vmem>> -> memref<6x128xi32, #tpu.memory_space<vmem>>
      %dma_start3A_133 = arith.constant 0 : i32
      %dma_start3A_134 = tpu.memref_slice %dma_start3A_132[%dma_start3A_123, %dma_start3A_133] : memref<6x128xi32, #tpu.memory_space<vmem>> -> memref<1x128xi32, #tpu.memory_space<vmem>>
      %dma_start3A_135 = tpu.memref_squeeze %dma_start3A_134 : memref<1x128xi32, #tpu.memory_space<vmem>> -> memref<128xi32, #tpu.memory_space<vmem>>
      %dma_start3A_136 = arith.constant 0 : i32
      %dma_start3A_137 = arith.constant 0 : i32
      %dma_start3A_138 = tpu.memref_slice %arg2[%add3A_55, %dma_start3A_136, %dma_start3A_137] : memref<27x10000x128xf32, #tpu.memory_space<hbm>> -> memref<1x10000x128xf32, #tpu.memory_space<hbm>>
      %dma_start3A_139 = tpu.memref_squeeze %dma_start3A_138 : memref<1x10000x128xf32, #tpu.memory_space<hbm>> -> memref<10000x128xf32, #tpu.memory_space<hbm>>
      %dma_start3A_140 = arith.constant 0 : i32
      %dma_start3A_141 = arith.constant 0 : i32
      %dma_start3A_142 = tpu.memref_slice %dma_start3A_139[%dma_start3A_140, %dma_start3A_141] : memref<10000x128xf32, #tpu.memory_space<hbm>> -> memref<10000x128xf32, #tpu.memory_space<hbm>>
      tpu.enqueue_indirect_dma source(%dma_start3A_142 : memref<10000x128xf32, #tpu.memory_space<hbm>>) target(%dma_start3A_128 : memref<128x128xf32, #tpu.memory_space<vmem>>) offsets(%dma_start3A_135 : memref<128xi32, #tpu.memory_space<vmem>>) semaphore(%arg13 : memref<!tpu.dma_semaphore, #tpu.memory_space<semaphore_mem>>)
      %eq3A_143 = arith.constant 0 : i32
      %eq3A_144 = arith.cmpi eq, %while3A_53, %eq3A_143 : i32
      %convert_element_type3A_145 = arith.extui %eq3A_144 : i1 to i32
      %cond3A_146 = arith.constant 0 : i32
      %cond3A_147 = arith.cmpi ne, %convert_element_type3A_145, %cond3A_146 : i32
      scf.if %cond3A_147 {
        %mul3A_540 = arith.constant 640 : i32
        %mul3A_541 = arith.muli %arg1, %mul3A_540 : i32
        %mul3A_542 = arith.constant 640 : i32
        %mul3A_543 = arith.muli %arg1, %mul3A_542 : i32
        "tpu.region"() ({
          %run_scoped3A = tpu.sem_alloc : memref<!tpu.dma_semaphore, #tpu.memory_space<semaphore_mem>>
          %dma_start3A_545 = arith.constant 0 : i32
          %dma_start3A_546 = tpu.memref_slice %arg10[%mul3A_543, %dma_start3A_545] : memref<10240x128xf32, #tpu.memory_space<vmem_shared>> -> memref<640x128xf32, #tpu.memory_space<vmem_shared>>
          %dma_start3A_547 = arith.constant 0 : i32
          %dma_start3A_548 = tpu.memref_slice %arg5[%mul3A_541, %dma_start3A_547] : memref<10240x128xf32, #tpu.memory_space<hbm>> -> memref<640x128xf32, #tpu.memory_space<hbm>>
          tpu.enqueue_dma source(%dma_start3A_548 : memref<640x128xf32, #tpu.memory_space<hbm>>) target(%dma_start3A_546 : memref<640x128xf32, #tpu.memory_space<vmem_shared>>) target_semaphore(%run_scoped3A : memref<!tpu.dma_semaphore, #tpu.memory_space<semaphore_mem>>)
          %dma_wait3A_549 = arith.constant 0 : i32
          %dma_wait3A_550 = tpu.memref_slice %arg10[%mul3A_543, %dma_wait3A_549] : memref<10240x128xf32, #tpu.memory_space<vmem_shared>> -> memref<640x128xf32, #tpu.memory_space<vmem_shared>>
          %dma_wait3A_551 = arith.constant 0 : i32
          %dma_wait3A_552 = tpu.memref_slice %arg5[%mul3A_541, %dma_wait3A_551] : memref<10240x128xf32, #tpu.memory_space<hbm>> -> memref<640x128xf32, #tpu.memory_space<hbm>>
          tpu.wait_dma2 semaphore(%run_scoped3A : memref<!tpu.dma_semaphore, #tpu.memory_space<semaphore_mem>>) src(%dma_wait3A_552 : memref<640x128xf32, #tpu.memory_space<hbm>>) dst(%dma_wait3A_550 : memref<640x128xf32, #tpu.memory_space<vmem_shared>>)
          tpu.yield
        }) : () -> ()
        %barrier3A_544 = arith.constant 0 : index
        tpu.barrier barrier_id(%barrier3A_544)
      } else {
      }
      %dma_wait3A_148 = arith.constant 0 : i32
      %dma_wait3A_149 = arith.constant 0 : i32
      %dma_wait3A_150 = arith.constant 0 : i32
      %dma_wait3A_151 = arith.constant 0 : i32
      %dma_wait3A_152 = tpu.memref_slice %arg9[%dma_wait3A_149, %dma_wait3A_150, %dma_wait3A_151] : memref<2x128x128xf32, #tpu.memory_space<vmem>> -> memref<1x128x128xf32, #tpu.memory_space<vmem>>
      %dma_wait3A_153 = tpu.memref_squeeze %dma_wait3A_152 : memref<1x128x128xf32, #tpu.memory_space<vmem>> -> memref<128x128xf32, #tpu.memory_space<vmem>>
      %dma_wait3A_154 = arith.constant 0 : i32
      %dma_wait3A_155 = arith.constant 0 : i32
      %dma_wait3A_156 = tpu.memref_slice %arg7[%select_n3A_67, %dma_wait3A_154, %dma_wait3A_155] : memref<2x6x128xi32, #tpu.memory_space<vmem>> -> memref<1x6x128xi32, #tpu.memory_space<vmem>>
      %dma_wait3A_157 = tpu.memref_squeeze %dma_wait3A_156 : memref<1x6x128xi32, #tpu.memory_space<vmem>> -> memref<6x128xi32, #tpu.memory_space<vmem>>
      %dma_wait3A_158 = arith.constant 0 : i32
      %dma_wait3A_159 = tpu.memref_slice %dma_wait3A_157[%dma_wait3A_148, %dma_wait3A_158] : memref<6x128xi32, #tpu.memory_space<vmem>> -> memref<1x128xi32, #tpu.memory_space<vmem>>
      %dma_wait3A_160 = tpu.memref_squeeze %dma_wait3A_159 : memref<1x128xi32, #tpu.memory_space<vmem>> -> memref<128xi32, #tpu.memory_space<vmem>>
      %dma_wait3A_161 = arith.constant 0 : i32
      %dma_wait3A_162 = arith.constant 0 : i32
      %dma_wait3A_163 = tpu.memref_slice %arg2[%add3A_55, %dma_wait3A_161, %dma_wait3A_162] : memref<27x10000x128xf32, #tpu.memory_space<hbm>> -> memref<1x10000x128xf32, #tpu.memory_space<hbm>>
      %dma_wait3A_164 = tpu.memref_squeeze %dma_wait3A_163 : memref<1x10000x128xf32, #tpu.memory_space<hbm>> -> memref<10000x128xf32, #tpu.memory_space<hbm>>
      %dma_wait3A_165 = arith.constant 0 : i32
      %dma_wait3A_166 = arith.constant 0 : i32
      %dma_wait3A_167 = tpu.memref_slice %dma_wait3A_164[%dma_wait3A_165, %dma_wait3A_166] : memref<10000x128xf32, #tpu.memory_space<hbm>> -> memref<10000x128xf32, #tpu.memory_space<hbm>>
      tpu.wait_indirect_dma semaphore(%arg12 : memref<!tpu.dma_semaphore, #tpu.memory_space<semaphore_mem>>) src(%dma_wait3A_167 : memref<10000x128xf32, #tpu.memory_space<hbm>>) dst(%dma_wait3A_153 : memref<128x128xf32, #tpu.memory_space<vmem>>)
      %dma_start3A_168 = arith.constant 0 : i32
      %dma_start3A_169 = arith.constant 0 : i32
      %dma_start3A_170 = arith.constant 0 : i32
      %dma_start3A_171 = arith.constant 0 : i32
      %dma_start3A_172 = tpu.memref_slice %arg9[%dma_start3A_168, %dma_start3A_170, %dma_start3A_171] : memref<2x128x128xf32, #tpu.memory_space<vmem>> -> memref<1x128x128xf32, #tpu.memory_space<vmem>>
      %dma_start3A_173 = tpu.memref_squeeze %dma_start3A_172 : memref<1x128x128xf32, #tpu.memory_space<vmem>> -> memref<128x128xf32, #tpu.memory_space<vmem>>
      %dma_start3A_174 = arith.constant 0 : i32
      %dma_start3A_175 = arith.constant 0 : i32
      %dma_start3A_176 = tpu.memref_slice %arg8[%select_n3A_67, %dma_start3A_174, %dma_start3A_175] : memref<2x6x128xi32, #tpu.memory_space<vmem>> -> memref<1x6x128xi32, #tpu.memory_space<vmem>>
      %dma_start3A_177 = tpu.memref_squeeze %dma_start3A_176 : memref<1x6x128xi32, #tpu.memory_space<vmem>> -> memref<6x128xi32, #tpu.memory_space<vmem>>
      %dma_start3A_178 = arith.constant 0 : i32
      %dma_start3A_179 = tpu.memref_slice %dma_start3A_177[%dma_start3A_169, %dma_start3A_178] : memref<6x128xi32, #tpu.memory_space<vmem>> -> memref<1x128xi32, #tpu.memory_space<vmem>>
      %dma_start3A_180 = tpu.memref_squeeze %dma_start3A_179 : memref<1x128xi32, #tpu.memory_space<vmem>> -> memref<128xi32, #tpu.memory_space<vmem>>
      %dma_start3A_181 = arith.constant 0 : i32
      %dma_start3A_182 = arith.constant 0 : i32
      %dma_start3A_183 = tpu.memref_slice %arg10[%dma_start3A_181, %dma_start3A_182] : memref<10240x128xf32, #tpu.memory_space<vmem_shared>> -> memref<10240x128xf32, #tpu.memory_space<vmem_shared>>
      tpu.enqueue_indirect_dma source(%dma_start3A_173 : memref<128x128xf32, #tpu.memory_space<vmem>>) target(%dma_start3A_183 : memref<10240x128xf32, #tpu.memory_space<vmem_shared>>) offsets(%dma_start3A_180 : memref<128xi32, #tpu.memory_space<vmem>>) semaphore(%arg16 : memref<!tpu.dma_semaphore, #tpu.memory_space<semaphore_mem>>) {add = true}
      %dma_wait3A_184 = arith.constant 0 : i32
      %dma_wait3A_185 = arith.constant 0 : i32
      %dma_wait3A_186 = arith.constant 0 : i32
      %dma_wait3A_187 = arith.constant 0 : i32
      %dma_wait3A_188 = tpu.memref_slice %arg9[%dma_wait3A_184, %dma_wait3A_186, %dma_wait3A_187] : memref<2x128x128xf32, #tpu.memory_space<vmem>> -> memref<1x128x128xf32, #tpu.memory_space<vmem>>
      %dma_wait3A_189 = tpu.memref_squeeze %dma_wait3A_188 : memref<1x128x128xf32, #tpu.memory_space<vmem>> -> memref<128x128xf32, #tpu.memory_space<vmem>>
      %dma_wait3A_190 = arith.constant 0 : i32
      %dma_wait3A_191 = arith.constant 0 : i32
      %dma_wait3A_192 = tpu.memref_slice %arg8[%select_n3A_67, %dma_wait3A_190, %dma_wait3A_191] : memref<2x6x128xi32, #tpu.memory_space<vmem>> -> memref<1x6x128xi32, #tpu.memory_space<vmem>>
      %dma_wait3A_193 = tpu.memref_squeeze %dma_wait3A_192 : memref<1x6x128xi32, #tpu.memory_space<vmem>> -> memref<6x128xi32, #tpu.memory_space<vmem>>
      %dma_wait3A_194 = arith.constant 0 : i32
      %dma_wait3A_195 = tpu.memref_slice %dma_wait3A_193[%dma_wait3A_185, %dma_wait3A_194] : memref<6x128xi32, #tpu.memory_space<vmem>> -> memref<1x128xi32, #tpu.memory_space<vmem>>
      %dma_wait3A_196 = tpu.memref_squeeze %dma_wait3A_195 : memref<1x128xi32, #tpu.memory_space<vmem>> -> memref<128xi32, #tpu.memory_space<vmem>>
      %dma_wait3A_197 = arith.constant 0 : i32
      %dma_wait3A_198 = arith.constant 0 : i32
      %dma_wait3A_199 = tpu.memref_slice %arg10[%dma_wait3A_197, %dma_wait3A_198] : memref<10240x128xf32, #tpu.memory_space<vmem_shared>> -> memref<10240x128xf32, #tpu.memory_space<vmem_shared>>
      tpu.wait_indirect_dma semaphore(%arg16 : memref<!tpu.dma_semaphore, #tpu.memory_space<semaphore_mem>>) src(%dma_wait3A_189 : memref<128x128xf32, #tpu.memory_space<vmem>>) dst(%dma_wait3A_199 : memref<10240x128xf32, #tpu.memory_space<vmem_shared>>)
      %dma_start3A_200 = arith.constant 2 : i32
      %dma_start3A_201 = arith.constant 0 : i32
      %dma_start3A_202 = arith.constant 0 : i32
      %dma_start3A_203 = arith.constant 0 : i32
      %dma_start3A_204 = tpu.memref_slice %arg9[%dma_start3A_201, %dma_start3A_202, %dma_start3A_203] : memref<2x128x128xf32, #tpu.memory_space<vmem>> -> memref<1x128x128xf32, #tpu.memory_space<vmem>>
      %dma_start3A_205 = tpu.memref_squeeze %dma_start3A_204 : memref<1x128x128xf32, #tpu.memory_space<vmem>> -> memref<128x128xf32, #tpu.memory_space<vmem>>
      %dma_start3A_206 = arith.constant 0 : i32
      %dma_start3A_207 = arith.constant 0 : i32
      %dma_start3A_208 = tpu.memref_slice %arg7[%select_n3A_67, %dma_start3A_206, %dma_start3A_207] : memref<2x6x128xi32, #tpu.memory_space<vmem>> -> memref<1x6x128xi32, #tpu.memory_space<vmem>>
      %dma_start3A_209 = tpu.memref_squeeze %dma_start3A_208 : memref<1x6x128xi32, #tpu.memory_space<vmem>> -> memref<6x128xi32, #tpu.memory_space<vmem>>
      %dma_start3A_210 = arith.constant 0 : i32
      %dma_start3A_211 = tpu.memref_slice %dma_start3A_209[%dma_start3A_200, %dma_start3A_210] : memref<6x128xi32, #tpu.memory_space<vmem>> -> memref<1x128xi32, #tpu.memory_space<vmem>>
      %dma_start3A_212 = tpu.memref_squeeze %dma_start3A_211 : memref<1x128xi32, #tpu.memory_space<vmem>> -> memref<128xi32, #tpu.memory_space<vmem>>
      %dma_start3A_213 = arith.constant 0 : i32
      %dma_start3A_214 = arith.constant 0 : i32
      %dma_start3A_215 = tpu.memref_slice %arg2[%add3A_55, %dma_start3A_213, %dma_start3A_214] : memref<27x10000x128xf32, #tpu.memory_space<hbm>> -> memref<1x10000x128xf32, #tpu.memory_space<hbm>>
      %dma_start3A_216 = tpu.memref_squeeze %dma_start3A_215 : memref<1x10000x128xf32, #tpu.memory_space<hbm>> -> memref<10000x128xf32, #tpu.memory_space<hbm>>
      %dma_start3A_217 = arith.constant 0 : i32
      %dma_start3A_218 = arith.constant 0 : i32
      %dma_start3A_219 = tpu.memref_slice %dma_start3A_216[%dma_start3A_217, %dma_start3A_218] : memref<10000x128xf32, #tpu.memory_space<hbm>> -> memref<10000x128xf32, #tpu.memory_space<hbm>>
      tpu.enqueue_indirect_dma source(%dma_start3A_219 : memref<10000x128xf32, #tpu.memory_space<hbm>>) target(%dma_start3A_205 : memref<128x128xf32, #tpu.memory_space<vmem>>) offsets(%dma_start3A_212 : memref<128xi32, #tpu.memory_space<vmem>>) semaphore(%arg12 : memref<!tpu.dma_semaphore, #tpu.memory_space<semaphore_mem>>)
      %dma_wait3A_220 = arith.constant 1 : i32
      %dma_wait3A_221 = arith.constant 1 : i32
      %dma_wait3A_222 = arith.constant 0 : i32
      %dma_wait3A_223 = arith.constant 0 : i32
      %dma_wait3A_224 = tpu.memref_slice %arg9[%dma_wait3A_221, %dma_wait3A_222, %dma_wait3A_223] : memref<2x128x128xf32, #tpu.memory_space<vmem>> -> memref<1x128x128xf32, #tpu.memory_space<vmem>>
      %dma_wait3A_225 = tpu.memref_squeeze %dma_wait3A_224 : memref<1x128x128xf32, #tpu.memory_space<vmem>> -> memref<128x128xf32, #tpu.memory_space<vmem>>
      %dma_wait3A_226 = arith.constant 0 : i32
      %dma_wait3A_227 = arith.constant 0 : i32
      %dma_wait3A_228 = tpu.memref_slice %arg7[%select_n3A_67, %dma_wait3A_226, %dma_wait3A_227] : memref<2x6x128xi32, #tpu.memory_space<vmem>> -> memref<1x6x128xi32, #tpu.memory_space<vmem>>
      %dma_wait3A_229 = tpu.memref_squeeze %dma_wait3A_228 : memref<1x6x128xi32, #tpu.memory_space<vmem>> -> memref<6x128xi32, #tpu.memory_space<vmem>>
      %dma_wait3A_230 = arith.constant 0 : i32
      %dma_wait3A_231 = tpu.memref_slice %dma_wait3A_229[%dma_wait3A_220, %dma_wait3A_230] : memref<6x128xi32, #tpu.memory_space<vmem>> -> memref<1x128xi32, #tpu.memory_space<vmem>>
      %dma_wait3A_232 = tpu.memref_squeeze %dma_wait3A_231 : memref<1x128xi32, #tpu.memory_space<vmem>> -> memref<128xi32, #tpu.memory_space<vmem>>
      %dma_wait3A_233 = arith.constant 0 : i32
      %dma_wait3A_234 = arith.constant 0 : i32
      %dma_wait3A_235 = tpu.memref_slice %arg2[%add3A_55, %dma_wait3A_233, %dma_wait3A_234] : memref<27x10000x128xf32, #tpu.memory_space<hbm>> -> memref<1x10000x128xf32, #tpu.memory_space<hbm>>
      %dma_wait3A_236 = tpu.memref_squeeze %dma_wait3A_235 : memref<1x10000x128xf32, #tpu.memory_space<hbm>> -> memref<10000x128xf32, #tpu.memory_space<hbm>>
      %dma_wait3A_237 = arith.constant 0 : i32
      %dma_wait3A_238 = arith.constant 0 : i32
      %dma_wait3A_239 = tpu.memref_slice %dma_wait3A_236[%dma_wait3A_237, %dma_wait3A_238] : memref<10000x128xf32, #tpu.memory_space<hbm>> -> memref<10000x128xf32, #tpu.memory_space<hbm>>
      tpu.wait_indirect_dma semaphore(%arg13 : memref<!tpu.dma_semaphore, #tpu.memory_space<semaphore_mem>>) src(%dma_wait3A_239 : memref<10000x128xf32, #tpu.memory_space<hbm>>) dst(%dma_wait3A_225 : memref<128x128xf32, #tpu.memory_space<vmem>>)
      %dma_start3A_240 = arith.constant 1 : i32
      %dma_start3A_241 = arith.constant 1 : i32
      %dma_start3A_242 = arith.constant 0 : i32
      %dma_start3A_243 = arith.constant 0 : i32
      %dma_start3A_244 = tpu.memref_slice %arg9[%dma_start3A_240, %dma_start3A_242, %dma_start3A_243] : memref<2x128x128xf32, #tpu.memory_space<vmem>> -> memref<1x128x128xf32, #tpu.memory_space<vmem>>
      %dma_start3A_245 = tpu.memref_squeeze %dma_start3A_244 : memref<1x128x128xf32, #tpu.memory_space<vmem>> -> memref<128x128xf32, #tpu.memory_space<vmem>>
      %dma_start3A_246 = arith.constant 0 : i32
      %dma_start3A_247 = arith.constant 0 : i32
      %dma_start3A_248 = tpu.memref_slice %arg8[%select_n3A_67, %dma_start3A_246, %dma_start3A_247] : memref<2x6x128xi32, #tpu.memory_space<vmem>> -> memref<1x6x128xi32, #tpu.memory_space<vmem>>
      %dma_start3A_249 = tpu.memref_squeeze %dma_start3A_248 : memref<1x6x128xi32, #tpu.memory_space<vmem>> -> memref<6x128xi32, #tpu.memory_space<vmem>>
      %dma_start3A_250 = arith.constant 0 : i32
      %dma_start3A_251 = tpu.memref_slice %dma_start3A_249[%dma_start3A_241, %dma_start3A_250] : memref<6x128xi32, #tpu.memory_space<vmem>> -> memref<1x128xi32, #tpu.memory_space<vmem>>
      %dma_start3A_252 = tpu.memref_squeeze %dma_start3A_251 : memref<1x128xi32, #tpu.memory_space<vmem>> -> memref<128xi32, #tpu.memory_space<vmem>>
      %dma_start3A_253 = arith.constant 0 : i32
      %dma_start3A_254 = arith.constant 0 : i32
      %dma_start3A_255 = tpu.memref_slice %arg10[%dma_start3A_253, %dma_start3A_254] : memref<10240x128xf32, #tpu.memory_space<vmem_shared>> -> memref<10240x128xf32, #tpu.memory_space<vmem_shared>>
      tpu.enqueue_indirect_dma source(%dma_start3A_245 : memref<128x128xf32, #tpu.memory_space<vmem>>) target(%dma_start3A_255 : memref<10240x128xf32, #tpu.memory_space<vmem_shared>>) offsets(%dma_start3A_252 : memref<128xi32, #tpu.memory_space<vmem>>) semaphore(%arg17 : memref<!tpu.dma_semaphore, #tpu.memory_space<semaphore_mem>>) {add = true}
      %dma_wait3A_256 = arith.constant 1 : i32
      %dma_wait3A_257 = arith.constant 1 : i32
      %dma_wait3A_258 = arith.constant 0 : i32
      %dma_wait3A_259 = arith.constant 0 : i32
      %dma_wait3A_260 = tpu.memref_slice %arg9[%dma_wait3A_256, %dma_wait3A_258, %dma_wait3A_259] : memref<2x128x128xf32, #tpu.memory_space<vmem>> -> memref<1x128x128xf32, #tpu.memory_space<vmem>>
      %dma_wait3A_261 = tpu.memref_squeeze %dma_wait3A_260 : memref<1x128x128xf32, #tpu.memory_space<vmem>> -> memref<128x128xf32, #tpu.memory_space<vmem>>
      %dma_wait3A_262 = arith.constant 0 : i32
      %dma_wait3A_263 = arith.constant 0 : i32
      %dma_wait3A_264 = tpu.memref_slice %arg8[%select_n3A_67, %dma_wait3A_262, %dma_wait3A_263] : memref<2x6x128xi32, #tpu.memory_space<vmem>> -> memref<1x6x128xi32, #tpu.memory_space<vmem>>
      %dma_wait3A_265 = tpu.memref_squeeze %dma_wait3A_264 : memref<1x6x128xi32, #tpu.memory_space<vmem>> -> memref<6x128xi32, #tpu.memory_space<vmem>>
      %dma_wait3A_266 = arith.constant 0 : i32
      %dma_wait3A_267 = tpu.memref_slice %dma_wait3A_265[%dma_wait3A_257, %dma_wait3A_266] : memref<6x128xi32, #tpu.memory_space<vmem>> -> memref<1x128xi32, #tpu.memory_space<vmem>>
      %dma_wait3A_268 = tpu.memref_squeeze %dma_wait3A_267 : memref<1x128xi32, #tpu.memory_space<vmem>> -> memref<128xi32, #tpu.memory_space<vmem>>
      %dma_wait3A_269 = arith.constant 0 : i32
      %dma_wait3A_270 = arith.constant 0 : i32
      %dma_wait3A_271 = tpu.memref_slice %arg10[%dma_wait3A_269, %dma_wait3A_270] : memref<10240x128xf32, #tpu.memory_space<vmem_shared>> -> memref<10240x128xf32, #tpu.memory_space<vmem_shared>>
      tpu.wait_indirect_dma semaphore(%arg17 : memref<!tpu.dma_semaphore, #tpu.memory_space<semaphore_mem>>) src(%dma_wait3A_261 : memref<128x128xf32, #tpu.memory_space<vmem>>) dst(%dma_wait3A_271 : memref<10240x128xf32, #tpu.memory_space<vmem_shared>>)
      %dma_start3A_272 = arith.constant 3 : i32
      %dma_start3A_273 = arith.constant 1 : i32
      %dma_start3A_274 = arith.constant 0 : i32
      %dma_start3A_275 = arith.constant 0 : i32
      %dma_start3A_276 = tpu.memref_slice %arg9[%dma_start3A_273, %dma_start3A_274, %dma_start3A_275] : memref<2x128x128xf32, #tpu.memory_space<vmem>> -> memref<1x128x128xf32, #tpu.memory_space<vmem>>
      %dma_start3A_277 = tpu.memref_squeeze %dma_start3A_276 : memref<1x128x128xf32, #tpu.memory_space<vmem>> -> memref<128x128xf32, #tpu.memory_space<vmem>>
      %dma_start3A_278 = arith.constant 0 : i32
      %dma_start3A_279 = arith.constant 0 : i32
      %dma_start3A_280 = tpu.memref_slice %arg7[%select_n3A_67, %dma_start3A_278, %dma_start3A_279] : memref<2x6x128xi32, #tpu.memory_space<vmem>> -> memref<1x6x128xi32, #tpu.memory_space<vmem>>
      %dma_start3A_281 = tpu.memref_squeeze %dma_start3A_280 : memref<1x6x128xi32, #tpu.memory_space<vmem>> -> memref<6x128xi32, #tpu.memory_space<vmem>>
      %dma_start3A_282 = arith.constant 0 : i32
      %dma_start3A_283 = tpu.memref_slice %dma_start3A_281[%dma_start3A_272, %dma_start3A_282] : memref<6x128xi32, #tpu.memory_space<vmem>> -> memref<1x128xi32, #tpu.memory_space<vmem>>
      %dma_start3A_284 = tpu.memref_squeeze %dma_start3A_283 : memref<1x128xi32, #tpu.memory_space<vmem>> -> memref<128xi32, #tpu.memory_space<vmem>>
      %dma_start3A_285 = arith.constant 0 : i32
      %dma_start3A_286 = arith.constant 0 : i32
      %dma_start3A_287 = tpu.memref_slice %arg2[%add3A_55, %dma_start3A_285, %dma_start3A_286] : memref<27x10000x128xf32, #tpu.memory_space<hbm>> -> memref<1x10000x128xf32, #tpu.memory_space<hbm>>
      %dma_start3A_288 = tpu.memref_squeeze %dma_start3A_287 : memref<1x10000x128xf32, #tpu.memory_space<hbm>> -> memref<10000x128xf32, #tpu.memory_space<hbm>>
      %dma_start3A_289 = arith.constant 0 : i32
      %dma_start3A_290 = arith.constant 0 : i32
      %dma_start3A_291 = tpu.memref_slice %dma_start3A_288[%dma_start3A_289, %dma_start3A_290] : memref<10000x128xf32, #tpu.memory_space<hbm>> -> memref<10000x128xf32, #tpu.memory_space<hbm>>
      tpu.enqueue_indirect_dma source(%dma_start3A_291 : memref<10000x128xf32, #tpu.memory_space<hbm>>) target(%dma_start3A_277 : memref<128x128xf32, #tpu.memory_space<vmem>>) offsets(%dma_start3A_284 : memref<128xi32, #tpu.memory_space<vmem>>) semaphore(%arg13 : memref<!tpu.dma_semaphore, #tpu.memory_space<semaphore_mem>>)
      %dma_wait3A_292 = arith.constant 2 : i32
      %dma_wait3A_293 = arith.constant 0 : i32
      %dma_wait3A_294 = arith.constant 0 : i32
      %dma_wait3A_295 = arith.constant 0 : i32
      %dma_wait3A_296 = tpu.memref_slice %arg9[%dma_wait3A_293, %dma_wait3A_294, %dma_wait3A_295] : memref<2x128x128xf32, #tpu.memory_space<vmem>> -> memref<1x128x128xf32, #tpu.memory_space<vmem>>
      %dma_wait3A_297 = tpu.memref_squeeze %dma_wait3A_296 : memref<1x128x128xf32, #tpu.memory_space<vmem>> -> memref<128x128xf32, #tpu.memory_space<vmem>>
      %dma_wait3A_298 = arith.constant 0 : i32
      %dma_wait3A_299 = arith.constant 0 : i32
      %dma_wait3A_300 = tpu.memref_slice %arg7[%select_n3A_67, %dma_wait3A_298, %dma_wait3A_299] : memref<2x6x128xi32, #tpu.memory_space<vmem>> -> memref<1x6x128xi32, #tpu.memory_space<vmem>>
      %dma_wait3A_301 = tpu.memref_squeeze %dma_wait3A_300 : memref<1x6x128xi32, #tpu.memory_space<vmem>> -> memref<6x128xi32, #tpu.memory_space<vmem>>
      %dma_wait3A_302 = arith.constant 0 : i32
      %dma_wait3A_303 = tpu.memref_slice %dma_wait3A_301[%dma_wait3A_292, %dma_wait3A_302] : memref<6x128xi32, #tpu.memory_space<vmem>> -> memref<1x128xi32, #tpu.memory_space<vmem>>
      %dma_wait3A_304 = tpu.memref_squeeze %dma_wait3A_303 : memref<1x128xi32, #tpu.memory_space<vmem>> -> memref<128xi32, #tpu.memory_space<vmem>>
      %dma_wait3A_305 = arith.constant 0 : i32
      %dma_wait3A_306 = arith.constant 0 : i32
      %dma_wait3A_307 = tpu.memref_slice %arg2[%add3A_55, %dma_wait3A_305, %dma_wait3A_306] : memref<27x10000x128xf32, #tpu.memory_space<hbm>> -> memref<1x10000x128xf32, #tpu.memory_space<hbm>>
      %dma_wait3A_308 = tpu.memref_squeeze %dma_wait3A_307 : memref<1x10000x128xf32, #tpu.memory_space<hbm>> -> memref<10000x128xf32, #tpu.memory_space<hbm>>
      %dma_wait3A_309 = arith.constant 0 : i32
      %dma_wait3A_310 = arith.constant 0 : i32
      %dma_wait3A_311 = tpu.memref_slice %dma_wait3A_308[%dma_wait3A_309, %dma_wait3A_310] : memref<10000x128xf32, #tpu.memory_space<hbm>> -> memref<10000x128xf32, #tpu.memory_space<hbm>>
      tpu.wait_indirect_dma semaphore(%arg12 : memref<!tpu.dma_semaphore, #tpu.memory_space<semaphore_mem>>) src(%dma_wait3A_311 : memref<10000x128xf32, #tpu.memory_space<hbm>>) dst(%dma_wait3A_297 : memref<128x128xf32, #tpu.memory_space<vmem>>)
      %dma_start3A_312 = arith.constant 0 : i32
      %dma_start3A_313 = arith.constant 2 : i32
      %dma_start3A_314 = arith.constant 0 : i32
      %dma_start3A_315 = arith.constant 0 : i32
      %dma_start3A_316 = tpu.memref_slice %arg9[%dma_start3A_312, %dma_start3A_314, %dma_start3A_315] : memref<2x128x128xf32, #tpu.memory_space<vmem>> -> memref<1x128x128xf32, #tpu.memory_space<vmem>>
      %dma_start3A_317 = tpu.memref_squeeze %dma_start3A_316 : memref<1x128x128xf32, #tpu.memory_space<vmem>> -> memref<128x128xf32, #tpu.memory_space<vmem>>
      %dma_start3A_318 = arith.constant 0 : i32
      %dma_start3A_319 = arith.constant 0 : i32
      %dma_start3A_320 = tpu.memref_slice %arg8[%select_n3A_67, %dma_start3A_318, %dma_start3A_319] : memref<2x6x128xi32, #tpu.memory_space<vmem>> -> memref<1x6x128xi32, #tpu.memory_space<vmem>>
      %dma_start3A_321 = tpu.memref_squeeze %dma_start3A_320 : memref<1x6x128xi32, #tpu.memory_space<vmem>> -> memref<6x128xi32, #tpu.memory_space<vmem>>
      %dma_start3A_322 = arith.constant 0 : i32
      %dma_start3A_323 = tpu.memref_slice %dma_start3A_321[%dma_start3A_313, %dma_start3A_322] : memref<6x128xi32, #tpu.memory_space<vmem>> -> memref<1x128xi32, #tpu.memory_space<vmem>>
      %dma_start3A_324 = tpu.memref_squeeze %dma_start3A_323 : memref<1x128xi32, #tpu.memory_space<vmem>> -> memref<128xi32, #tpu.memory_space<vmem>>
      %dma_start3A_325 = arith.constant 0 : i32
      %dma_start3A_326 = arith.constant 0 : i32
      %dma_start3A_327 = tpu.memref_slice %arg10[%dma_start3A_325, %dma_start3A_326] : memref<10240x128xf32, #tpu.memory_space<vmem_shared>> -> memref<10240x128xf32, #tpu.memory_space<vmem_shared>>
      tpu.enqueue_indirect_dma source(%dma_start3A_317 : memref<128x128xf32, #tpu.memory_space<vmem>>) target(%dma_start3A_327 : memref<10240x128xf32, #tpu.memory_space<vmem_shared>>) offsets(%dma_start3A_324 : memref<128xi32, #tpu.memory_space<vmem>>) semaphore(%arg16 : memref<!tpu.dma_semaphore, #tpu.memory_space<semaphore_mem>>) {add = true}
      %dma_wait3A_328 = arith.constant 0 : i32
      %dma_wait3A_329 = arith.constant 2 : i32
      %dma_wait3A_330 = arith.constant 0 : i32
      %dma_wait3A_331 = arith.constant 0 : i32
      %dma_wait3A_332 = tpu.memref_slice %arg9[%dma_wait3A_328, %dma_wait3A_330, %dma_wait3A_331] : memref<2x128x128xf32, #tpu.memory_space<vmem>> -> memref<1x128x128xf32, #tpu.memory_space<vmem>>
      %dma_wait3A_333 = tpu.memref_squeeze %dma_wait3A_332 : memref<1x128x128xf32, #tpu.memory_space<vmem>> -> memref<128x128xf32, #tpu.memory_space<vmem>>
      %dma_wait3A_334 = arith.constant 0 : i32
      %dma_wait3A_335 = arith.constant 0 : i32
      %dma_wait3A_336 = tpu.memref_slice %arg8[%select_n3A_67, %dma_wait3A_334, %dma_wait3A_335] : memref<2x6x128xi32, #tpu.memory_space<vmem>> -> memref<1x6x128xi32, #tpu.memory_space<vmem>>
      %dma_wait3A_337 = tpu.memref_squeeze %dma_wait3A_336 : memref<1x6x128xi32, #tpu.memory_space<vmem>> -> memref<6x128xi32, #tpu.memory_space<vmem>>
      %dma_wait3A_338 = arith.constant 0 : i32
      %dma_wait3A_339 = tpu.memref_slice %dma_wait3A_337[%dma_wait3A_329, %dma_wait3A_338] : memref<6x128xi32, #tpu.memory_space<vmem>> -> memref<1x128xi32, #tpu.memory_space<vmem>>
      %dma_wait3A_340 = tpu.memref_squeeze %dma_wait3A_339 : memref<1x128xi32, #tpu.memory_space<vmem>> -> memref<128xi32, #tpu.memory_space<vmem>>
      %dma_wait3A_341 = arith.constant 0 : i32
      %dma_wait3A_342 = arith.constant 0 : i32
      %dma_wait3A_343 = tpu.memref_slice %arg10[%dma_wait3A_341, %dma_wait3A_342] : memref<10240x128xf32, #tpu.memory_space<vmem_shared>> -> memref<10240x128xf32, #tpu.memory_space<vmem_shared>>
      tpu.wait_indirect_dma semaphore(%arg16 : memref<!tpu.dma_semaphore, #tpu.memory_space<semaphore_mem>>) src(%dma_wait3A_333 : memref<128x128xf32, #tpu.memory_space<vmem>>) dst(%dma_wait3A_343 : memref<10240x128xf32, #tpu.memory_space<vmem_shared>>)
      %dma_start3A_344 = arith.constant 4 : i32
      %dma_start3A_345 = arith.constant 0 : i32
      %dma_start3A_346 = arith.constant 0 : i32
      %dma_start3A_347 = arith.constant 0 : i32
      %dma_start3A_348 = tpu.memref_slice %arg9[%dma_start3A_345, %dma_start3A_346, %dma_start3A_347] : memref<2x128x128xf32, #tpu.memory_space<vmem>> -> memref<1x128x128xf32, #tpu.memory_space<vmem>>
      %dma_start3A_349 = tpu.memref_squeeze %dma_start3A_348 : memref<1x128x128xf32, #tpu.memory_space<vmem>> -> memref<128x128xf32, #tpu.memory_space<vmem>>
      %dma_start3A_350 = arith.constant 0 : i32
      %dma_start3A_351 = arith.constant 0 : i32
      %dma_start3A_352 = tpu.memref_slice %arg7[%select_n3A_67, %dma_start3A_350, %dma_start3A_351] : memref<2x6x128xi32, #tpu.memory_space<vmem>> -> memref<1x6x128xi32, #tpu.memory_space<vmem>>
      %dma_start3A_353 = tpu.memref_squeeze %dma_start3A_352 : memref<1x6x128xi32, #tpu.memory_space<vmem>> -> memref<6x128xi32, #tpu.memory_space<vmem>>
      %dma_start3A_354 = arith.constant 0 : i32
      %dma_start3A_355 = tpu.memref_slice %dma_start3A_353[%dma_start3A_344, %dma_start3A_354] : memref<6x128xi32, #tpu.memory_space<vmem>> -> memref<1x128xi32, #tpu.memory_space<vmem>>
      %dma_start3A_356 = tpu.memref_squeeze %dma_start3A_355 : memref<1x128xi32, #tpu.memory_space<vmem>> -> memref<128xi32, #tpu.memory_space<vmem>>
      %dma_start3A_357 = arith.constant 0 : i32
      %dma_start3A_358 = arith.constant 0 : i32
      %dma_start3A_359 = tpu.memref_slice %arg2[%add3A_55, %dma_start3A_357, %dma_start3A_358] : memref<27x10000x128xf32, #tpu.memory_space<hbm>> -> memref<1x10000x128xf32, #tpu.memory_space<hbm>>
      %dma_start3A_360 = tpu.memref_squeeze %dma_start3A_359 : memref<1x10000x128xf32, #tpu.memory_space<hbm>> -> memref<10000x128xf32, #tpu.memory_space<hbm>>
      %dma_start3A_361 = arith.constant 0 : i32
      %dma_start3A_362 = arith.constant 0 : i32
      %dma_start3A_363 = tpu.memref_slice %dma_start3A_360[%dma_start3A_361, %dma_start3A_362] : memref<10000x128xf32, #tpu.memory_space<hbm>> -> memref<10000x128xf32, #tpu.memory_space<hbm>>
      tpu.enqueue_indirect_dma source(%dma_start3A_363 : memref<10000x128xf32, #tpu.memory_space<hbm>>) target(%dma_start3A_349 : memref<128x128xf32, #tpu.memory_space<vmem>>) offsets(%dma_start3A_356 : memref<128xi32, #tpu.memory_space<vmem>>) semaphore(%arg12 : memref<!tpu.dma_semaphore, #tpu.memory_space<semaphore_mem>>)
      %dma_wait3A_364 = arith.constant 3 : i32
      %dma_wait3A_365 = arith.constant 1 : i32
      %dma_wait3A_366 = arith.constant 0 : i32
      %dma_wait3A_367 = arith.constant 0 : i32
      %dma_wait3A_368 = tpu.memref_slice %arg9[%dma_wait3A_365, %dma_wait3A_366, %dma_wait3A_367] : memref<2x128x128xf32, #tpu.memory_space<vmem>> -> memref<1x128x128xf32, #tpu.memory_space<vmem>>
      %dma_wait3A_369 = tpu.memref_squeeze %dma_wait3A_368 : memref<1x128x128xf32, #tpu.memory_space<vmem>> -> memref<128x128xf32, #tpu.memory_space<vmem>>
      %dma_wait3A_370 = arith.constant 0 : i32
      %dma_wait3A_371 = arith.constant 0 : i32
      %dma_wait3A_372 = tpu.memref_slice %arg7[%select_n3A_67, %dma_wait3A_370, %dma_wait3A_371] : memref<2x6x128xi32, #tpu.memory_space<vmem>> -> memref<1x6x128xi32, #tpu.memory_space<vmem>>
      %dma_wait3A_373 = tpu.memref_squeeze %dma_wait3A_372 : memref<1x6x128xi32, #tpu.memory_space<vmem>> -> memref<6x128xi32, #tpu.memory_space<vmem>>
      %dma_wait3A_374 = arith.constant 0 : i32
      %dma_wait3A_375 = tpu.memref_slice %dma_wait3A_373[%dma_wait3A_364, %dma_wait3A_374] : memref<6x128xi32, #tpu.memory_space<vmem>> -> memref<1x128xi32, #tpu.memory_space<vmem>>
      %dma_wait3A_376 = tpu.memref_squeeze %dma_wait3A_375 : memref<1x128xi32, #tpu.memory_space<vmem>> -> memref<128xi32, #tpu.memory_space<vmem>>
      %dma_wait3A_377 = arith.constant 0 : i32
      %dma_wait3A_378 = arith.constant 0 : i32
      %dma_wait3A_379 = tpu.memref_slice %arg2[%add3A_55, %dma_wait3A_377, %dma_wait3A_378] : memref<27x10000x128xf32, #tpu.memory_space<hbm>> -> memref<1x10000x128xf32, #tpu.memory_space<hbm>>
      %dma_wait3A_380 = tpu.memref_squeeze %dma_wait3A_379 : memref<1x10000x128xf32, #tpu.memory_space<hbm>> -> memref<10000x128xf32, #tpu.memory_space<hbm>>
      %dma_wait3A_381 = arith.constant 0 : i32
      %dma_wait3A_382 = arith.constant 0 : i32
      %dma_wait3A_383 = tpu.memref_slice %dma_wait3A_380[%dma_wait3A_381, %dma_wait3A_382] : memref<10000x128xf32, #tpu.memory_space<hbm>> -> memref<10000x128xf32, #tpu.memory_space<hbm>>
      tpu.wait_indirect_dma semaphore(%arg13 : memref<!tpu.dma_semaphore, #tpu.memory_space<semaphore_mem>>) src(%dma_wait3A_383 : memref<10000x128xf32, #tpu.memory_space<hbm>>) dst(%dma_wait3A_369 : memref<128x128xf32, #tpu.memory_space<vmem>>)
      %dma_start3A_384 = arith.constant 1 : i32
      %dma_start3A_385 = arith.constant 3 : i32
      %dma_start3A_386 = arith.constant 0 : i32
      %dma_start3A_387 = arith.constant 0 : i32
      %dma_start3A_388 = tpu.memref_slice %arg9[%dma_start3A_384, %dma_start3A_386, %dma_start3A_387] : memref<2x128x128xf32, #tpu.memory_space<vmem>> -> memref<1x128x128xf32, #tpu.memory_space<vmem>>
      %dma_start3A_389 = tpu.memref_squeeze %dma_start3A_388 : memref<1x128x128xf32, #tpu.memory_space<vmem>> -> memref<128x128xf32, #tpu.memory_space<vmem>>
      %dma_start3A_390 = arith.constant 0 : i32
      %dma_start3A_391 = arith.constant 0 : i32
      %dma_start3A_392 = tpu.memref_slice %arg8[%select_n3A_67, %dma_start3A_390, %dma_start3A_391] : memref<2x6x128xi32, #tpu.memory_space<vmem>> -> memref<1x6x128xi32, #tpu.memory_space<vmem>>
      %dma_start3A_393 = tpu.memref_squeeze %dma_start3A_392 : memref<1x6x128xi32, #tpu.memory_space<vmem>> -> memref<6x128xi32, #tpu.memory_space<vmem>>
      %dma_start3A_394 = arith.constant 0 : i32
      %dma_start3A_395 = tpu.memref_slice %dma_start3A_393[%dma_start3A_385, %dma_start3A_394] : memref<6x128xi32, #tpu.memory_space<vmem>> -> memref<1x128xi32, #tpu.memory_space<vmem>>
      %dma_start3A_396 = tpu.memref_squeeze %dma_start3A_395 : memref<1x128xi32, #tpu.memory_space<vmem>> -> memref<128xi32, #tpu.memory_space<vmem>>
      %dma_start3A_397 = arith.constant 0 : i32
      %dma_start3A_398 = arith.constant 0 : i32
      %dma_start3A_399 = tpu.memref_slice %arg10[%dma_start3A_397, %dma_start3A_398] : memref<10240x128xf32, #tpu.memory_space<vmem_shared>> -> memref<10240x128xf32, #tpu.memory_space<vmem_shared>>
      tpu.enqueue_indirect_dma source(%dma_start3A_389 : memref<128x128xf32, #tpu.memory_space<vmem>>) target(%dma_start3A_399 : memref<10240x128xf32, #tpu.memory_space<vmem_shared>>) offsets(%dma_start3A_396 : memref<128xi32, #tpu.memory_space<vmem>>) semaphore(%arg17 : memref<!tpu.dma_semaphore, #tpu.memory_space<semaphore_mem>>) {add = true}
      %dma_wait3A_400 = arith.constant 1 : i32
      %dma_wait3A_401 = arith.constant 3 : i32
      %dma_wait3A_402 = arith.constant 0 : i32
      %dma_wait3A_403 = arith.constant 0 : i32
      %dma_wait3A_404 = tpu.memref_slice %arg9[%dma_wait3A_400, %dma_wait3A_402, %dma_wait3A_403] : memref<2x128x128xf32, #tpu.memory_space<vmem>> -> memref<1x128x128xf32, #tpu.memory_space<vmem>>
      %dma_wait3A_405 = tpu.memref_squeeze %dma_wait3A_404 : memref<1x128x128xf32, #tpu.memory_space<vmem>> -> memref<128x128xf32, #tpu.memory_space<vmem>>
      %dma_wait3A_406 = arith.constant 0 : i32
      %dma_wait3A_407 = arith.constant 0 : i32
      %dma_wait3A_408 = tpu.memref_slice %arg8[%select_n3A_67, %dma_wait3A_406, %dma_wait3A_407] : memref<2x6x128xi32, #tpu.memory_space<vmem>> -> memref<1x6x128xi32, #tpu.memory_space<vmem>>
      %dma_wait3A_409 = tpu.memref_squeeze %dma_wait3A_408 : memref<1x6x128xi32, #tpu.memory_space<vmem>> -> memref<6x128xi32, #tpu.memory_space<vmem>>
      %dma_wait3A_410 = arith.constant 0 : i32
      %dma_wait3A_411 = tpu.memref_slice %dma_wait3A_409[%dma_wait3A_401, %dma_wait3A_410] : memref<6x128xi32, #tpu.memory_space<vmem>> -> memref<1x128xi32, #tpu.memory_space<vmem>>
      %dma_wait3A_412 = tpu.memref_squeeze %dma_wait3A_411 : memref<1x128xi32, #tpu.memory_space<vmem>> -> memref<128xi32, #tpu.memory_space<vmem>>
      %dma_wait3A_413 = arith.constant 0 : i32
      %dma_wait3A_414 = arith.constant 0 : i32
      %dma_wait3A_415 = tpu.memref_slice %arg10[%dma_wait3A_413, %dma_wait3A_414] : memref<10240x128xf32, #tpu.memory_space<vmem_shared>> -> memref<10240x128xf32, #tpu.memory_space<vmem_shared>>
      tpu.wait_indirect_dma semaphore(%arg17 : memref<!tpu.dma_semaphore, #tpu.memory_space<semaphore_mem>>) src(%dma_wait3A_405 : memref<128x128xf32, #tpu.memory_space<vmem>>) dst(%dma_wait3A_415 : memref<10240x128xf32, #tpu.memory_space<vmem_shared>>)
      %dma_start3A_416 = arith.constant 5 : i32
      %dma_start3A_417 = arith.constant 1 : i32
      %dma_start3A_418 = arith.constant 0 : i32
      %dma_start3A_419 = arith.constant 0 : i32
      %dma_start3A_420 = tpu.memref_slice %arg9[%dma_start3A_417, %dma_start3A_418, %dma_start3A_419] : memref<2x128x128xf32, #tpu.memory_space<vmem>> -> memref<1x128x128xf32, #tpu.memory_space<vmem>>
      %dma_start3A_421 = tpu.memref_squeeze %dma_start3A_420 : memref<1x128x128xf32, #tpu.memory_space<vmem>> -> memref<128x128xf32, #tpu.memory_space<vmem>>
      %dma_start3A_422 = arith.constant 0 : i32
      %dma_start3A_423 = arith.constant 0 : i32
      %dma_start3A_424 = tpu.memref_slice %arg7[%select_n3A_67, %dma_start3A_422, %dma_start3A_423] : memref<2x6x128xi32, #tpu.memory_space<vmem>> -> memref<1x6x128xi32, #tpu.memory_space<vmem>>
      %dma_start3A_425 = tpu.memref_squeeze %dma_start3A_424 : memref<1x6x128xi32, #tpu.memory_space<vmem>> -> memref<6x128xi32, #tpu.memory_space<vmem>>
      %dma_start3A_426 = arith.constant 0 : i32
      %dma_start3A_427 = tpu.memref_slice %dma_start3A_425[%dma_start3A_416, %dma_start3A_426] : memref<6x128xi32, #tpu.memory_space<vmem>> -> memref<1x128xi32, #tpu.memory_space<vmem>>
      %dma_start3A_428 = tpu.memref_squeeze %dma_start3A_427 : memref<1x128xi32, #tpu.memory_space<vmem>> -> memref<128xi32, #tpu.memory_space<vmem>>
      %dma_start3A_429 = arith.constant 0 : i32
      %dma_start3A_430 = arith.constant 0 : i32
      %dma_start3A_431 = tpu.memref_slice %arg2[%add3A_55, %dma_start3A_429, %dma_start3A_430] : memref<27x10000x128xf32, #tpu.memory_space<hbm>> -> memref<1x10000x128xf32, #tpu.memory_space<hbm>>
      %dma_start3A_432 = tpu.memref_squeeze %dma_start3A_431 : memref<1x10000x128xf32, #tpu.memory_space<hbm>> -> memref<10000x128xf32, #tpu.memory_space<hbm>>
      %dma_start3A_433 = arith.constant 0 : i32
      %dma_start3A_434 = arith.constant 0 : i32
      %dma_start3A_435 = tpu.memref_slice %dma_start3A_432[%dma_start3A_433, %dma_start3A_434] : memref<10000x128xf32, #tpu.memory_space<hbm>> -> memref<10000x128xf32, #tpu.memory_space<hbm>>
      tpu.enqueue_indirect_dma source(%dma_start3A_435 : memref<10000x128xf32, #tpu.memory_space<hbm>>) target(%dma_start3A_421 : memref<128x128xf32, #tpu.memory_space<vmem>>) offsets(%dma_start3A_428 : memref<128xi32, #tpu.memory_space<vmem>>) semaphore(%arg13 : memref<!tpu.dma_semaphore, #tpu.memory_space<semaphore_mem>>)
      %dma_wait3A_436 = arith.constant 4 : i32
      %dma_wait3A_437 = arith.constant 0 : i32
      %dma_wait3A_438 = arith.constant 0 : i32
      %dma_wait3A_439 = arith.constant 0 : i32
      %dma_wait3A_440 = tpu.memref_slice %arg9[%dma_wait3A_437, %dma_wait3A_438, %dma_wait3A_439] : memref<2x128x128xf32, #tpu.memory_space<vmem>> -> memref<1x128x128xf32, #tpu.memory_space<vmem>>
      %dma_wait3A_441 = tpu.memref_squeeze %dma_wait3A_440 : memref<1x128x128xf32, #tpu.memory_space<vmem>> -> memref<128x128xf32, #tpu.memory_space<vmem>>
      %dma_wait3A_442 = arith.constant 0 : i32
      %dma_wait3A_443 = arith.constant 0 : i32
      %dma_wait3A_444 = tpu.memref_slice %arg7[%select_n3A_67, %dma_wait3A_442, %dma_wait3A_443] : memref<2x6x128xi32, #tpu.memory_space<vmem>> -> memref<1x6x128xi32, #tpu.memory_space<vmem>>
      %dma_wait3A_445 = tpu.memref_squeeze %dma_wait3A_444 : memref<1x6x128xi32, #tpu.memory_space<vmem>> -> memref<6x128xi32, #tpu.memory_space<vmem>>
      %dma_wait3A_446 = arith.constant 0 : i32
      %dma_wait3A_447 = tpu.memref_slice %dma_wait3A_445[%dma_wait3A_436, %dma_wait3A_446] : memref<6x128xi32, #tpu.memory_space<vmem>> -> memref<1x128xi32, #tpu.memory_space<vmem>>
      %dma_wait3A_448 = tpu.memref_squeeze %dma_wait3A_447 : memref<1x128xi32, #tpu.memory_space<vmem>> -> memref<128xi32, #tpu.memory_space<vmem>>
      %dma_wait3A_449 = arith.constant 0 : i32
      %dma_wait3A_450 = arith.constant 0 : i32
      %dma_wait3A_451 = tpu.memref_slice %arg2[%add3A_55, %dma_wait3A_449, %dma_wait3A_450] : memref<27x10000x128xf32, #tpu.memory_space<hbm>> -> memref<1x10000x128xf32, #tpu.memory_space<hbm>>
      %dma_wait3A_452 = tpu.memref_squeeze %dma_wait3A_451 : memref<1x10000x128xf32, #tpu.memory_space<hbm>> -> memref<10000x128xf32, #tpu.memory_space<hbm>>
      %dma_wait3A_453 = arith.constant 0 : i32
      %dma_wait3A_454 = arith.constant 0 : i32
      %dma_wait3A_455 = tpu.memref_slice %dma_wait3A_452[%dma_wait3A_453, %dma_wait3A_454] : memref<10000x128xf32, #tpu.memory_space<hbm>> -> memref<10000x128xf32, #tpu.memory_space<hbm>>
      tpu.wait_indirect_dma semaphore(%arg12 : memref<!tpu.dma_semaphore, #tpu.memory_space<semaphore_mem>>) src(%dma_wait3A_455 : memref<10000x128xf32, #tpu.memory_space<hbm>>) dst(%dma_wait3A_441 : memref<128x128xf32, #tpu.memory_space<vmem>>)
      %dma_start3A_456 = arith.constant 0 : i32
      %dma_start3A_457 = arith.constant 4 : i32
      %dma_start3A_458 = arith.constant 0 : i32
      %dma_start3A_459 = arith.constant 0 : i32
      %dma_start3A_460 = tpu.memref_slice %arg9[%dma_start3A_456, %dma_start3A_458, %dma_start3A_459] : memref<2x128x128xf32, #tpu.memory_space<vmem>> -> memref<1x128x128xf32, #tpu.memory_space<vmem>>
      %dma_start3A_461 = tpu.memref_squeeze %dma_start3A_460 : memref<1x128x128xf32, #tpu.memory_space<vmem>> -> memref<128x128xf32, #tpu.memory_space<vmem>>
      %dma_start3A_462 = arith.constant 0 : i32
      %dma_start3A_463 = arith.constant 0 : i32
      %dma_start3A_464 = tpu.memref_slice %arg8[%select_n3A_67, %dma_start3A_462, %dma_start3A_463] : memref<2x6x128xi32, #tpu.memory_space<vmem>> -> memref<1x6x128xi32, #tpu.memory_space<vmem>>
      %dma_start3A_465 = tpu.memref_squeeze %dma_start3A_464 : memref<1x6x128xi32, #tpu.memory_space<vmem>> -> memref<6x128xi32, #tpu.memory_space<vmem>>
      %dma_start3A_466 = arith.constant 0 : i32
      %dma_start3A_467 = tpu.memref_slice %dma_start3A_465[%dma_start3A_457, %dma_start3A_466] : memref<6x128xi32, #tpu.memory_space<vmem>> -> memref<1x128xi32, #tpu.memory_space<vmem>>
      %dma_start3A_468 = tpu.memref_squeeze %dma_start3A_467 : memref<1x128xi32, #tpu.memory_space<vmem>> -> memref<128xi32, #tpu.memory_space<vmem>>
      %dma_start3A_469 = arith.constant 0 : i32
      %dma_start3A_470 = arith.constant 0 : i32
      %dma_start3A_471 = tpu.memref_slice %arg10[%dma_start3A_469, %dma_start3A_470] : memref<10240x128xf32, #tpu.memory_space<vmem_shared>> -> memref<10240x128xf32, #tpu.memory_space<vmem_shared>>
      tpu.enqueue_indirect_dma source(%dma_start3A_461 : memref<128x128xf32, #tpu.memory_space<vmem>>) target(%dma_start3A_471 : memref<10240x128xf32, #tpu.memory_space<vmem_shared>>) offsets(%dma_start3A_468 : memref<128xi32, #tpu.memory_space<vmem>>) semaphore(%arg16 : memref<!tpu.dma_semaphore, #tpu.memory_space<semaphore_mem>>) {add = true}
      %dma_wait3A_472 = arith.constant 5 : i32
      %dma_wait3A_473 = arith.constant 1 : i32
      %dma_wait3A_474 = arith.constant 0 : i32
      %dma_wait3A_475 = arith.constant 0 : i32
      %dma_wait3A_476 = tpu.memref_slice %arg9[%dma_wait3A_473, %dma_wait3A_474, %dma_wait3A_475] : memref<2x128x128xf32, #tpu.memory_space<vmem>> -> memref<1x128x128xf32, #tpu.memory_space<vmem>>
      %dma_wait3A_477 = tpu.memref_squeeze %dma_wait3A_476 : memref<1x128x128xf32, #tpu.memory_space<vmem>> -> memref<128x128xf32, #tpu.memory_space<vmem>>
      %dma_wait3A_478 = arith.constant 0 : i32
      %dma_wait3A_479 = arith.constant 0 : i32
      %dma_wait3A_480 = tpu.memref_slice %arg7[%select_n3A_67, %dma_wait3A_478, %dma_wait3A_479] : memref<2x6x128xi32, #tpu.memory_space<vmem>> -> memref<1x6x128xi32, #tpu.memory_space<vmem>>
      %dma_wait3A_481 = tpu.memref_squeeze %dma_wait3A_480 : memref<1x6x128xi32, #tpu.memory_space<vmem>> -> memref<6x128xi32, #tpu.memory_space<vmem>>
      %dma_wait3A_482 = arith.constant 0 : i32
      %dma_wait3A_483 = tpu.memref_slice %dma_wait3A_481[%dma_wait3A_472, %dma_wait3A_482] : memref<6x128xi32, #tpu.memory_space<vmem>> -> memref<1x128xi32, #tpu.memory_space<vmem>>
      %dma_wait3A_484 = tpu.memref_squeeze %dma_wait3A_483 : memref<1x128xi32, #tpu.memory_space<vmem>> -> memref<128xi32, #tpu.memory_space<vmem>>
      %dma_wait3A_485 = arith.constant 0 : i32
      %dma_wait3A_486 = arith.constant 0 : i32
      %dma_wait3A_487 = tpu.memref_slice %arg2[%add3A_55, %dma_wait3A_485, %dma_wait3A_486] : memref<27x10000x128xf32, #tpu.memory_space<hbm>> -> memref<1x10000x128xf32, #tpu.memory_space<hbm>>
      %dma_wait3A_488 = tpu.memref_squeeze %dma_wait3A_487 : memref<1x10000x128xf32, #tpu.memory_space<hbm>> -> memref<10000x128xf32, #tpu.memory_space<hbm>>
      %dma_wait3A_489 = arith.constant 0 : i32
      %dma_wait3A_490 = arith.constant 0 : i32
      %dma_wait3A_491 = tpu.memref_slice %dma_wait3A_488[%dma_wait3A_489, %dma_wait3A_490] : memref<10000x128xf32, #tpu.memory_space<hbm>> -> memref<10000x128xf32, #tpu.memory_space<hbm>>
      tpu.wait_indirect_dma semaphore(%arg13 : memref<!tpu.dma_semaphore, #tpu.memory_space<semaphore_mem>>) src(%dma_wait3A_491 : memref<10000x128xf32, #tpu.memory_space<hbm>>) dst(%dma_wait3A_477 : memref<128x128xf32, #tpu.memory_space<vmem>>)
      %dma_start3A_492 = arith.constant 1 : i32
      %dma_start3A_493 = arith.constant 5 : i32
      %dma_start3A_494 = arith.constant 0 : i32
      %dma_start3A_495 = arith.constant 0 : i32
      %dma_start3A_496 = tpu.memref_slice %arg9[%dma_start3A_492, %dma_start3A_494, %dma_start3A_495] : memref<2x128x128xf32, #tpu.memory_space<vmem>> -> memref<1x128x128xf32, #tpu.memory_space<vmem>>
      %dma_start3A_497 = tpu.memref_squeeze %dma_start3A_496 : memref<1x128x128xf32, #tpu.memory_space<vmem>> -> memref<128x128xf32, #tpu.memory_space<vmem>>
      %dma_start3A_498 = arith.constant 0 : i32
      %dma_start3A_499 = arith.constant 0 : i32
      %dma_start3A_500 = tpu.memref_slice %arg8[%select_n3A_67, %dma_start3A_498, %dma_start3A_499] : memref<2x6x128xi32, #tpu.memory_space<vmem>> -> memref<1x6x128xi32, #tpu.memory_space<vmem>>
      %dma_start3A_501 = tpu.memref_squeeze %dma_start3A_500 : memref<1x6x128xi32, #tpu.memory_space<vmem>> -> memref<6x128xi32, #tpu.memory_space<vmem>>
      %dma_start3A_502 = arith.constant 0 : i32
      %dma_start3A_503 = tpu.memref_slice %dma_start3A_501[%dma_start3A_493, %dma_start3A_502] : memref<6x128xi32, #tpu.memory_space<vmem>> -> memref<1x128xi32, #tpu.memory_space<vmem>>
      %dma_start3A_504 = tpu.memref_squeeze %dma_start3A_503 : memref<1x128xi32, #tpu.memory_space<vmem>> -> memref<128xi32, #tpu.memory_space<vmem>>
      %dma_start3A_505 = arith.constant 0 : i32
      %dma_start3A_506 = arith.constant 0 : i32
      %dma_start3A_507 = tpu.memref_slice %arg10[%dma_start3A_505, %dma_start3A_506] : memref<10240x128xf32, #tpu.memory_space<vmem_shared>> -> memref<10240x128xf32, #tpu.memory_space<vmem_shared>>
      tpu.enqueue_indirect_dma source(%dma_start3A_497 : memref<128x128xf32, #tpu.memory_space<vmem>>) target(%dma_start3A_507 : memref<10240x128xf32, #tpu.memory_space<vmem_shared>>) offsets(%dma_start3A_504 : memref<128xi32, #tpu.memory_space<vmem>>) semaphore(%arg17 : memref<!tpu.dma_semaphore, #tpu.memory_space<semaphore_mem>>) {add = true}
      %dma_wait3A_508 = arith.constant 0 : i32
      %dma_wait3A_509 = arith.constant 4 : i32
      %dma_wait3A_510 = arith.constant 0 : i32
      %dma_wait3A_511 = arith.constant 0 : i32
      %dma_wait3A_512 = tpu.memref_slice %arg9[%dma_wait3A_508, %dma_wait3A_510, %dma_wait3A_511] : memref<2x128x128xf32, #tpu.memory_space<vmem>> -> memref<1x128x128xf32, #tpu.memory_space<vmem>>
      %dma_wait3A_513 = tpu.memref_squeeze %dma_wait3A_512 : memref<1x128x128xf32, #tpu.memory_space<vmem>> -> memref<128x128xf32, #tpu.memory_space<vmem>>
      %dma_wait3A_514 = arith.constant 0 : i32
      %dma_wait3A_515 = arith.constant 0 : i32
      %dma_wait3A_516 = tpu.memref_slice %arg8[%select_n3A_67, %dma_wait3A_514, %dma_wait3A_515] : memref<2x6x128xi32, #tpu.memory_space<vmem>> -> memref<1x6x128xi32, #tpu.memory_space<vmem>>
      %dma_wait3A_517 = tpu.memref_squeeze %dma_wait3A_516 : memref<1x6x128xi32, #tpu.memory_space<vmem>> -> memref<6x128xi32, #tpu.memory_space<vmem>>
      %dma_wait3A_518 = arith.constant 0 : i32
      %dma_wait3A_519 = tpu.memref_slice %dma_wait3A_517[%dma_wait3A_509, %dma_wait3A_518] : memref<6x128xi32, #tpu.memory_space<vmem>> -> memref<1x128xi32, #tpu.memory_space<vmem>>
      %dma_wait3A_520 = tpu.memref_squeeze %dma_wait3A_519 : memref<1x128xi32, #tpu.memory_space<vmem>> -> memref<128xi32, #tpu.memory_space<vmem>>
      %dma_wait3A_521 = arith.constant 0 : i32
      %dma_wait3A_522 = arith.constant 0 : i32
      %dma_wait3A_523 = tpu.memref_slice %arg10[%dma_wait3A_521, %dma_wait3A_522] : memref<10240x128xf32, #tpu.memory_space<vmem_shared>> -> memref<10240x128xf32, #tpu.memory_space<vmem_shared>>
      tpu.wait_indirect_dma semaphore(%arg16 : memref<!tpu.dma_semaphore, #tpu.memory_space<semaphore_mem>>) src(%dma_wait3A_513 : memref<128x128xf32, #tpu.memory_space<vmem>>) dst(%dma_wait3A_523 : memref<10240x128xf32, #tpu.memory_space<vmem_shared>>)
      %dma_wait3A_524 = arith.constant 1 : i32
      %dma_wait3A_525 = arith.constant 5 : i32
      %dma_wait3A_526 = arith.constant 0 : i32
      %dma_wait3A_527 = arith.constant 0 : i32
      %dma_wait3A_528 = tpu.memref_slice %arg9[%dma_wait3A_524, %dma_wait3A_526, %dma_wait3A_527] : memref<2x128x128xf32, #tpu.memory_space<vmem>> -> memref<1x128x128xf32, #tpu.memory_space<vmem>>
      %dma_wait3A_529 = tpu.memref_squeeze %dma_wait3A_528 : memref<1x128x128xf32, #tpu.memory_space<vmem>> -> memref<128x128xf32, #tpu.memory_space<vmem>>
      %dma_wait3A_530 = arith.constant 0 : i32
      %dma_wait3A_531 = arith.constant 0 : i32
      %dma_wait3A_532 = tpu.memref_slice %arg8[%select_n3A_67, %dma_wait3A_530, %dma_wait3A_531] : memref<2x6x128xi32, #tpu.memory_space<vmem>> -> memref<1x6x128xi32, #tpu.memory_space<vmem>>
      %dma_wait3A_533 = tpu.memref_squeeze %dma_wait3A_532 : memref<1x6x128xi32, #tpu.memory_space<vmem>> -> memref<6x128xi32, #tpu.memory_space<vmem>>
      %dma_wait3A_534 = arith.constant 0 : i32
      %dma_wait3A_535 = tpu.memref_slice %dma_wait3A_533[%dma_wait3A_525, %dma_wait3A_534] : memref<6x128xi32, #tpu.memory_space<vmem>> -> memref<1x128xi32, #tpu.memory_space<vmem>>
      %dma_wait3A_536 = tpu.memref_squeeze %dma_wait3A_535 : memref<1x128xi32, #tpu.memory_space<vmem>> -> memref<128xi32, #tpu.memory_space<vmem>>
      %dma_wait3A_537 = arith.constant 0 : i32
      %dma_wait3A_538 = arith.constant 0 : i32
      %dma_wait3A_539 = tpu.memref_slice %arg10[%dma_wait3A_537, %dma_wait3A_538] : memref<10240x128xf32, #tpu.memory_space<vmem_shared>> -> memref<10240x128xf32, #tpu.memory_space<vmem_shared>>
      tpu.wait_indirect_dma semaphore(%arg17 : memref<!tpu.dma_semaphore, #tpu.memory_space<semaphore_mem>>) src(%dma_wait3A_529 : memref<128x128xf32, #tpu.memory_space<vmem>>) dst(%dma_wait3A_539 : memref<10240x128xf32, #tpu.memory_space<vmem_shared>>)
    }
    %barrier3A = arith.constant 0 : index
    tpu.barrier barrier_id(%barrier3A)
    %mul3A = arith.constant 640 : i32
    %mul3A_50 = arith.muli %arg1, %mul3A : i32
    %mul3A_51 = arith.constant 640 : i32
    %mul3A_52 = arith.muli %arg1, %mul3A_51 : i32
    "tpu.region"() ({
      %run_scoped3A = tpu.sem_alloc : memref<!tpu.dma_semaphore, #tpu.memory_space<semaphore_mem>>
      %dma_start3A_53 = arith.constant 0 : i32
      %dma_start3A_54 = tpu.memref_slice %arg6[%arg0, %mul3A_52, %dma_start3A_53] : memref<2x10240x128xf32, #tpu.memory_space<hbm>> -> memref<1x640x128xf32, #tpu.memory_space<hbm>>
      %dma_start3A_55 = tpu.memref_squeeze %dma_start3A_54 : memref<1x640x128xf32, #tpu.memory_space<hbm>> -> memref<640x128xf32, #tpu.memory_space<hbm>>
      %dma_start3A_56 = arith.constant 0 : i32
      %dma_start3A_57 = tpu.memref_slice %arg10[%mul3A_50, %dma_start3A_56] : memref<10240x128xf32, #tpu.memory_space<vmem_shared>> -> memref<640x128xf32, #tpu.memory_space<vmem_shared>>
      tpu.enqueue_dma source(%dma_start3A_57 : memref<640x128xf32, #tpu.memory_space<vmem_shared>>) target(%dma_start3A_55 : memref<640x128xf32, #tpu.memory_space<hbm>>) target_semaphore(%run_scoped3A : memref<!tpu.dma_semaphore, #tpu.memory_space<semaphore_mem>>)
      %dma_wait3A = arith.constant 0 : i32
      %dma_wait3A_58 = tpu.memref_slice %arg6[%arg0, %mul3A_52, %dma_wait3A] : memref<2x10240x128xf32, #tpu.memory_space<hbm>> -> memref<1x640x128xf32, #tpu.memory_space<hbm>>
      %dma_wait3A_59 = tpu.memref_squeeze %dma_wait3A_58 : memref<1x640x128xf32, #tpu.memory_space<hbm>> -> memref<640x128xf32, #tpu.memory_space<hbm>>
      %dma_wait3A_60 = arith.constant 0 : i32
      %dma_wait3A_61 = tpu.memref_slice %arg10[%mul3A_50, %dma_wait3A_60] : memref<10240x128xf32, #tpu.memory_space<vmem_shared>> -> memref<640x128xf32, #tpu.memory_space<vmem_shared>>
      tpu.wait_dma2 semaphore(%run_scoped3A : memref<!tpu.dma_semaphore, #tpu.memory_space<semaphore_mem>>) src(%dma_wait3A_61 : memref<640x128xf32, #tpu.memory_space<vmem_shared>>) dst(%dma_wait3A_59 : memref<640x128xf32, #tpu.memory_space<hbm>>)
      tpu.yield
    }) : () -> ()
    return
  }
}

module attributes {stable_mosaic.version = 14 : i64} {
  func.func @_tc_gemm1_body(%arg0: i32, %arg1: memref<1x10000x128xf32, #tpu.memory_space<vmem>>, %arg2: memref<1x128x256xf32, #tpu.memory_space<vmem>>, %arg3: memref<1x256xf32, #tpu.memory_space<vmem>>, %arg4: memref<1x256xf32, #tpu.memory_space<vmem>>, %arg5: memref<1x256xf32, #tpu.memory_space<vmem>>, %arg6: memref<10000x256xf32, #tpu.memory_space<vmem>>, %arg7: memref<10000x256xf32, #tpu.memory_space<vmem>>) attributes {dimension_semantics = [#tpu.dimension_semantics<arbitrary>], iteration_bounds = array<i64: 27>, scalar_prefetch = 0 : i64, scratch_operands = 1 : i64, tpu.core_type = #tpu.core_type<tc>, window_params = [{transform_indices = @transform_0, window_bounds = array<i64: 1, 10000, 128>}, {transform_indices = @transform_1, window_bounds = array<i64: 1, 128, 256>}, {pipeline_mode = #tpu.pipeline_mode<synchronous>, transform_indices = @transform_2, window_bounds = array<i64: 1, 256>}, {pipeline_mode = #tpu.pipeline_mode<synchronous>, transform_indices = @transform_3, window_bounds = array<i64: 1, 256>}, {pipeline_mode = #tpu.pipeline_mode<synchronous>, transform_indices = @transform_4, window_bounds = array<i64: 1, 256>}, {pipeline_mode = #tpu.pipeline_mode<synchronous>, transform_indices = @transform_5, window_bounds = array<i64: 10000, 256>}]} {
    %eq3A = arith.constant 0 : i32
    %eq3A_0 = arith.cmpi eq, %arg0, %eq3A : i32
    %convert_element_type3A = arith.extui %eq3A_0 : i1 to i32
    %cond3A = arith.constant 0 : i32
    %cond3A_1 = arith.cmpi ne, %convert_element_type3A, %cond3A : i32
    scf.if %cond3A_1 {
      %broadcast_in_dim3A = arith.constant 0.000000e+00 : f32
      %broadcast_in_dim3A_22 = vector.broadcast %broadcast_in_dim3A : f32 to vector<10000x256xf32>
      %swap3A_23 = arith.constant 0 : index
      %swap3A_24 = arith.constant 0 : index
      %swap3A_25 = vector.load %arg7[%swap3A_23, %swap3A_24] : memref<10000x256xf32, #tpu.memory_space<vmem>>, vector<10000x256xf32>
      tpu.vector_store %arg7[%swap3A_23, %swap3A_24], %broadcast_in_dim3A_22 {strides = array<i32>} : memref<10000x256xf32, #tpu.memory_space<vmem>>, vector<10000x256xf32>,
    } else {
    }
    %get3A = arith.constant 0 : index
    %get3A_2 = arith.constant 0 : index
    %get3A_3 = vector.load %arg7[%get3A, %get3A_2] : memref<10000x256xf32, #tpu.memory_space<vmem>>, vector<10000x256xf32>
    %get3A_4 = arith.constant 0 : index
    %get3A_5 = arith.constant 0 : index
    %get3A_6 = arith.constant 0 : index
    %get3A_7 = vector.load %arg1[%get3A_4, %get3A_5, %get3A_6] : memref<1x10000x128xf32, #tpu.memory_space<vmem>>, vector<1x10000x128xf32>
    %get3A_8 = vector.shape_cast %get3A_7 : vector<1x10000x128xf32> to vector<10000x128xf32>
    %get3A_9 = arith.constant 0 : index
    %get3A_10 = arith.constant 0 : index
    %get3A_11 = arith.constant 0 : index
    %get3A_12 = vector.load %arg2[%get3A_9, %get3A_10, %get3A_11] : memref<1x128x256xf32, #tpu.memory_space<vmem>>, vector<1x128x256xf32>
    %get3A_13 = vector.shape_cast %get3A_12 : vector<1x128x256xf32> to vector<128x256xf32>
    %dot_general3A = arith.constant dense<0.000000e+00> : vector<10000x256xf32>
    %dot_general3A_14 = tpu.matmul %get3A_8, %get3A_13, %dot_general3A {dimension_numbers = #tpu.dot_dimension_numbers<[1], [0], [0], [1], [0, 0, 1, 1], [], []>, transpose_lhs_hint = false} : vector<10000x128xf32>, vector<128x256xf32>, vector<10000x256xf32> -> vector<10000x256xf32>
    %add3A = arith.addf %get3A_3, %dot_general3A_14 : vector<10000x256xf32>
    %swap3A = arith.constant 0 : index
    %swap3A_15 = arith.constant 0 : index
    %swap3A_16 = vector.load %arg7[%swap3A, %swap3A_15] : memref<10000x256xf32, #tpu.memory_space<vmem>>, vector<10000x256xf32>
    tpu.vector_store %arg7[%swap3A, %swap3A_15], %add3A {strides = array<i32>} : memref<10000x256xf32, #tpu.memory_space<vmem>>, vector<10000x256xf32>,
    %eq3A_17 = arith.constant 26 : i32
    %eq3A_18 = arith.cmpi eq, %arg0, %eq3A_17 : i32
    %convert_element_type3A_19 = arith.extui %eq3A_18 : i1 to i32
    %cond3A_20 = arith.constant 0 : i32
    %cond3A_21 = arith.cmpi ne, %convert_element_type3A_19, %cond3A_20 : i32
    scf.if %cond3A_21 {
      %get3A_22 = arith.constant 0 : index
      %get3A_23 = arith.constant 0 : index
      %get3A_24 = vector.load %arg7[%get3A_22, %get3A_23] : memref<10000x256xf32, #tpu.memory_space<vmem>>, vector<10000x256xf32>
      %get3A_25 = arith.constant 0 : index
      %get3A_26 = arith.constant 0 : index
      %get3A_27 = vector.load %arg3[%get3A_25, %get3A_26] : memref<1x256xf32, #tpu.memory_space<vmem>>, vector<1x256xf32>
      %add3A_28 = vector.broadcast %get3A_27 : vector<1x256xf32> to vector<10000x256xf32>
      %add3A_29 = arith.addf %get3A_24, %add3A_28 : vector<10000x256xf32>
      %reduce_sum3A = arith.constant dense<0.000000e+00> : vector<256xf32>
      %reduce_sum3A_30 = vector.multi_reduction <add>, %add3A_29, %reduce_sum3A [0] : vector<10000x256xf32> to vector<256xf32>
      %broadcast_in_dim3A = vector.shape_cast %reduce_sum3A_30 : vector<256xf32> to vector<1x256xf32>
      %div3A = arith.constant 1.000000e+04 : f32
      %div3A_31 = vector.broadcast %div3A : f32 to vector<1x256xf32>
      %div3A_32 = arith.divf %broadcast_in_dim3A, %div3A_31 : vector<1x256xf32>
      %sub3A = vector.broadcast %div3A_32 : vector<1x256xf32> to vector<10000x256xf32>
      %sub3A_33 = arith.subf %add3A_29, %sub3A : vector<10000x256xf32>
      %mul3A = arith.mulf %sub3A_33, %sub3A_33 : vector<10000x256xf32>
      %reduce_sum3A_34 = arith.constant dense<0.000000e+00> : vector<256xf32>
      %reduce_sum3A_35 = vector.multi_reduction <add>, %mul3A, %reduce_sum3A_34 [0] : vector<10000x256xf32> to vector<256xf32>
      %broadcast_in_dim3A_36 = vector.shape_cast %reduce_sum3A_35 : vector<256xf32> to vector<1x256xf32>
      %div3A_37 = arith.constant 1.000000e+04 : f32
      %div3A_38 = vector.broadcast %div3A_37 : f32 to vector<1x256xf32>
      %div3A_39 = arith.divf %broadcast_in_dim3A_36, %div3A_38 : vector<1x256xf32>
      %add3A_40 = arith.constant 9.99999974E-6 : f32
      %add3A_41 = vector.broadcast %add3A_40 : f32 to vector<1x256xf32>
      %add3A_42 = arith.addf %div3A_39, %add3A_41 : vector<1x256xf32>
      %rsqrt3A = math.rsqrt %add3A_42 : vector<1x256xf32>
      %mul3A_43 = vector.broadcast %rsqrt3A : vector<1x256xf32> to vector<10000x256xf32>
      %mul3A_44 = arith.mulf %sub3A_33, %mul3A_43 : vector<10000x256xf32>
      %get3A_45 = arith.constant 0 : index
      %get3A_46 = arith.constant 0 : index
      %get3A_47 = vector.load %arg4[%get3A_45, %get3A_46] : memref<1x256xf32, #tpu.memory_space<vmem>>, vector<1x256xf32>
      %mul3A_48 = vector.broadcast %get3A_47 : vector<1x256xf32> to vector<10000x256xf32>
      %mul3A_49 = arith.mulf %mul3A_44, %mul3A_48 : vector<10000x256xf32>
      %get3A_50 = arith.constant 0 : index
      %get3A_51 = arith.constant 0 : index
      %get3A_52 = vector.load %arg5[%get3A_50, %get3A_51] : memref<1x256xf32, #tpu.memory_space<vmem>>, vector<1x256xf32>
      %add3A_53 = vector.broadcast %get3A_52 : vector<1x256xf32> to vector<10000x256xf32>
      %add3A_54 = arith.addf %mul3A_49, %add3A_53 : vector<10000x256xf32>
      %max3A = arith.constant 0.000000e+00 : f32
      %max3A_55 = vector.broadcast %max3A : f32 to vector<10000x256xf32>
      %max3A_56 = arith.maximumf %add3A_54, %max3A_55 : vector<10000x256xf32>
      %swap3A_57 = arith.constant 0 : index
      %swap3A_58 = arith.constant 0 : index
      %swap3A_59 = vector.load %arg6[%swap3A_57, %swap3A_58] : memref<10000x256xf32, #tpu.memory_space<vmem>>, vector<10000x256xf32>
      tpu.vector_store %arg6[%swap3A_57, %swap3A_58], %max3A_56 {strides = array<i32>} : memref<10000x256xf32, #tpu.memory_space<vmem>>, vector<10000x256xf32>,
    } else {
    }
    return
  }
  func.func @transform_0(%arg0: i32) -> (i32, i32, i32) {
    %c0_i32 = arith.constant 0 : i32
    %c0_i32_0 = arith.constant 0 : i32
    %c0_i32_1 = arith.constant 0 : i32
    return %arg0, %c0_i32, %c0_i32_0 : i32, i32, i32
  }
  func.func @transform_1(%arg0: i32) -> (i32, i32, i32) {
    %c0_i32 = arith.constant 0 : i32
    %c0_i32_0 = arith.constant 0 : i32
    %c0_i32_1 = arith.constant 0 : i32
    return %arg0, %c0_i32, %c0_i32_0 : i32, i32, i32
  }
  func.func @transform_2(%arg0: i32) -> (i32, i32) {
    %c0_i32 = arith.constant 0 : i32
    %c0_i32_0 = arith.constant 0 : i32
    %c0_i32_1 = arith.constant 0 : i32
    return %c0_i32, %c0_i32_0 : i32, i32
  }
  func.func @transform_3(%arg0: i32) -> (i32, i32) {
    %c0_i32 = arith.constant 0 : i32
    %c0_i32_0 = arith.constant 0 : i32
    %c0_i32_1 = arith.constant 0 : i32
    return %c0_i32, %c0_i32_0 : i32, i32
  }
  func.func @transform_4(%arg0: i32) -> (i32, i32) {
    %c0_i32 = arith.constant 0 : i32
    %c0_i32_0 = arith.constant 0 : i32
    %c0_i32_1 = arith.constant 0 : i32
    return %c0_i32, %c0_i32_0 : i32, i32
  }
  func.func @transform_5(%arg0: i32) -> (i32, i32) {
    %c0_i32 = arith.constant 0 : i32
    %c0_i32_0 = arith.constant 0 : i32
    %c0_i32_1 = arith.constant 0 : i32
    return %c0_i32, %c0_i32_0 : i32, i32
  }
}

module attributes {stable_mosaic.version = 14 : i64} {
  func.func @_tc_gemm2_body(%arg0: i32, %arg1: memref<10000x256xf32, #tpu.memory_space<vmem>>, %arg2: memref<1x256x128xf32, #tpu.memory_space<vmem>>, %arg3: memref<1x10000x128xf32, #tpu.memory_space<vmem>>) attributes {dimension_semantics = [#tpu.dimension_semantics<arbitrary>], iteration_bounds = array<i64: 27>, scalar_prefetch = 0 : i64, scratch_operands = 0 : i64, tpu.core_type = #tpu.core_type<tc>, window_params = [{pipeline_mode = #tpu.pipeline_mode<synchronous>, transform_indices = @transform_0, window_bounds = array<i64: 10000, 256>}, {transform_indices = @transform_1, window_bounds = array<i64: 1, 256, 128>}, {transform_indices = @transform_2, window_bounds = array<i64: 1, 10000, 128>}]} {
    %get3A = arith.constant 0 : index
    %get3A_0 = arith.constant 0 : index
    %get3A_1 = vector.load %arg1[%get3A, %get3A_0] : memref<10000x256xf32, #tpu.memory_space<vmem>>, vector<10000x256xf32>
    %get3A_2 = arith.constant 0 : index
    %get3A_3 = arith.constant 0 : index
    %get3A_4 = arith.constant 0 : index
    %get3A_5 = vector.load %arg2[%get3A_2, %get3A_3, %get3A_4] : memref<1x256x128xf32, #tpu.memory_space<vmem>>, vector<1x256x128xf32>
    %get3A_6 = vector.shape_cast %get3A_5 : vector<1x256x128xf32> to vector<256x128xf32>
    %dot_general3A = arith.constant dense<0.000000e+00> : vector<10000x128xf32>
    %dot_general3A_7 = tpu.matmul %get3A_1, %get3A_6, %dot_general3A {dimension_numbers = #tpu.dot_dimension_numbers<[1], [0], [0], [1], [0, 0, 1, 1], [], []>, transpose_lhs_hint = false} : vector<10000x256xf32>, vector<256x128xf32>, vector<10000x128xf32> -> vector<10000x128xf32>
    %swap3A = arith.constant 0 : index
    %swap3A_8 = arith.constant 0 : index
    %swap3A_9 = arith.constant 0 : index
    %swap3A_10 = vector.load %arg3[%swap3A, %swap3A_8, %swap3A_9] : memref<1x10000x128xf32, #tpu.memory_space<vmem>>, vector<1x10000x128xf32>
    %swap3A_11 = vector.shape_cast %swap3A_10 : vector<1x10000x128xf32> to vector<10000x128xf32>
    %swap3A_12 = vector.shape_cast %dot_general3A_7 : vector<10000x128xf32> to vector<1x10000x128xf32>
    tpu.vector_store %arg3[%swap3A, %swap3A_8, %swap3A_9], %swap3A_12 {strides = array<i32>} : memref<1x10000x128xf32, #tpu.memory_space<vmem>>, vector<1x10000x128xf32>,
    return
  }
  func.func @transform_0(%arg0: i32) -> (i32, i32) {
    %c0_i32 = arith.constant 0 : i32
    %c0_i32_0 = arith.constant 0 : i32
    %c0_i32_1 = arith.constant 0 : i32
    return %c0_i32, %c0_i32_0 : i32, i32
  }
  func.func @transform_1(%arg0: i32) -> (i32, i32, i32) {
    %c0_i32 = arith.constant 0 : i32
    %c0_i32_0 = arith.constant 0 : i32
    %c0_i32_1 = arith.constant 0 : i32
    return %arg0, %c0_i32, %c0_i32_0 : i32, i32, i32
  }
  func.func @transform_2(%arg0: i32) -> (i32, i32, i32) {
    %c0_i32 = arith.constant 0 : i32
    %c0_i32_0 = arith.constant 0 : i32
    %c0_i32_1 = arith.constant 0 : i32
    return %arg0, %c0_i32, %c0_i32_0 : i32, i32, i32
  }
}

module attributes {stable_mosaic.version = 14 : i64} {
  func.func @_tc_final_body(%arg0: i32, %arg1: memref<2x10000x128xf32, #tpu.memory_space<vmem>>, %arg2: memref<10000x128xf32, #tpu.memory_space<vmem>>, %arg3: memref<1x128xf32, #tpu.memory_space<vmem>>, %arg4: memref<1x128xf32, #tpu.memory_space<vmem>>, %arg5: memref<1x128xf32, #tpu.memory_space<vmem>>, %arg6: memref<10000x128xf32, #tpu.memory_space<vmem>>) attributes {dimension_semantics = [#tpu.dimension_semantics<arbitrary>], iteration_bounds = array<i64: 1>, scalar_prefetch = 0 : i64, scratch_operands = 0 : i64, tpu.core_type = #tpu.core_type<tc>, window_params = [{transform_indices = @transform_0, window_bounds = array<i64: 2, 10000, 128>}, {pipeline_mode = #tpu.pipeline_mode<synchronous>, transform_indices = @transform_1, window_bounds = array<i64: 10000, 128>}, {pipeline_mode = #tpu.pipeline_mode<synchronous>, transform_indices = @transform_2, window_bounds = array<i64: 1, 128>}, {pipeline_mode = #tpu.pipeline_mode<synchronous>, transform_indices = @transform_3, window_bounds = array<i64: 1, 128>}, {pipeline_mode = #tpu.pipeline_mode<synchronous>, transform_indices = @transform_4, window_bounds = array<i64: 1, 128>}, {pipeline_mode = #tpu.pipeline_mode<synchronous>, transform_indices = @transform_5, window_bounds = array<i64: 10000, 128>}]} {
    %get3A = arith.constant 0 : index
    %get3A_0 = arith.constant 0 : index
    %get3A_1 = arith.constant 0 : index
    %get3A_2 = vector.load %arg1[%get3A, %get3A_0, %get3A_1] : memref<2x10000x128xf32, #tpu.memory_space<vmem>>, vector<1x10000x128xf32>
    %get3A_3 = vector.shape_cast %get3A_2 : vector<1x10000x128xf32> to vector<10000x128xf32>
    %get3A_4 = arith.constant 1 : index
    %get3A_5 = arith.constant 0 : index
    %get3A_6 = arith.constant 0 : index
    %get3A_7 = vector.load %arg1[%get3A_4, %get3A_5, %get3A_6] : memref<2x10000x128xf32, #tpu.memory_space<vmem>>, vector<1x10000x128xf32>
    %get3A_8 = vector.shape_cast %get3A_7 : vector<1x10000x128xf32> to vector<10000x128xf32>
    %add3A = arith.addf %get3A_3, %get3A_8 : vector<10000x128xf32>
    %get3A_9 = arith.constant 0 : index
    %get3A_10 = arith.constant 0 : index
    %get3A_11 = vector.load %arg3[%get3A_9, %get3A_10] : memref<1x128xf32, #tpu.memory_space<vmem>>, vector<1x128xf32>
    %add3A_12 = vector.broadcast %get3A_11 : vector<1x128xf32> to vector<10000x128xf32>
    %add3A_13 = arith.addf %add3A, %add3A_12 : vector<10000x128xf32>
    %reduce_sum3A = arith.constant dense<0.000000e+00> : vector<128xf32>
    %reduce_sum3A_14 = vector.multi_reduction <add>, %add3A_13, %reduce_sum3A [0] : vector<10000x128xf32> to vector<128xf32>
    %broadcast_in_dim3A = vector.shape_cast %reduce_sum3A_14 : vector<128xf32> to vector<1x128xf32>
    %div3A = arith.constant 1.000000e+04 : f32
    %div3A_15 = vector.broadcast %div3A : f32 to vector<1x128xf32>
    %div3A_16 = arith.divf %broadcast_in_dim3A, %div3A_15 : vector<1x128xf32>
    %sub3A = vector.broadcast %div3A_16 : vector<1x128xf32> to vector<10000x128xf32>
    %sub3A_17 = arith.subf %add3A_13, %sub3A : vector<10000x128xf32>
    %mul3A = arith.mulf %sub3A_17, %sub3A_17 : vector<10000x128xf32>
    %reduce_sum3A_18 = arith.constant dense<0.000000e+00> : vector<128xf32>
    %reduce_sum3A_19 = vector.multi_reduction <add>, %mul3A, %reduce_sum3A_18 [0] : vector<10000x128xf32> to vector<128xf32>
    %broadcast_in_dim3A_20 = vector.shape_cast %reduce_sum3A_19 : vector<128xf32> to vector<1x128xf32>
    %div3A_21 = arith.constant 1.000000e+04 : f32
    %div3A_22 = vector.broadcast %div3A_21 : f32 to vector<1x128xf32>
    %div3A_23 = arith.divf %broadcast_in_dim3A_20, %div3A_22 : vector<1x128xf32>
    %add3A_24 = arith.constant 9.99999974E-6 : f32
    %add3A_25 = vector.broadcast %add3A_24 : f32 to vector<1x128xf32>
    %add3A_26 = arith.addf %div3A_23, %add3A_25 : vector<1x128xf32>
    %rsqrt3A = math.rsqrt %add3A_26 : vector<1x128xf32>
    %mul3A_27 = vector.broadcast %rsqrt3A : vector<1x128xf32> to vector<10000x128xf32>
    %mul3A_28 = arith.mulf %sub3A_17, %mul3A_27 : vector<10000x128xf32>
    %get3A_29 = arith.constant 0 : index
    %get3A_30 = arith.constant 0 : index
    %get3A_31 = vector.load %arg4[%get3A_29, %get3A_30] : memref<1x128xf32, #tpu.memory_space<vmem>>, vector<1x128xf32>
    %mul3A_32 = vector.broadcast %get3A_31 : vector<1x128xf32> to vector<10000x128xf32>
    %mul3A_33 = arith.mulf %mul3A_28, %mul3A_32 : vector<10000x128xf32>
    %get3A_34 = arith.constant 0 : index
    %get3A_35 = arith.constant 0 : index
    %get3A_36 = vector.load %arg5[%get3A_34, %get3A_35] : memref<1x128xf32, #tpu.memory_space<vmem>>, vector<1x128xf32>
    %add3A_37 = vector.broadcast %get3A_36 : vector<1x128xf32> to vector<10000x128xf32>
    %add3A_38 = arith.addf %mul3A_33, %add3A_37 : vector<10000x128xf32>
    %get3A_39 = arith.constant 0 : index
    %get3A_40 = arith.constant 0 : index
    %get3A_41 = vector.load %arg2[%get3A_39, %get3A_40] : memref<10000x128xf32, #tpu.memory_space<vmem>>, vector<10000x128xf32>
    %add3A_42 = arith.addf %add3A_38, %get3A_41 : vector<10000x128xf32>
    %max3A = arith.constant 0.000000e+00 : f32
    %max3A_43 = vector.broadcast %max3A : f32 to vector<10000x128xf32>
    %max3A_44 = arith.maximumf %add3A_42, %max3A_43 : vector<10000x128xf32>
    %swap3A = arith.constant 0 : index
    %swap3A_45 = arith.constant 0 : index
    %swap3A_46 = vector.load %arg6[%swap3A, %swap3A_45] : memref<10000x128xf32, #tpu.memory_space<vmem>>, vector<10000x128xf32>
    tpu.vector_store %arg6[%swap3A, %swap3A_45], %max3A_44 {strides = array<i32>} : memref<10000x128xf32, #tpu.memory_space<vmem>>, vector<10000x128xf32>,
    return
  }
  func.func @transform_0(%arg0: i32) -> (i32, i32, i32) {
    %c0_i32 = arith.constant 0 : i32
    %c0_i32_0 = arith.constant 0 : i32
    %c0_i32_1 = arith.constant 0 : i32
    %c0_i32_2 = arith.constant 0 : i32
    return %c0_i32, %c0_i32_0, %c0_i32_1 : i32, i32, i32
  }
  func.func @transform_1(%arg0: i32) -> (i32, i32) {
    %c0_i32 = arith.constant 0 : i32
    %c0_i32_0 = arith.constant 0 : i32
    %c0_i32_1 = arith.constant 0 : i32
    return %c0_i32, %c0_i32_0 : i32, i32
  }
  func.func @transform_2(%arg0: i32) -> (i32, i32) {
    %c0_i32 = arith.constant 0 : i32
    %c0_i32_0 = arith.constant 0 : i32
    %c0_i32_1 = arith.constant 0 : i32
    return %c0_i32, %c0_i32_0 : i32, i32
  }
  func.func @transform_3(%arg0: i32) -> (i32, i32) {
    %c0_i32 = arith.constant 0 : i32
    %c0_i32_0 = arith.constant 0 : i32
    %c0_i32_1 = arith.constant 0 : i32
    return %c0_i32, %c0_i32_0 : i32, i32
  }
  func.func @transform_4(%arg0: i32) -> (i32, i32) {
    %c0_i32 = arith.constant 0 : i32
    %c0_i32_0 = arith.constant 0 : i32
    %c0_i32_1 = arith.constant 0 : i32
    return %c0_i32, %c0_i32_0 : i32, i32
  }
  func.func @transform_5(%arg0: i32) -> (i32, i32) {
    %c0_i32 = arith.constant 0 : i32
    %c0_i32_0 = arith.constant 0 : i32
    %c0_i32_1 = arith.constant 0 : i32
    return %c0_i32, %c0_i32_0 : i32, i32
  }
}

</mosaic_0001>

<sc_bundles>
// kernel: kernel.10.cloned.1.call-start
scs
__scs_entry_jumppad:
0x0: {  	(pc) =	sbr.rel $0x88, $3  }
0x1: {  	(tag) =	ssettag $0x0;
	lr =	simm.s32 $0x1  }
0x2: {  	[smem:$0x3F97] =	sst lr;
	_ =	strace $0xD0000000  }
0x3: {  	_ = 	snop  }
0x4: {  	_ = 	snop  }
0x5: {  	_ = 	snop  }
0x6: {  	_ = 	snop  }
0x7: {  	_ = 	snop  }
__scs_overlays_trampoline_lowered:
0x8: {  	[smem:$0x3FA6] =	sst s0  }
0x9: {  	[smem:$0x3FA7] =	sst s1  }
0xa: {  	[smem:$0x3FA8] =	sst s2  }
0xb: {  	[smem:$0x3FA9] =	sst s3  }
0xc: {  	[smem:$0x3FAA] =	sst s4  }
0xd: {  	[smem:$0x3FAB] =	sst s5  }
0xe: {  	[smem:$0x3FAC] =	sst s6  }
0xf: {  	[smem:$0x3FAD] =	sst s7  }
0x10: {  	[smem:$0x3FAE] =	sst s8  }
0x11: {  	[smem:$0x3FAF] =	sst s9;
	s0 =	simm.s32 @!p0 $0x0  }
0x12: {  	s1 =	sld [smem:$0x3F95];
	s0 =	simm.s32 @p0 $0x1  }
0x13: {  	[smem:$0x3FB0] =	sst s0;
	s0 =	simm.s32 @!p1 $0x0  }
0x14: {  	s2 =	sld [smem:$0x3F94];
	s0 =	simm.s32 @p1 $0x1  }
0x15: {  	[smem:$0x3FB1] =	sst s0;
	s0 =	simm.s32 @!p2 $0x0  }
0x16: {  	s3 =	sld [smem:$0x3FDB];
	s0 =	simm.s32 @p2 $0x1  }
0x17: {  	s4 =	simm.s32 $0x1BF5;
	[smem:$0x3FB3] =	sst s0  }
0x18: {  	s0 =	sld [smem:$0x3F96];
	_ =	swait.ge [sflag:s4], $0x0  }
0x19: {  	s7 =	sld [smem:$0x3F97]  }
0x1a: {  	s8 =	sadd.s32 $0xFFFFE003, lr  }
0x1b: {  	s9 =	sadd.s32 $0xFFFFFEF7, lr;
	s5 =	simm.s32 $0xFFFFFFFF;
	p2 =	slt.u32 s8, $0xFFFFF086  }
0x1c: {  	p1 =	slt.u32 s9, $0xF7A;
	s5 =	simm.s32 @!p2 $0x0  }
0x1d: {  	s5 =	simm.s32 @p1 $0x1;
	p0 =	seq.s32 s7, s2  }
0x1e: {  	s7 =	smul.u32 @!p0 $0xF7A, s2;
	p2 =	seq.s32 @!p0 s5, $0x0  }
0x1f: {  	s9 =	smul.u32 $0xF7A, s1;
	s8 =	simm.s32 @!p0 $0x1BF5;
	p2 =	por !p2, p0  }
0x20: {  	[sflag:s8] =	ssyncset.s32 @!p0 $0xFFFFF086;
	s6 =	sadd.s32 @!p0 s3, s7;
	s7 =	simm.s32 @!p0 $0x108  }
0x21: {  	s3 =	sadd.s32 s3, s9;
	s6 =	sadd.s32 @!p0 $0x88, s6;
	s7 =	simm.s32 @p2 $0x1082  }
0x22: {  	[simem:s7], [sflag:s8] =	dma.local @!p0 [hbm:s6], $0xF7A  }
0x23: {  	s9 =	sor.u32 $0xD0000000, s2;
	s6 =	simm.s32 $0x108;
	_ =	swait.ge @!p0 [sflag:s8], $0x0  }
0x24: {  	s3 =	sadd.s32 $0x88, s3;
	s6 =	simm.s32 @!p1 $0x1082;
	[sflag:s4] =	ssyncset.s32 $0xFFFFF086  }
0x25: {  	[simem:s6], [sflag:s4] =	dma.local [hbm:s3], $0xF7A  }
0x26: {  	[smem:$0x3F97] =	sst s1;
	(tag) =	ssettag s2;
	_ =	strace s9  }
0x27: {  	s1 =	sld [smem:$0x3FA7]  }
0x28: {  	s2 =	sld [smem:$0x3FA8]  }
0x29: {  	s4 =	sld [smem:$0x3FAA]  }
0x2a: {  	p0 =	seq.s32 s5, $0x0;
	s5 =	sld [smem:$0x3FAB]  }
0x2b: {  	s6 =	sld [smem:$0x3FAC]  }
0x2c: {  	s7 =	sld [smem:$0x3FAD]  }
0x2d: {  	s3 =	simm.s32 $0x108;
	s8 =	sld [smem:$0x3FAE]  }
0x2e: {  	s3 =	simm.s32 @!p0 $0x1082;
	s9 =	sld [smem:$0x3FAF]  }
0x2f: {  	lr =	sadd.s32 s0, s3;
	s0 =	sld [smem:$0x3FA6]  }
0x30: {  	s3 =	sld [smem:$0x3FA9]  }
0x31: {  	[smem:$0x3FB2] =	sst s10  }
0x32: {  	s10 =	sld [smem:$0x3FB0];
	_ =	sdelay $0x3  }
0x33: {  	p0 =	seq.s32 s10, $0x1;
	s10 =	sld [smem:$0x3FB2];
	_ =	sdelay $0x3  }
0x34: {  	[smem:$0x3FB2] =	sst s10  }
0x35: {  	s10 =	sld [smem:$0x3FB1];
	_ =	sdelay $0x3  }
0x36: {  	p1 =	seq.s32 s10, $0x1;
	s10 =	sld [smem:$0x3FB2];
	_ =	sdelay $0x3  }
0x37: {  	[smem:$0x3FB2] =	sst s10  }
0x38: {  	s10 =	sld [smem:$0x3FB3]  }
0x39: {  	_ = 	snop;
	(pc) =	sbr.ind lr, $3  }
0x3a: {  	_ = 	snop  }
0x3b: {  	_ = 	snop  }
0x3c: {  	p2 =	seq.s32 s10, $0x1;
	s10 =	sld [smem:$0x3FB2]  }
0x3d: {  	_ =	shalt  }
0x3e: {  	_ =	shalt  }
0x3f: {  	_ =	shalt  }
0x40: {  	_ =	shalt  }
0x41: {  	_ =	shalt  }
0x42: {  	_ =	shalt  }
0x43: {  	_ =	shalt  }
0x44: {  	_ =	shalt  }
0x45: {  	_ =	shalt  }
0x46: {  	_ =	shalt  }
0x47: {  	_ =	shalt  }
0x48: {  	_ =	shalt  }
0x49: {  	_ =	shalt  }
0x4a: {  	_ =	shalt  }
0x4b: {  	_ =	shalt  }
0x4c: {  	_ =	shalt  }
0x4d: {  	_ =	shalt  }
0x4e: {  	_ =	shalt  }
0x4f: {  	_ =	shalt  }
0x50: {  	_ =	shalt  }
0x51: {  	_ =	shalt  }
0x52: {  	_ =	shalt  }
0x53: {  	_ =	shalt  }
0x54: {  	_ =	shalt  }
0x55: {  	_ =	shalt  }
0x56: {  	_ =	shalt  }
0x57: {  	_ =	shalt  }
0x58: {  	_ =	shalt  }
0x59: {  	_ =	shalt  }
0x5a: {  	_ =	shalt  }
0x5b: {  	_ =	shalt  }
0x5c: {  	_ =	shalt  }
0x5d: {  	_ =	shalt  }
0x5e: {  	_ =	shalt  }
0x5f: {  	_ =	shalt  }
0x60: {  	_ =	shalt  }
0x61: {  	_ =	shalt  }
0x62: {  	_ =	shalt  }
0x63: {  	_ =	shalt  }
0x64: {  	_ =	shalt  }
0x65: {  	_ =	shalt  }
0x66: {  	_ =	shalt  }
0x67: {  	_ =	shalt  }
0x68: {  	_ =	shalt  }
0x69: {  	_ =	shalt  }
0x6a: {  	_ =	shalt  }
0x6b: {  	_ =	shalt  }
0x6c: {  	_ =	shalt  }
0x6d: {  	_ =	shalt  }
0x6e: {  	_ =	shalt  }
0x6f: {  	_ =	shalt  }
0x70: {  	_ =	shalt  }
0x71: {  	_ =	shalt  }
0x72: {  	_ =	shalt  }
0x73: {  	_ =	shalt  }
0x74: {  	_ =	shalt  }
0x75: {  	_ =	shalt  }
0x76: {  	_ =	shalt  }
0x77: {  	_ =	shalt  }
0x78: {  	_ =	shalt  }
0x79: {  	_ =	shalt  }
0x7a: {  	_ =	shalt  }
0x7b: {  	_ =	shalt  }
0x7c: {  	_ =	shalt  }
0x7d: {  	_ =	shalt  }
0x7e: {  	_ =	shalt  }
0x7f: {  	_ =	shalt  }
0x80: {  	_ =	shalt  }
0x81: {  	_ =	shalt  }
0x82: {  	_ =	shalt  }
0x83: {  	_ =	shalt  }
0x84: {  	_ =	shalt  }
0x85: {  	_ =	shalt  }
0x86: {  	_ =	shalt  }
0x87: {  	_ =	shalt  }
.Lfunc_end0:
.L_simem_size_0:
called_computation.1_lowered:
.L_overlay_start_0:
0x88: {  	s2 =	sld [smem:$0x3FD9]  }
0x89: {  	s3 =	sld [smem:$0x3FFE];
	_ =	sdelay $0x1  }
0x8a: {  	s1 =	srdreg.scid  }
0x8b: {  	s0 =	sand.u32 $0x1, s1  }
0x8c: {  	s17 =	sshll.u32 s0, $0xA;
	s2 =	sadd.s32 s3, s2  }
0x8d: {  	s2 =	sadd.s32 s2, s17  }
0x8e: {  	[smem:$0x3FBE] =	sst s2  }
0x8f: {  	_ = 	snop  }
0x90: {  	s2 =	sld [smem:$0x3FD0];
	(tm) =	ssettm $0x1  }
0x91: {  	s18 =	sld [smem:$0x3FFB];
	_ =	sdelay $0x3  }
0x92: {  	_ =	strace s18  }
0x93: {  	s3 =	sld [smem:$0x3FFC];
	_ =	sdelay $0x3  }
0x94: {  	_ =	strace s3  }
0x95: {  	s3 =	sld [smem:$0x3FFD];
	_ =	sdelay $0x3  }
0x96: {  	_ =	strace s3  }
0x97: {  	_ =	strace $0x8FFFFFFF  }
0x98: {  	s19 =	sld [smem:$0x3FDB];
	_ =	sdelay $0x1  }
0x99: {  	s4 =	simm.s32 $_scs_section_size  }
0x9a: {  	s5 =	simm.s32 $_size__tile_overlayer_lowered;
	s6 =	simm.s32 $_tile_overlayer_lowered  }
0x9b: {  	s22 =	simm.s32 $0x1BFF;
	s21 =	sshll.u32 s6, $0x1;
	s3 =	sadd.s32 s4, s19  }
0x9c: {  	s7 =	simm.s32 $0x0;
	s20 =	sshll.u32 s5, $0x1;
	s5 =	sadd.s32 s21, s3  }
0x9d: {  	[timem:s7], [sflag:s22] =	dma.local [hbm:s5], s20  }
0x9e: {  	_ =	swait.ge [sflag:s22], s20  }
0x9f: {  	s4 =	ssub.s32 $0x0, s20;
	[sflag:s22] =	ssyncset.done $0x0  }
0xa0: {  	[sflag:s22] =	ssyncadd.s32 s4;
	_ =	sdelay $0x1  }
0xa1: {  	s23 =	simm.s32 $0x1B8B  }
0xa2: {  	_ =	swait.ge [sflag:s23], $0x1  }
0xa3: {  	[sflag:s23] =	ssyncset.done $0x0  }
0xa4: {  	s25 =	simm.s32 $0x1B8E;
	s24 =	sld [smem:$0x3FFE];
	[sflag:s23] =	ssyncadd.s32 $0xFFFFFFFF  }
0xa5: {  	s26 =	simm.s32 $execute0_lowered;
	[smem:$0x3FD2] =	sst s25  }
0xa6: {  	s5 =	sshll.u32 s26, $0x1;
	_ =	strace $0x80000049;
	[dreg:$0x1] =	wrdreg $0xFFFFFFFF  }
0xa7: {  	s28 =	simm.s32 $_size_execute0_lowered;
	s3 =	sadd.s32 s3, s5;
	[dreg:$0x0] =	wrdreg $0x0  }
0xa8: {  	s5 =	sshll.u32 s28, $0x1;
	[dreg:$0x2] =	wrdreg s3  }
0xa9: {  	[dreg:$0x3] =	wrdreg s5  }
0xaa: {  	[dreg:$0x4] =	wrdreg $0xC0  }
0xab: {  	_ =	task [dreg:s7], $0x5FFFF  }
0xac: {  	[dreg:$0x1] =	wrdreg $0xFFFFFFFF  }
0xad: {  	[dreg:$0x0] =	wrdreg $0x60  }
0xae: {  	[dreg:$0x2] =	wrdreg s24  }
0xaf: {  	[dreg:$0x3] =	wrdreg s2  }
0xb0: {  	[dreg:$0x4] =	wrdreg $0x90000  }
0xb1: {  	[dreg:$0x5] =	wrdreg $0x9  }
0xb2: {  	_ =	task.clear_ibuf [dreg:s7], $0x6FFFF;
	_ =	strace $0x90000049  }
0xb3: {  	s29 =	simm.s32 $0x9;
	_ =	strace $0x8000004B  }
0xb4: {  	_ =	swait.ge [sflag:s29], $0x1  }
0xb5: {  	[sflag:s29] =	ssyncadd.s32 $0xFFFFFFFF  }
0xb6: {  	_ =	strace $0x9000004B  }
0xb7: {  	_ =	sfence  }
0xb8: {  	s30 =	sld [smem:$0x0];
	_ =	sdelay $0x2  }
0xb9: {  	s31 =	sshll.u32 s1, $0xD;
	s1 =	sshrl.u32 s1, $0x2  }
0xba: {  	s3 =	sand.u32 $0x4000, s31;
	s1 =	sadd.s32 s1, s30  }
0xbb: {  	s0 =	sor.u32 s3, s0;
	s1 =	sshll.u32 s1, $0x11  }
0xbc: {  	s0 =	sor.u32 s1, s0  }
0xbd: {  	s0 =	sadd.s32 $0x8F2B, s0  }
0xbe: {  	[sflag:s0] =	ssyncadd.remote.s32 $0x1  }
0xbf: {  	_ =	sfence.sel $0xFFFF  }
0xc0: {  	[dreg:$0x0] =	wrdreg $0xFFFFFFFF;
	(pc) =	sbr.abs _section_cstart, $3  }
0xc1: {  	[dreg:$0x1] =	wrdreg $0xFFFFFFFF  }
0xc2: {  	_ =	task.clear_ibuf [dreg:s7], $0x2FFFF;
	_ =	strace $0x9FFFFFFF  }
0xc3: {  	(tm) =	ssettm $0x7FFFFFFF  }
tec
execute0_lowered:
.L_overlay_start_1:
0x0: {  	(tag) =	ssettag $0x1  }
0x1: {  	s6 =	rddreg [dreg:$0x0]  }
0x2: {  	s1 =	rddreg [dreg:$0x1]  }
0x3: {  	s2 =	rddreg [dreg:$0x2]  }
0x4: {  	s3 =	srdreg.scid;
	s4 =	simm.s32 $0x0;
	s16 =	simm.s32 $0x1000  }
0x5: {  	s17 =	simm.s32 $0x5000;
	s18 =	simm.s32 $0x2;
	s19 =	simm.s32 $0x4  }
0x6: {  	s20 =	simm.s32 $0x3;
	s9 =	sand.u32 $0x1, s3;
	s3 =	stileid.u32  }
0x7: {  	s21 =	simm.s32 $0x5;
	[smem:$0x7FF] =	sst s4;
	s7 =	smul.u32 $0x140000, s9  }
0x8: {  	s5 =	ssub.s32 $0x0, s9;
	s22 =	smul.u32 $0x14000, s3;
	_ =	strace $0x8000004A  }
0x9: {  	s11 =	smul.u32 $0x2800, s3;
	s25 =	ssub.s32 $0x2, s9;
	s13 =	sshll.u32 s3, $0xA  }
0xa: {  	s14 =	ssub.s32 $0xE, s9;
	s28 =	smul.u32 $0x50000, s3;
	s30 =	sshll.u32 s9, $0xA  }
0xb: {  	s8 =	sand.u32 $0xE, s5;
	s5 =	sadd.s32 $0x1E00, s6;
	s26 =	sshrl.u32 s25, $0x1  }
0xc: {  	[dreg:$0x4] =	wrdreg s14;
	s31 =	sor.u32 $0xFFFFC800, s30;
	s14 =	simm.s32 $0x1  }
0xd: {  	s10 =	smul.u32 $0x27100, s8;
	s7 =	sadd.s32 s22, s7;
	s23 =	sadd.s32 s11, s6  }
0xe: {  	s8 =	sshll.u32 s8, $0xE;
	s15 =	ssub.s32 s25, s26;
	[dreg:$0x6] =	wrdreg s31  }
0xf: {  	s22 =	simm.s32 $0x6;
	s7 =	sshrl.u32 s7, $0x3;
	s13 =	sor.u32 s13, s8  }
0x10: {  	s8 =	sshrl.u32 s28, $0x2;
	s12 =	sadd.s32 s10, s6;
	s24 =	sadd.s32 s7, s6  }
0x11: {  	s29 =	sshrl.u32 s13, $0x3;
	s8 =	sadd.s32 s8, s2;
	s10 =	sadd.s32 $0xF600, s23  }
0x12: {  	s11 =	sor.u32 $0x4000, s13;
	s23 =	simm.s32 $0x0;
	s6 =	sadd.s32 s1, s29  }
0x13: {  	s7 =	sadd.s32 s5, s29;
	[dreg:$0x5] =	wrdreg s10;
	s9 =	sadd.s32 $0x456200, s24  }
0x14: {  	s10 =	smax.u32 s15, $0x1;
	s12 =	sadd.s32 $0x37600, s12;
	s15 =	simm.s32 $0x80  }
.LBB2_1:
0x15: {  	[tilespmem:s4], [sflag:$0x1] =	stream.linear.gather [hbm4b:s6+s4], $0x300, $0x38;
	[tilespmem:$0x1D000] =	vst v63  }
0x16: {  	s0 =	simm.s32 $0x800;
	s24 =	smov.u32 s12  }
0x17: {  	s25 =	smov.u32 s11;
	s26 =	simm.s32 $0x1;
	s28 =	simm.s32 $0x0  }
0x18: {  	[tilespmem:s0], [sflag:$0x1] =	stream.linear.gather [hbm4b:s7+s4], $0x300, $0x38;
	[tilespmem:$0x1D000] =	vst v63  }
.LBB2_2:
0x19: {  	_ =	swait.ge [sflag:s14], $0x300  }
0x1a: {  	[sflag:s14] =	ssyncset.done $0x0  }
0x1b: {  	[sflag:s14] =	ssyncadd.s32 $0xFFFFFD00  }
0x1c: {  	_ =	swait.ge [sflag:s14], $0x300  }
0x1d: {  	s29 =	rddreg [dreg:$0x4]  }
0x1e: {  	[sflag:s14] =	ssyncset.done $0x0;
	p0 =	sge.u32 s26, s29  }
0x1f: {  	s29 =	sand.u32 $0x400, s28;
	[sflag:s14] =	ssyncadd.s32 $0xFFFFFD00;
	s30 =	sshrl.u32 @!p0 s25, $0x3  }
0x20: {  	s31 =	sxor.u32 @!p0 $0x400, s29;
	s13 =	simm.s32 @!p0 $0x0;
	s0 =	sadd.s32 @!p0 s1, s30  }
0x21: {  	[tilespmem:s31], [sflag:$0x1] =	stream.linear.gather @!p0 [hbm4b:s0+s13], $0x300, $0x38;
	[tilespmem:$0x1D000] =	vst v63  }
0x22: {  	s30 =	sadd.s32 @!p0 s5, s30;
	s0 =	sor.u32 @!p0 $0x800, s31  }
0x23: {  	[tilespmem:s0], [sflag:$0x1] =	stream.linear.gather @!p0 [hbm4b:s30+s13], $0x300, $0x38;
	[tilespmem:$0x1D000] =	vst v63  }
0x24: {  	_ = 	snop  }
0x25: {  	[tilespmem:s16], [sflag:$0x2] =	stream.indirect.gather [hbm4b:s24+s15], $0x80, s29, s15, $0xb8;
	[tilespmem:$0x1D000] =	vst v63  }
0x26: {  	s13 =	sadd.s32 $0x80, s29;
	p0 =	sne.s32 s28, $0x0  }
0x27: {  	[tilespmem:s17], [sflag:$0x3] =	stream.indirect.gather [hbm4b:s24+s15], $0x80, s13, s15, $0xb8;
	[tilespmem:$0x1D000] =	vst v63  }
0x28: {  	s13 =	sshll.u32 @!p0 s3, $0x6  }
0x29: {  	s0 =	rddreg [dreg:$0x5];
	s30 =	sshrl.u32 @!p0 s8, $0x3;
	s13 =	sor.u32 @!p0 $0x1C06, s13  }
0x2a: {  	[spmem:s30], [sflag:s13] =	dma.local @!p0 [hbm:s0], $0x2800  }
0x2b: {  	s0 =	simm.s32 @!p0 $0x6  }
0x2c: {  	_ =	swait.ge @!p0 [sflag:s0], $0x2800  }
0x2d: {  	[sflag:s0] =	ssyncset.done @!p0 $0x0  }
0x2e: {  	[sflag:s0] =	ssyncadd.s32 @!p0 $0xFFFFD800  }
0x2f: {  	[bflag:$0x0] =	sbarrier.arrive @!p0 $0xFFFF  }
0x30: {  	_ =	swait.ge [sflag:s18], $0x4000  }
0x31: {  	[sflag:s18] =	ssyncset.done $0x0  }
0x32: {  	s30 =	sor.u32 $0x800, s29;
	[sflag:s18] =	ssyncadd.s32 $0xFFFFC000  }
0x33: {  	[spmem:s2] =	stream.indirect.scatter.add.f32 [tilespmem:s16], [sflag:$0x4], $0x80, s30, s15, $0xb8;
	[tilespmem:$0x1D000] =	vst v63  }
0x34: {  	_ =	swait.ge [sflag:s19], $0x4000  }
0x35: {  	[sflag:s19] =	ssyncset.done $0x0  }
0x36: {  	s31 =	sadd.s32 $0x100, s29;
	[sflag:s19] =	ssyncadd.s32 $0xFFFFC000  }
0x37: {  	[tilespmem:s16], [sflag:$0x2] =	stream.indirect.gather [hbm4b:s24+s15], $0x80, s31, s15, $0xb8;
	[tilespmem:$0x1D000] =	vst v63  }
0x38: {  	_ =	swait.ge [sflag:s20], $0x4000  }
0x39: {  	[sflag:s20] =	ssyncset.done $0x0  }
0x3a: {  	s13 =	sadd.s32 $0x880, s29;
	[sflag:s20] =	ssyncadd.s32 $0xFFFFC000  }
0x3b: {  	[spmem:s2] =	stream.indirect.scatter.add.f32 [tilespmem:s17], [sflag:$0x5], $0x80, s13, s15, $0xb8;
	[tilespmem:$0x1D000] =	vst v63  }
0x3c: {  	_ =	swait.ge [sflag:s21], $0x4000  }
0x3d: {  	[sflag:s21] =	ssyncset.done $0x0  }
0x3e: {  	s30 =	sadd.s32 $0x180, s29;
	[sflag:s21] =	ssyncadd.s32 $0xFFFFC000  }
0x3f: {  	[tilespmem:s17], [sflag:$0x3] =	stream.indirect.gather [hbm4b:s24+s15], $0x80, s30, s15, $0xb8;
	[tilespmem:$0x1D000] =	vst v63  }
0x40: {  	_ =	swait.ge [sflag:s18], $0x4000  }
0x41: {  	[sflag:s18] =	ssyncset.done $0x0  }
0x42: {  	s31 =	sadd.s32 $0x900, s29;
	[sflag:s18] =	ssyncadd.s32 $0xFFFFC000  }
0x43: {  	[spmem:s2] =	stream.indirect.scatter.add.f32 [tilespmem:s16], [sflag:$0x4], $0x80, s31, s15, $0xb8;
	[tilespmem:$0x1D000] =	vst v63  }
0x44: {  	_ =	swait.ge [sflag:s19], $0x4000  }
0x45: {  	[sflag:s19] =	ssyncset.done $0x0  }
0x46: {  	s13 =	sadd.s32 $0x200, s29;
	[sflag:s19] =	ssyncadd.s32 $0xFFFFC000  }
0x47: {  	[tilespmem:s16], [sflag:$0x2] =	stream.indirect.gather [hbm4b:s24+s15], $0x80, s13, s15, $0xb8;
	[tilespmem:$0x1D000] =	vst v63  }
0x48: {  	_ =	swait.ge [sflag:s20], $0x4000  }
0x49: {  	[sflag:s20] =	ssyncset.done $0x0  }
0x4a: {  	s30 =	sadd.s32 $0x980, s29;
	[sflag:s20] =	ssyncadd.s32 $0xFFFFC000  }
0x4b: {  	[spmem:s2] =	stream.indirect.scatter.add.f32 [tilespmem:s17], [sflag:$0x5], $0x80, s30, s15, $0xb8;
	[tilespmem:$0x1D000] =	vst v63  }
0x4c: {  	_ =	swait.ge [sflag:s21], $0x4000  }
0x4d: {  	[sflag:s21] =	ssyncset.done $0x0  }
0x4e: {  	s31 =	sadd.s32 $0x280, s29;
	[sflag:s21] =	ssyncadd.s32 $0xFFFFC000  }
0x4f: {  	[tilespmem:s17], [sflag:$0x3] =	stream.indirect.gather [hbm4b:s24+s15], $0x80, s31, s15, $0xb8;
	[tilespmem:$0x1D000] =	vst v63  }
0x50: {  	_ =	swait.ge [sflag:s18], $0x4000  }
0x51: {  	[sflag:s18] =	ssyncset.done $0x0  }
0x52: {  	s13 =	sadd.s32 $0xA00, s29;
	[sflag:s18] =	ssyncadd.s32 $0xFFFFC000  }
0x53: {  	[spmem:s2] =	stream.indirect.scatter.add.f32 [tilespmem:s16], [sflag:$0x4], $0x80, s13, s15, $0xb8;
	[tilespmem:$0x1D000] =	vst v63  }
0x54: {  	_ =	swait.ge [sflag:s20], $0x4000  }
0x55: {  	[sflag:s20] =	ssyncset.done $0x0  }
0x56: {  	s30 =	sadd.s32 $0xA80, s29;
	[sflag:s20] =	ssyncadd.s32 $0xFFFFC000  }
0x57: {  	[spmem:s2] =	stream.indirect.scatter.add.f32 [tilespmem:s17], [sflag:$0x5], $0x80, s30, s15, $0xb8;
	[tilespmem:$0x1D000] =	vst v63  }
0x58: {  	_ =	swait.ge [sflag:s19], $0x4000  }
0x59: {  	[sflag:s19] =	ssyncset.done $0x0  }
0x5a: {  	[sflag:s19] =	ssyncadd.s32 $0xFFFFC000  }
0x5b: {  	_ =	swait.ge [sflag:s21], $0x4000  }
0x5c: {  	s28 =	sadd.s32 $0x400, s28;
	s31 =	rddreg [dreg:$0x6]  }
0x5d: {  	s0 =	sadd.s32 s28, s31  }
0x5e: {  	p0 =	sne.s32 s0, $0x0  }
.Ltmp0:
0x5f: {  	_ = 	snop;
	(pc) =	sbr.rel @p0 .LBB2_2-.Ltmp0, $3  }
0x60: {  	_ =	sdelay $0x1  }
0x61: {  	s26 =	sadd.s32 $0x1, s26;
	[sflag:s21] =	ssyncset.done $0x0  }
0x62: {  	s25 =	sadd.s32 $0x4000, s25;
	s24 =	sadd.s32 $0x27100, s24;
	[sflag:s21] =	ssyncadd.s32 $0xFFFFC000  }
0x63: {  	s23 =	sadd.s32 $0x1, s23  }
0x64: {  	s0 =	sshll.u32 s3, $0x6;
	[bflag:$0x0] =	sbarrier.arrive $0xFFFF;
	p0 =	sne.s32 s23, s10  }
.Ltmp1:
0x65: {  	s13 =	sshrl.u32 s8, $0x3;
	s0 =	sor.u32 $0x1C06, s0;
	(pc) =	sbr.rel @p0 .LBB2_1-.Ltmp1, $4  }
0x66: {  	[hbm:s9], [sflag:s0] =	dma.local [spmem:s13], $0x2800  }
0x67: {  	_ =	swait.ge [sflag:s22], $0x2800  }
0x68: {  	[sflag:s22] =	ssyncset.done $0x0  }
0x69: {  	[sflag:s22] =	ssyncadd.s32 $0xFFFFD800  }
0x6a: {  	_ =	sfence.sel $0x180000  }
0x6b: {  	[bflag:$0x0] =	sbarrier.arrive $0xFFFF  }
0x6c: {  	_ =	strace $0x9000004A  }
0x6d: {  	[bflag:$0x2] =	sbarrier.arrive $0xFFFF  }
0x6e: {  	p0 =	sne.s32 s3, $0x0;
	s0 =	rddreg [dreg:$0x3]  }
0x6f: {  	s0 =	sadd.s32 @!p0 $0x100000, s0  }
0x70: {  	[sflag:s0] =	ssyncadd.tile.s32 @!p0 $0x1;
	_ =	shalt  }
.Lfunc_end2:
_tile_overlayer_lowered:
.L_overlay_start_2:
0x71: {  	(tag) =	ssettag $0x2  }
0x72: {  	s0 =	rddreg [dreg:$0x0];
	s2 =	stileid.u32  }
0x73: {  	s1 =	rddreg [dreg:$0x1];
	p0 =	sne.s32 s2, $0x0  }
0x74: {  	s3 =	rddreg [dreg:$0x2];
	[bflag:$0x3] =	sbarrier.arrive $0xFFFF;
	s2 =	simm.s32 @!p0 $0x1C06  }
0x75: {  	[timem:s3], [sflag:s2] =	dma.local @!p0 [hbm:s0], s1  }
0x76: {  	s0 =	simm.s32 @!p0 $0x6  }
0x77: {  	_ =	swait.ge @!p0 [sflag:s0], s1  }
0x78: {  	s1 =	ssub.s32 @!p0 $0x0, s1;
	[sflag:s0] =	ssyncset.done @!p0 $0x0  }
0x79: {  	[sflag:s0] =	ssyncadd.s32 @!p0 s1  }
0x7a: {  	[bflag:$0x3] =	sbarrier.arrive $0xFFFF  }
0x7b: {  	_ =	shalt  }

// kernel: kernel.7.cloned.1.call-start
scs
__scs_entry_jumppad:
0x0: {  	(pc) =	sbr.rel $0x88, $3  }
0x1: {  	(tag) =	ssettag $0x0;
	lr =	simm.s32 $0x1  }
0x2: {  	[smem:$0x3F97] =	sst lr;
	_ =	strace $0xD0000000  }
0x3: {  	_ = 	snop  }
0x4: {  	_ = 	snop  }
0x5: {  	_ = 	snop  }
0x6: {  	_ = 	snop  }
0x7: {  	_ = 	snop  }
__scs_overlays_trampoline_lowered:
0x8: {  	[smem:$0x3FA6] =	sst s0  }
0x9: {  	[smem:$0x3FA7] =	sst s1  }
0xa: {  	[smem:$0x3FA8] =	sst s2  }
0xb: {  	[smem:$0x3FA9] =	sst s3  }
0xc: {  	[smem:$0x3FAA] =	sst s4  }
0xd: {  	[smem:$0x3FAB] =	sst s5  }
0xe: {  	[smem:$0x3FAC] =	sst s6  }
0xf: {  	[smem:$0x3FAD] =	sst s7  }
0x10: {  	[smem:$0x3FAE] =	sst s8  }
0x11: {  	[smem:$0x3FAF] =	sst s9;
	s0 =	simm.s32 @!p0 $0x0  }
0x12: {  	s1 =	sld [smem:$0x3F95];
	s0 =	simm.s32 @p0 $0x1  }
0x13: {  	[smem:$0x3FB0] =	sst s0;
	s0 =	simm.s32 @!p1 $0x0  }
0x14: {  	s2 =	sld [smem:$0x3F94];
	s0 =	simm.s32 @p1 $0x1  }
0x15: {  	[smem:$0x3FB1] =	sst s0;
	s0 =	simm.s32 @!p2 $0x0  }
0x16: {  	s3 =	sld [smem:$0x3FDB];
	s0 =	simm.s32 @p2 $0x1  }
0x17: {  	s4 =	simm.s32 $0x1BF5;
	[smem:$0x3FB3] =	sst s0  }
0x18: {  	s0 =	sld [smem:$0x3F96];
	_ =	swait.ge [sflag:s4], $0x0  }
0x19: {  	s7 =	sld [smem:$0x3F97]  }
0x1a: {  	s8 =	sadd.s32 $0xFFFFE003, lr  }
0x1b: {  	s9 =	sadd.s32 $0xFFFFFEF7, lr;
	s5 =	simm.s32 $0xFFFFFFFF;
	p2 =	slt.u32 s8, $0xFFFFF086  }
0x1c: {  	p1 =	slt.u32 s9, $0xF7A;
	s5 =	simm.s32 @!p2 $0x0  }
0x1d: {  	s5 =	simm.s32 @p1 $0x1;
	p0 =	seq.s32 s7, s2  }
0x1e: {  	s7 =	smul.u32 @!p0 $0xF7A, s2;
	p2 =	seq.s32 @!p0 s5, $0x0  }
0x1f: {  	s9 =	smul.u32 $0xF7A, s1;
	s8 =	simm.s32 @!p0 $0x1BF5;
	p2 =	por !p2, p0  }
0x20: {  	[sflag:s8] =	ssyncset.s32 @!p0 $0xFFFFF086;
	s6 =	sadd.s32 @!p0 s3, s7;
	s7 =	simm.s32 @!p0 $0x108  }
0x21: {  	s3 =	sadd.s32 s3, s9;
	s6 =	sadd.s32 @!p0 $0x88, s6;
	s7 =	simm.s32 @p2 $0x1082  }
0x22: {  	[simem:s7], [sflag:s8] =	dma.local @!p0 [hbm:s6], $0xF7A  }
0x23: {  	s9 =	sor.u32 $0xD0000000, s2;
	s6 =	simm.s32 $0x108;
	_ =	swait.ge @!p0 [sflag:s8], $0x0  }
0x24: {  	s3 =	sadd.s32 $0x88, s3;
	s6 =	simm.s32 @!p1 $0x1082;
	[sflag:s4] =	ssyncset.s32 $0xFFFFF086  }
0x25: {  	[simem:s6], [sflag:s4] =	dma.local [hbm:s3], $0xF7A  }
0x26: {  	[smem:$0x3F97] =	sst s1;
	(tag) =	ssettag s2;
	_ =	strace s9  }
0x27: {  	s1 =	sld [smem:$0x3FA7]  }
0x28: {  	s2 =	sld [smem:$0x3FA8]  }
0x29: {  	s4 =	sld [smem:$0x3FAA]  }
0x2a: {  	p0 =	seq.s32 s5, $0x0;
	s5 =	sld [smem:$0x3FAB]  }
0x2b: {  	s6 =	sld [smem:$0x3FAC]  }
0x2c: {  	s7 =	sld [smem:$0x3FAD]  }
0x2d: {  	s3 =	simm.s32 $0x108;
	s8 =	sld [smem:$0x3FAE]  }
0x2e: {  	s3 =	simm.s32 @!p0 $0x1082;
	s9 =	sld [smem:$0x3FAF]  }
0x2f: {  	lr =	sadd.s32 s0, s3;
	s0 =	sld [smem:$0x3FA6]  }
0x30: {  	s3 =	sld [smem:$0x3FA9]  }
0x31: {  	[smem:$0x3FB2] =	sst s10  }
0x32: {  	s10 =	sld [smem:$0x3FB0];
	_ =	sdelay $0x3  }
0x33: {  	p0 =	seq.s32 s10, $0x1;
	s10 =	sld [smem:$0x3FB2];
	_ =	sdelay $0x3  }
0x34: {  	[smem:$0x3FB2] =	sst s10  }
0x35: {  	s10 =	sld [smem:$0x3FB1];
	_ =	sdelay $0x3  }
0x36: {  	p1 =	seq.s32 s10, $0x1;
	s10 =	sld [smem:$0x3FB2];
	_ =	sdelay $0x3  }
0x37: {  	[smem:$0x3FB2] =	sst s10  }
0x38: {  	s10 =	sld [smem:$0x3FB3]  }
0x39: {  	_ = 	snop;
	(pc) =	sbr.ind lr, $3  }
0x3a: {  	_ = 	snop  }
0x3b: {  	_ = 	snop  }
0x3c: {  	p2 =	seq.s32 s10, $0x1;
	s10 =	sld [smem:$0x3FB2]  }
0x3d: {  	_ =	shalt  }
0x3e: {  	_ =	shalt  }
0x3f: {  	_ =	shalt  }
0x40: {  	_ =	shalt  }
0x41: {  	_ =	shalt  }
0x42: {  	_ =	shalt  }
0x43: {  	_ =	shalt  }
0x44: {  	_ =	shalt  }
0x45: {  	_ =	shalt  }
0x46: {  	_ =	shalt  }
0x47: {  	_ =	shalt  }
0x48: {  	_ =	shalt  }
0x49: {  	_ =	shalt  }
0x4a: {  	_ =	shalt  }
0x4b: {  	_ =	shalt  }
0x4c: {  	_ =	shalt  }
0x4d: {  	_ =	shalt  }
0x4e: {  	_ =	shalt  }
0x4f: {  	_ =	shalt  }
0x50: {  	_ =	shalt  }
0x51: {  	_ =	shalt  }
0x52: {  	_ =	shalt  }
0x53: {  	_ =	shalt  }
0x54: {  	_ =	shalt  }
0x55: {  	_ =	shalt  }
0x56: {  	_ =	shalt  }
0x57: {  	_ =	shalt  }
0x58: {  	_ =	shalt  }
0x59: {  	_ =	shalt  }
0x5a: {  	_ =	shalt  }
0x5b: {  	_ =	shalt  }
0x5c: {  	_ =	shalt  }
0x5d: {  	_ =	shalt  }
0x5e: {  	_ =	shalt  }
0x5f: {  	_ =	shalt  }
0x60: {  	_ =	shalt  }
0x61: {  	_ =	shalt  }
0x62: {  	_ =	shalt  }
0x63: {  	_ =	shalt  }
0x64: {  	_ =	shalt  }
0x65: {  	_ =	shalt  }
0x66: {  	_ =	shalt  }
0x67: {  	_ =	shalt  }
0x68: {  	_ =	shalt  }
0x69: {  	_ =	shalt  }
0x6a: {  	_ =	shalt  }
0x6b: {  	_ =	shalt  }
0x6c: {  	_ =	shalt  }
0x6d: {  	_ =	shalt  }
0x6e: {  	_ =	shalt  }
0x6f: {  	_ =	shalt  }
0x70: {  	_ =	shalt  }
0x71: {  	_ =	shalt  }
0x72: {  	_ =	shalt  }
0x73: {  	_ =	shalt  }
0x74: {  	_ =	shalt  }
0x75: {  	_ =	shalt  }
0x76: {  	_ =	shalt  }
0x77: {  	_ =	shalt  }
0x78: {  	_ =	shalt  }
0x79: {  	_ =	shalt  }
0x7a: {  	_ =	shalt  }
0x7b: {  	_ =	shalt  }
0x7c: {  	_ =	shalt  }
0x7d: {  	_ =	shalt  }
0x7e: {  	_ =	shalt  }
0x7f: {  	_ =	shalt  }
0x80: {  	_ =	shalt  }
0x81: {  	_ =	shalt  }
0x82: {  	_ =	shalt  }
0x83: {  	_ =	shalt  }
0x84: {  	_ =	shalt  }
0x85: {  	_ =	shalt  }
0x86: {  	_ =	shalt  }
0x87: {  	_ =	shalt  }
.Lfunc_end0:
.L_simem_size_0:
called_computation_lowered:
.L_overlay_start_0:
0x88: {  	s2 =	sld [smem:$0x3FD9]  }
0x89: {  	s3 =	sld [smem:$0x3FFE];
	_ =	sdelay $0x1  }
0x8a: {  	s1 =	srdreg.scid  }
0x8b: {  	s0 =	sand.u32 $0x1, s1  }
0x8c: {  	s17 =	sshll.u32 s0, $0xA;
	s2 =	sadd.s32 s3, s2  }
0x8d: {  	s2 =	sadd.s32 s2, s17  }
0x8e: {  	[smem:$0x3FBE] =	sst s2  }
0x8f: {  	_ = 	snop  }
0x90: {  	s2 =	sld [smem:$0x3FC9]  }
0x91: {  	s18 =	sld [smem:$0x3FD0];
	(tm) =	ssettm $0x1  }
0x92: {  	s4 =	sld [smem:$0x3FFB];
	_ =	sdelay $0x3  }
0x93: {  	_ =	strace s4  }
0x94: {  	s4 =	sld [smem:$0x3FFC];
	_ =	sdelay $0x3  }
0x95: {  	_ =	strace s4  }
0x96: {  	s4 =	sld [smem:$0x3FFD];
	_ =	sdelay $0x3  }
0x97: {  	_ =	strace s4  }
0x98: {  	_ =	strace $0x8FFFFFFF  }
0x99: {  	s19 =	sld [smem:$0x3FDB];
	_ =	sdelay $0x1  }
0x9a: {  	s5 =	simm.s32 $_scs_section_size  }
0x9b: {  	s6 =	simm.s32 $_size__tile_overlayer_lowered;
	s7 =	simm.s32 $_tile_overlayer_lowered  }
0x9c: {  	s22 =	simm.s32 $0x1BFF;
	s21 =	sshll.u32 s7, $0x1;
	s4 =	sadd.s32 s5, s19  }
0x9d: {  	s8 =	simm.s32 $0x0;
	s20 =	sshll.u32 s6, $0x1;
	s6 =	sadd.s32 s21, s4  }
0x9e: {  	[timem:s8], [sflag:s22] =	dma.local [hbm:s6], s20  }
0x9f: {  	_ =	swait.ge [sflag:s22], s20  }
0xa0: {  	s5 =	ssub.s32 $0x0, s20;
	[sflag:s22] =	ssyncset.done $0x0  }
0xa1: {  	[sflag:s22] =	ssyncadd.s32 s5;
	_ =	sdelay $0x1  }
0xa2: {  	s23 =	simm.s32 $0x1B8B  }
0xa3: {  	_ =	swait.ge [sflag:s23], $0x1  }
0xa4: {  	[sflag:s23] =	ssyncset.done $0x0  }
0xa5: {  	s25 =	simm.s32 $0x1B8E;
	s24 =	sld [smem:$0x3FFE];
	[sflag:s23] =	ssyncadd.s32 $0xFFFFFFFF  }
0xa6: {  	s26 =	simm.s32 $execute0_lowered;
	[smem:$0x3FD2] =	sst s25  }
0xa7: {  	s6 =	sshll.u32 s26, $0x1;
	_ =	strace $0x80000046;
	[dreg:$0x1] =	wrdreg $0xFFFFFFFF  }
0xa8: {  	s28 =	simm.s32 $_size_execute0_lowered;
	s4 =	sadd.s32 s4, s6;
	[dreg:$0x0] =	wrdreg $0x0  }
0xa9: {  	s6 =	sshll.u32 s28, $0x1;
	[dreg:$0x2] =	wrdreg s4  }
0xaa: {  	[dreg:$0x3] =	wrdreg s6  }
0xab: {  	[dreg:$0x4] =	wrdreg $0xC0  }
0xac: {  	_ =	task [dreg:s8], $0x5FFFF  }
0xad: {  	[dreg:$0x1] =	wrdreg $0xFFFFFFFF  }
0xae: {  	[dreg:$0x0] =	wrdreg $0x60  }
0xaf: {  	[dreg:$0x2] =	wrdreg s2  }
0xb0: {  	[dreg:$0x3] =	wrdreg s18  }
0xb1: {  	[dreg:$0x4] =	wrdreg s24  }
0xb2: {  	[dreg:$0x5] =	wrdreg $0x90000  }
0xb3: {  	[dreg:$0x6] =	wrdreg $0x9  }
0xb4: {  	_ =	task.clear_ibuf [dreg:s8], $0x7FFFF;
	_ =	strace $0x90000046  }
0xb5: {  	s29 =	simm.s32 $0x9;
	_ =	strace $0x80000048  }
0xb6: {  	_ =	swait.ge [sflag:s29], $0x1  }
0xb7: {  	[sflag:s29] =	ssyncadd.s32 $0xFFFFFFFF  }
0xb8: {  	_ =	strace $0x90000048  }
0xb9: {  	_ =	sfence  }
0xba: {  	s30 =	sld [smem:$0x0];
	_ =	sdelay $0x2  }
0xbb: {  	s31 =	sshll.u32 s1, $0xD;
	s1 =	sshrl.u32 s1, $0x2  }
0xbc: {  	s3 =	sand.u32 $0x4000, s31;
	s1 =	sadd.s32 s1, s30  }
0xbd: {  	s0 =	sor.u32 s3, s0;
	s1 =	sshll.u32 s1, $0x11  }
0xbe: {  	s0 =	sor.u32 s1, s0  }
0xbf: {  	s0 =	sadd.s32 $0x8F2B, s0  }
0xc0: {  	[sflag:s0] =	ssyncadd.remote.s32 $0x1  }
0xc1: {  	_ =	sfence.sel $0xFFFF  }
0xc2: {  	[dreg:$0x0] =	wrdreg $0xFFFFFFFF;
	(pc) =	sbr.abs _section_cstart, $3  }
0xc3: {  	[dreg:$0x1] =	wrdreg $0xFFFFFFFF  }
0xc4: {  	_ =	task.clear_ibuf [dreg:s8], $0x2FFFF;
	_ =	strace $0x9FFFFFFF  }
0xc5: {  	(tm) =	ssettm $0x7FFFFFFF  }
tec
execute0_lowered:
.L_overlay_start_1:
0x0: {  	(tag) =	ssettag $0x1  }
0x1: {  	s0 =	rddreg [dreg:$0x0]  }
0x2: {  	s2 =	rddreg [dreg:$0x1]  }
0x3: {  	s7 =	rddreg [dreg:$0x2]  }
0x4: {  	s1 =	srdreg.scid;
	s4 =	rddreg [dreg:$0x3];
	s5 =	simm.s32 $0x0  }
0x5: {  	s16 =	simm.s32 $0x1000;
	s17 =	simm.s32 $0x5000;
	s18 =	simm.s32 $0x6  }
0x6: {  	s19 =	simm.s32 $0x2;
	s20 =	simm.s32 $0x4;
	s21 =	simm.s32 $0x3  }
0x7: {  	s22 =	simm.s32 $0x5;
	s10 =	sand.u32 $0x1, s1;
	s1 =	stileid.u32  }
0x8: {  	s23 =	simm.s32 $0x0;
	[smem:$0x7FF] =	sst s5;
	s6 =	smul.u32 $0x14000, s1  }
0x9: {  	s3 =	ssub.s32 $0x0, s10;
	s11 =	smul.u32 $0x2800, s1;
	_ =	strace $0x80000047  }
0xa: {  	s12 =	ssub.s32 $0x2, s10;
	s13 =	sshll.u32 s1, $0xA;
	s28 =	ssub.s32 $0xE, s10  }
0xb: {  	s15 =	smul.u32 $0x50000, s1;
	s31 =	sor.u32 $0xFFFFFFF2, s10;
	[dreg:$0x5] =	wrdreg s28  }
0xc: {  	s8 =	sand.u32 $0xE, s3;
	s26 =	sshrl.u32 s12, $0x1;
	[dreg:$0x7] =	wrdreg s31  }
0xd: {  	s9 =	smul.u32 $0x140000, s8;
	s11 =	sadd.s32 s11, s7;
	s8 =	sshll.u32 s8, $0xE  }
0xe: {  	s12 =	ssub.s32 s12, s26;
	s30 =	sshrl.u32 s15, $0x2;
	s15 =	simm.s32 $0x80  }
0xf: {  	s13 =	sor.u32 s13, s8;
	s11 =	sadd.s32 $0xF600, s11;
	s10 =	smax.u32 s12, $0x1  }
0x10: {  	s9 =	sadd.s32 s6, s9;
	s6 =	sadd.s32 $0x1E00, s7;
	s29 =	sshrl.u32 s13, $0x3  }
0x11: {  	[dreg:$0x6] =	wrdreg s11;
	s11 =	sor.u32 $0x4000, s13;
	s9 =	sshrl.u32 s9, $0x3  }
0x12: {  	s8 =	sadd.s32 s6, s29;
	s14 =	sadd.s32 s9, s7;
	s7 =	sadd.s32 s2, s29  }
0x13: {  	s9 =	sadd.s32 s30, s4;
	s12 =	sadd.s32 $0x37600, s14;
	s14 =	simm.s32 $0x1  }
.LBB2_1:
0x14: {  	[tilespmem:s5], [sflag:$0x1] =	stream.linear.gather [hbm4b:s7+s5], $0x300, $0x38;
	[tilespmem:$0x1D000] =	vst v63  }
0x15: {  	s3 =	simm.s32 $0x800;
	s24 =	simm.s32 $0x0  }
0x16: {  	s25 =	smov.u32 s12;
	s26 =	smov.u32 s11;
	s28 =	simm.s32 $0x1  }
0x17: {  	[tilespmem:s3], [sflag:$0x1] =	stream.linear.gather [hbm4b:s8+s5], $0x300, $0x38;
	[tilespmem:$0x1D000] =	vst v63  }
.LBB2_2:
0x18: {  	_ =	swait.ge [sflag:s14], $0x300  }
0x19: {  	[sflag:s14] =	ssyncset.done $0x0  }
0x1a: {  	[sflag:s14] =	ssyncadd.s32 $0xFFFFFD00  }
0x1b: {  	_ =	swait.ge [sflag:s14], $0x300  }
0x1c: {  	s29 =	rddreg [dreg:$0x5]  }
0x1d: {  	[sflag:s14] =	ssyncset.done $0x0;
	p0 =	sge.u32 s28, s29  }
0x1e: {  	s29 =	sand.u32 $0x400, s24;
	[sflag:s14] =	ssyncadd.s32 $0xFFFFFD00;
	s30 =	sshrl.u32 @!p0 s26, $0x3  }
0x1f: {  	s31 =	sxor.u32 @!p0 $0x400, s29;
	s13 =	simm.s32 @!p0 $0x0;
	s3 =	sadd.s32 @!p0 s2, s30  }
0x20: {  	[tilespmem:s31], [sflag:$0x1] =	stream.linear.gather @!p0 [hbm4b:s3+s13], $0x300, $0x38;
	[tilespmem:$0x1D000] =	vst v63  }
0x21: {  	s30 =	sadd.s32 @!p0 s6, s30;
	s3 =	sor.u32 @!p0 $0x800, s31  }
0x22: {  	[tilespmem:s3], [sflag:$0x1] =	stream.linear.gather @!p0 [hbm4b:s30+s13], $0x300, $0x38;
	[tilespmem:$0x1D000] =	vst v63  }
0x23: {  	_ = 	snop  }
0x24: {  	[tilespmem:s16], [sflag:$0x2] =	stream.indirect.gather [hbm4b:s0+s15], $0x80, s29, s15, $0xb8;
	[tilespmem:$0x1D000] =	vst v63  }
0x25: {  	s13 =	sadd.s32 $0x80, s29;
	p0 =	sne.s32 s28, $0x1  }
0x26: {  	[tilespmem:s17], [sflag:$0x3] =	stream.indirect.gather [hbm4b:s0+s15], $0x80, s13, s15, $0xb8;
	[tilespmem:$0x1D000] =	vst v63  }
0x27: {  	s13 =	sshll.u32 @!p0 s1, $0x6  }
0x28: {  	s3 =	rddreg [dreg:$0x6];
	s30 =	sshrl.u32 @!p0 s9, $0x3;
	s13 =	sor.u32 @!p0 $0x1C07, s13  }
0x29: {  	[spmem:s30], [sflag:s13] =	dma.local @!p0 [hbm:s3], $0x2800  }
0x2a: {  	s3 =	simm.s32 @!p0 $0x7  }
0x2b: {  	s3 =	simm.s32 @p0 $0x6  }
0x2c: {  	_ =	swait.ge [sflag:s3], $0x2800  }
0x2d: {  	[sflag:s3] =	ssyncset.done $0x0  }
0x2e: {  	[sflag:s3] =	ssyncadd.s32 $0xFFFFD800  }
0x2f: {  	[bflag:$0x0] =	sbarrier.arrive $0xFFFF  }
0x30: {  	_ =	swait.ge [sflag:s19], $0x4000  }
0x31: {  	[sflag:s19] =	ssyncset.done $0x0  }
0x32: {  	s30 =	sor.u32 $0x800, s29;
	[sflag:s19] =	ssyncadd.s32 $0xFFFFC000  }
0x33: {  	[spmem:s4] =	stream.indirect.scatter.add.f32 [tilespmem:s16], [sflag:$0x4], $0x80, s30, s15, $0xb8;
	[tilespmem:$0x1D000] =	vst v63  }
0x34: {  	_ =	swait.ge [sflag:s20], $0x4000  }
0x35: {  	[sflag:s20] =	ssyncset.done $0x0  }
0x36: {  	s31 =	sadd.s32 $0x100, s29;
	[sflag:s20] =	ssyncadd.s32 $0xFFFFC000  }
0x37: {  	[tilespmem:s16], [sflag:$0x2] =	stream.indirect.gather [hbm4b:s0+s15], $0x80, s31, s15, $0xb8;
	[tilespmem:$0x1D000] =	vst v63  }
0x38: {  	_ =	swait.ge [sflag:s21], $0x4000  }
0x39: {  	[sflag:s21] =	ssyncset.done $0x0  }
0x3a: {  	s13 =	sadd.s32 $0x880, s29;
	[sflag:s21] =	ssyncadd.s32 $0xFFFFC000  }
0x3b: {  	[spmem:s4] =	stream.indirect.scatter.add.f32 [tilespmem:s17], [sflag:$0x5], $0x80, s13, s15, $0xb8;
	[tilespmem:$0x1D000] =	vst v63  }
0x3c: {  	_ =	swait.ge [sflag:s22], $0x4000  }
0x3d: {  	[sflag:s22] =	ssyncset.done $0x0  }
0x3e: {  	s30 =	sadd.s32 $0x180, s29;
	[sflag:s22] =	ssyncadd.s32 $0xFFFFC000  }
0x3f: {  	[tilespmem:s17], [sflag:$0x3] =	stream.indirect.gather [hbm4b:s0+s15], $0x80, s30, s15, $0xb8;
	[tilespmem:$0x1D000] =	vst v63  }
0x40: {  	_ =	swait.ge [sflag:s19], $0x4000  }
0x41: {  	[sflag:s19] =	ssyncset.done $0x0  }
0x42: {  	s31 =	sadd.s32 $0x900, s29;
	[sflag:s19] =	ssyncadd.s32 $0xFFFFC000  }
0x43: {  	[spmem:s4] =	stream.indirect.scatter.add.f32 [tilespmem:s16], [sflag:$0x4], $0x80, s31, s15, $0xb8;
	[tilespmem:$0x1D000] =	vst v63  }
0x44: {  	_ =	swait.ge [sflag:s20], $0x4000  }
0x45: {  	[sflag:s20] =	ssyncset.done $0x0  }
0x46: {  	s13 =	sadd.s32 $0x200, s29;
	[sflag:s20] =	ssyncadd.s32 $0xFFFFC000  }
0x47: {  	[tilespmem:s16], [sflag:$0x2] =	stream.indirect.gather [hbm4b:s0+s15], $0x80, s13, s15, $0xb8;
	[tilespmem:$0x1D000] =	vst v63  }
0x48: {  	_ =	swait.ge [sflag:s21], $0x4000  }
0x49: {  	[sflag:s21] =	ssyncset.done $0x0  }
0x4a: {  	s30 =	sadd.s32 $0x980, s29;
	[sflag:s21] =	ssyncadd.s32 $0xFFFFC000  }
0x4b: {  	[spmem:s4] =	stream.indirect.scatter.add.f32 [tilespmem:s17], [sflag:$0x5], $0x80, s30, s15, $0xb8;
	[tilespmem:$0x1D000] =	vst v63  }
0x4c: {  	_ =	swait.ge [sflag:s22], $0x4000  }
0x4d: {  	[sflag:s22] =	ssyncset.done $0x0  }
0x4e: {  	s31 =	sadd.s32 $0x280, s29;
	[sflag:s22] =	ssyncadd.s32 $0xFFFFC000  }
0x4f: {  	[tilespmem:s17], [sflag:$0x3] =	stream.indirect.gather [hbm4b:s0+s15], $0x80, s31, s15, $0xb8;
	[tilespmem:$0x1D000] =	vst v63  }
0x50: {  	_ =	swait.ge [sflag:s19], $0x4000  }
0x51: {  	[sflag:s19] =	ssyncset.done $0x0  }
0x52: {  	s13 =	sadd.s32 $0xA00, s29;
	[sflag:s19] =	ssyncadd.s32 $0xFFFFC000  }
0x53: {  	[spmem:s4] =	stream.indirect.scatter.add.f32 [tilespmem:s16], [sflag:$0x4], $0x80, s13, s15, $0xb8;
	[tilespmem:$0x1D000] =	vst v63  }
0x54: {  	_ =	swait.ge [sflag:s21], $0x4000  }
0x55: {  	[sflag:s21] =	ssyncset.done $0x0  }
0x56: {  	s29 =	sadd.s32 $0xA80, s29;
	[sflag:s21] =	ssyncadd.s32 $0xFFFFC000  }
0x57: {  	[spmem:s4] =	stream.indirect.scatter.add.f32 [tilespmem:s17], [sflag:$0x5], $0x80, s29, s15, $0xb8;
	[tilespmem:$0x1D000] =	vst v63  }
0x58: {  	_ =	swait.ge [sflag:s20], $0x4000  }
0x59: {  	[sflag:s20] =	ssyncset.done $0x0  }
0x5a: {  	[sflag:s20] =	ssyncadd.s32 $0xFFFFC000  }
0x5b: {  	_ =	swait.ge [sflag:s22], $0x4000  }
0x5c: {  	[sflag:s22] =	ssyncset.done $0x0  }
0x5d: {  	s30 =	sshll.u32 s1, $0x6;
	[sflag:s22] =	ssyncadd.s32 $0xFFFFC000  }
0x5e: {  	s3 =	sor.u32 $0x1C06, s30;
	s31 =	sshrl.u32 s9, $0x3;
	[bflag:$0x0] =	sbarrier.arrive $0xFFFF  }
0x5f: {  	[hbm:s25], [sflag:s3] =	dma.local [spmem:s31], $0x2800  }
0x60: {  	s28 =	sadd.s32 $0x1, s28;
	s3 =	rddreg [dreg:$0x7]  }
0x61: {  	s3 =	sadd.s32 s28, s3  }
0x62: {  	p0 =	sne.s32 s3, $0x1  }
.Ltmp0:
0x63: {  	_ = 	snop;
	(pc) =	sbr.rel @p0 .LBB2_2-.Ltmp0, $2  }
0x64: {  	_ =	sdelay $0x2  }
0x65: {  	s24 =	sadd.s32 $0x400, s24;
	s26 =	sadd.s32 $0x4000, s26;
	s25 =	sadd.s32 $0x28000, s25  }
0x66: {  	s23 =	sadd.s32 $0x1, s23  }
0x67: {  	p0 =	sne.s32 s23, s10  }
.Ltmp1:
0x68: {  	_ = 	snop;
	(pc) =	sbr.rel @p0 .LBB2_1-.Ltmp1, $4  }
0x69: {  	_ = 	snop  }
0x6a: {  	_ =	swait.ge [sflag:s18], $0x2800  }
0x6b: {  	[sflag:s18] =	ssyncset.done $0x0  }
0x6c: {  	[sflag:s18] =	ssyncadd.s32 $0xFFFFD800  }
0x6d: {  	_ =	sfence.sel $0x180000  }
0x6e: {  	[bflag:$0x0] =	sbarrier.arrive $0xFFFF  }
0x6f: {  	_ =	strace $0x90000047  }
0x70: {  	[bflag:$0x2] =	sbarrier.arrive $0xFFFF  }
0x71: {  	p0 =	sne.s32 s1, $0x0;
	s0 =	rddreg [dreg:$0x4]  }
0x72: {  	s0 =	sadd.s32 @!p0 $0x100000, s0  }
0x73: {  	[sflag:s0] =	ssyncadd.tile.s32 @!p0 $0x1;
	_ =	shalt  }
.Lfunc_end2:
_tile_overlayer_lowered:
.L_overlay_start_2:
0x74: {  	(tag) =	ssettag $0x2  }
0x75: {  	s0 =	rddreg [dreg:$0x0];
	s2 =	stileid.u32  }
0x76: {  	s1 =	rddreg [dreg:$0x1];
	p0 =	sne.s32 s2, $0x0  }
0x77: {  	s3 =	rddreg [dreg:$0x2];
	[bflag:$0x3] =	sbarrier.arrive $0xFFFF;
	s2 =	simm.s32 @!p0 $0x1C07  }
0x78: {  	[timem:s3], [sflag:s2] =	dma.local @!p0 [hbm:s0], s1  }
0x79: {  	s0 =	simm.s32 @!p0 $0x7  }
0x7a: {  	_ =	swait.ge @!p0 [sflag:s0], s1  }
0x7b: {  	s1 =	ssub.s32 @!p0 $0x0, s1;
	[sflag:s0] =	ssyncset.done @!p0 $0x0  }
0x7c: {  	[sflag:s0] =	ssyncadd.s32 @!p0 s1  }
0x7d: {  	[bflag:$0x3] =	sbarrier.arrive $0xFFFF  }
0x7e: {  	_ =	shalt  }

</sc_bundles>
